<compile_context>
chip_gen: v7x
topology: tpu7x:2x2x1
jax: 0.10.2.dev20260603
libtpu: 0.0.44.dev20260713+nightly
codegen_flags: <defaults>
</compile_context>

<pallas_src>
import functools

import jax
import jax.numpy as jnp
from jax import lax
from jax.experimental import pallas as pl
from jax.experimental.pallas import tpu as pltpu
from jax.experimental.pallas import tpu_sc as plsc

X_DIM = 512
Y_DIM = 512
EMBED_DIM = 128

_NC = 2
_NS = 16
_NW = _NC * _NS
_D_PER_W = EMBED_DIM // _NW
_NSLOT = 2
_YBLK = 64
_NYB = Y_DIM // _YBLK
_NXC = X_DIM // 16
_RUNROLL = 8

_mesh = plsc.VectorSubcoreMesh(core_axis_name="c", subcore_axis_name="s")


@functools.partial(
    pl.kernel,
    mesh=_mesh,
    out_type=jax.ShapeDtypeStruct((EMBED_DIM * Y_DIM, X_DIM), jnp.float32),
    scratch_types=[
        pltpu.VMEM((_D_PER_W, X_DIM), jnp.float32),
        pltpu.VMEM((_D_PER_W, Y_DIM), jnp.float32),
        pltpu.VMEM((_NSLOT, _YBLK, X_DIM), jnp.float32),
    ]
    + [pltpu.SemaphoreType.DMA] * _NSLOT,
    compiler_params=pltpu.CompilerParams(needs_layout_passes=False),
)
def _sc_embed(xt_hbm, yt_hbm, out_hbm, xv, yv, buf, *sems):
    wid = lax.axis_index("s") * _NC + lax.axis_index("c")
    d0 = wid * _D_PER_W

    cpx = pltpu.async_copy(xt_hbm.at[pl.ds(d0, _D_PER_W)], xv, sems[0])
    cpy = pltpu.async_copy(yt_hbm.at[pl.ds(d0, _D_PER_W)], yv, sems[1])
    cpx.wait()
    cpy.wait()

    def drain(slot):
        pltpu.make_async_copy(
            buf.at[slot], out_hbm.at[pl.ds(0, _YBLK)], sems[slot]
        ).wait()

    def do_plane(i, carry):
        xvs = [xv[i, pl.ds(j * 16, 16)] for j in range(_NXC)]
        row_i = jnp.full((16,), i, dtype=jnp.int32)

        def do_group(bb, carry2):
            for slot in range(_NSLOT):
                b = bb * _NSLOT + slot
                first_use = jnp.logical_and(i == 0, bb == 0)

                @pl.when(jnp.logical_not(first_use))
                def _():
                    drain(slot)

                y0 = b * _YBLK

                def fill_rows(t, c):
                    ys = []
                    for r in range(_RUNROLL):
                        y = t * _RUNROLL + r
                        idx = jnp.full((16,), y0 + y, dtype=jnp.int32)
                        ys.append(plsc.load_gather(yv, [row_i, idx]))
                    for r in range(_RUNROLL):
                        y = t * _RUNROLL + r
                        for j in range(_NXC):
                            buf[slot, y, pl.ds(j * 16, 16)] = xvs[j] + ys[r]
                    return c

                lax.fori_loop(0, _YBLK // _RUNROLL, fill_rows, 0)

                row0 = (d0 + i) * Y_DIM + y0
                pltpu.async_copy(
                    buf.at[slot], out_hbm.at[pl.ds(row0, _YBLK)], sems[slot]
                )
            return carry2

        lax.fori_loop(0, _NYB // _NSLOT, do_group, 0)
        return carry

    lax.fori_loop(0, _D_PER_W, do_plane, 0)
    for slot in range(_NSLOT):
        drain(slot)


def kernel(x_table, y_table):
    xT = x_table.T
    yT = y_table.T
    out = _sc_embed(xT, yT)
    return out.reshape(1, EMBED_DIM, Y_DIM, X_DIM)

# --- scband reference (transcript-rebuilt; emitter-appended) ---
"""Pipeline reference for scband-pos-embedding2-d-65953517797419 (READ-ONLY COPY).

The authoritative reference and input builder live on the scoring server;
editing this copy changes nothing except your own understanding.
"""

import jax, jax.numpy as jnp
import numpy as np

X_DIM = 512
Y_DIM = 512
EMBED_DIM = 128

def setup_inputs(seed: int = 0) -> dict:
    key = jax.random.key(seed)
    k1, k2 = jax.random.split(key)
    # Learned embedding tables (learnable=True branch of PosEmbedding2D)
    x_table = jax.random.normal(k1, (X_DIM, EMBED_DIM), dtype=jnp.float32)
    y_table = jax.random.normal(k2, (Y_DIM, EMBED_DIM), dtype=jnp.float32)
    return {"x_table": x_table, "y_table": y_table}

def reference(x_table, y_table):
    # forward() of PosEmbedding2D with learnable=True
    x_pos = jnp.arange(X_DIM, dtype=jnp.int32)
    y_pos = jnp.arange(Y_DIM, dtype=jnp.int32)
    # embedding lookups: (1, x_dim, D) and (1, y_dim, D)
    x_pos_embs = jnp.take(x_table, x_pos, axis=0)[None]
    y_pos_embs = jnp.take(y_table, y_pos, axis=0)[None]
    # permute(0,2,1) then add singleton dims
    x_pos_embs = jnp.transpose(x_pos_embs, (0, 2, 1))[:, :, None, :]  # (1, D, 1, x_dim)
    y_pos_embs = jnp.transpose(y_pos_embs, (0, 2, 1))[:, :, :, None]  # (1, D, y_dim, 1)
    embs = x_pos_embs + y_pos_embs  # (1, D, y_dim, x_dim)
    return embs

if __name__ == "__main__":
    import jax
    _d = setup_inputs()
    print(jax.jit(kernel)(*tuple(_d.values())))

</pallas_src>

<mosaic_0001>
#map = affine_map<(d0, d1) -> (0, 0)>
module attributes {stable_mosaic.version = 14 : i64} {
  func.func @_sc_embed(%arg0: i32, %arg1: i32, %arg2: memref<128x512xf32, #tpu.memory_space<hbm>>, %arg3: memref<128x512xf32, #tpu.memory_space<hbm>>, %arg4: memref<65536x512xf32, #tpu.memory_space<hbm>>, %arg5: memref<4x512xf32, #tpu.memory_space<vmem>>, %arg6: memref<4x512xf32, #tpu.memory_space<vmem>>, %arg7: memref<2x64x512xf32, #tpu.memory_space<vmem>>, %arg8: memref<!tpu.dma_semaphore, #tpu.memory_space<semaphore_mem>>, %arg9: memref<!tpu.dma_semaphore, #tpu.memory_space<semaphore_mem>>) attributes {dimension_semantics = [#tpu.dimension_semantics<core_parallel>, #tpu.dimension_semantics<subcore_parallel>], iteration_bounds = array<i64: 2, 16>, scalar_prefetch = 0 : i64, scratch_operands = 5 : i64, tpu.core_type = #tpu.core_type<sc_vector_subcore>, window_params = [{transform_indices = #map}, {transform_indices = #map}, {transform_indices = #map}]} {
    %mul3A = arith.constant 2 : i32
    %mul3A_0 = arith.muli %arg1, %mul3A : i32
    %add3A = arith.addi %mul3A_0, %arg0 : i32
    %mul3A_1 = arith.constant 4 : i32
    %mul3A_2 = arith.muli %add3A, %mul3A_1 : i32
    %dma_start3A = arith.constant 0 : i32
    %dma_start3A_3 = tpu.memref_slice %arg2[%mul3A_2, %dma_start3A] : memref<128x512xf32, #tpu.memory_space<hbm>> -> memref<4x512xf32, #tpu.memory_space<hbm>>
    %dma_start3A_4 = arith.constant 0 : i32
    %dma_start3A_5 = tpu.memref_slice %arg2[%mul3A_2, %dma_start3A_4] : memref<128x512xf32, #tpu.memory_space<hbm>> -> memref<4x512xf32, #tpu.memory_space<hbm>>
    tpu.enqueue_dma source(%dma_start3A_5 : memref<4x512xf32, #tpu.memory_space<hbm>>) target(%arg5 : memref<4x512xf32, #tpu.memory_space<vmem>>) target_semaphore(%arg8 : memref<!tpu.dma_semaphore, #tpu.memory_space<semaphore_mem>>)
    %dma_start3A_6 = arith.constant 0 : i32
    %dma_start3A_7 = tpu.memref_slice %arg3[%mul3A_2, %dma_start3A_6] : memref<128x512xf32, #tpu.memory_space<hbm>> -> memref<4x512xf32, #tpu.memory_space<hbm>>
    %dma_start3A_8 = arith.constant 0 : i32
    %dma_start3A_9 = tpu.memref_slice %arg3[%mul3A_2, %dma_start3A_8] : memref<128x512xf32, #tpu.memory_space<hbm>> -> memref<4x512xf32, #tpu.memory_space<hbm>>
    tpu.enqueue_dma source(%dma_start3A_9 : memref<4x512xf32, #tpu.memory_space<hbm>>) target(%arg6 : memref<4x512xf32, #tpu.memory_space<vmem>>) target_semaphore(%arg9 : memref<!tpu.dma_semaphore, #tpu.memory_space<semaphore_mem>>)
    %dma_wait3A = arith.constant 0 : i32
    %dma_wait3A_10 = tpu.memref_slice %arg2[%mul3A_2, %dma_wait3A] : memref<128x512xf32, #tpu.memory_space<hbm>> -> memref<4x512xf32, #tpu.memory_space<hbm>>
    %dma_wait3A_11 = arith.constant 0 : i32
    %dma_wait3A_12 = tpu.memref_slice %arg2[%mul3A_2, %dma_wait3A_11] : memref<128x512xf32, #tpu.memory_space<hbm>> -> memref<4x512xf32, #tpu.memory_space<hbm>>
    tpu.wait_dma2 semaphore(%arg8 : memref<!tpu.dma_semaphore, #tpu.memory_space<semaphore_mem>>) src(%dma_wait3A_12 : memref<4x512xf32, #tpu.memory_space<hbm>>) dst(%arg5 : memref<4x512xf32, #tpu.memory_space<vmem>>)
    %dma_wait3A_13 = arith.constant 0 : i32
    %dma_wait3A_14 = tpu.memref_slice %arg3[%mul3A_2, %dma_wait3A_13] : memref<128x512xf32, #tpu.memory_space<hbm>> -> memref<4x512xf32, #tpu.memory_space<hbm>>
    %dma_wait3A_15 = arith.constant 0 : i32
    %dma_wait3A_16 = tpu.memref_slice %arg3[%mul3A_2, %dma_wait3A_15] : memref<128x512xf32, #tpu.memory_space<hbm>> -> memref<4x512xf32, #tpu.memory_space<hbm>>
    tpu.wait_dma2 semaphore(%arg9 : memref<!tpu.dma_semaphore, #tpu.memory_space<semaphore_mem>>) src(%dma_wait3A_16 : memref<4x512xf32, #tpu.memory_space<hbm>>) dst(%arg6 : memref<4x512xf32, #tpu.memory_space<vmem>>)
    %scan3A = arith.constant 0 : i32
    %scan3A_17 = arith.constant 0 : i32
    %scan3A_18 = arith.constant 4 : i32
    %scan3A_19 = arith.addi %scan3A_17, %scan3A_18 : i32
    %scan3A_20 = arith.constant 1 : i32
    scf.for %scan3A_52 = %scan3A_17 to %scan3A_19 step %scan3A_20  : i32 {
      %get3A = arith.index_cast %scan3A_52 : i32 to index
      %get3A_53 = arith.constant 0 : index
      %get3A_54 = tpu.vector_load %arg5[%get3A, %get3A_53] {strides = array<i32>} : memref<4x512xf32, #tpu.memory_space<vmem>>, vector<16xf32>,
      %get3A_55 = arith.index_cast %scan3A_52 : i32 to index
      %get3A_56 = arith.constant 16 : index
      %get3A_57 = tpu.vector_load %arg5[%get3A_55, %get3A_56] {strides = array<i32>} : memref<4x512xf32, #tpu.memory_space<vmem>>, vector<16xf32>,
      %get3A_58 = arith.index_cast %scan3A_52 : i32 to index
      %get3A_59 = arith.constant 32 : index
      %get3A_60 = tpu.vector_load %arg5[%get3A_58, %get3A_59] {strides = array<i32>} : memref<4x512xf32, #tpu.memory_space<vmem>>, vector<16xf32>,
      %get3A_61 = arith.index_cast %scan3A_52 : i32 to index
      %get3A_62 = arith.constant 48 : index
      %get3A_63 = tpu.vector_load %arg5[%get3A_61, %get3A_62] {strides = array<i32>} : memref<4x512xf32, #tpu.memory_space<vmem>>, vector<16xf32>,
      %get3A_64 = arith.index_cast %scan3A_52 : i32 to index
      %get3A_65 = arith.constant 64 : index
      %get3A_66 = tpu.vector_load %arg5[%get3A_64, %get3A_65] {strides = array<i32>} : memref<4x512xf32, #tpu.memory_space<vmem>>, vector<16xf32>,
      %get3A_67 = arith.index_cast %scan3A_52 : i32 to index
      %get3A_68 = arith.constant 80 : index
      %get3A_69 = tpu.vector_load %arg5[%get3A_67, %get3A_68] {strides = array<i32>} : memref<4x512xf32, #tpu.memory_space<vmem>>, vector<16xf32>,
      %get3A_70 = arith.index_cast %scan3A_52 : i32 to index
      %get3A_71 = arith.constant 96 : index
      %get3A_72 = tpu.vector_load %arg5[%get3A_70, %get3A_71] {strides = array<i32>} : memref<4x512xf32, #tpu.memory_space<vmem>>, vector<16xf32>,
      %get3A_73 = arith.index_cast %scan3A_52 : i32 to index
      %get3A_74 = arith.constant 112 : index
      %get3A_75 = tpu.vector_load %arg5[%get3A_73, %get3A_74] {strides = array<i32>} : memref<4x512xf32, #tpu.memory_space<vmem>>, vector<16xf32>,
      %get3A_76 = arith.index_cast %scan3A_52 : i32 to index
      %get3A_77 = arith.constant 128 : index
      %get3A_78 = tpu.vector_load %arg5[%get3A_76, %get3A_77] {strides = array<i32>} : memref<4x512xf32, #tpu.memory_space<vmem>>, vector<16xf32>,
      %get3A_79 = arith.index_cast %scan3A_52 : i32 to index
      %get3A_80 = arith.constant 144 : index
      %get3A_81 = tpu.vector_load %arg5[%get3A_79, %get3A_80] {strides = array<i32>} : memref<4x512xf32, #tpu.memory_space<vmem>>, vector<16xf32>,
      %get3A_82 = arith.index_cast %scan3A_52 : i32 to index
      %get3A_83 = arith.constant 160 : index
      %get3A_84 = tpu.vector_load %arg5[%get3A_82, %get3A_83] {strides = array<i32>} : memref<4x512xf32, #tpu.memory_space<vmem>>, vector<16xf32>,
      %get3A_85 = arith.index_cast %scan3A_52 : i32 to index
      %get3A_86 = arith.constant 176 : index
      %get3A_87 = tpu.vector_load %arg5[%get3A_85, %get3A_86] {strides = array<i32>} : memref<4x512xf32, #tpu.memory_space<vmem>>, vector<16xf32>,
      %get3A_88 = arith.index_cast %scan3A_52 : i32 to index
      %get3A_89 = arith.constant 192 : index
      %get3A_90 = tpu.vector_load %arg5[%get3A_88, %get3A_89] {strides = array<i32>} : memref<4x512xf32, #tpu.memory_space<vmem>>, vector<16xf32>,
      %get3A_91 = arith.index_cast %scan3A_52 : i32 to index
      %get3A_92 = arith.constant 208 : index
      %get3A_93 = tpu.vector_load %arg5[%get3A_91, %get3A_92] {strides = array<i32>} : memref<4x512xf32, #tpu.memory_space<vmem>>, vector<16xf32>,
      %get3A_94 = arith.index_cast %scan3A_52 : i32 to index
      %get3A_95 = arith.constant 224 : index
      %get3A_96 = tpu.vector_load %arg5[%get3A_94, %get3A_95] {strides = array<i32>} : memref<4x512xf32, #tpu.memory_space<vmem>>, vector<16xf32>,
      %get3A_97 = arith.index_cast %scan3A_52 : i32 to index
      %get3A_98 = arith.constant 240 : index
      %get3A_99 = tpu.vector_load %arg5[%get3A_97, %get3A_98] {strides = array<i32>} : memref<4x512xf32, #tpu.memory_space<vmem>>, vector<16xf32>,
      %get3A_100 = arith.index_cast %scan3A_52 : i32 to index
      %get3A_101 = arith.constant 256 : index
      %get3A_102 = tpu.vector_load %arg5[%get3A_100, %get3A_101] {strides = array<i32>} : memref<4x512xf32, #tpu.memory_space<vmem>>, vector<16xf32>,
      %get3A_103 = arith.index_cast %scan3A_52 : i32 to index
      %get3A_104 = arith.constant 272 : index
      %get3A_105 = tpu.vector_load %arg5[%get3A_103, %get3A_104] {strides = array<i32>} : memref<4x512xf32, #tpu.memory_space<vmem>>, vector<16xf32>,
      %get3A_106 = arith.index_cast %scan3A_52 : i32 to index
      %get3A_107 = arith.constant 288 : index
      %get3A_108 = tpu.vector_load %arg5[%get3A_106, %get3A_107] {strides = array<i32>} : memref<4x512xf32, #tpu.memory_space<vmem>>, vector<16xf32>,
      %get3A_109 = arith.index_cast %scan3A_52 : i32 to index
      %get3A_110 = arith.constant 304 : index
      %get3A_111 = tpu.vector_load %arg5[%get3A_109, %get3A_110] {strides = array<i32>} : memref<4x512xf32, #tpu.memory_space<vmem>>, vector<16xf32>,
      %get3A_112 = arith.index_cast %scan3A_52 : i32 to index
      %get3A_113 = arith.constant 320 : index
      %get3A_114 = tpu.vector_load %arg5[%get3A_112, %get3A_113] {strides = array<i32>} : memref<4x512xf32, #tpu.memory_space<vmem>>, vector<16xf32>,
      %get3A_115 = arith.index_cast %scan3A_52 : i32 to index
      %get3A_116 = arith.constant 336 : index
      %get3A_117 = tpu.vector_load %arg5[%get3A_115, %get3A_116] {strides = array<i32>} : memref<4x512xf32, #tpu.memory_space<vmem>>, vector<16xf32>,
      %get3A_118 = arith.index_cast %scan3A_52 : i32 to index
      %get3A_119 = arith.constant 352 : index
      %get3A_120 = tpu.vector_load %arg5[%get3A_118, %get3A_119] {strides = array<i32>} : memref<4x512xf32, #tpu.memory_space<vmem>>, vector<16xf32>,
      %get3A_121 = arith.index_cast %scan3A_52 : i32 to index
      %get3A_122 = arith.constant 368 : index
      %get3A_123 = tpu.vector_load %arg5[%get3A_121, %get3A_122] {strides = array<i32>} : memref<4x512xf32, #tpu.memory_space<vmem>>, vector<16xf32>,
      %get3A_124 = arith.index_cast %scan3A_52 : i32 to index
      %get3A_125 = arith.constant 384 : index
      %get3A_126 = tpu.vector_load %arg5[%get3A_124, %get3A_125] {strides = array<i32>} : memref<4x512xf32, #tpu.memory_space<vmem>>, vector<16xf32>,
      %get3A_127 = arith.index_cast %scan3A_52 : i32 to index
      %get3A_128 = arith.constant 400 : index
      %get3A_129 = tpu.vector_load %arg5[%get3A_127, %get3A_128] {strides = array<i32>} : memref<4x512xf32, #tpu.memory_space<vmem>>, vector<16xf32>,
      %get3A_130 = arith.index_cast %scan3A_52 : i32 to index
      %get3A_131 = arith.constant 416 : index
      %get3A_132 = tpu.vector_load %arg5[%get3A_130, %get3A_131] {strides = array<i32>} : memref<4x512xf32, #tpu.memory_space<vmem>>, vector<16xf32>,
      %get3A_133 = arith.index_cast %scan3A_52 : i32 to index
      %get3A_134 = arith.constant 432 : index
      %get3A_135 = tpu.vector_load %arg5[%get3A_133, %get3A_134] {strides = array<i32>} : memref<4x512xf32, #tpu.memory_space<vmem>>, vector<16xf32>,
      %get3A_136 = arith.index_cast %scan3A_52 : i32 to index
      %get3A_137 = arith.constant 448 : index
      %get3A_138 = tpu.vector_load %arg5[%get3A_136, %get3A_137] {strides = array<i32>} : memref<4x512xf32, #tpu.memory_space<vmem>>, vector<16xf32>,
      %get3A_139 = arith.index_cast %scan3A_52 : i32 to index
      %get3A_140 = arith.constant 464 : index
      %get3A_141 = tpu.vector_load %arg5[%get3A_139, %get3A_140] {strides = array<i32>} : memref<4x512xf32, #tpu.memory_space<vmem>>, vector<16xf32>,
      %get3A_142 = arith.index_cast %scan3A_52 : i32 to index
      %get3A_143 = arith.constant 480 : index
      %get3A_144 = tpu.vector_load %arg5[%get3A_142, %get3A_143] {strides = array<i32>} : memref<4x512xf32, #tpu.memory_space<vmem>>, vector<16xf32>,
      %get3A_145 = arith.index_cast %scan3A_52 : i32 to index
      %get3A_146 = arith.constant 496 : index
      %get3A_147 = tpu.vector_load %arg5[%get3A_145, %get3A_146] {strides = array<i32>} : memref<4x512xf32, #tpu.memory_space<vmem>>, vector<16xf32>,
      %broadcast_in_dim3A = vector.broadcast %scan3A_52 : i32 to vector<16xi32>
      %scan3A_148 = arith.constant 0 : i32
      %scan3A_149 = arith.constant 0 : i32
      %scan3A_150 = arith.constant 4 : i32
      %scan3A_151 = arith.addi %scan3A_149, %scan3A_150 : i32
      %scan3A_152 = arith.constant 1 : i32
      scf.for %scan3A_154 = %scan3A_149 to %scan3A_151 step %scan3A_152  : i32 {
        %mul3A_155 = arith.constant 2 : i32
        %mul3A_156 = arith.muli %scan3A_154, %mul3A_155 : i32
        %add3A_157 = arith.constant 0 : i32
        %add3A_158 = arith.addi %mul3A_156, %add3A_157 : i32
        %eq3A = arith.constant 0 : i32
        %eq3A_159 = arith.cmpi eq, %scan3A_52, %eq3A : i32
        %eq3A_160 = arith.constant 0 : i32
        %eq3A_161 = arith.cmpi eq, %scan3A_154, %eq3A_160 : i32
        %and3A = arith.andi %eq3A_159, %eq3A_161 : i1
        %not3A = arith.constant true
        %not3A_162 = arith.xori %and3A, %not3A : i1
        %convert_element_type3A = arith.extui %not3A_162 : i1 to i32
        %cond3A = arith.constant 0 : i32
        %cond3A_163 = arith.cmpi ne, %convert_element_type3A, %cond3A : i32
        scf.if %cond3A_163 {
          %dma_wait3A_228 = arith.constant 0 : i32
          %dma_wait3A_229 = arith.constant 0 : i32
          %dma_wait3A_230 = arith.constant 0 : i32
          %dma_wait3A_231 = tpu.memref_slice %arg7[%dma_wait3A_228, %dma_wait3A_229, %dma_wait3A_230] : memref<2x64x512xf32, #tpu.memory_space<vmem>> -> memref<1x64x512xf32, #tpu.memory_space<vmem>>
          %dma_wait3A_232 = tpu.memref_squeeze %dma_wait3A_231 : memref<1x64x512xf32, #tpu.memory_space<vmem>> -> memref<64x512xf32, #tpu.memory_space<vmem>>
          %dma_wait3A_233 = arith.constant 0 : i32
          %dma_wait3A_234 = arith.constant 0 : i32
          %dma_wait3A_235 = tpu.memref_slice %arg4[%dma_wait3A_233, %dma_wait3A_234] : memref<65536x512xf32, #tpu.memory_space<hbm>> -> memref<64x512xf32, #tpu.memory_space<hbm>>
          %dma_wait3A_236 = arith.constant 0 : i32
          %dma_wait3A_237 = arith.constant 0 : i32
          %dma_wait3A_238 = tpu.memref_slice %arg4[%dma_wait3A_236, %dma_wait3A_237] : memref<65536x512xf32, #tpu.memory_space<hbm>> -> memref<64x512xf32, #tpu.memory_space<hbm>>
          %dma_wait3A_239 = arith.constant 0 : i32
          %dma_wait3A_240 = arith.constant 0 : i32
          %dma_wait3A_241 = tpu.memref_slice %arg7[%dma_wait3A_228, %dma_wait3A_239, %dma_wait3A_240] : memref<2x64x512xf32, #tpu.memory_space<vmem>> -> memref<1x64x512xf32, #tpu.memory_space<vmem>>
          %dma_wait3A_242 = tpu.memref_squeeze %dma_wait3A_241 : memref<1x64x512xf32, #tpu.memory_space<vmem>> -> memref<64x512xf32, #tpu.memory_space<vmem>>
          tpu.wait_dma2 semaphore(%arg8 : memref<!tpu.dma_semaphore, #tpu.memory_space<semaphore_mem>>) src(%dma_wait3A_242 : memref<64x512xf32, #tpu.memory_space<vmem>>) dst(%dma_wait3A_238 : memref<64x512xf32, #tpu.memory_space<hbm>>)
        } else {
        }
        %mul3A_164 = arith.constant 64 : i32
        %mul3A_165 = arith.muli %add3A_158, %mul3A_164 : i32
        %scan3A_166 = arith.constant 0 : i32
        %scan3A_167 = arith.constant 0 : i32
        %scan3A_168 = arith.constant 8 : i32
        %scan3A_169 = arith.addi %scan3A_167, %scan3A_168 : i32
        %scan3A_170 = arith.constant 1 : i32
        scf.for %scan3A_228 = %scan3A_167 to %scan3A_169 step %scan3A_170  : i32 {
          %mul3A_229 = arith.constant 8 : i32
          %mul3A_230 = arith.muli %scan3A_228, %mul3A_229 : i32
          %add3A_231 = arith.constant 0 : i32
          %add3A_232 = arith.addi %mul3A_230, %add3A_231 : i32
          %add3A_233 = arith.addi %mul3A_165, %add3A_232 : i32
          %broadcast_in_dim3A_234 = vector.broadcast %add3A_233 : i32 to vector<16xi32>
          %gather3A = tpu.vector_load_idx %arg6[%broadcast_in_dim3A, %broadcast_in_dim3A_234] : memref<4x512xf32, #tpu.memory_space<vmem>>[vector<16xi32>, vector<16xi32>], vector<16xf32>,
          %mul3A_235 = arith.constant 8 : i32
          %mul3A_236 = arith.muli %scan3A_228, %mul3A_235 : i32
          %add3A_237 = arith.constant 1 : i32
          %add3A_238 = arith.addi %mul3A_236, %add3A_237 : i32
          %add3A_239 = arith.addi %mul3A_165, %add3A_238 : i32
          %broadcast_in_dim3A_240 = vector.broadcast %add3A_239 : i32 to vector<16xi32>
          %gather3A_241 = tpu.vector_load_idx %arg6[%broadcast_in_dim3A, %broadcast_in_dim3A_240] : memref<4x512xf32, #tpu.memory_space<vmem>>[vector<16xi32>, vector<16xi32>], vector<16xf32>,
          %mul3A_242 = arith.constant 8 : i32
          %mul3A_243 = arith.muli %scan3A_228, %mul3A_242 : i32
          %add3A_244 = arith.constant 2 : i32
          %add3A_245 = arith.addi %mul3A_243, %add3A_244 : i32
          %add3A_246 = arith.addi %mul3A_165, %add3A_245 : i32
          %broadcast_in_dim3A_247 = vector.broadcast %add3A_246 : i32 to vector<16xi32>
          %gather3A_248 = tpu.vector_load_idx %arg6[%broadcast_in_dim3A, %broadcast_in_dim3A_247] : memref<4x512xf32, #tpu.memory_space<vmem>>[vector<16xi32>, vector<16xi32>], vector<16xf32>,
          %mul3A_249 = arith.constant 8 : i32
          %mul3A_250 = arith.muli %scan3A_228, %mul3A_249 : i32
          %add3A_251 = arith.constant 3 : i32
          %add3A_252 = arith.addi %mul3A_250, %add3A_251 : i32
          %add3A_253 = arith.addi %mul3A_165, %add3A_252 : i32
          %broadcast_in_dim3A_254 = vector.broadcast %add3A_253 : i32 to vector<16xi32>
          %gather3A_255 = tpu.vector_load_idx %arg6[%broadcast_in_dim3A, %broadcast_in_dim3A_254] : memref<4x512xf32, #tpu.memory_space<vmem>>[vector<16xi32>, vector<16xi32>], vector<16xf32>,
          %mul3A_256 = arith.constant 8 : i32
          %mul3A_257 = arith.muli %scan3A_228, %mul3A_256 : i32
          %add3A_258 = arith.constant 4 : i32
          %add3A_259 = arith.addi %mul3A_257, %add3A_258 : i32
          %add3A_260 = arith.addi %mul3A_165, %add3A_259 : i32
          %broadcast_in_dim3A_261 = vector.broadcast %add3A_260 : i32 to vector<16xi32>
          %gather3A_262 = tpu.vector_load_idx %arg6[%broadcast_in_dim3A, %broadcast_in_dim3A_261] : memref<4x512xf32, #tpu.memory_space<vmem>>[vector<16xi32>, vector<16xi32>], vector<16xf32>,
          %mul3A_263 = arith.constant 8 : i32
          %mul3A_264 = arith.muli %scan3A_228, %mul3A_263 : i32
          %add3A_265 = arith.constant 5 : i32
          %add3A_266 = arith.addi %mul3A_264, %add3A_265 : i32
          %add3A_267 = arith.addi %mul3A_165, %add3A_266 : i32
          %broadcast_in_dim3A_268 = vector.broadcast %add3A_267 : i32 to vector<16xi32>
          %gather3A_269 = tpu.vector_load_idx %arg6[%broadcast_in_dim3A, %broadcast_in_dim3A_268] : memref<4x512xf32, #tpu.memory_space<vmem>>[vector<16xi32>, vector<16xi32>], vector<16xf32>,
          %mul3A_270 = arith.constant 8 : i32
          %mul3A_271 = arith.muli %scan3A_228, %mul3A_270 : i32
          %add3A_272 = arith.constant 6 : i32
          %add3A_273 = arith.addi %mul3A_271, %add3A_272 : i32
          %add3A_274 = arith.addi %mul3A_165, %add3A_273 : i32
          %broadcast_in_dim3A_275 = vector.broadcast %add3A_274 : i32 to vector<16xi32>
          %gather3A_276 = tpu.vector_load_idx %arg6[%broadcast_in_dim3A, %broadcast_in_dim3A_275] : memref<4x512xf32, #tpu.memory_space<vmem>>[vector<16xi32>, vector<16xi32>], vector<16xf32>,
          %mul3A_277 = arith.constant 8 : i32
          %mul3A_278 = arith.muli %scan3A_228, %mul3A_277 : i32
          %add3A_279 = arith.constant 7 : i32
          %add3A_280 = arith.addi %mul3A_278, %add3A_279 : i32
          %add3A_281 = arith.addi %mul3A_165, %add3A_280 : i32
          %broadcast_in_dim3A_282 = vector.broadcast %add3A_281 : i32 to vector<16xi32>
          %gather3A_283 = tpu.vector_load_idx %arg6[%broadcast_in_dim3A, %broadcast_in_dim3A_282] : memref<4x512xf32, #tpu.memory_space<vmem>>[vector<16xi32>, vector<16xi32>], vector<16xf32>,
          %mul3A_284 = arith.constant 8 : i32
          %mul3A_285 = arith.muli %scan3A_228, %mul3A_284 : i32
          %add3A_286 = arith.constant 0 : i32
          %add3A_287 = arith.addi %mul3A_285, %add3A_286 : i32
          %add3A_288 = arith.addf %get3A_54, %gather3A : vector<16xf32>
          %swap3A = arith.constant 0 : i32
          %swap3A_289 = arith.index_cast %swap3A : i32 to index
          %swap3A_290 = arith.index_cast %add3A_287 : i32 to index
          %swap3A_291 = arith.constant 0 : index
          %swap3A_292 = tpu.vector_load %arg7[%swap3A_289, %swap3A_290, %swap3A_291] {strides = array<i32>} : memref<2x64x512xf32, #tpu.memory_space<vmem>>, vector<16xf32>,
          tpu.vector_store %arg7[%swap3A_289, %swap3A_290, %swap3A_291], %add3A_288 {strides = array<i32>} : memref<2x64x512xf32, #tpu.memory_space<vmem>>, vector<16xf32>,
          %add3A_293 = arith.addf %get3A_57, %gather3A : vector<16xf32>
          %swap3A_294 = arith.constant 0 : i32
          %swap3A_295 = arith.index_cast %swap3A_294 : i32 to index
          %swap3A_296 = arith.index_cast %add3A_287 : i32 to index
          %swap3A_297 = arith.constant 16 : index
          %swap3A_298 = tpu.vector_load %arg7[%swap3A_295, %swap3A_296, %swap3A_297] {strides = array<i32>} : memref<2x64x512xf32, #tpu.memory_space<vmem>>, vector<16xf32>,
          tpu.vector_store %arg7[%swap3A_295, %swap3A_296, %swap3A_297], %add3A_293 {strides = array<i32>} : memref<2x64x512xf32, #tpu.memory_space<vmem>>, vector<16xf32>,
          %add3A_299 = arith.addf %get3A_60, %gather3A : vector<16xf32>
          %swap3A_300 = arith.constant 0 : i32
          %swap3A_301 = arith.index_cast %swap3A_300 : i32 to index
          %swap3A_302 = arith.index_cast %add3A_287 : i32 to index
          %swap3A_303 = arith.constant 32 : index
          %swap3A_304 = tpu.vector_load %arg7[%swap3A_301, %swap3A_302, %swap3A_303] {strides = array<i32>} : memref<2x64x512xf32, #tpu.memory_space<vmem>>, vector<16xf32>,
          tpu.vector_store %arg7[%swap3A_301, %swap3A_302, %swap3A_303], %add3A_299 {strides = array<i32>} : memref<2x64x512xf32, #tpu.memory_space<vmem>>, vector<16xf32>,
          %add3A_305 = arith.addf %get3A_63, %gather3A : vector<16xf32>
          %swap3A_306 = arith.constant 0 : i32
          %swap3A_307 = arith.index_cast %swap3A_306 : i32 to index
          %swap3A_308 = arith.index_cast %add3A_287 : i32 to index
          %swap3A_309 = arith.constant 48 : index
          %swap3A_310 = tpu.vector_load %arg7[%swap3A_307, %swap3A_308, %swap3A_309] {strides = array<i32>} : memref<2x64x512xf32, #tpu.memory_space<vmem>>, vector<16xf32>,
          tpu.vector_store %arg7[%swap3A_307, %swap3A_308, %swap3A_309], %add3A_305 {strides = array<i32>} : memref<2x64x512xf32, #tpu.memory_space<vmem>>, vector<16xf32>,
          %add3A_311 = arith.addf %get3A_66, %gather3A : vector<16xf32>
          %swap3A_312 = arith.constant 0 : i32
          %swap3A_313 = arith.index_cast %swap3A_312 : i32 to index
          %swap3A_314 = arith.index_cast %add3A_287 : i32 to index
          %swap3A_315 = arith.constant 64 : index
          %swap3A_316 = tpu.vector_load %arg7[%swap3A_313, %swap3A_314, %swap3A_315] {strides = array<i32>} : memref<2x64x512xf32, #tpu.memory_space<vmem>>, vector<16xf32>,
          tpu.vector_store %arg7[%swap3A_313, %swap3A_314, %swap3A_315], %add3A_311 {strides = array<i32>} : memref<2x64x512xf32, #tpu.memory_space<vmem>>, vector<16xf32>,
          %add3A_317 = arith.addf %get3A_69, %gather3A : vector<16xf32>
          %swap3A_318 = arith.constant 0 : i32
          %swap3A_319 = arith.index_cast %swap3A_318 : i32 to index
          %swap3A_320 = arith.index_cast %add3A_287 : i32 to index
          %swap3A_321 = arith.constant 80 : index
          %swap3A_322 = tpu.vector_load %arg7[%swap3A_319, %swap3A_320, %swap3A_321] {strides = array<i32>} : memref<2x64x512xf32, #tpu.memory_space<vmem>>, vector<16xf32>,
          tpu.vector_store %arg7[%swap3A_319, %swap3A_320, %swap3A_321], %add3A_317 {strides = array<i32>} : memref<2x64x512xf32, #tpu.memory_space<vmem>>, vector<16xf32>,
          %add3A_323 = arith.addf %get3A_72, %gather3A : vector<16xf32>
          %swap3A_324 = arith.constant 0 : i32
          %swap3A_325 = arith.index_cast %swap3A_324 : i32 to index
          %swap3A_326 = arith.index_cast %add3A_287 : i32 to index
          %swap3A_327 = arith.constant 96 : index
          %swap3A_328 = tpu.vector_load %arg7[%swap3A_325, %swap3A_326, %swap3A_327] {strides = array<i32>} : memref<2x64x512xf32, #tpu.memory_space<vmem>>, vector<16xf32>,
          tpu.vector_store %arg7[%swap3A_325, %swap3A_326, %swap3A_327], %add3A_323 {strides = array<i32>} : memref<2x64x512xf32, #tpu.memory_space<vmem>>, vector<16xf32>,
          %add3A_329 = arith.addf %get3A_75, %gather3A : vector<16xf32>
          %swap3A_330 = arith.constant 0 : i32
          %swap3A_331 = arith.index_cast %swap3A_330 : i32 to index
          %swap3A_332 = arith.index_cast %add3A_287 : i32 to index
          %swap3A_333 = arith.constant 112 : index
          %swap3A_334 = tpu.vector_load %arg7[%swap3A_331, %swap3A_332, %swap3A_333] {strides = array<i32>} : memref<2x64x512xf32, #tpu.memory_space<vmem>>, vector<16xf32>,
          tpu.vector_store %arg7[%swap3A_331, %swap3A_332, %swap3A_333], %add3A_329 {strides = array<i32>} : memref<2x64x512xf32, #tpu.memory_space<vmem>>, vector<16xf32>,
          %add3A_335 = arith.addf %get3A_78, %gather3A : vector<16xf32>
          %swap3A_336 = arith.constant 0 : i32
          %swap3A_337 = arith.index_cast %swap3A_336 : i32 to index
          %swap3A_338 = arith.index_cast %add3A_287 : i32 to index
          %swap3A_339 = arith.constant 128 : index
          %swap3A_340 = tpu.vector_load %arg7[%swap3A_337, %swap3A_338, %swap3A_339] {strides = array<i32>} : memref<2x64x512xf32, #tpu.memory_space<vmem>>, vector<16xf32>,
          tpu.vector_store %arg7[%swap3A_337, %swap3A_338, %swap3A_339], %add3A_335 {strides = array<i32>} : memref<2x64x512xf32, #tpu.memory_space<vmem>>, vector<16xf32>,
          %add3A_341 = arith.addf %get3A_81, %gather3A : vector<16xf32>
          %swap3A_342 = arith.constant 0 : i32
          %swap3A_343 = arith.index_cast %swap3A_342 : i32 to index
          %swap3A_344 = arith.index_cast %add3A_287 : i32 to index
          %swap3A_345 = arith.constant 144 : index
          %swap3A_346 = tpu.vector_load %arg7[%swap3A_343, %swap3A_344, %swap3A_345] {strides = array<i32>} : memref<2x64x512xf32, #tpu.memory_space<vmem>>, vector<16xf32>,
          tpu.vector_store %arg7[%swap3A_343, %swap3A_344, %swap3A_345], %add3A_341 {strides = array<i32>} : memref<2x64x512xf32, #tpu.memory_space<vmem>>, vector<16xf32>,
          %add3A_347 = arith.addf %get3A_84, %gather3A : vector<16xf32>
          %swap3A_348 = arith.constant 0 : i32
          %swap3A_349 = arith.index_cast %swap3A_348 : i32 to index
          %swap3A_350 = arith.index_cast %add3A_287 : i32 to index
          %swap3A_351 = arith.constant 160 : index
          %swap3A_352 = tpu.vector_load %arg7[%swap3A_349, %swap3A_350, %swap3A_351] {strides = array<i32>} : memref<2x64x512xf32, #tpu.memory_space<vmem>>, vector<16xf32>,
          tpu.vector_store %arg7[%swap3A_349, %swap3A_350, %swap3A_351], %add3A_347 {strides = array<i32>} : memref<2x64x512xf32, #tpu.memory_space<vmem>>, vector<16xf32>,
          %add3A_353 = arith.addf %get3A_87, %gather3A : vector<16xf32>
          %swap3A_354 = arith.constant 0 : i32
          %swap3A_355 = arith.index_cast %swap3A_354 : i32 to index
          %swap3A_356 = arith.index_cast %add3A_287 : i32 to index
          %swap3A_357 = arith.constant 176 : index
          %swap3A_358 = tpu.vector_load %arg7[%swap3A_355, %swap3A_356, %swap3A_357] {strides = array<i32>} : memref<2x64x512xf32, #tpu.memory_space<vmem>>, vector<16xf32>,
          tpu.vector_store %arg7[%swap3A_355, %swap3A_356, %swap3A_357], %add3A_353 {strides = array<i32>} : memref<2x64x512xf32, #tpu.memory_space<vmem>>, vector<16xf32>,
          %add3A_359 = arith.addf %get3A_90, %gather3A : vector<16xf32>
          %swap3A_360 = arith.constant 0 : i32
          %swap3A_361 = arith.index_cast %swap3A_360 : i32 to index
          %swap3A_362 = arith.index_cast %add3A_287 : i32 to index
          %swap3A_363 = arith.constant 192 : index
          %swap3A_364 = tpu.vector_load %arg7[%swap3A_361, %swap3A_362, %swap3A_363] {strides = array<i32>} : memref<2x64x512xf32, #tpu.memory_space<vmem>>, vector<16xf32>,
          tpu.vector_store %arg7[%swap3A_361, %swap3A_362, %swap3A_363], %add3A_359 {strides = array<i32>} : memref<2x64x512xf32, #tpu.memory_space<vmem>>, vector<16xf32>,
          %add3A_365 = arith.addf %get3A_93, %gather3A : vector<16xf32>
          %swap3A_366 = arith.constant 0 : i32
          %swap3A_367 = arith.index_cast %swap3A_366 : i32 to index
          %swap3A_368 = arith.index_cast %add3A_287 : i32 to index
          %swap3A_369 = arith.constant 208 : index
          %swap3A_370 = tpu.vector_load %arg7[%swap3A_367, %swap3A_368, %swap3A_369] {strides = array<i32>} : memref<2x64x512xf32, #tpu.memory_space<vmem>>, vector<16xf32>,
          tpu.vector_store %arg7[%swap3A_367, %swap3A_368, %swap3A_369], %add3A_365 {strides = array<i32>} : memref<2x64x512xf32, #tpu.memory_space<vmem>>, vector<16xf32>,
          %add3A_371 = arith.addf %get3A_96, %gather3A : vector<16xf32>
          %swap3A_372 = arith.constant 0 : i32
          %swap3A_373 = arith.index_cast %swap3A_372 : i32 to index
          %swap3A_374 = arith.index_cast %add3A_287 : i32 to index
          %swap3A_375 = arith.constant 224 : index
          %swap3A_376 = tpu.vector_load %arg7[%swap3A_373, %swap3A_374, %swap3A_375] {strides = array<i32>} : memref<2x64x512xf32, #tpu.memory_space<vmem>>, vector<16xf32>,
          tpu.vector_store %arg7[%swap3A_373, %swap3A_374, %swap3A_375], %add3A_371 {strides = array<i32>} : memref<2x64x512xf32, #tpu.memory_space<vmem>>, vector<16xf32>,
          %add3A_377 = arith.addf %get3A_99, %gather3A : vector<16xf32>
          %swap3A_378 = arith.constant 0 : i32
          %swap3A_379 = arith.index_cast %swap3A_378 : i32 to index
          %swap3A_380 = arith.index_cast %add3A_287 : i32 to index
          %swap3A_381 = arith.constant 240 : index
          %swap3A_382 = tpu.vector_load %arg7[%swap3A_379, %swap3A_380, %swap3A_381] {strides = array<i32>} : memref<2x64x512xf32, #tpu.memory_space<vmem>>, vector<16xf32>,
          tpu.vector_store %arg7[%swap3A_379, %swap3A_380, %swap3A_381], %add3A_377 {strides = array<i32>} : memref<2x64x512xf32, #tpu.memory_space<vmem>>, vector<16xf32>,
          %add3A_383 = arith.addf %get3A_102, %gather3A : vector<16xf32>
          %swap3A_384 = arith.constant 0 : i32
          %swap3A_385 = arith.index_cast %swap3A_384 : i32 to index
          %swap3A_386 = arith.index_cast %add3A_287 : i32 to index
          %swap3A_387 = arith.constant 256 : index
          %swap3A_388 = tpu.vector_load %arg7[%swap3A_385, %swap3A_386, %swap3A_387] {strides = array<i32>} : memref<2x64x512xf32, #tpu.memory_space<vmem>>, vector<16xf32>,
          tpu.vector_store %arg7[%swap3A_385, %swap3A_386, %swap3A_387], %add3A_383 {strides = array<i32>} : memref<2x64x512xf32, #tpu.memory_space<vmem>>, vector<16xf32>,
          %add3A_389 = arith.addf %get3A_105, %gather3A : vector<16xf32>
          %swap3A_390 = arith.constant 0 : i32
          %swap3A_391 = arith.index_cast %swap3A_390 : i32 to index
          %swap3A_392 = arith.index_cast %add3A_287 : i32 to index
          %swap3A_393 = arith.constant 272 : index
          %swap3A_394 = tpu.vector_load %arg7[%swap3A_391, %swap3A_392, %swap3A_393] {strides = array<i32>} : memref<2x64x512xf32, #tpu.memory_space<vmem>>, vector<16xf32>,
          tpu.vector_store %arg7[%swap3A_391, %swap3A_392, %swap3A_393], %add3A_389 {strides = array<i32>} : memref<2x64x512xf32, #tpu.memory_space<vmem>>, vector<16xf32>,
          %add3A_395 = arith.addf %get3A_108, %gather3A : vector<16xf32>
          %swap3A_396 = arith.constant 0 : i32
          %swap3A_397 = arith.index_cast %swap3A_396 : i32 to index
          %swap3A_398 = arith.index_cast %add3A_287 : i32 to index
          %swap3A_399 = arith.constant 288 : index
          %swap3A_400 = tpu.vector_load %arg7[%swap3A_397, %swap3A_398, %swap3A_399] {strides = array<i32>} : memref<2x64x512xf32, #tpu.memory_space<vmem>>, vector<16xf32>,
          tpu.vector_store %arg7[%swap3A_397, %swap3A_398, %swap3A_399], %add3A_395 {strides = array<i32>} : memref<2x64x512xf32, #tpu.memory_space<vmem>>, vector<16xf32>,
          %add3A_401 = arith.addf %get3A_111, %gather3A : vector<16xf32>
          %swap3A_402 = arith.constant 0 : i32
          %swap3A_403 = arith.index_cast %swap3A_402 : i32 to index
          %swap3A_404 = arith.index_cast %add3A_287 : i32 to index
          %swap3A_405 = arith.constant 304 : index
          %swap3A_406 = tpu.vector_load %arg7[%swap3A_403, %swap3A_404, %swap3A_405] {strides = array<i32>} : memref<2x64x512xf32, #tpu.memory_space<vmem>>, vector<16xf32>,
          tpu.vector_store %arg7[%swap3A_403, %swap3A_404, %swap3A_405], %add3A_401 {strides = array<i32>} : memref<2x64x512xf32, #tpu.memory_space<vmem>>, vector<16xf32>,
          %add3A_407 = arith.addf %get3A_114, %gather3A : vector<16xf32>
          %swap3A_408 = arith.constant 0 : i32
          %swap3A_409 = arith.index_cast %swap3A_408 : i32 to index
          %swap3A_410 = arith.index_cast %add3A_287 : i32 to index
          %swap3A_411 = arith.constant 320 : index
          %swap3A_412 = tpu.vector_load %arg7[%swap3A_409, %swap3A_410, %swap3A_411] {strides = array<i32>} : memref<2x64x512xf32, #tpu.memory_space<vmem>>, vector<16xf32>,
          tpu.vector_store %arg7[%swap3A_409, %swap3A_410, %swap3A_411], %add3A_407 {strides = array<i32>} : memref<2x64x512xf32, #tpu.memory_space<vmem>>, vector<16xf32>,
          %add3A_413 = arith.addf %get3A_117, %gather3A : vector<16xf32>
          %swap3A_414 = arith.constant 0 : i32
          %swap3A_415 = arith.index_cast %swap3A_414 : i32 to index
          %swap3A_416 = arith.index_cast %add3A_287 : i32 to index
          %swap3A_417 = arith.constant 336 : index
          %swap3A_418 = tpu.vector_load %arg7[%swap3A_415, %swap3A_416, %swap3A_417] {strides = array<i32>} : memref<2x64x512xf32, #tpu.memory_space<vmem>>, vector<16xf32>,
          tpu.vector_store %arg7[%swap3A_415, %swap3A_416, %swap3A_417], %add3A_413 {strides = array<i32>} : memref<2x64x512xf32, #tpu.memory_space<vmem>>, vector<16xf32>,
          %add3A_419 = arith.addf %get3A_120, %gather3A : vector<16xf32>
          %swap3A_420 = arith.constant 0 : i32
          %swap3A_421 = arith.index_cast %swap3A_420 : i32 to index
          %swap3A_422 = arith.index_cast %add3A_287 : i32 to index
          %swap3A_423 = arith.constant 352 : index
          %swap3A_424 = tpu.vector_load %arg7[%swap3A_421, %swap3A_422, %swap3A_423] {strides = array<i32>} : memref<2x64x512xf32, #tpu.memory_space<vmem>>, vector<16xf32>,
          tpu.vector_store %arg7[%swap3A_421, %swap3A_422, %swap3A_423], %add3A_419 {strides = array<i32>} : memref<2x64x512xf32, #tpu.memory_space<vmem>>, vector<16xf32>,
          %add3A_425 = arith.addf %get3A_123, %gather3A : vector<16xf32>
          %swap3A_426 = arith.constant 0 : i32
          %swap3A_427 = arith.index_cast %swap3A_426 : i32 to index
          %swap3A_428 = arith.index_cast %add3A_287 : i32 to index
          %swap3A_429 = arith.constant 368 : index
          %swap3A_430 = tpu.vector_load %arg7[%swap3A_427, %swap3A_428, %swap3A_429] {strides = array<i32>} : memref<2x64x512xf32, #tpu.memory_space<vmem>>, vector<16xf32>,
          tpu.vector_store %arg7[%swap3A_427, %swap3A_428, %swap3A_429], %add3A_425 {strides = array<i32>} : memref<2x64x512xf32, #tpu.memory_space<vmem>>, vector<16xf32>,
          %add3A_431 = arith.addf %get3A_126, %gather3A : vector<16xf32>
          %swap3A_432 = arith.constant 0 : i32
          %swap3A_433 = arith.index_cast %swap3A_432 : i32 to index
          %swap3A_434 = arith.index_cast %add3A_287 : i32 to index
          %swap3A_435 = arith.constant 384 : index
          %swap3A_436 = tpu.vector_load %arg7[%swap3A_433, %swap3A_434, %swap3A_435] {strides = array<i32>} : memref<2x64x512xf32, #tpu.memory_space<vmem>>, vector<16xf32>,
          tpu.vector_store %arg7[%swap3A_433, %swap3A_434, %swap3A_435], %add3A_431 {strides = array<i32>} : memref<2x64x512xf32, #tpu.memory_space<vmem>>, vector<16xf32>,
          %add3A_437 = arith.addf %get3A_129, %gather3A : vector<16xf32>
          %swap3A_438 = arith.constant 0 : i32
          %swap3A_439 = arith.index_cast %swap3A_438 : i32 to index
          %swap3A_440 = arith.index_cast %add3A_287 : i32 to index
          %swap3A_441 = arith.constant 400 : index
          %swap3A_442 = tpu.vector_load %arg7[%swap3A_439, %swap3A_440, %swap3A_441] {strides = array<i32>} : memref<2x64x512xf32, #tpu.memory_space<vmem>>, vector<16xf32>,
          tpu.vector_store %arg7[%swap3A_439, %swap3A_440, %swap3A_441], %add3A_437 {strides = array<i32>} : memref<2x64x512xf32, #tpu.memory_space<vmem>>, vector<16xf32>,
          %add3A_443 = arith.addf %get3A_132, %gather3A : vector<16xf32>
          %swap3A_444 = arith.constant 0 : i32
          %swap3A_445 = arith.index_cast %swap3A_444 : i32 to index
          %swap3A_446 = arith.index_cast %add3A_287 : i32 to index
          %swap3A_447 = arith.constant 416 : index
          %swap3A_448 = tpu.vector_load %arg7[%swap3A_445, %swap3A_446, %swap3A_447] {strides = array<i32>} : memref<2x64x512xf32, #tpu.memory_space<vmem>>, vector<16xf32>,
          tpu.vector_store %arg7[%swap3A_445, %swap3A_446, %swap3A_447], %add3A_443 {strides = array<i32>} : memref<2x64x512xf32, #tpu.memory_space<vmem>>, vector<16xf32>,
          %add3A_449 = arith.addf %get3A_135, %gather3A : vector<16xf32>
          %swap3A_450 = arith.constant 0 : i32
          %swap3A_451 = arith.index_cast %swap3A_450 : i32 to index
          %swap3A_452 = arith.index_cast %add3A_287 : i32 to index
          %swap3A_453 = arith.constant 432 : index
          %swap3A_454 = tpu.vector_load %arg7[%swap3A_451, %swap3A_452, %swap3A_453] {strides = array<i32>} : memref<2x64x512xf32, #tpu.memory_space<vmem>>, vector<16xf32>,
          tpu.vector_store %arg7[%swap3A_451, %swap3A_452, %swap3A_453], %add3A_449 {strides = array<i32>} : memref<2x64x512xf32, #tpu.memory_space<vmem>>, vector<16xf32>,
          %add3A_455 = arith.addf %get3A_138, %gather3A : vector<16xf32>
          %swap3A_456 = arith.constant 0 : i32
          %swap3A_457 = arith.index_cast %swap3A_456 : i32 to index
          %swap3A_458 = arith.index_cast %add3A_287 : i32 to index
          %swap3A_459 = arith.constant 448 : index
          %swap3A_460 = tpu.vector_load %arg7[%swap3A_457, %swap3A_458, %swap3A_459] {strides = array<i32>} : memref<2x64x512xf32, #tpu.memory_space<vmem>>, vector<16xf32>,
          tpu.vector_store %arg7[%swap3A_457, %swap3A_458, %swap3A_459], %add3A_455 {strides = array<i32>} : memref<2x64x512xf32, #tpu.memory_space<vmem>>, vector<16xf32>,
          %add3A_461 = arith.addf %get3A_141, %gather3A : vector<16xf32>
          %swap3A_462 = arith.constant 0 : i32
          %swap3A_463 = arith.index_cast %swap3A_462 : i32 to index
          %swap3A_464 = arith.index_cast %add3A_287 : i32 to index
          %swap3A_465 = arith.constant 464 : index
          %swap3A_466 = tpu.vector_load %arg7[%swap3A_463, %swap3A_464, %swap3A_465] {strides = array<i32>} : memref<2x64x512xf32, #tpu.memory_space<vmem>>, vector<16xf32>,
          tpu.vector_store %arg7[%swap3A_463, %swap3A_464, %swap3A_465], %add3A_461 {strides = array<i32>} : memref<2x64x512xf32, #tpu.memory_space<vmem>>, vector<16xf32>,
          %add3A_467 = arith.addf %get3A_144, %gather3A : vector<16xf32>
          %swap3A_468 = arith.constant 0 : i32
          %swap3A_469 = arith.index_cast %swap3A_468 : i32 to index
          %swap3A_470 = arith.index_cast %add3A_287 : i32 to index
          %swap3A_471 = arith.constant 480 : index
          %swap3A_472 = tpu.vector_load %arg7[%swap3A_469, %swap3A_470, %swap3A_471] {strides = array<i32>} : memref<2x64x512xf32, #tpu.memory_space<vmem>>, vector<16xf32>,
          tpu.vector_store %arg7[%swap3A_469, %swap3A_470, %swap3A_471], %add3A_467 {strides = array<i32>} : memref<2x64x512xf32, #tpu.memory_space<vmem>>, vector<16xf32>,
          %add3A_473 = arith.addf %get3A_147, %gather3A : vector<16xf32>
          %swap3A_474 = arith.constant 0 : i32
          %swap3A_475 = arith.index_cast %swap3A_474 : i32 to index
          %swap3A_476 = arith.index_cast %add3A_287 : i32 to index
          %swap3A_477 = arith.constant 496 : index
          %swap3A_478 = tpu.vector_load %arg7[%swap3A_475, %swap3A_476, %swap3A_477] {strides = array<i32>} : memref<2x64x512xf32, #tpu.memory_space<vmem>>, vector<16xf32>,
          tpu.vector_store %arg7[%swap3A_475, %swap3A_476, %swap3A_477], %add3A_473 {strides = array<i32>} : memref<2x64x512xf32, #tpu.memory_space<vmem>>, vector<16xf32>,
          %mul3A_479 = arith.constant 8 : i32
          %mul3A_480 = arith.muli %scan3A_228, %mul3A_479 : i32
          %add3A_481 = arith.constant 1 : i32
          %add3A_482 = arith.addi %mul3A_480, %add3A_481 : i32
          %add3A_483 = arith.addf %get3A_54, %gather3A_241 : vector<16xf32>
          %swap3A_484 = arith.constant 0 : i32
          %swap3A_485 = arith.index_cast %swap3A_484 : i32 to index
          %swap3A_486 = arith.index_cast %add3A_482 : i32 to index
          %swap3A_487 = arith.constant 0 : index
          %swap3A_488 = tpu.vector_load %arg7[%swap3A_485, %swap3A_486, %swap3A_487] {strides = array<i32>} : memref<2x64x512xf32, #tpu.memory_space<vmem>>, vector<16xf32>,
          tpu.vector_store %arg7[%swap3A_485, %swap3A_486, %swap3A_487], %add3A_483 {strides = array<i32>} : memref<2x64x512xf32, #tpu.memory_space<vmem>>, vector<16xf32>,
          %add3A_489 = arith.addf %get3A_57, %gather3A_241 : vector<16xf32>
          %swap3A_490 = arith.constant 0 : i32
          %swap3A_491 = arith.index_cast %swap3A_490 : i32 to index
          %swap3A_492 = arith.index_cast %add3A_482 : i32 to index
          %swap3A_493 = arith.constant 16 : index
          %swap3A_494 = tpu.vector_load %arg7[%swap3A_491, %swap3A_492, %swap3A_493] {strides = array<i32>} : memref<2x64x512xf32, #tpu.memory_space<vmem>>, vector<16xf32>,
          tpu.vector_store %arg7[%swap3A_491, %swap3A_492, %swap3A_493], %add3A_489 {strides = array<i32>} : memref<2x64x512xf32, #tpu.memory_space<vmem>>, vector<16xf32>,
          %add3A_495 = arith.addf %get3A_60, %gather3A_241 : vector<16xf32>
          %swap3A_496 = arith.constant 0 : i32
          %swap3A_497 = arith.index_cast %swap3A_496 : i32 to index
          %swap3A_498 = arith.index_cast %add3A_482 : i32 to index
          %swap3A_499 = arith.constant 32 : index
          %swap3A_500 = tpu.vector_load %arg7[%swap3A_497, %swap3A_498, %swap3A_499] {strides = array<i32>} : memref<2x64x512xf32, #tpu.memory_space<vmem>>, vector<16xf32>,
          tpu.vector_store %arg7[%swap3A_497, %swap3A_498, %swap3A_499], %add3A_495 {strides = array<i32>} : memref<2x64x512xf32, #tpu.memory_space<vmem>>, vector<16xf32>,
          %add3A_501 = arith.addf %get3A_63, %gather3A_241 : vector<16xf32>
          %swap3A_502 = arith.constant 0 : i32
          %swap3A_503 = arith.index_cast %swap3A_502 : i32 to index
          %swap3A_504 = arith.index_cast %add3A_482 : i32 to index
          %swap3A_505 = arith.constant 48 : index
          %swap3A_506 = tpu.vector_load %arg7[%swap3A_503, %swap3A_504, %swap3A_505] {strides = array<i32>} : memref<2x64x512xf32, #tpu.memory_space<vmem>>, vector<16xf32>,
          tpu.vector_store %arg7[%swap3A_503, %swap3A_504, %swap3A_505], %add3A_501 {strides = array<i32>} : memref<2x64x512xf32, #tpu.memory_space<vmem>>, vector<16xf32>,
          %add3A_507 = arith.addf %get3A_66, %gather3A_241 : vector<16xf32>
          %swap3A_508 = arith.constant 0 : i32
          %swap3A_509 = arith.index_cast %swap3A_508 : i32 to index
          %swap3A_510 = arith.index_cast %add3A_482 : i32 to index
          %swap3A_511 = arith.constant 64 : index
          %swap3A_512 = tpu.vector_load %arg7[%swap3A_509, %swap3A_510, %swap3A_511] {strides = array<i32>} : memref<2x64x512xf32, #tpu.memory_space<vmem>>, vector<16xf32>,
          tpu.vector_store %arg7[%swap3A_509, %swap3A_510, %swap3A_511], %add3A_507 {strides = array<i32>} : memref<2x64x512xf32, #tpu.memory_space<vmem>>, vector<16xf32>,
          %add3A_513 = arith.addf %get3A_69, %gather3A_241 : vector<16xf32>
          %swap3A_514 = arith.constant 0 : i32
          %swap3A_515 = arith.index_cast %swap3A_514 : i32 to index
          %swap3A_516 = arith.index_cast %add3A_482 : i32 to index
          %swap3A_517 = arith.constant 80 : index
          %swap3A_518 = tpu.vector_load %arg7[%swap3A_515, %swap3A_516, %swap3A_517] {strides = array<i32>} : memref<2x64x512xf32, #tpu.memory_space<vmem>>, vector<16xf32>,
          tpu.vector_store %arg7[%swap3A_515, %swap3A_516, %swap3A_517], %add3A_513 {strides = array<i32>} : memref<2x64x512xf32, #tpu.memory_space<vmem>>, vector<16xf32>,
          %add3A_519 = arith.addf %get3A_72, %gather3A_241 : vector<16xf32>
          %swap3A_520 = arith.constant 0 : i32
          %swap3A_521 = arith.index_cast %swap3A_520 : i32 to index
          %swap3A_522 = arith.index_cast %add3A_482 : i32 to index
          %swap3A_523 = arith.constant 96 : index
          %swap3A_524 = tpu.vector_load %arg7[%swap3A_521, %swap3A_522, %swap3A_523] {strides = array<i32>} : memref<2x64x512xf32, #tpu.memory_space<vmem>>, vector<16xf32>,
          tpu.vector_store %arg7[%swap3A_521, %swap3A_522, %swap3A_523], %add3A_519 {strides = array<i32>} : memref<2x64x512xf32, #tpu.memory_space<vmem>>, vector<16xf32>,
          %add3A_525 = arith.addf %get3A_75, %gather3A_241 : vector<16xf32>
          %swap3A_526 = arith.constant 0 : i32
          %swap3A_527 = arith.index_cast %swap3A_526 : i32 to index
          %swap3A_528 = arith.index_cast %add3A_482 : i32 to index
          %swap3A_529 = arith.constant 112 : index
          %swap3A_530 = tpu.vector_load %arg7[%swap3A_527, %swap3A_528, %swap3A_529] {strides = array<i32>} : memref<2x64x512xf32, #tpu.memory_space<vmem>>, vector<16xf32>,
          tpu.vector_store %arg7[%swap3A_527, %swap3A_528, %swap3A_529], %add3A_525 {strides = array<i32>} : memref<2x64x512xf32, #tpu.memory_space<vmem>>, vector<16xf32>,
          %add3A_531 = arith.addf %get3A_78, %gather3A_241 : vector<16xf32>
          %swap3A_532 = arith.constant 0 : i32
          %swap3A_533 = arith.index_cast %swap3A_532 : i32 to index
          %swap3A_534 = arith.index_cast %add3A_482 : i32 to index
          %swap3A_535 = arith.constant 128 : index
          %swap3A_536 = tpu.vector_load %arg7[%swap3A_533, %swap3A_534, %swap3A_535] {strides = array<i32>} : memref<2x64x512xf32, #tpu.memory_space<vmem>>, vector<16xf32>,
          tpu.vector_store %arg7[%swap3A_533, %swap3A_534, %swap3A_535], %add3A_531 {strides = array<i32>} : memref<2x64x512xf32, #tpu.memory_space<vmem>>, vector<16xf32>,
          %add3A_537 = arith.addf %get3A_81, %gather3A_241 : vector<16xf32>
          %swap3A_538 = arith.constant 0 : i32
          %swap3A_539 = arith.index_cast %swap3A_538 : i32 to index
          %swap3A_540 = arith.index_cast %add3A_482 : i32 to index
          %swap3A_541 = arith.constant 144 : index
          %swap3A_542 = tpu.vector_load %arg7[%swap3A_539, %swap3A_540, %swap3A_541] {strides = array<i32>} : memref<2x64x512xf32, #tpu.memory_space<vmem>>, vector<16xf32>,
          tpu.vector_store %arg7[%swap3A_539, %swap3A_540, %swap3A_541], %add3A_537 {strides = array<i32>} : memref<2x64x512xf32, #tpu.memory_space<vmem>>, vector<16xf32>,
          %add3A_543 = arith.addf %get3A_84, %gather3A_241 : vector<16xf32>
          %swap3A_544 = arith.constant 0 : i32
          %swap3A_545 = arith.index_cast %swap3A_544 : i32 to index
          %swap3A_546 = arith.index_cast %add3A_482 : i32 to index
          %swap3A_547 = arith.constant 160 : index
          %swap3A_548 = tpu.vector_load %arg7[%swap3A_545, %swap3A_546, %swap3A_547] {strides = array<i32>} : memref<2x64x512xf32, #tpu.memory_space<vmem>>, vector<16xf32>,
          tpu.vector_store %arg7[%swap3A_545, %swap3A_546, %swap3A_547], %add3A_543 {strides = array<i32>} : memref<2x64x512xf32, #tpu.memory_space<vmem>>, vector<16xf32>,
          %add3A_549 = arith.addf %get3A_87, %gather3A_241 : vector<16xf32>
          %swap3A_550 = arith.constant 0 : i32
          %swap3A_551 = arith.index_cast %swap3A_550 : i32 to index
          %swap3A_552 = arith.index_cast %add3A_482 : i32 to index
          %swap3A_553 = arith.constant 176 : index
          %swap3A_554 = tpu.vector_load %arg7[%swap3A_551, %swap3A_552, %swap3A_553] {strides = array<i32>} : memref<2x64x512xf32, #tpu.memory_space<vmem>>, vector<16xf32>,
          tpu.vector_store %arg7[%swap3A_551, %swap3A_552, %swap3A_553], %add3A_549 {strides = array<i32>} : memref<2x64x512xf32, #tpu.memory_space<vmem>>, vector<16xf32>,
          %add3A_555 = arith.addf %get3A_90, %gather3A_241 : vector<16xf32>
          %swap3A_556 = arith.constant 0 : i32
          %swap3A_557 = arith.index_cast %swap3A_556 : i32 to index
          %swap3A_558 = arith.index_cast %add3A_482 : i32 to index
          %swap3A_559 = arith.constant 192 : index
          %swap3A_560 = tpu.vector_load %arg7[%swap3A_557, %swap3A_558, %swap3A_559] {strides = array<i32>} : memref<2x64x512xf32, #tpu.memory_space<vmem>>, vector<16xf32>,
          tpu.vector_store %arg7[%swap3A_557, %swap3A_558, %swap3A_559], %add3A_555 {strides = array<i32>} : memref<2x64x512xf32, #tpu.memory_space<vmem>>, vector<16xf32>,
          %add3A_561 = arith.addf %get3A_93, %gather3A_241 : vector<16xf32>
          %swap3A_562 = arith.constant 0 : i32
          %swap3A_563 = arith.index_cast %swap3A_562 : i32 to index
          %swap3A_564 = arith.index_cast %add3A_482 : i32 to index
          %swap3A_565 = arith.constant 208 : index
          %swap3A_566 = tpu.vector_load %arg7[%swap3A_563, %swap3A_564, %swap3A_565] {strides = array<i32>} : memref<2x64x512xf32, #tpu.memory_space<vmem>>, vector<16xf32>,
          tpu.vector_store %arg7[%swap3A_563, %swap3A_564, %swap3A_565], %add3A_561 {strides = array<i32>} : memref<2x64x512xf32, #tpu.memory_space<vmem>>, vector<16xf32>,
          %add3A_567 = arith.addf %get3A_96, %gather3A_241 : vector<16xf32>
          %swap3A_568 = arith.constant 0 : i32
          %swap3A_569 = arith.index_cast %swap3A_568 : i32 to index
          %swap3A_570 = arith.index_cast %add3A_482 : i32 to index
          %swap3A_571 = arith.constant 224 : index
          %swap3A_572 = tpu.vector_load %arg7[%swap3A_569, %swap3A_570, %swap3A_571] {strides = array<i32>} : memref<2x64x512xf32, #tpu.memory_space<vmem>>, vector<16xf32>,
          tpu.vector_store %arg7[%swap3A_569, %swap3A_570, %swap3A_571], %add3A_567 {strides = array<i32>} : memref<2x64x512xf32, #tpu.memory_space<vmem>>, vector<16xf32>,
          %add3A_573 = arith.addf %get3A_99, %gather3A_241 : vector<16xf32>
          %swap3A_574 = arith.constant 0 : i32
          %swap3A_575 = arith.index_cast %swap3A_574 : i32 to index
          %swap3A_576 = arith.index_cast %add3A_482 : i32 to index
          %swap3A_577 = arith.constant 240 : index
          %swap3A_578 = tpu.vector_load %arg7[%swap3A_575, %swap3A_576, %swap3A_577] {strides = array<i32>} : memref<2x64x512xf32, #tpu.memory_space<vmem>>, vector<16xf32>,
          tpu.vector_store %arg7[%swap3A_575, %swap3A_576, %swap3A_577], %add3A_573 {strides = array<i32>} : memref<2x64x512xf32, #tpu.memory_space<vmem>>, vector<16xf32>,
          %add3A_579 = arith.addf %get3A_102, %gather3A_241 : vector<16xf32>
          %swap3A_580 = arith.constant 0 : i32
          %swap3A_581 = arith.index_cast %swap3A_580 : i32 to index
          %swap3A_582 = arith.index_cast %add3A_482 : i32 to index
          %swap3A_583 = arith.constant 256 : index
          %swap3A_584 = tpu.vector_load %arg7[%swap3A_581, %swap3A_582, %swap3A_583] {strides = array<i32>} : memref<2x64x512xf32, #tpu.memory_space<vmem>>, vector<16xf32>,
          tpu.vector_store %arg7[%swap3A_581, %swap3A_582, %swap3A_583], %add3A_579 {strides = array<i32>} : memref<2x64x512xf32, #tpu.memory_space<vmem>>, vector<16xf32>,
          %add3A_585 = arith.addf %get3A_105, %gather3A_241 : vector<16xf32>
          %swap3A_586 = arith.constant 0 : i32
          %swap3A_587 = arith.index_cast %swap3A_586 : i32 to index
          %swap3A_588 = arith.index_cast %add3A_482 : i32 to index
          %swap3A_589 = arith.constant 272 : index
          %swap3A_590 = tpu.vector_load %arg7[%swap3A_587, %swap3A_588, %swap3A_589] {strides = array<i32>} : memref<2x64x512xf32, #tpu.memory_space<vmem>>, vector<16xf32>,
          tpu.vector_store %arg7[%swap3A_587, %swap3A_588, %swap3A_589], %add3A_585 {strides = array<i32>} : memref<2x64x512xf32, #tpu.memory_space<vmem>>, vector<16xf32>,
          %add3A_591 = arith.addf %get3A_108, %gather3A_241 : vector<16xf32>
          %swap3A_592 = arith.constant 0 : i32
          %swap3A_593 = arith.index_cast %swap3A_592 : i32 to index
          %swap3A_594 = arith.index_cast %add3A_482 : i32 to index
          %swap3A_595 = arith.constant 288 : index
          %swap3A_596 = tpu.vector_load %arg7[%swap3A_593, %swap3A_594, %swap3A_595] {strides = array<i32>} : memref<2x64x512xf32, #tpu.memory_space<vmem>>, vector<16xf32>,
          tpu.vector_store %arg7[%swap3A_593, %swap3A_594, %swap3A_595], %add3A_591 {strides = array<i32>} : memref<2x64x512xf32, #tpu.memory_space<vmem>>, vector<16xf32>,
          %add3A_597 = arith.addf %get3A_111, %gather3A_241 : vector<16xf32>
          %swap3A_598 = arith.constant 0 : i32
          %swap3A_599 = arith.index_cast %swap3A_598 : i32 to index
          %swap3A_600 = arith.index_cast %add3A_482 : i32 to index
          %swap3A_601 = arith.constant 304 : index
          %swap3A_602 = tpu.vector_load %arg7[%swap3A_599, %swap3A_600, %swap3A_601] {strides = array<i32>} : memref<2x64x512xf32, #tpu.memory_space<vmem>>, vector<16xf32>,
          tpu.vector_store %arg7[%swap3A_599, %swap3A_600, %swap3A_601], %add3A_597 {strides = array<i32>} : memref<2x64x512xf32, #tpu.memory_space<vmem>>, vector<16xf32>,
          %add3A_603 = arith.addf %get3A_114, %gather3A_241 : vector<16xf32>
          %swap3A_604 = arith.constant 0 : i32
          %swap3A_605 = arith.index_cast %swap3A_604 : i32 to index
          %swap3A_606 = arith.index_cast %add3A_482 : i32 to index
          %swap3A_607 = arith.constant 320 : index
          %swap3A_608 = tpu.vector_load %arg7[%swap3A_605, %swap3A_606, %swap3A_607] {strides = array<i32>} : memref<2x64x512xf32, #tpu.memory_space<vmem>>, vector<16xf32>,
          tpu.vector_store %arg7[%swap3A_605, %swap3A_606, %swap3A_607], %add3A_603 {strides = array<i32>} : memref<2x64x512xf32, #tpu.memory_space<vmem>>, vector<16xf32>,
          %add3A_609 = arith.addf %get3A_117, %gather3A_241 : vector<16xf32>
          %swap3A_610 = arith.constant 0 : i32
          %swap3A_611 = arith.index_cast %swap3A_610 : i32 to index
          %swap3A_612 = arith.index_cast %add3A_482 : i32 to index
          %swap3A_613 = arith.constant 336 : index
          %swap3A_614 = tpu.vector_load %arg7[%swap3A_611, %swap3A_612, %swap3A_613] {strides = array<i32>} : memref<2x64x512xf32, #tpu.memory_space<vmem>>, vector<16xf32>,
          tpu.vector_store %arg7[%swap3A_611, %swap3A_612, %swap3A_613], %add3A_609 {strides = array<i32>} : memref<2x64x512xf32, #tpu.memory_space<vmem>>, vector<16xf32>,
          %add3A_615 = arith.addf %get3A_120, %gather3A_241 : vector<16xf32>
          %swap3A_616 = arith.constant 0 : i32
          %swap3A_617 = arith.index_cast %swap3A_616 : i32 to index
          %swap3A_618 = arith.index_cast %add3A_482 : i32 to index
          %swap3A_619 = arith.constant 352 : index
          %swap3A_620 = tpu.vector_load %arg7[%swap3A_617, %swap3A_618, %swap3A_619] {strides = array<i32>} : memref<2x64x512xf32, #tpu.memory_space<vmem>>, vector<16xf32>,
          tpu.vector_store %arg7[%swap3A_617, %swap3A_618, %swap3A_619], %add3A_615 {strides = array<i32>} : memref<2x64x512xf32, #tpu.memory_space<vmem>>, vector<16xf32>,
          %add3A_621 = arith.addf %get3A_123, %gather3A_241 : vector<16xf32>
          %swap3A_622 = arith.constant 0 : i32
          %swap3A_623 = arith.index_cast %swap3A_622 : i32 to index
          %swap3A_624 = arith.index_cast %add3A_482 : i32 to index
          %swap3A_625 = arith.constant 368 : index
          %swap3A_626 = tpu.vector_load %arg7[%swap3A_623, %swap3A_624, %swap3A_625] {strides = array<i32>} : memref<2x64x512xf32, #tpu.memory_space<vmem>>, vector<16xf32>,
          tpu.vector_store %arg7[%swap3A_623, %swap3A_624, %swap3A_625], %add3A_621 {strides = array<i32>} : memref<2x64x512xf32, #tpu.memory_space<vmem>>, vector<16xf32>,
          %add3A_627 = arith.addf %get3A_126, %gather3A_241 : vector<16xf32>
          %swap3A_628 = arith.constant 0 : i32
          %swap3A_629 = arith.index_cast %swap3A_628 : i32 to index
          %swap3A_630 = arith.index_cast %add3A_482 : i32 to index
          %swap3A_631 = arith.constant 384 : index
          %swap3A_632 = tpu.vector_load %arg7[%swap3A_629, %swap3A_630, %swap3A_631] {strides = array<i32>} : memref<2x64x512xf32, #tpu.memory_space<vmem>>, vector<16xf32>,
          tpu.vector_store %arg7[%swap3A_629, %swap3A_630, %swap3A_631], %add3A_627 {strides = array<i32>} : memref<2x64x512xf32, #tpu.memory_space<vmem>>, vector<16xf32>,
          %add3A_633 = arith.addf %get3A_129, %gather3A_241 : vector<16xf32>
          %swap3A_634 = arith.constant 0 : i32
          %swap3A_635 = arith.index_cast %swap3A_634 : i32 to index
          %swap3A_636 = arith.index_cast %add3A_482 : i32 to index
          %swap3A_637 = arith.constant 400 : index
          %swap3A_638 = tpu.vector_load %arg7[%swap3A_635, %swap3A_636, %swap3A_637] {strides = array<i32>} : memref<2x64x512xf32, #tpu.memory_space<vmem>>, vector<16xf32>,
          tpu.vector_store %arg7[%swap3A_635, %swap3A_636, %swap3A_637], %add3A_633 {strides = array<i32>} : memref<2x64x512xf32, #tpu.memory_space<vmem>>, vector<16xf32>,
          %add3A_639 = arith.addf %get3A_132, %gather3A_241 : vector<16xf32>
          %swap3A_640 = arith.constant 0 : i32
          %swap3A_641 = arith.index_cast %swap3A_640 : i32 to index
          %swap3A_642 = arith.index_cast %add3A_482 : i32 to index
          %swap3A_643 = arith.constant 416 : index
          %swap3A_644 = tpu.vector_load %arg7[%swap3A_641, %swap3A_642, %swap3A_643] {strides = array<i32>} : memref<2x64x512xf32, #tpu.memory_space<vmem>>, vector<16xf32>,
          tpu.vector_store %arg7[%swap3A_641, %swap3A_642, %swap3A_643], %add3A_639 {strides = array<i32>} : memref<2x64x512xf32, #tpu.memory_space<vmem>>, vector<16xf32>,
          %add3A_645 = arith.addf %get3A_135, %gather3A_241 : vector<16xf32>
          %swap3A_646 = arith.constant 0 : i32
          %swap3A_647 = arith.index_cast %swap3A_646 : i32 to index
          %swap3A_648 = arith.index_cast %add3A_482 : i32 to index
          %swap3A_649 = arith.constant 432 : index
          %swap3A_650 = tpu.vector_load %arg7[%swap3A_647, %swap3A_648, %swap3A_649] {strides = array<i32>} : memref<2x64x512xf32, #tpu.memory_space<vmem>>, vector<16xf32>,
          tpu.vector_store %arg7[%swap3A_647, %swap3A_648, %swap3A_649], %add3A_645 {strides = array<i32>} : memref<2x64x512xf32, #tpu.memory_space<vmem>>, vector<16xf32>,
          %add3A_651 = arith.addf %get3A_138, %gather3A_241 : vector<16xf32>
          %swap3A_652 = arith.constant 0 : i32
          %swap3A_653 = arith.index_cast %swap3A_652 : i32 to index
          %swap3A_654 = arith.index_cast %add3A_482 : i32 to index
          %swap3A_655 = arith.constant 448 : index
          %swap3A_656 = tpu.vector_load %arg7[%swap3A_653, %swap3A_654, %swap3A_655] {strides = array<i32>} : memref<2x64x512xf32, #tpu.memory_space<vmem>>, vector<16xf32>,
          tpu.vector_store %arg7[%swap3A_653, %swap3A_654, %swap3A_655], %add3A_651 {strides = array<i32>} : memref<2x64x512xf32, #tpu.memory_space<vmem>>, vector<16xf32>,
          %add3A_657 = arith.addf %get3A_141, %gather3A_241 : vector<16xf32>
          %swap3A_658 = arith.constant 0 : i32
          %swap3A_659 = arith.index_cast %swap3A_658 : i32 to index
          %swap3A_660 = arith.index_cast %add3A_482 : i32 to index
          %swap3A_661 = arith.constant 464 : index
          %swap3A_662 = tpu.vector_load %arg7[%swap3A_659, %swap3A_660, %swap3A_661] {strides = array<i32>} : memref<2x64x512xf32, #tpu.memory_space<vmem>>, vector<16xf32>,
          tpu.vector_store %arg7[%swap3A_659, %swap3A_660, %swap3A_661], %add3A_657 {strides = array<i32>} : memref<2x64x512xf32, #tpu.memory_space<vmem>>, vector<16xf32>,
          %add3A_663 = arith.addf %get3A_144, %gather3A_241 : vector<16xf32>
          %swap3A_664 = arith.constant 0 : i32
          %swap3A_665 = arith.index_cast %swap3A_664 : i32 to index
          %swap3A_666 = arith.index_cast %add3A_482 : i32 to index
          %swap3A_667 = arith.constant 480 : index
          %swap3A_668 = tpu.vector_load %arg7[%swap3A_665, %swap3A_666, %swap3A_667] {strides = array<i32>} : memref<2x64x512xf32, #tpu.memory_space<vmem>>, vector<16xf32>,
          tpu.vector_store %arg7[%swap3A_665, %swap3A_666, %swap3A_667], %add3A_663 {strides = array<i32>} : memref<2x64x512xf32, #tpu.memory_space<vmem>>, vector<16xf32>,
          %add3A_669 = arith.addf %get3A_147, %gather3A_241 : vector<16xf32>
          %swap3A_670 = arith.constant 0 : i32
          %swap3A_671 = arith.index_cast %swap3A_670 : i32 to index
          %swap3A_672 = arith.index_cast %add3A_482 : i32 to index
          %swap3A_673 = arith.constant 496 : index
          %swap3A_674 = tpu.vector_load %arg7[%swap3A_671, %swap3A_672, %swap3A_673] {strides = array<i32>} : memref<2x64x512xf32, #tpu.memory_space<vmem>>, vector<16xf32>,
          tpu.vector_store %arg7[%swap3A_671, %swap3A_672, %swap3A_673], %add3A_669 {strides = array<i32>} : memref<2x64x512xf32, #tpu.memory_space<vmem>>, vector<16xf32>,
          %mul3A_675 = arith.constant 8 : i32
          %mul3A_676 = arith.muli %scan3A_228, %mul3A_675 : i32
          %add3A_677 = arith.constant 2 : i32
          %add3A_678 = arith.addi %mul3A_676, %add3A_677 : i32
          %add3A_679 = arith.addf %get3A_54, %gather3A_248 : vector<16xf32>
          %swap3A_680 = arith.constant 0 : i32
          %swap3A_681 = arith.index_cast %swap3A_680 : i32 to index
          %swap3A_682 = arith.index_cast %add3A_678 : i32 to index
          %swap3A_683 = arith.constant 0 : index
          %swap3A_684 = tpu.vector_load %arg7[%swap3A_681, %swap3A_682, %swap3A_683] {strides = array<i32>} : memref<2x64x512xf32, #tpu.memory_space<vmem>>, vector<16xf32>,
          tpu.vector_store %arg7[%swap3A_681, %swap3A_682, %swap3A_683], %add3A_679 {strides = array<i32>} : memref<2x64x512xf32, #tpu.memory_space<vmem>>, vector<16xf32>,
          %add3A_685 = arith.addf %get3A_57, %gather3A_248 : vector<16xf32>
          %swap3A_686 = arith.constant 0 : i32
          %swap3A_687 = arith.index_cast %swap3A_686 : i32 to index
          %swap3A_688 = arith.index_cast %add3A_678 : i32 to index
          %swap3A_689 = arith.constant 16 : index
          %swap3A_690 = tpu.vector_load %arg7[%swap3A_687, %swap3A_688, %swap3A_689] {strides = array<i32>} : memref<2x64x512xf32, #tpu.memory_space<vmem>>, vector<16xf32>,
          tpu.vector_store %arg7[%swap3A_687, %swap3A_688, %swap3A_689], %add3A_685 {strides = array<i32>} : memref<2x64x512xf32, #tpu.memory_space<vmem>>, vector<16xf32>,
          %add3A_691 = arith.addf %get3A_60, %gather3A_248 : vector<16xf32>
          %swap3A_692 = arith.constant 0 : i32
          %swap3A_693 = arith.index_cast %swap3A_692 : i32 to index
          %swap3A_694 = arith.index_cast %add3A_678 : i32 to index
          %swap3A_695 = arith.constant 32 : index
          %swap3A_696 = tpu.vector_load %arg7[%swap3A_693, %swap3A_694, %swap3A_695] {strides = array<i32>} : memref<2x64x512xf32, #tpu.memory_space<vmem>>, vector<16xf32>,
          tpu.vector_store %arg7[%swap3A_693, %swap3A_694, %swap3A_695], %add3A_691 {strides = array<i32>} : memref<2x64x512xf32, #tpu.memory_space<vmem>>, vector<16xf32>,
          %add3A_697 = arith.addf %get3A_63, %gather3A_248 : vector<16xf32>
          %swap3A_698 = arith.constant 0 : i32
          %swap3A_699 = arith.index_cast %swap3A_698 : i32 to index
          %swap3A_700 = arith.index_cast %add3A_678 : i32 to index
          %swap3A_701 = arith.constant 48 : index
          %swap3A_702 = tpu.vector_load %arg7[%swap3A_699, %swap3A_700, %swap3A_701] {strides = array<i32>} : memref<2x64x512xf32, #tpu.memory_space<vmem>>, vector<16xf32>,
          tpu.vector_store %arg7[%swap3A_699, %swap3A_700, %swap3A_701], %add3A_697 {strides = array<i32>} : memref<2x64x512xf32, #tpu.memory_space<vmem>>, vector<16xf32>,
          %add3A_703 = arith.addf %get3A_66, %gather3A_248 : vector<16xf32>
          %swap3A_704 = arith.constant 0 : i32
          %swap3A_705 = arith.index_cast %swap3A_704 : i32 to index
          %swap3A_706 = arith.index_cast %add3A_678 : i32 to index
          %swap3A_707 = arith.constant 64 : index
          %swap3A_708 = tpu.vector_load %arg7[%swap3A_705, %swap3A_706, %swap3A_707] {strides = array<i32>} : memref<2x64x512xf32, #tpu.memory_space<vmem>>, vector<16xf32>,
          tpu.vector_store %arg7[%swap3A_705, %swap3A_706, %swap3A_707], %add3A_703 {strides = array<i32>} : memref<2x64x512xf32, #tpu.memory_space<vmem>>, vector<16xf32>,
          %add3A_709 = arith.addf %get3A_69, %gather3A_248 : vector<16xf32>
          %swap3A_710 = arith.constant 0 : i32
          %swap3A_711 = arith.index_cast %swap3A_710 : i32 to index
          %swap3A_712 = arith.index_cast %add3A_678 : i32 to index
          %swap3A_713 = arith.constant 80 : index
          %swap3A_714 = tpu.vector_load %arg7[%swap3A_711, %swap3A_712, %swap3A_713] {strides = array<i32>} : memref<2x64x512xf32, #tpu.memory_space<vmem>>, vector<16xf32>,
          tpu.vector_store %arg7[%swap3A_711, %swap3A_712, %swap3A_713], %add3A_709 {strides = array<i32>} : memref<2x64x512xf32, #tpu.memory_space<vmem>>, vector<16xf32>,
          %add3A_715 = arith.addf %get3A_72, %gather3A_248 : vector<16xf32>
          %swap3A_716 = arith.constant 0 : i32
          %swap3A_717 = arith.index_cast %swap3A_716 : i32 to index
          %swap3A_718 = arith.index_cast %add3A_678 : i32 to index
          %swap3A_719 = arith.constant 96 : index
          %swap3A_720 = tpu.vector_load %arg7[%swap3A_717, %swap3A_718, %swap3A_719] {strides = array<i32>} : memref<2x64x512xf32, #tpu.memory_space<vmem>>, vector<16xf32>,
          tpu.vector_store %arg7[%swap3A_717, %swap3A_718, %swap3A_719], %add3A_715 {strides = array<i32>} : memref<2x64x512xf32, #tpu.memory_space<vmem>>, vector<16xf32>,
          %add3A_721 = arith.addf %get3A_75, %gather3A_248 : vector<16xf32>
          %swap3A_722 = arith.constant 0 : i32
          %swap3A_723 = arith.index_cast %swap3A_722 : i32 to index
          %swap3A_724 = arith.index_cast %add3A_678 : i32 to index
          %swap3A_725 = arith.constant 112 : index
          %swap3A_726 = tpu.vector_load %arg7[%swap3A_723, %swap3A_724, %swap3A_725] {strides = array<i32>} : memref<2x64x512xf32, #tpu.memory_space<vmem>>, vector<16xf32>,
          tpu.vector_store %arg7[%swap3A_723, %swap3A_724, %swap3A_725], %add3A_721 {strides = array<i32>} : memref<2x64x512xf32, #tpu.memory_space<vmem>>, vector<16xf32>,
          %add3A_727 = arith.addf %get3A_78, %gather3A_248 : vector<16xf32>
          %swap3A_728 = arith.constant 0 : i32
          %swap3A_729 = arith.index_cast %swap3A_728 : i32 to index
          %swap3A_730 = arith.index_cast %add3A_678 : i32 to index
          %swap3A_731 = arith.constant 128 : index
          %swap3A_732 = tpu.vector_load %arg7[%swap3A_729, %swap3A_730, %swap3A_731] {strides = array<i32>} : memref<2x64x512xf32, #tpu.memory_space<vmem>>, vector<16xf32>,
          tpu.vector_store %arg7[%swap3A_729, %swap3A_730, %swap3A_731], %add3A_727 {strides = array<i32>} : memref<2x64x512xf32, #tpu.memory_space<vmem>>, vector<16xf32>,
          %add3A_733 = arith.addf %get3A_81, %gather3A_248 : vector<16xf32>
          %swap3A_734 = arith.constant 0 : i32
          %swap3A_735 = arith.index_cast %swap3A_734 : i32 to index
          %swap3A_736 = arith.index_cast %add3A_678 : i32 to index
          %swap3A_737 = arith.constant 144 : index
          %swap3A_738 = tpu.vector_load %arg7[%swap3A_735, %swap3A_736, %swap3A_737] {strides = array<i32>} : memref<2x64x512xf32, #tpu.memory_space<vmem>>, vector<16xf32>,
          tpu.vector_store %arg7[%swap3A_735, %swap3A_736, %swap3A_737], %add3A_733 {strides = array<i32>} : memref<2x64x512xf32, #tpu.memory_space<vmem>>, vector<16xf32>,
          %add3A_739 = arith.addf %get3A_84, %gather3A_248 : vector<16xf32>
          %swap3A_740 = arith.constant 0 : i32
          %swap3A_741 = arith.index_cast %swap3A_740 : i32 to index
          %swap3A_742 = arith.index_cast %add3A_678 : i32 to index
          %swap3A_743 = arith.constant 160 : index
          %swap3A_744 = tpu.vector_load %arg7[%swap3A_741, %swap3A_742, %swap3A_743] {strides = array<i32>} : memref<2x64x512xf32, #tpu.memory_space<vmem>>, vector<16xf32>,
          tpu.vector_store %arg7[%swap3A_741, %swap3A_742, %swap3A_743], %add3A_739 {strides = array<i32>} : memref<2x64x512xf32, #tpu.memory_space<vmem>>, vector<16xf32>,
          %add3A_745 = arith.addf %get3A_87, %gather3A_248 : vector<16xf32>
          %swap3A_746 = arith.constant 0 : i32
          %swap3A_747 = arith.index_cast %swap3A_746 : i32 to index
          %swap3A_748 = arith.index_cast %add3A_678 : i32 to index
          %swap3A_749 = arith.constant 176 : index
          %swap3A_750 = tpu.vector_load %arg7[%swap3A_747, %swap3A_748, %swap3A_749] {strides = array<i32>} : memref<2x64x512xf32, #tpu.memory_space<vmem>>, vector<16xf32>,
          tpu.vector_store %arg7[%swap3A_747, %swap3A_748, %swap3A_749], %add3A_745 {strides = array<i32>} : memref<2x64x512xf32, #tpu.memory_space<vmem>>, vector<16xf32>,
          %add3A_751 = arith.addf %get3A_90, %gather3A_248 : vector<16xf32>
          %swap3A_752 = arith.constant 0 : i32
          %swap3A_753 = arith.index_cast %swap3A_752 : i32 to index
          %swap3A_754 = arith.index_cast %add3A_678 : i32 to index
          %swap3A_755 = arith.constant 192 : index
          %swap3A_756 = tpu.vector_load %arg7[%swap3A_753, %swap3A_754, %swap3A_755] {strides = array<i32>} : memref<2x64x512xf32, #tpu.memory_space<vmem>>, vector<16xf32>,
          tpu.vector_store %arg7[%swap3A_753, %swap3A_754, %swap3A_755], %add3A_751 {strides = array<i32>} : memref<2x64x512xf32, #tpu.memory_space<vmem>>, vector<16xf32>,
          %add3A_757 = arith.addf %get3A_93, %gather3A_248 : vector<16xf32>
          %swap3A_758 = arith.constant 0 : i32
          %swap3A_759 = arith.index_cast %swap3A_758 : i32 to index
          %swap3A_760 = arith.index_cast %add3A_678 : i32 to index
          %swap3A_761 = arith.constant 208 : index
          %swap3A_762 = tpu.vector_load %arg7[%swap3A_759, %swap3A_760, %swap3A_761] {strides = array<i32>} : memref<2x64x512xf32, #tpu.memory_space<vmem>>, vector<16xf32>,
          tpu.vector_store %arg7[%swap3A_759, %swap3A_760, %swap3A_761], %add3A_757 {strides = array<i32>} : memref<2x64x512xf32, #tpu.memory_space<vmem>>, vector<16xf32>,
          %add3A_763 = arith.addf %get3A_96, %gather3A_248 : vector<16xf32>
          %swap3A_764 = arith.constant 0 : i32
          %swap3A_765 = arith.index_cast %swap3A_764 : i32 to index
          %swap3A_766 = arith.index_cast %add3A_678 : i32 to index
          %swap3A_767 = arith.constant 224 : index
          %swap3A_768 = tpu.vector_load %arg7[%swap3A_765, %swap3A_766, %swap3A_767] {strides = array<i32>} : memref<2x64x512xf32, #tpu.memory_space<vmem>>, vector<16xf32>,
          tpu.vector_store %arg7[%swap3A_765, %swap3A_766, %swap3A_767], %add3A_763 {strides = array<i32>} : memref<2x64x512xf32, #tpu.memory_space<vmem>>, vector<16xf32>,
          %add3A_769 = arith.addf %get3A_99, %gather3A_248 : vector<16xf32>
          %swap3A_770 = arith.constant 0 : i32
          %swap3A_771 = arith.index_cast %swap3A_770 : i32 to index
          %swap3A_772 = arith.index_cast %add3A_678 : i32 to index
          %swap3A_773 = arith.constant 240 : index
          %swap3A_774 = tpu.vector_load %arg7[%swap3A_771, %swap3A_772, %swap3A_773] {strides = array<i32>} : memref<2x64x512xf32, #tpu.memory_space<vmem>>, vector<16xf32>,
          tpu.vector_store %arg7[%swap3A_771, %swap3A_772, %swap3A_773], %add3A_769 {strides = array<i32>} : memref<2x64x512xf32, #tpu.memory_space<vmem>>, vector<16xf32>,
          %add3A_775 = arith.addf %get3A_102, %gather3A_248 : vector<16xf32>
          %swap3A_776 = arith.constant 0 : i32
          %swap3A_777 = arith.index_cast %swap3A_776 : i32 to index
          %swap3A_778 = arith.index_cast %add3A_678 : i32 to index
          %swap3A_779 = arith.constant 256 : index
          %swap3A_780 = tpu.vector_load %arg7[%swap3A_777, %swap3A_778, %swap3A_779] {strides = array<i32>} : memref<2x64x512xf32, #tpu.memory_space<vmem>>, vector<16xf32>,
          tpu.vector_store %arg7[%swap3A_777, %swap3A_778, %swap3A_779], %add3A_775 {strides = array<i32>} : memref<2x64x512xf32, #tpu.memory_space<vmem>>, vector<16xf32>,
          %add3A_781 = arith.addf %get3A_105, %gather3A_248 : vector<16xf32>
          %swap3A_782 = arith.constant 0 : i32
          %swap3A_783 = arith.index_cast %swap3A_782 : i32 to index
          %swap3A_784 = arith.index_cast %add3A_678 : i32 to index
          %swap3A_785 = arith.constant 272 : index
          %swap3A_786 = tpu.vector_load %arg7[%swap3A_783, %swap3A_784, %swap3A_785] {strides = array<i32>} : memref<2x64x512xf32, #tpu.memory_space<vmem>>, vector<16xf32>,
          tpu.vector_store %arg7[%swap3A_783, %swap3A_784, %swap3A_785], %add3A_781 {strides = array<i32>} : memref<2x64x512xf32, #tpu.memory_space<vmem>>, vector<16xf32>,
          %add3A_787 = arith.addf %get3A_108, %gather3A_248 : vector<16xf32>
          %swap3A_788 = arith.constant 0 : i32
          %swap3A_789 = arith.index_cast %swap3A_788 : i32 to index
          %swap3A_790 = arith.index_cast %add3A_678 : i32 to index
          %swap3A_791 = arith.constant 288 : index
          %swap3A_792 = tpu.vector_load %arg7[%swap3A_789, %swap3A_790, %swap3A_791] {strides = array<i32>} : memref<2x64x512xf32, #tpu.memory_space<vmem>>, vector<16xf32>,
          tpu.vector_store %arg7[%swap3A_789, %swap3A_790, %swap3A_791], %add3A_787 {strides = array<i32>} : memref<2x64x512xf32, #tpu.memory_space<vmem>>, vector<16xf32>,
          %add3A_793 = arith.addf %get3A_111, %gather3A_248 : vector<16xf32>
          %swap3A_794 = arith.constant 0 : i32
          %swap3A_795 = arith.index_cast %swap3A_794 : i32 to index
          %swap3A_796 = arith.index_cast %add3A_678 : i32 to index
          %swap3A_797 = arith.constant 304 : index
          %swap3A_798 = tpu.vector_load %arg7[%swap3A_795, %swap3A_796, %swap3A_797] {strides = array<i32>} : memref<2x64x512xf32, #tpu.memory_space<vmem>>, vector<16xf32>,
          tpu.vector_store %arg7[%swap3A_795, %swap3A_796, %swap3A_797], %add3A_793 {strides = array<i32>} : memref<2x64x512xf32, #tpu.memory_space<vmem>>, vector<16xf32>,
          %add3A_799 = arith.addf %get3A_114, %gather3A_248 : vector<16xf32>
          %swap3A_800 = arith.constant 0 : i32
          %swap3A_801 = arith.index_cast %swap3A_800 : i32 to index
          %swap3A_802 = arith.index_cast %add3A_678 : i32 to index
          %swap3A_803 = arith.constant 320 : index
          %swap3A_804 = tpu.vector_load %arg7[%swap3A_801, %swap3A_802, %swap3A_803] {strides = array<i32>} : memref<2x64x512xf32, #tpu.memory_space<vmem>>, vector<16xf32>,
          tpu.vector_store %arg7[%swap3A_801, %swap3A_802, %swap3A_803], %add3A_799 {strides = array<i32>} : memref<2x64x512xf32, #tpu.memory_space<vmem>>, vector<16xf32>,
          %add3A_805 = arith.addf %get3A_117, %gather3A_248 : vector<16xf32>
          %swap3A_806 = arith.constant 0 : i32
          %swap3A_807 = arith.index_cast %swap3A_806 : i32 to index
          %swap3A_808 = arith.index_cast %add3A_678 : i32 to index
          %swap3A_809 = arith.constant 336 : index
          %swap3A_810 = tpu.vector_load %arg7[%swap3A_807, %swap3A_808, %swap3A_809] {strides = array<i32>} : memref<2x64x512xf32, #tpu.memory_space<vmem>>, vector<16xf32>,
          tpu.vector_store %arg7[%swap3A_807, %swap3A_808, %swap3A_809], %add3A_805 {strides = array<i32>} : memref<2x64x512xf32, #tpu.memory_space<vmem>>, vector<16xf32>,
          %add3A_811 = arith.addf %get3A_120, %gather3A_248 : vector<16xf32>
          %swap3A_812 = arith.constant 0 : i32
          %swap3A_813 = arith.index_cast %swap3A_812 : i32 to index
          %swap3A_814 = arith.index_cast %add3A_678 : i32 to index
          %swap3A_815 = arith.constant 352 : index
          %swap3A_816 = tpu.vector_load %arg7[%swap3A_813, %swap3A_814, %swap3A_815] {strides = array<i32>} : memref<2x64x512xf32, #tpu.memory_space<vmem>>, vector<16xf32>,
          tpu.vector_store %arg7[%swap3A_813, %swap3A_814, %swap3A_815], %add3A_811 {strides = array<i32>} : memref<2x64x512xf32, #tpu.memory_space<vmem>>, vector<16xf32>,
          %add3A_817 = arith.addf %get3A_123, %gather3A_248 : vector<16xf32>
          %swap3A_818 = arith.constant 0 : i32
          %swap3A_819 = arith.index_cast %swap3A_818 : i32 to index
          %swap3A_820 = arith.index_cast %add3A_678 : i32 to index
          %swap3A_821 = arith.constant 368 : index
          %swap3A_822 = tpu.vector_load %arg7[%swap3A_819, %swap3A_820, %swap3A_821] {strides = array<i32>} : memref<2x64x512xf32, #tpu.memory_space<vmem>>, vector<16xf32>,
          tpu.vector_store %arg7[%swap3A_819, %swap3A_820, %swap3A_821], %add3A_817 {strides = array<i32>} : memref<2x64x512xf32, #tpu.memory_space<vmem>>, vector<16xf32>,
          %add3A_823 = arith.addf %get3A_126, %gather3A_248 : vector<16xf32>
          %swap3A_824 = arith.constant 0 : i32
          %swap3A_825 = arith.index_cast %swap3A_824 : i32 to index
          %swap3A_826 = arith.index_cast %add3A_678 : i32 to index
          %swap3A_827 = arith.constant 384 : index
          %swap3A_828 = tpu.vector_load %arg7[%swap3A_825, %swap3A_826, %swap3A_827] {strides = array<i32>} : memref<2x64x512xf32, #tpu.memory_space<vmem>>, vector<16xf32>,
          tpu.vector_store %arg7[%swap3A_825, %swap3A_826, %swap3A_827], %add3A_823 {strides = array<i32>} : memref<2x64x512xf32, #tpu.memory_space<vmem>>, vector<16xf32>,
          %add3A_829 = arith.addf %get3A_129, %gather3A_248 : vector<16xf32>
          %swap3A_830 = arith.constant 0 : i32
          %swap3A_831 = arith.index_cast %swap3A_830 : i32 to index
          %swap3A_832 = arith.index_cast %add3A_678 : i32 to index
          %swap3A_833 = arith.constant 400 : index
          %swap3A_834 = tpu.vector_load %arg7[%swap3A_831, %swap3A_832, %swap3A_833] {strides = array<i32>} : memref<2x64x512xf32, #tpu.memory_space<vmem>>, vector<16xf32>,
          tpu.vector_store %arg7[%swap3A_831, %swap3A_832, %swap3A_833], %add3A_829 {strides = array<i32>} : memref<2x64x512xf32, #tpu.memory_space<vmem>>, vector<16xf32>,
          %add3A_835 = arith.addf %get3A_132, %gather3A_248 : vector<16xf32>
          %swap3A_836 = arith.constant 0 : i32
          %swap3A_837 = arith.index_cast %swap3A_836 : i32 to index
          %swap3A_838 = arith.index_cast %add3A_678 : i32 to index
          %swap3A_839 = arith.constant 416 : index
          %swap3A_840 = tpu.vector_load %arg7[%swap3A_837, %swap3A_838, %swap3A_839] {strides = array<i32>} : memref<2x64x512xf32, #tpu.memory_space<vmem>>, vector<16xf32>,
          tpu.vector_store %arg7[%swap3A_837, %swap3A_838, %swap3A_839], %add3A_835 {strides = array<i32>} : memref<2x64x512xf32, #tpu.memory_space<vmem>>, vector<16xf32>,
          %add3A_841 = arith.addf %get3A_135, %gather3A_248 : vector<16xf32>
          %swap3A_842 = arith.constant 0 : i32
          %swap3A_843 = arith.index_cast %swap3A_842 : i32 to index
          %swap3A_844 = arith.index_cast %add3A_678 : i32 to index
          %swap3A_845 = arith.constant 432 : index
          %swap3A_846 = tpu.vector_load %arg7[%swap3A_843, %swap3A_844, %swap3A_845] {strides = array<i32>} : memref<2x64x512xf32, #tpu.memory_space<vmem>>, vector<16xf32>,
          tpu.vector_store %arg7[%swap3A_843, %swap3A_844, %swap3A_845], %add3A_841 {strides = array<i32>} : memref<2x64x512xf32, #tpu.memory_space<vmem>>, vector<16xf32>,
          %add3A_847 = arith.addf %get3A_138, %gather3A_248 : vector<16xf32>
          %swap3A_848 = arith.constant 0 : i32
          %swap3A_849 = arith.index_cast %swap3A_848 : i32 to index
          %swap3A_850 = arith.index_cast %add3A_678 : i32 to index
          %swap3A_851 = arith.constant 448 : index
          %swap3A_852 = tpu.vector_load %arg7[%swap3A_849, %swap3A_850, %swap3A_851] {strides = array<i32>} : memref<2x64x512xf32, #tpu.memory_space<vmem>>, vector<16xf32>,
          tpu.vector_store %arg7[%swap3A_849, %swap3A_850, %swap3A_851], %add3A_847 {strides = array<i32>} : memref<2x64x512xf32, #tpu.memory_space<vmem>>, vector<16xf32>,
          %add3A_853 = arith.addf %get3A_141, %gather3A_248 : vector<16xf32>
          %swap3A_854 = arith.constant 0 : i32
          %swap3A_855 = arith.index_cast %swap3A_854 : i32 to index
          %swap3A_856 = arith.index_cast %add3A_678 : i32 to index
          %swap3A_857 = arith.constant 464 : index
          %swap3A_858 = tpu.vector_load %arg7[%swap3A_855, %swap3A_856, %swap3A_857] {strides = array<i32>} : memref<2x64x512xf32, #tpu.memory_space<vmem>>, vector<16xf32>,
          tpu.vector_store %arg7[%swap3A_855, %swap3A_856, %swap3A_857], %add3A_853 {strides = array<i32>} : memref<2x64x512xf32, #tpu.memory_space<vmem>>, vector<16xf32>,
          %add3A_859 = arith.addf %get3A_144, %gather3A_248 : vector<16xf32>
          %swap3A_860 = arith.constant 0 : i32
          %swap3A_861 = arith.index_cast %swap3A_860 : i32 to index
          %swap3A_862 = arith.index_cast %add3A_678 : i32 to index
          %swap3A_863 = arith.constant 480 : index
          %swap3A_864 = tpu.vector_load %arg7[%swap3A_861, %swap3A_862, %swap3A_863] {strides = array<i32>} : memref<2x64x512xf32, #tpu.memory_space<vmem>>, vector<16xf32>,
          tpu.vector_store %arg7[%swap3A_861, %swap3A_862, %swap3A_863], %add3A_859 {strides = array<i32>} : memref<2x64x512xf32, #tpu.memory_space<vmem>>, vector<16xf32>,
          %add3A_865 = arith.addf %get3A_147, %gather3A_248 : vector<16xf32>
          %swap3A_866 = arith.constant 0 : i32
          %swap3A_867 = arith.index_cast %swap3A_866 : i32 to index
          %swap3A_868 = arith.index_cast %add3A_678 : i32 to index
          %swap3A_869 = arith.constant 496 : index
          %swap3A_870 = tpu.vector_load %arg7[%swap3A_867, %swap3A_868, %swap3A_869] {strides = array<i32>} : memref<2x64x512xf32, #tpu.memory_space<vmem>>, vector<16xf32>,
          tpu.vector_store %arg7[%swap3A_867, %swap3A_868, %swap3A_869], %add3A_865 {strides = array<i32>} : memref<2x64x512xf32, #tpu.memory_space<vmem>>, vector<16xf32>,
          %mul3A_871 = arith.constant 8 : i32
          %mul3A_872 = arith.muli %scan3A_228, %mul3A_871 : i32
          %add3A_873 = arith.constant 3 : i32
          %add3A_874 = arith.addi %mul3A_872, %add3A_873 : i32
          %add3A_875 = arith.addf %get3A_54, %gather3A_255 : vector<16xf32>
          %swap3A_876 = arith.constant 0 : i32
          %swap3A_877 = arith.index_cast %swap3A_876 : i32 to index
          %swap3A_878 = arith.index_cast %add3A_874 : i32 to index
          %swap3A_879 = arith.constant 0 : index
          %swap3A_880 = tpu.vector_load %arg7[%swap3A_877, %swap3A_878, %swap3A_879] {strides = array<i32>} : memref<2x64x512xf32, #tpu.memory_space<vmem>>, vector<16xf32>,
          tpu.vector_store %arg7[%swap3A_877, %swap3A_878, %swap3A_879], %add3A_875 {strides = array<i32>} : memref<2x64x512xf32, #tpu.memory_space<vmem>>, vector<16xf32>,
          %add3A_881 = arith.addf %get3A_57, %gather3A_255 : vector<16xf32>
          %swap3A_882 = arith.constant 0 : i32
          %swap3A_883 = arith.index_cast %swap3A_882 : i32 to index
          %swap3A_884 = arith.index_cast %add3A_874 : i32 to index
          %swap3A_885 = arith.constant 16 : index
          %swap3A_886 = tpu.vector_load %arg7[%swap3A_883, %swap3A_884, %swap3A_885] {strides = array<i32>} : memref<2x64x512xf32, #tpu.memory_space<vmem>>, vector<16xf32>,
          tpu.vector_store %arg7[%swap3A_883, %swap3A_884, %swap3A_885], %add3A_881 {strides = array<i32>} : memref<2x64x512xf32, #tpu.memory_space<vmem>>, vector<16xf32>,
          %add3A_887 = arith.addf %get3A_60, %gather3A_255 : vector<16xf32>
          %swap3A_888 = arith.constant 0 : i32
          %swap3A_889 = arith.index_cast %swap3A_888 : i32 to index
          %swap3A_890 = arith.index_cast %add3A_874 : i32 to index
          %swap3A_891 = arith.constant 32 : index
          %swap3A_892 = tpu.vector_load %arg7[%swap3A_889, %swap3A_890, %swap3A_891] {strides = array<i32>} : memref<2x64x512xf32, #tpu.memory_space<vmem>>, vector<16xf32>,
          tpu.vector_store %arg7[%swap3A_889, %swap3A_890, %swap3A_891], %add3A_887 {strides = array<i32>} : memref<2x64x512xf32, #tpu.memory_space<vmem>>, vector<16xf32>,
          %add3A_893 = arith.addf %get3A_63, %gather3A_255 : vector<16xf32>
          %swap3A_894 = arith.constant 0 : i32
          %swap3A_895 = arith.index_cast %swap3A_894 : i32 to index
          %swap3A_896 = arith.index_cast %add3A_874 : i32 to index
          %swap3A_897 = arith.constant 48 : index
          %swap3A_898 = tpu.vector_load %arg7[%swap3A_895, %swap3A_896, %swap3A_897] {strides = array<i32>} : memref<2x64x512xf32, #tpu.memory_space<vmem>>, vector<16xf32>,
          tpu.vector_store %arg7[%swap3A_895, %swap3A_896, %swap3A_897], %add3A_893 {strides = array<i32>} : memref<2x64x512xf32, #tpu.memory_space<vmem>>, vector<16xf32>,
          %add3A_899 = arith.addf %get3A_66, %gather3A_255 : vector<16xf32>
          %swap3A_900 = arith.constant 0 : i32
          %swap3A_901 = arith.index_cast %swap3A_900 : i32 to index
          %swap3A_902 = arith.index_cast %add3A_874 : i32 to index
          %swap3A_903 = arith.constant 64 : index
          %swap3A_904 = tpu.vector_load %arg7[%swap3A_901, %swap3A_902, %swap3A_903] {strides = array<i32>} : memref<2x64x512xf32, #tpu.memory_space<vmem>>, vector<16xf32>,
          tpu.vector_store %arg7[%swap3A_901, %swap3A_902, %swap3A_903], %add3A_899 {strides = array<i32>} : memref<2x64x512xf32, #tpu.memory_space<vmem>>, vector<16xf32>,
          %add3A_905 = arith.addf %get3A_69, %gather3A_255 : vector<16xf32>
          %swap3A_906 = arith.constant 0 : i32
          %swap3A_907 = arith.index_cast %swap3A_906 : i32 to index
          %swap3A_908 = arith.index_cast %add3A_874 : i32 to index
          %swap3A_909 = arith.constant 80 : index
          %swap3A_910 = tpu.vector_load %arg7[%swap3A_907, %swap3A_908, %swap3A_909] {strides = array<i32>} : memref<2x64x512xf32, #tpu.memory_space<vmem>>, vector<16xf32>,
          tpu.vector_store %arg7[%swap3A_907, %swap3A_908, %swap3A_909], %add3A_905 {strides = array<i32>} : memref<2x64x512xf32, #tpu.memory_space<vmem>>, vector<16xf32>,
          %add3A_911 = arith.addf %get3A_72, %gather3A_255 : vector<16xf32>
          %swap3A_912 = arith.constant 0 : i32
          %swap3A_913 = arith.index_cast %swap3A_912 : i32 to index
          %swap3A_914 = arith.index_cast %add3A_874 : i32 to index
          %swap3A_915 = arith.constant 96 : index
          %swap3A_916 = tpu.vector_load %arg7[%swap3A_913, %swap3A_914, %swap3A_915] {strides = array<i32>} : memref<2x64x512xf32, #tpu.memory_space<vmem>>, vector<16xf32>,
          tpu.vector_store %arg7[%swap3A_913, %swap3A_914, %swap3A_915], %add3A_911 {strides = array<i32>} : memref<2x64x512xf32, #tpu.memory_space<vmem>>, vector<16xf32>,
          %add3A_917 = arith.addf %get3A_75, %gather3A_255 : vector<16xf32>
          %swap3A_918 = arith.constant 0 : i32
          %swap3A_919 = arith.index_cast %swap3A_918 : i32 to index
          %swap3A_920 = arith.index_cast %add3A_874 : i32 to index
          %swap3A_921 = arith.constant 112 : index
          %swap3A_922 = tpu.vector_load %arg7[%swap3A_919, %swap3A_920, %swap3A_921] {strides = array<i32>} : memref<2x64x512xf32, #tpu.memory_space<vmem>>, vector<16xf32>,
          tpu.vector_store %arg7[%swap3A_919, %swap3A_920, %swap3A_921], %add3A_917 {strides = array<i32>} : memref<2x64x512xf32, #tpu.memory_space<vmem>>, vector<16xf32>,
          %add3A_923 = arith.addf %get3A_78, %gather3A_255 : vector<16xf32>
          %swap3A_924 = arith.constant 0 : i32
          %swap3A_925 = arith.index_cast %swap3A_924 : i32 to index
          %swap3A_926 = arith.index_cast %add3A_874 : i32 to index
          %swap3A_927 = arith.constant 128 : index
          %swap3A_928 = tpu.vector_load %arg7[%swap3A_925, %swap3A_926, %swap3A_927] {strides = array<i32>} : memref<2x64x512xf32, #tpu.memory_space<vmem>>, vector<16xf32>,
          tpu.vector_store %arg7[%swap3A_925, %swap3A_926, %swap3A_927], %add3A_923 {strides = array<i32>} : memref<2x64x512xf32, #tpu.memory_space<vmem>>, vector<16xf32>,
          %add3A_929 = arith.addf %get3A_81, %gather3A_255 : vector<16xf32>
          %swap3A_930 = arith.constant 0 : i32
          %swap3A_931 = arith.index_cast %swap3A_930 : i32 to index
          %swap3A_932 = arith.index_cast %add3A_874 : i32 to index
          %swap3A_933 = arith.constant 144 : index
          %swap3A_934 = tpu.vector_load %arg7[%swap3A_931, %swap3A_932, %swap3A_933] {strides = array<i32>} : memref<2x64x512xf32, #tpu.memory_space<vmem>>, vector<16xf32>,
          tpu.vector_store %arg7[%swap3A_931, %swap3A_932, %swap3A_933], %add3A_929 {strides = array<i32>} : memref<2x64x512xf32, #tpu.memory_space<vmem>>, vector<16xf32>,
          %add3A_935 = arith.addf %get3A_84, %gather3A_255 : vector<16xf32>
          %swap3A_936 = arith.constant 0 : i32
          %swap3A_937 = arith.index_cast %swap3A_936 : i32 to index
          %swap3A_938 = arith.index_cast %add3A_874 : i32 to index
          %swap3A_939 = arith.constant 160 : index
          %swap3A_940 = tpu.vector_load %arg7[%swap3A_937, %swap3A_938, %swap3A_939] {strides = array<i32>} : memref<2x64x512xf32, #tpu.memory_space<vmem>>, vector<16xf32>,
          tpu.vector_store %arg7[%swap3A_937, %swap3A_938, %swap3A_939], %add3A_935 {strides = array<i32>} : memref<2x64x512xf32, #tpu.memory_space<vmem>>, vector<16xf32>,
          %add3A_941 = arith.addf %get3A_87, %gather3A_255 : vector<16xf32>
          %swap3A_942 = arith.constant 0 : i32
          %swap3A_943 = arith.index_cast %swap3A_942 : i32 to index
          %swap3A_944 = arith.index_cast %add3A_874 : i32 to index
          %swap3A_945 = arith.constant 176 : index
          %swap3A_946 = tpu.vector_load %arg7[%swap3A_943, %swap3A_944, %swap3A_945] {strides = array<i32>} : memref<2x64x512xf32, #tpu.memory_space<vmem>>, vector<16xf32>,
          tpu.vector_store %arg7[%swap3A_943, %swap3A_944, %swap3A_945], %add3A_941 {strides = array<i32>} : memref<2x64x512xf32, #tpu.memory_space<vmem>>, vector<16xf32>,
          %add3A_947 = arith.addf %get3A_90, %gather3A_255 : vector<16xf32>
          %swap3A_948 = arith.constant 0 : i32
          %swap3A_949 = arith.index_cast %swap3A_948 : i32 to index
          %swap3A_950 = arith.index_cast %add3A_874 : i32 to index
          %swap3A_951 = arith.constant 192 : index
          %swap3A_952 = tpu.vector_load %arg7[%swap3A_949, %swap3A_950, %swap3A_951] {strides = array<i32>} : memref<2x64x512xf32, #tpu.memory_space<vmem>>, vector<16xf32>,
          tpu.vector_store %arg7[%swap3A_949, %swap3A_950, %swap3A_951], %add3A_947 {strides = array<i32>} : memref<2x64x512xf32, #tpu.memory_space<vmem>>, vector<16xf32>,
          %add3A_953 = arith.addf %get3A_93, %gather3A_255 : vector<16xf32>
          %swap3A_954 = arith.constant 0 : i32
          %swap3A_955 = arith.index_cast %swap3A_954 : i32 to index
          %swap3A_956 = arith.index_cast %add3A_874 : i32 to index
          %swap3A_957 = arith.constant 208 : index
          %swap3A_958 = tpu.vector_load %arg7[%swap3A_955, %swap3A_956, %swap3A_957] {strides = array<i32>} : memref<2x64x512xf32, #tpu.memory_space<vmem>>, vector<16xf32>,
          tpu.vector_store %arg7[%swap3A_955, %swap3A_956, %swap3A_957], %add3A_953 {strides = array<i32>} : memref<2x64x512xf32, #tpu.memory_space<vmem>>, vector<16xf32>,
          %add3A_959 = arith.addf %get3A_96, %gather3A_255 : vector<16xf32>
          %swap3A_960 = arith.constant 0 : i32
          %swap3A_961 = arith.index_cast %swap3A_960 : i32 to index
          %swap3A_962 = arith.index_cast %add3A_874 : i32 to index
          %swap3A_963 = arith.constant 224 : index
          %swap3A_964 = tpu.vector_load %arg7[%swap3A_961, %swap3A_962, %swap3A_963] {strides = array<i32>} : memref<2x64x512xf32, #tpu.memory_space<vmem>>, vector<16xf32>,
          tpu.vector_store %arg7[%swap3A_961, %swap3A_962, %swap3A_963], %add3A_959 {strides = array<i32>} : memref<2x64x512xf32, #tpu.memory_space<vmem>>, vector<16xf32>,
          %add3A_965 = arith.addf %get3A_99, %gather3A_255 : vector<16xf32>
          %swap3A_966 = arith.constant 0 : i32
          %swap3A_967 = arith.index_cast %swap3A_966 : i32 to index
          %swap3A_968 = arith.index_cast %add3A_874 : i32 to index
          %swap3A_969 = arith.constant 240 : index
          %swap3A_970 = tpu.vector_load %arg7[%swap3A_967, %swap3A_968, %swap3A_969] {strides = array<i32>} : memref<2x64x512xf32, #tpu.memory_space<vmem>>, vector<16xf32>,
          tpu.vector_store %arg7[%swap3A_967, %swap3A_968, %swap3A_969], %add3A_965 {strides = array<i32>} : memref<2x64x512xf32, #tpu.memory_space<vmem>>, vector<16xf32>,
          %add3A_971 = arith.addf %get3A_102, %gather3A_255 : vector<16xf32>
          %swap3A_972 = arith.constant 0 : i32
          %swap3A_973 = arith.index_cast %swap3A_972 : i32 to index
          %swap3A_974 = arith.index_cast %add3A_874 : i32 to index
          %swap3A_975 = arith.constant 256 : index
          %swap3A_976 = tpu.vector_load %arg7[%swap3A_973, %swap3A_974, %swap3A_975] {strides = array<i32>} : memref<2x64x512xf32, #tpu.memory_space<vmem>>, vector<16xf32>,
          tpu.vector_store %arg7[%swap3A_973, %swap3A_974, %swap3A_975], %add3A_971 {strides = array<i32>} : memref<2x64x512xf32, #tpu.memory_space<vmem>>, vector<16xf32>,
          %add3A_977 = arith.addf %get3A_105, %gather3A_255 : vector<16xf32>
          %swap3A_978 = arith.constant 0 : i32
          %swap3A_979 = arith.index_cast %swap3A_978 : i32 to index
          %swap3A_980 = arith.index_cast %add3A_874 : i32 to index
          %swap3A_981 = arith.constant 272 : index
          %swap3A_982 = tpu.vector_load %arg7[%swap3A_979, %swap3A_980, %swap3A_981] {strides = array<i32>} : memref<2x64x512xf32, #tpu.memory_space<vmem>>, vector<16xf32>,
          tpu.vector_store %arg7[%swap3A_979, %swap3A_980, %swap3A_981], %add3A_977 {strides = array<i32>} : memref<2x64x512xf32, #tpu.memory_space<vmem>>, vector<16xf32>,
          %add3A_983 = arith.addf %get3A_108, %gather3A_255 : vector<16xf32>
          %swap3A_984 = arith.constant 0 : i32
          %swap3A_985 = arith.index_cast %swap3A_984 : i32 to index
          %swap3A_986 = arith.index_cast %add3A_874 : i32 to index
          %swap3A_987 = arith.constant 288 : index
          %swap3A_988 = tpu.vector_load %arg7[%swap3A_985, %swap3A_986, %swap3A_987] {strides = array<i32>} : memref<2x64x512xf32, #tpu.memory_space<vmem>>, vector<16xf32>,
          tpu.vector_store %arg7[%swap3A_985, %swap3A_986, %swap3A_987], %add3A_983 {strides = array<i32>} : memref<2x64x512xf32, #tpu.memory_space<vmem>>, vector<16xf32>,
          %add3A_989 = arith.addf %get3A_111, %gather3A_255 : vector<16xf32>
          %swap3A_990 = arith.constant 0 : i32
          %swap3A_991 = arith.index_cast %swap3A_990 : i32 to index
          %swap3A_992 = arith.index_cast %add3A_874 : i32 to index
          %swap3A_993 = arith.constant 304 : index
          %swap3A_994 = tpu.vector_load %arg7[%swap3A_991, %swap3A_992, %swap3A_993] {strides = array<i32>} : memref<2x64x512xf32, #tpu.memory_space<vmem>>, vector<16xf32>,
          tpu.vector_store %arg7[%swap3A_991, %swap3A_992, %swap3A_993], %add3A_989 {strides = array<i32>} : memref<2x64x512xf32, #tpu.memory_space<vmem>>, vector<16xf32>,
          %add3A_995 = arith.addf %get3A_114, %gather3A_255 : vector<16xf32>
          %swap3A_996 = arith.constant 0 : i32
          %swap3A_997 = arith.index_cast %swap3A_996 : i32 to index
          %swap3A_998 = arith.index_cast %add3A_874 : i32 to index
          %swap3A_999 = arith.constant 320 : index
          %swap3A_1000 = tpu.vector_load %arg7[%swap3A_997, %swap3A_998, %swap3A_999] {strides = array<i32>} : memref<2x64x512xf32, #tpu.memory_space<vmem>>, vector<16xf32>,
          tpu.vector_store %arg7[%swap3A_997, %swap3A_998, %swap3A_999], %add3A_995 {strides = array<i32>} : memref<2x64x512xf32, #tpu.memory_space<vmem>>, vector<16xf32>,
          %add3A_1001 = arith.addf %get3A_117, %gather3A_255 : vector<16xf32>
          %swap3A_1002 = arith.constant 0 : i32
          %swap3A_1003 = arith.index_cast %swap3A_1002 : i32 to index
          %swap3A_1004 = arith.index_cast %add3A_874 : i32 to index
          %swap3A_1005 = arith.constant 336 : index
          %swap3A_1006 = tpu.vector_load %arg7[%swap3A_1003, %swap3A_1004, %swap3A_1005] {strides = array<i32>} : memref<2x64x512xf32, #tpu.memory_space<vmem>>, vector<16xf32>,
          tpu.vector_store %arg7[%swap3A_1003, %swap3A_1004, %swap3A_1005], %add3A_1001 {strides = array<i32>} : memref<2x64x512xf32, #tpu.memory_space<vmem>>, vector<16xf32>,
          %add3A_1007 = arith.addf %get3A_120, %gather3A_255 : vector<16xf32>
          %swap3A_1008 = arith.constant 0 : i32
          %swap3A_1009 = arith.index_cast %swap3A_1008 : i32 to index
          %swap3A_1010 = arith.index_cast %add3A_874 : i32 to index
          %swap3A_1011 = arith.constant 352 : index
          %swap3A_1012 = tpu.vector_load %arg7[%swap3A_1009, %swap3A_1010, %swap3A_1011] {strides = array<i32>} : memref<2x64x512xf32, #tpu.memory_space<vmem>>, vector<16xf32>,
          tpu.vector_store %arg7[%swap3A_1009, %swap3A_1010, %swap3A_1011], %add3A_1007 {strides = array<i32>} : memref<2x64x512xf32, #tpu.memory_space<vmem>>, vector<16xf32>,
          %add3A_1013 = arith.addf %get3A_123, %gather3A_255 : vector<16xf32>
          %swap3A_1014 = arith.constant 0 : i32
          %swap3A_1015 = arith.index_cast %swap3A_1014 : i32 to index
          %swap3A_1016 = arith.index_cast %add3A_874 : i32 to index
          %swap3A_1017 = arith.constant 368 : index
          %swap3A_1018 = tpu.vector_load %arg7[%swap3A_1015, %swap3A_1016, %swap3A_1017] {strides = array<i32>} : memref<2x64x512xf32, #tpu.memory_space<vmem>>, vector<16xf32>,
          tpu.vector_store %arg7[%swap3A_1015, %swap3A_1016, %swap3A_1017], %add3A_1013 {strides = array<i32>} : memref<2x64x512xf32, #tpu.memory_space<vmem>>, vector<16xf32>,
          %add3A_1019 = arith.addf %get3A_126, %gather3A_255 : vector<16xf32>
          %swap3A_1020 = arith.constant 0 : i32
          %swap3A_1021 = arith.index_cast %swap3A_1020 : i32 to index
          %swap3A_1022 = arith.index_cast %add3A_874 : i32 to index
          %swap3A_1023 = arith.constant 384 : index
          %swap3A_1024 = tpu.vector_load %arg7[%swap3A_1021, %swap3A_1022, %swap3A_1023] {strides = array<i32>} : memref<2x64x512xf32, #tpu.memory_space<vmem>>, vector<16xf32>,
          tpu.vector_store %arg7[%swap3A_1021, %swap3A_1022, %swap3A_1023], %add3A_1019 {strides = array<i32>} : memref<2x64x512xf32, #tpu.memory_space<vmem>>, vector<16xf32>,
          %add3A_1025 = arith.addf %get3A_129, %gather3A_255 : vector<16xf32>
          %swap3A_1026 = arith.constant 0 : i32
          %swap3A_1027 = arith.index_cast %swap3A_1026 : i32 to index
          %swap3A_1028 = arith.index_cast %add3A_874 : i32 to index
          %swap3A_1029 = arith.constant 400 : index
          %swap3A_1030 = tpu.vector_load %arg7[%swap3A_1027, %swap3A_1028, %swap3A_1029] {strides = array<i32>} : memref<2x64x512xf32, #tpu.memory_space<vmem>>, vector<16xf32>,
          tpu.vector_store %arg7[%swap3A_1027, %swap3A_1028, %swap3A_1029], %add3A_1025 {strides = array<i32>} : memref<2x64x512xf32, #tpu.memory_space<vmem>>, vector<16xf32>,
          %add3A_1031 = arith.addf %get3A_132, %gather3A_255 : vector<16xf32>
          %swap3A_1032 = arith.constant 0 : i32
          %swap3A_1033 = arith.index_cast %swap3A_1032 : i32 to index
          %swap3A_1034 = arith.index_cast %add3A_874 : i32 to index
          %swap3A_1035 = arith.constant 416 : index
          %swap3A_1036 = tpu.vector_load %arg7[%swap3A_1033, %swap3A_1034, %swap3A_1035] {strides = array<i32>} : memref<2x64x512xf32, #tpu.memory_space<vmem>>, vector<16xf32>,
          tpu.vector_store %arg7[%swap3A_1033, %swap3A_1034, %swap3A_1035], %add3A_1031 {strides = array<i32>} : memref<2x64x512xf32, #tpu.memory_space<vmem>>, vector<16xf32>,
          %add3A_1037 = arith.addf %get3A_135, %gather3A_255 : vector<16xf32>
          %swap3A_1038 = arith.constant 0 : i32
          %swap3A_1039 = arith.index_cast %swap3A_1038 : i32 to index
          %swap3A_1040 = arith.index_cast %add3A_874 : i32 to index
          %swap3A_1041 = arith.constant 432 : index
          %swap3A_1042 = tpu.vector_load %arg7[%swap3A_1039, %swap3A_1040, %swap3A_1041] {strides = array<i32>} : memref<2x64x512xf32, #tpu.memory_space<vmem>>, vector<16xf32>,
          tpu.vector_store %arg7[%swap3A_1039, %swap3A_1040, %swap3A_1041], %add3A_1037 {strides = array<i32>} : memref<2x64x512xf32, #tpu.memory_space<vmem>>, vector<16xf32>,
          %add3A_1043 = arith.addf %get3A_138, %gather3A_255 : vector<16xf32>
          %swap3A_1044 = arith.constant 0 : i32
          %swap3A_1045 = arith.index_cast %swap3A_1044 : i32 to index
          %swap3A_1046 = arith.index_cast %add3A_874 : i32 to index
          %swap3A_1047 = arith.constant 448 : index
          %swap3A_1048 = tpu.vector_load %arg7[%swap3A_1045, %swap3A_1046, %swap3A_1047] {strides = array<i32>} : memref<2x64x512xf32, #tpu.memory_space<vmem>>, vector<16xf32>,
          tpu.vector_store %arg7[%swap3A_1045, %swap3A_1046, %swap3A_1047], %add3A_1043 {strides = array<i32>} : memref<2x64x512xf32, #tpu.memory_space<vmem>>, vector<16xf32>,
          %add3A_1049 = arith.addf %get3A_141, %gather3A_255 : vector<16xf32>
          %swap3A_1050 = arith.constant 0 : i32
          %swap3A_1051 = arith.index_cast %swap3A_1050 : i32 to index
          %swap3A_1052 = arith.index_cast %add3A_874 : i32 to index
          %swap3A_1053 = arith.constant 464 : index
          %swap3A_1054 = tpu.vector_load %arg7[%swap3A_1051, %swap3A_1052, %swap3A_1053] {strides = array<i32>} : memref<2x64x512xf32, #tpu.memory_space<vmem>>, vector<16xf32>,
          tpu.vector_store %arg7[%swap3A_1051, %swap3A_1052, %swap3A_1053], %add3A_1049 {strides = array<i32>} : memref<2x64x512xf32, #tpu.memory_space<vmem>>, vector<16xf32>,
          %add3A_1055 = arith.addf %get3A_144, %gather3A_255 : vector<16xf32>
          %swap3A_1056 = arith.constant 0 : i32
          %swap3A_1057 = arith.index_cast %swap3A_1056 : i32 to index
          %swap3A_1058 = arith.index_cast %add3A_874 : i32 to index
          %swap3A_1059 = arith.constant 480 : index
          %swap3A_1060 = tpu.vector_load %arg7[%swap3A_1057, %swap3A_1058, %swap3A_1059] {strides = array<i32>} : memref<2x64x512xf32, #tpu.memory_space<vmem>>, vector<16xf32>,
          tpu.vector_store %arg7[%swap3A_1057, %swap3A_1058, %swap3A_1059], %add3A_1055 {strides = array<i32>} : memref<2x64x512xf32, #tpu.memory_space<vmem>>, vector<16xf32>,
          %add3A_1061 = arith.addf %get3A_147, %gather3A_255 : vector<16xf32>
          %swap3A_1062 = arith.constant 0 : i32
          %swap3A_1063 = arith.index_cast %swap3A_1062 : i32 to index
          %swap3A_1064 = arith.index_cast %add3A_874 : i32 to index
          %swap3A_1065 = arith.constant 496 : index
          %swap3A_1066 = tpu.vector_load %arg7[%swap3A_1063, %swap3A_1064, %swap3A_1065] {strides = array<i32>} : memref<2x64x512xf32, #tpu.memory_space<vmem>>, vector<16xf32>,
          tpu.vector_store %arg7[%swap3A_1063, %swap3A_1064, %swap3A_1065], %add3A_1061 {strides = array<i32>} : memref<2x64x512xf32, #tpu.memory_space<vmem>>, vector<16xf32>,
          %mul3A_1067 = arith.constant 8 : i32
          %mul3A_1068 = arith.muli %scan3A_228, %mul3A_1067 : i32
          %add3A_1069 = arith.constant 4 : i32
          %add3A_1070 = arith.addi %mul3A_1068, %add3A_1069 : i32
          %add3A_1071 = arith.addf %get3A_54, %gather3A_262 : vector<16xf32>
          %swap3A_1072 = arith.constant 0 : i32
          %swap3A_1073 = arith.index_cast %swap3A_1072 : i32 to index
          %swap3A_1074 = arith.index_cast %add3A_1070 : i32 to index
          %swap3A_1075 = arith.constant 0 : index
          %swap3A_1076 = tpu.vector_load %arg7[%swap3A_1073, %swap3A_1074, %swap3A_1075] {strides = array<i32>} : memref<2x64x512xf32, #tpu.memory_space<vmem>>, vector<16xf32>,
          tpu.vector_store %arg7[%swap3A_1073, %swap3A_1074, %swap3A_1075], %add3A_1071 {strides = array<i32>} : memref<2x64x512xf32, #tpu.memory_space<vmem>>, vector<16xf32>,
          %add3A_1077 = arith.addf %get3A_57, %gather3A_262 : vector<16xf32>
          %swap3A_1078 = arith.constant 0 : i32
          %swap3A_1079 = arith.index_cast %swap3A_1078 : i32 to index
          %swap3A_1080 = arith.index_cast %add3A_1070 : i32 to index
          %swap3A_1081 = arith.constant 16 : index
          %swap3A_1082 = tpu.vector_load %arg7[%swap3A_1079, %swap3A_1080, %swap3A_1081] {strides = array<i32>} : memref<2x64x512xf32, #tpu.memory_space<vmem>>, vector<16xf32>,
          tpu.vector_store %arg7[%swap3A_1079, %swap3A_1080, %swap3A_1081], %add3A_1077 {strides = array<i32>} : memref<2x64x512xf32, #tpu.memory_space<vmem>>, vector<16xf32>,
          %add3A_1083 = arith.addf %get3A_60, %gather3A_262 : vector<16xf32>
          %swap3A_1084 = arith.constant 0 : i32
          %swap3A_1085 = arith.index_cast %swap3A_1084 : i32 to index
          %swap3A_1086 = arith.index_cast %add3A_1070 : i32 to index
          %swap3A_1087 = arith.constant 32 : index
          %swap3A_1088 = tpu.vector_load %arg7[%swap3A_1085, %swap3A_1086, %swap3A_1087] {strides = array<i32>} : memref<2x64x512xf32, #tpu.memory_space<vmem>>, vector<16xf32>,
          tpu.vector_store %arg7[%swap3A_1085, %swap3A_1086, %swap3A_1087], %add3A_1083 {strides = array<i32>} : memref<2x64x512xf32, #tpu.memory_space<vmem>>, vector<16xf32>,
          %add3A_1089 = arith.addf %get3A_63, %gather3A_262 : vector<16xf32>
          %swap3A_1090 = arith.constant 0 : i32
          %swap3A_1091 = arith.index_cast %swap3A_1090 : i32 to index
          %swap3A_1092 = arith.index_cast %add3A_1070 : i32 to index
          %swap3A_1093 = arith.constant 48 : index
          %swap3A_1094 = tpu.vector_load %arg7[%swap3A_1091, %swap3A_1092, %swap3A_1093] {strides = array<i32>} : memref<2x64x512xf32, #tpu.memory_space<vmem>>, vector<16xf32>,
          tpu.vector_store %arg7[%swap3A_1091, %swap3A_1092, %swap3A_1093], %add3A_1089 {strides = array<i32>} : memref<2x64x512xf32, #tpu.memory_space<vmem>>, vector<16xf32>,
          %add3A_1095 = arith.addf %get3A_66, %gather3A_262 : vector<16xf32>
          %swap3A_1096 = arith.constant 0 : i32
          %swap3A_1097 = arith.index_cast %swap3A_1096 : i32 to index
          %swap3A_1098 = arith.index_cast %add3A_1070 : i32 to index
          %swap3A_1099 = arith.constant 64 : index
          %swap3A_1100 = tpu.vector_load %arg7[%swap3A_1097, %swap3A_1098, %swap3A_1099] {strides = array<i32>} : memref<2x64x512xf32, #tpu.memory_space<vmem>>, vector<16xf32>,
          tpu.vector_store %arg7[%swap3A_1097, %swap3A_1098, %swap3A_1099], %add3A_1095 {strides = array<i32>} : memref<2x64x512xf32, #tpu.memory_space<vmem>>, vector<16xf32>,
          %add3A_1101 = arith.addf %get3A_69, %gather3A_262 : vector<16xf32>
          %swap3A_1102 = arith.constant 0 : i32
          %swap3A_1103 = arith.index_cast %swap3A_1102 : i32 to index
          %swap3A_1104 = arith.index_cast %add3A_1070 : i32 to index
          %swap3A_1105 = arith.constant 80 : index
          %swap3A_1106 = tpu.vector_load %arg7[%swap3A_1103, %swap3A_1104, %swap3A_1105] {strides = array<i32>} : memref<2x64x512xf32, #tpu.memory_space<vmem>>, vector<16xf32>,
          tpu.vector_store %arg7[%swap3A_1103, %swap3A_1104, %swap3A_1105], %add3A_1101 {strides = array<i32>} : memref<2x64x512xf32, #tpu.memory_space<vmem>>, vector<16xf32>,
          %add3A_1107 = arith.addf %get3A_72, %gather3A_262 : vector<16xf32>
          %swap3A_1108 = arith.constant 0 : i32
          %swap3A_1109 = arith.index_cast %swap3A_1108 : i32 to index
          %swap3A_1110 = arith.index_cast %add3A_1070 : i32 to index
          %swap3A_1111 = arith.constant 96 : index
          %swap3A_1112 = tpu.vector_load %arg7[%swap3A_1109, %swap3A_1110, %swap3A_1111] {strides = array<i32>} : memref<2x64x512xf32, #tpu.memory_space<vmem>>, vector<16xf32>,
          tpu.vector_store %arg7[%swap3A_1109, %swap3A_1110, %swap3A_1111], %add3A_1107 {strides = array<i32>} : memref<2x64x512xf32, #tpu.memory_space<vmem>>, vector<16xf32>,
          %add3A_1113 = arith.addf %get3A_75, %gather3A_262 : vector<16xf32>
          %swap3A_1114 = arith.constant 0 : i32
          %swap3A_1115 = arith.index_cast %swap3A_1114 : i32 to index
          %swap3A_1116 = arith.index_cast %add3A_1070 : i32 to index
          %swap3A_1117 = arith.constant 112 : index
          %swap3A_1118 = tpu.vector_load %arg7[%swap3A_1115, %swap3A_1116, %swap3A_1117] {strides = array<i32>} : memref<2x64x512xf32, #tpu.memory_space<vmem>>, vector<16xf32>,
          tpu.vector_store %arg7[%swap3A_1115, %swap3A_1116, %swap3A_1117], %add3A_1113 {strides = array<i32>} : memref<2x64x512xf32, #tpu.memory_space<vmem>>, vector<16xf32>,
          %add3A_1119 = arith.addf %get3A_78, %gather3A_262 : vector<16xf32>
          %swap3A_1120 = arith.constant 0 : i32
          %swap3A_1121 = arith.index_cast %swap3A_1120 : i32 to index
          %swap3A_1122 = arith.index_cast %add3A_1070 : i32 to index
          %swap3A_1123 = arith.constant 128 : index
          %swap3A_1124 = tpu.vector_load %arg7[%swap3A_1121, %swap3A_1122, %swap3A_1123] {strides = array<i32>} : memref<2x64x512xf32, #tpu.memory_space<vmem>>, vector<16xf32>,
          tpu.vector_store %arg7[%swap3A_1121, %swap3A_1122, %swap3A_1123], %add3A_1119 {strides = array<i32>} : memref<2x64x512xf32, #tpu.memory_space<vmem>>, vector<16xf32>,
          %add3A_1125 = arith.addf %get3A_81, %gather3A_262 : vector<16xf32>
          %swap3A_1126 = arith.constant 0 : i32
          %swap3A_1127 = arith.index_cast %swap3A_1126 : i32 to index
          %swap3A_1128 = arith.index_cast %add3A_1070 : i32 to index
          %swap3A_1129 = arith.constant 144 : index
          %swap3A_1130 = tpu.vector_load %arg7[%swap3A_1127, %swap3A_1128, %swap3A_1129] {strides = array<i32>} : memref<2x64x512xf32, #tpu.memory_space<vmem>>, vector<16xf32>,
          tpu.vector_store %arg7[%swap3A_1127, %swap3A_1128, %swap3A_1129], %add3A_1125 {strides = array<i32>} : memref<2x64x512xf32, #tpu.memory_space<vmem>>, vector<16xf32>,
          %add3A_1131 = arith.addf %get3A_84, %gather3A_262 : vector<16xf32>
          %swap3A_1132 = arith.constant 0 : i32
          %swap3A_1133 = arith.index_cast %swap3A_1132 : i32 to index
          %swap3A_1134 = arith.index_cast %add3A_1070 : i32 to index
          %swap3A_1135 = arith.constant 160 : index
          %swap3A_1136 = tpu.vector_load %arg7[%swap3A_1133, %swap3A_1134, %swap3A_1135] {strides = array<i32>} : memref<2x64x512xf32, #tpu.memory_space<vmem>>, vector<16xf32>,
          tpu.vector_store %arg7[%swap3A_1133, %swap3A_1134, %swap3A_1135], %add3A_1131 {strides = array<i32>} : memref<2x64x512xf32, #tpu.memory_space<vmem>>, vector<16xf32>,
          %add3A_1137 = arith.addf %get3A_87, %gather3A_262 : vector<16xf32>
          %swap3A_1138 = arith.constant 0 : i32
          %swap3A_1139 = arith.index_cast %swap3A_1138 : i32 to index
          %swap3A_1140 = arith.index_cast %add3A_1070 : i32 to index
          %swap3A_1141 = arith.constant 176 : index
          %swap3A_1142 = tpu.vector_load %arg7[%swap3A_1139, %swap3A_1140, %swap3A_1141] {strides = array<i32>} : memref<2x64x512xf32, #tpu.memory_space<vmem>>, vector<16xf32>,
          tpu.vector_store %arg7[%swap3A_1139, %swap3A_1140, %swap3A_1141], %add3A_1137 {strides = array<i32>} : memref<2x64x512xf32, #tpu.memory_space<vmem>>, vector<16xf32>,
          %add3A_1143 = arith.addf %get3A_90, %gather3A_262 : vector<16xf32>
          %swap3A_1144 = arith.constant 0 : i32
          %swap3A_1145 = arith.index_cast %swap3A_1144 : i32 to index
          %swap3A_1146 = arith.index_cast %add3A_1070 : i32 to index
          %swap3A_1147 = arith.constant 192 : index
          %swap3A_1148 = tpu.vector_load %arg7[%swap3A_1145, %swap3A_1146, %swap3A_1147] {strides = array<i32>} : memref<2x64x512xf32, #tpu.memory_space<vmem>>, vector<16xf32>,
          tpu.vector_store %arg7[%swap3A_1145, %swap3A_1146, %swap3A_1147], %add3A_1143 {strides = array<i32>} : memref<2x64x512xf32, #tpu.memory_space<vmem>>, vector<16xf32>,
          %add3A_1149 = arith.addf %get3A_93, %gather3A_262 : vector<16xf32>
          %swap3A_1150 = arith.constant 0 : i32
          %swap3A_1151 = arith.index_cast %swap3A_1150 : i32 to index
          %swap3A_1152 = arith.index_cast %add3A_1070 : i32 to index
          %swap3A_1153 = arith.constant 208 : index
          %swap3A_1154 = tpu.vector_load %arg7[%swap3A_1151, %swap3A_1152, %swap3A_1153] {strides = array<i32>} : memref<2x64x512xf32, #tpu.memory_space<vmem>>, vector<16xf32>,
          tpu.vector_store %arg7[%swap3A_1151, %swap3A_1152, %swap3A_1153], %add3A_1149 {strides = array<i32>} : memref<2x64x512xf32, #tpu.memory_space<vmem>>, vector<16xf32>,
          %add3A_1155 = arith.addf %get3A_96, %gather3A_262 : vector<16xf32>
          %swap3A_1156 = arith.constant 0 : i32
          %swap3A_1157 = arith.index_cast %swap3A_1156 : i32 to index
          %swap3A_1158 = arith.index_cast %add3A_1070 : i32 to index
          %swap3A_1159 = arith.constant 224 : index
          %swap3A_1160 = tpu.vector_load %arg7[%swap3A_1157, %swap3A_1158, %swap3A_1159] {strides = array<i32>} : memref<2x64x512xf32, #tpu.memory_space<vmem>>, vector<16xf32>,
          tpu.vector_store %arg7[%swap3A_1157, %swap3A_1158, %swap3A_1159], %add3A_1155 {strides = array<i32>} : memref<2x64x512xf32, #tpu.memory_space<vmem>>, vector<16xf32>,
          %add3A_1161 = arith.addf %get3A_99, %gather3A_262 : vector<16xf32>
          %swap3A_1162 = arith.constant 0 : i32
          %swap3A_1163 = arith.index_cast %swap3A_1162 : i32 to index
          %swap3A_1164 = arith.index_cast %add3A_1070 : i32 to index
          %swap3A_1165 = arith.constant 240 : index
          %swap3A_1166 = tpu.vector_load %arg7[%swap3A_1163, %swap3A_1164, %swap3A_1165] {strides = array<i32>} : memref<2x64x512xf32, #tpu.memory_space<vmem>>, vector<16xf32>,
          tpu.vector_store %arg7[%swap3A_1163, %swap3A_1164, %swap3A_1165], %add3A_1161 {strides = array<i32>} : memref<2x64x512xf32, #tpu.memory_space<vmem>>, vector<16xf32>,
          %add3A_1167 = arith.addf %get3A_102, %gather3A_262 : vector<16xf32>
          %swap3A_1168 = arith.constant 0 : i32
          %swap3A_1169 = arith.index_cast %swap3A_1168 : i32 to index
          %swap3A_1170 = arith.index_cast %add3A_1070 : i32 to index
          %swap3A_1171 = arith.constant 256 : index
          %swap3A_1172 = tpu.vector_load %arg7[%swap3A_1169, %swap3A_1170, %swap3A_1171] {strides = array<i32>} : memref<2x64x512xf32, #tpu.memory_space<vmem>>, vector<16xf32>,
          tpu.vector_store %arg7[%swap3A_1169, %swap3A_1170, %swap3A_1171], %add3A_1167 {strides = array<i32>} : memref<2x64x512xf32, #tpu.memory_space<vmem>>, vector<16xf32>,
          %add3A_1173 = arith.addf %get3A_105, %gather3A_262 : vector<16xf32>
          %swap3A_1174 = arith.constant 0 : i32
          %swap3A_1175 = arith.index_cast %swap3A_1174 : i32 to index
          %swap3A_1176 = arith.index_cast %add3A_1070 : i32 to index
          %swap3A_1177 = arith.constant 272 : index
          %swap3A_1178 = tpu.vector_load %arg7[%swap3A_1175, %swap3A_1176, %swap3A_1177] {strides = array<i32>} : memref<2x64x512xf32, #tpu.memory_space<vmem>>, vector<16xf32>,
          tpu.vector_store %arg7[%swap3A_1175, %swap3A_1176, %swap3A_1177], %add3A_1173 {strides = array<i32>} : memref<2x64x512xf32, #tpu.memory_space<vmem>>, vector<16xf32>,
          %add3A_1179 = arith.addf %get3A_108, %gather3A_262 : vector<16xf32>
          %swap3A_1180 = arith.constant 0 : i32
          %swap3A_1181 = arith.index_cast %swap3A_1180 : i32 to index
          %swap3A_1182 = arith.index_cast %add3A_1070 : i32 to index
          %swap3A_1183 = arith.constant 288 : index
          %swap3A_1184 = tpu.vector_load %arg7[%swap3A_1181, %swap3A_1182, %swap3A_1183] {strides = array<i32>} : memref<2x64x512xf32, #tpu.memory_space<vmem>>, vector<16xf32>,
          tpu.vector_store %arg7[%swap3A_1181, %swap3A_1182, %swap3A_1183], %add3A_1179 {strides = array<i32>} : memref<2x64x512xf32, #tpu.memory_space<vmem>>, vector<16xf32>,
          %add3A_1185 = arith.addf %get3A_111, %gather3A_262 : vector<16xf32>
          %swap3A_1186 = arith.constant 0 : i32
          %swap3A_1187 = arith.index_cast %swap3A_1186 : i32 to index
          %swap3A_1188 = arith.index_cast %add3A_1070 : i32 to index
          %swap3A_1189 = arith.constant 304 : index
          %swap3A_1190 = tpu.vector_load %arg7[%swap3A_1187, %swap3A_1188, %swap3A_1189] {strides = array<i32>} : memref<2x64x512xf32, #tpu.memory_space<vmem>>, vector<16xf32>,
          tpu.vector_store %arg7[%swap3A_1187, %swap3A_1188, %swap3A_1189], %add3A_1185 {strides = array<i32>} : memref<2x64x512xf32, #tpu.memory_space<vmem>>, vector<16xf32>,
          %add3A_1191 = arith.addf %get3A_114, %gather3A_262 : vector<16xf32>
          %swap3A_1192 = arith.constant 0 : i32
          %swap3A_1193 = arith.index_cast %swap3A_1192 : i32 to index
          %swap3A_1194 = arith.index_cast %add3A_1070 : i32 to index
          %swap3A_1195 = arith.constant 320 : index
          %swap3A_1196 = tpu.vector_load %arg7[%swap3A_1193, %swap3A_1194, %swap3A_1195] {strides = array<i32>} : memref<2x64x512xf32, #tpu.memory_space<vmem>>, vector<16xf32>,
          tpu.vector_store %arg7[%swap3A_1193, %swap3A_1194, %swap3A_1195], %add3A_1191 {strides = array<i32>} : memref<2x64x512xf32, #tpu.memory_space<vmem>>, vector<16xf32>,
          %add3A_1197 = arith.addf %get3A_117, %gather3A_262 : vector<16xf32>
          %swap3A_1198 = arith.constant 0 : i32
          %swap3A_1199 = arith.index_cast %swap3A_1198 : i32 to index
          %swap3A_1200 = arith.index_cast %add3A_1070 : i32 to index
          %swap3A_1201 = arith.constant 336 : index
          %swap3A_1202 = tpu.vector_load %arg7[%swap3A_1199, %swap3A_1200, %swap3A_1201] {strides = array<i32>} : memref<2x64x512xf32, #tpu.memory_space<vmem>>, vector<16xf32>,
          tpu.vector_store %arg7[%swap3A_1199, %swap3A_1200, %swap3A_1201], %add3A_1197 {strides = array<i32>} : memref<2x64x512xf32, #tpu.memory_space<vmem>>, vector<16xf32>,
          %add3A_1203 = arith.addf %get3A_120, %gather3A_262 : vector<16xf32>
          %swap3A_1204 = arith.constant 0 : i32
          %swap3A_1205 = arith.index_cast %swap3A_1204 : i32 to index
          %swap3A_1206 = arith.index_cast %add3A_1070 : i32 to index
          %swap3A_1207 = arith.constant 352 : index
          %swap3A_1208 = tpu.vector_load %arg7[%swap3A_1205, %swap3A_1206, %swap3A_1207] {strides = array<i32>} : memref<2x64x512xf32, #tpu.memory_space<vmem>>, vector<16xf32>,
          tpu.vector_store %arg7[%swap3A_1205, %swap3A_1206, %swap3A_1207], %add3A_1203 {strides = array<i32>} : memref<2x64x512xf32, #tpu.memory_space<vmem>>, vector<16xf32>,
          %add3A_1209 = arith.addf %get3A_123, %gather3A_262 : vector<16xf32>
          %swap3A_1210 = arith.constant 0 : i32
          %swap3A_1211 = arith.index_cast %swap3A_1210 : i32 to index
          %swap3A_1212 = arith.index_cast %add3A_1070 : i32 to index
          %swap3A_1213 = arith.constant 368 : index
          %swap3A_1214 = tpu.vector_load %arg7[%swap3A_1211, %swap3A_1212, %swap3A_1213] {strides = array<i32>} : memref<2x64x512xf32, #tpu.memory_space<vmem>>, vector<16xf32>,
          tpu.vector_store %arg7[%swap3A_1211, %swap3A_1212, %swap3A_1213], %add3A_1209 {strides = array<i32>} : memref<2x64x512xf32, #tpu.memory_space<vmem>>, vector<16xf32>,
          %add3A_1215 = arith.addf %get3A_126, %gather3A_262 : vector<16xf32>
          %swap3A_1216 = arith.constant 0 : i32
          %swap3A_1217 = arith.index_cast %swap3A_1216 : i32 to index
          %swap3A_1218 = arith.index_cast %add3A_1070 : i32 to index
          %swap3A_1219 = arith.constant 384 : index
          %swap3A_1220 = tpu.vector_load %arg7[%swap3A_1217, %swap3A_1218, %swap3A_1219] {strides = array<i32>} : memref<2x64x512xf32, #tpu.memory_space<vmem>>, vector<16xf32>,
          tpu.vector_store %arg7[%swap3A_1217, %swap3A_1218, %swap3A_1219], %add3A_1215 {strides = array<i32>} : memref<2x64x512xf32, #tpu.memory_space<vmem>>, vector<16xf32>,
          %add3A_1221 = arith.addf %get3A_129, %gather3A_262 : vector<16xf32>
          %swap3A_1222 = arith.constant 0 : i32
          %swap3A_1223 = arith.index_cast %swap3A_1222 : i32 to index
          %swap3A_1224 = arith.index_cast %add3A_1070 : i32 to index
          %swap3A_1225 = arith.constant 400 : index
          %swap3A_1226 = tpu.vector_load %arg7[%swap3A_1223, %swap3A_1224, %swap3A_1225] {strides = array<i32>} : memref<2x64x512xf32, #tpu.memory_space<vmem>>, vector<16xf32>,
          tpu.vector_store %arg7[%swap3A_1223, %swap3A_1224, %swap3A_1225], %add3A_1221 {strides = array<i32>} : memref<2x64x512xf32, #tpu.memory_space<vmem>>, vector<16xf32>,
          %add3A_1227 = arith.addf %get3A_132, %gather3A_262 : vector<16xf32>
          %swap3A_1228 = arith.constant 0 : i32
          %swap3A_1229 = arith.index_cast %swap3A_1228 : i32 to index
          %swap3A_1230 = arith.index_cast %add3A_1070 : i32 to index
          %swap3A_1231 = arith.constant 416 : index
          %swap3A_1232 = tpu.vector_load %arg7[%swap3A_1229, %swap3A_1230, %swap3A_1231] {strides = array<i32>} : memref<2x64x512xf32, #tpu.memory_space<vmem>>, vector<16xf32>,
          tpu.vector_store %arg7[%swap3A_1229, %swap3A_1230, %swap3A_1231], %add3A_1227 {strides = array<i32>} : memref<2x64x512xf32, #tpu.memory_space<vmem>>, vector<16xf32>,
          %add3A_1233 = arith.addf %get3A_135, %gather3A_262 : vector<16xf32>
          %swap3A_1234 = arith.constant 0 : i32
          %swap3A_1235 = arith.index_cast %swap3A_1234 : i32 to index
          %swap3A_1236 = arith.index_cast %add3A_1070 : i32 to index
          %swap3A_1237 = arith.constant 432 : index
          %swap3A_1238 = tpu.vector_load %arg7[%swap3A_1235, %swap3A_1236, %swap3A_1237] {strides = array<i32>} : memref<2x64x512xf32, #tpu.memory_space<vmem>>, vector<16xf32>,
          tpu.vector_store %arg7[%swap3A_1235, %swap3A_1236, %swap3A_1237], %add3A_1233 {strides = array<i32>} : memref<2x64x512xf32, #tpu.memory_space<vmem>>, vector<16xf32>,
          %add3A_1239 = arith.addf %get3A_138, %gather3A_262 : vector<16xf32>
          %swap3A_1240 = arith.constant 0 : i32
          %swap3A_1241 = arith.index_cast %swap3A_1240 : i32 to index
          %swap3A_1242 = arith.index_cast %add3A_1070 : i32 to index
          %swap3A_1243 = arith.constant 448 : index
          %swap3A_1244 = tpu.vector_load %arg7[%swap3A_1241, %swap3A_1242, %swap3A_1243] {strides = array<i32>} : memref<2x64x512xf32, #tpu.memory_space<vmem>>, vector<16xf32>,
          tpu.vector_store %arg7[%swap3A_1241, %swap3A_1242, %swap3A_1243], %add3A_1239 {strides = array<i32>} : memref<2x64x512xf32, #tpu.memory_space<vmem>>, vector<16xf32>,
          %add3A_1245 = arith.addf %get3A_141, %gather3A_262 : vector<16xf32>
          %swap3A_1246 = arith.constant 0 : i32
          %swap3A_1247 = arith.index_cast %swap3A_1246 : i32 to index
          %swap3A_1248 = arith.index_cast %add3A_1070 : i32 to index
          %swap3A_1249 = arith.constant 464 : index
          %swap3A_1250 = tpu.vector_load %arg7[%swap3A_1247, %swap3A_1248, %swap3A_1249] {strides = array<i32>} : memref<2x64x512xf32, #tpu.memory_space<vmem>>, vector<16xf32>,
          tpu.vector_store %arg7[%swap3A_1247, %swap3A_1248, %swap3A_1249], %add3A_1245 {strides = array<i32>} : memref<2x64x512xf32, #tpu.memory_space<vmem>>, vector<16xf32>,
          %add3A_1251 = arith.addf %get3A_144, %gather3A_262 : vector<16xf32>
          %swap3A_1252 = arith.constant 0 : i32
          %swap3A_1253 = arith.index_cast %swap3A_1252 : i32 to index
          %swap3A_1254 = arith.index_cast %add3A_1070 : i32 to index
          %swap3A_1255 = arith.constant 480 : index
          %swap3A_1256 = tpu.vector_load %arg7[%swap3A_1253, %swap3A_1254, %swap3A_1255] {strides = array<i32>} : memref<2x64x512xf32, #tpu.memory_space<vmem>>, vector<16xf32>,
          tpu.vector_store %arg7[%swap3A_1253, %swap3A_1254, %swap3A_1255], %add3A_1251 {strides = array<i32>} : memref<2x64x512xf32, #tpu.memory_space<vmem>>, vector<16xf32>,
          %add3A_1257 = arith.addf %get3A_147, %gather3A_262 : vector<16xf32>
          %swap3A_1258 = arith.constant 0 : i32
          %swap3A_1259 = arith.index_cast %swap3A_1258 : i32 to index
          %swap3A_1260 = arith.index_cast %add3A_1070 : i32 to index
          %swap3A_1261 = arith.constant 496 : index
          %swap3A_1262 = tpu.vector_load %arg7[%swap3A_1259, %swap3A_1260, %swap3A_1261] {strides = array<i32>} : memref<2x64x512xf32, #tpu.memory_space<vmem>>, vector<16xf32>,
          tpu.vector_store %arg7[%swap3A_1259, %swap3A_1260, %swap3A_1261], %add3A_1257 {strides = array<i32>} : memref<2x64x512xf32, #tpu.memory_space<vmem>>, vector<16xf32>,
          %mul3A_1263 = arith.constant 8 : i32
          %mul3A_1264 = arith.muli %scan3A_228, %mul3A_1263 : i32
          %add3A_1265 = arith.constant 5 : i32
          %add3A_1266 = arith.addi %mul3A_1264, %add3A_1265 : i32
          %add3A_1267 = arith.addf %get3A_54, %gather3A_269 : vector<16xf32>
          %swap3A_1268 = arith.constant 0 : i32
          %swap3A_1269 = arith.index_cast %swap3A_1268 : i32 to index
          %swap3A_1270 = arith.index_cast %add3A_1266 : i32 to index
          %swap3A_1271 = arith.constant 0 : index
          %swap3A_1272 = tpu.vector_load %arg7[%swap3A_1269, %swap3A_1270, %swap3A_1271] {strides = array<i32>} : memref<2x64x512xf32, #tpu.memory_space<vmem>>, vector<16xf32>,
          tpu.vector_store %arg7[%swap3A_1269, %swap3A_1270, %swap3A_1271], %add3A_1267 {strides = array<i32>} : memref<2x64x512xf32, #tpu.memory_space<vmem>>, vector<16xf32>,
          %add3A_1273 = arith.addf %get3A_57, %gather3A_269 : vector<16xf32>
          %swap3A_1274 = arith.constant 0 : i32
          %swap3A_1275 = arith.index_cast %swap3A_1274 : i32 to index
          %swap3A_1276 = arith.index_cast %add3A_1266 : i32 to index
          %swap3A_1277 = arith.constant 16 : index
          %swap3A_1278 = tpu.vector_load %arg7[%swap3A_1275, %swap3A_1276, %swap3A_1277] {strides = array<i32>} : memref<2x64x512xf32, #tpu.memory_space<vmem>>, vector<16xf32>,
          tpu.vector_store %arg7[%swap3A_1275, %swap3A_1276, %swap3A_1277], %add3A_1273 {strides = array<i32>} : memref<2x64x512xf32, #tpu.memory_space<vmem>>, vector<16xf32>,
          %add3A_1279 = arith.addf %get3A_60, %gather3A_269 : vector<16xf32>
          %swap3A_1280 = arith.constant 0 : i32
          %swap3A_1281 = arith.index_cast %swap3A_1280 : i32 to index
          %swap3A_1282 = arith.index_cast %add3A_1266 : i32 to index
          %swap3A_1283 = arith.constant 32 : index
          %swap3A_1284 = tpu.vector_load %arg7[%swap3A_1281, %swap3A_1282, %swap3A_1283] {strides = array<i32>} : memref<2x64x512xf32, #tpu.memory_space<vmem>>, vector<16xf32>,
          tpu.vector_store %arg7[%swap3A_1281, %swap3A_1282, %swap3A_1283], %add3A_1279 {strides = array<i32>} : memref<2x64x512xf32, #tpu.memory_space<vmem>>, vector<16xf32>,
          %add3A_1285 = arith.addf %get3A_63, %gather3A_269 : vector<16xf32>
          %swap3A_1286 = arith.constant 0 : i32
          %swap3A_1287 = arith.index_cast %swap3A_1286 : i32 to index
          %swap3A_1288 = arith.index_cast %add3A_1266 : i32 to index
          %swap3A_1289 = arith.constant 48 : index
          %swap3A_1290 = tpu.vector_load %arg7[%swap3A_1287, %swap3A_1288, %swap3A_1289] {strides = array<i32>} : memref<2x64x512xf32, #tpu.memory_space<vmem>>, vector<16xf32>,
          tpu.vector_store %arg7[%swap3A_1287, %swap3A_1288, %swap3A_1289], %add3A_1285 {strides = array<i32>} : memref<2x64x512xf32, #tpu.memory_space<vmem>>, vector<16xf32>,
          %add3A_1291 = arith.addf %get3A_66, %gather3A_269 : vector<16xf32>
          %swap3A_1292 = arith.constant 0 : i32
          %swap3A_1293 = arith.index_cast %swap3A_1292 : i32 to index
          %swap3A_1294 = arith.index_cast %add3A_1266 : i32 to index
          %swap3A_1295 = arith.constant 64 : index
          %swap3A_1296 = tpu.vector_load %arg7[%swap3A_1293, %swap3A_1294, %swap3A_1295] {strides = array<i32>} : memref<2x64x512xf32, #tpu.memory_space<vmem>>, vector<16xf32>,
          tpu.vector_store %arg7[%swap3A_1293, %swap3A_1294, %swap3A_1295], %add3A_1291 {strides = array<i32>} : memref<2x64x512xf32, #tpu.memory_space<vmem>>, vector<16xf32>,
          %add3A_1297 = arith.addf %get3A_69, %gather3A_269 : vector<16xf32>
          %swap3A_1298 = arith.constant 0 : i32
          %swap3A_1299 = arith.index_cast %swap3A_1298 : i32 to index
          %swap3A_1300 = arith.index_cast %add3A_1266 : i32 to index
          %swap3A_1301 = arith.constant 80 : index
          %swap3A_1302 = tpu.vector_load %arg7[%swap3A_1299, %swap3A_1300, %swap3A_1301] {strides = array<i32>} : memref<2x64x512xf32, #tpu.memory_space<vmem>>, vector<16xf32>,
          tpu.vector_store %arg7[%swap3A_1299, %swap3A_1300, %swap3A_1301], %add3A_1297 {strides = array<i32>} : memref<2x64x512xf32, #tpu.memory_space<vmem>>, vector<16xf32>,
          %add3A_1303 = arith.addf %get3A_72, %gather3A_269 : vector<16xf32>
          %swap3A_1304 = arith.constant 0 : i32
          %swap3A_1305 = arith.index_cast %swap3A_1304 : i32 to index
          %swap3A_1306 = arith.index_cast %add3A_1266 : i32 to index
          %swap3A_1307 = arith.constant 96 : index
          %swap3A_1308 = tpu.vector_load %arg7[%swap3A_1305, %swap3A_1306, %swap3A_1307] {strides = array<i32>} : memref<2x64x512xf32, #tpu.memory_space<vmem>>, vector<16xf32>,
          tpu.vector_store %arg7[%swap3A_1305, %swap3A_1306, %swap3A_1307], %add3A_1303 {strides = array<i32>} : memref<2x64x512xf32, #tpu.memory_space<vmem>>, vector<16xf32>,
          %add3A_1309 = arith.addf %get3A_75, %gather3A_269 : vector<16xf32>
          %swap3A_1310 = arith.constant 0 : i32
          %swap3A_1311 = arith.index_cast %swap3A_1310 : i32 to index
          %swap3A_1312 = arith.index_cast %add3A_1266 : i32 to index
          %swap3A_1313 = arith.constant 112 : index
          %swap3A_1314 = tpu.vector_load %arg7[%swap3A_1311, %swap3A_1312, %swap3A_1313] {strides = array<i32>} : memref<2x64x512xf32, #tpu.memory_space<vmem>>, vector<16xf32>,
          tpu.vector_store %arg7[%swap3A_1311, %swap3A_1312, %swap3A_1313], %add3A_1309 {strides = array<i32>} : memref<2x64x512xf32, #tpu.memory_space<vmem>>, vector<16xf32>,
          %add3A_1315 = arith.addf %get3A_78, %gather3A_269 : vector<16xf32>
          %swap3A_1316 = arith.constant 0 : i32
          %swap3A_1317 = arith.index_cast %swap3A_1316 : i32 to index
          %swap3A_1318 = arith.index_cast %add3A_1266 : i32 to index
          %swap3A_1319 = arith.constant 128 : index
          %swap3A_1320 = tpu.vector_load %arg7[%swap3A_1317, %swap3A_1318, %swap3A_1319] {strides = array<i32>} : memref<2x64x512xf32, #tpu.memory_space<vmem>>, vector<16xf32>,
          tpu.vector_store %arg7[%swap3A_1317, %swap3A_1318, %swap3A_1319], %add3A_1315 {strides = array<i32>} : memref<2x64x512xf32, #tpu.memory_space<vmem>>, vector<16xf32>,
          %add3A_1321 = arith.addf %get3A_81, %gather3A_269 : vector<16xf32>
          %swap3A_1322 = arith.constant 0 : i32
          %swap3A_1323 = arith.index_cast %swap3A_1322 : i32 to index
          %swap3A_1324 = arith.index_cast %add3A_1266 : i32 to index
          %swap3A_1325 = arith.constant 144 : index
          %swap3A_1326 = tpu.vector_load %arg7[%swap3A_1323, %swap3A_1324, %swap3A_1325] {strides = array<i32>} : memref<2x64x512xf32, #tpu.memory_space<vmem>>, vector<16xf32>,
          tpu.vector_store %arg7[%swap3A_1323, %swap3A_1324, %swap3A_1325], %add3A_1321 {strides = array<i32>} : memref<2x64x512xf32, #tpu.memory_space<vmem>>, vector<16xf32>,
          %add3A_1327 = arith.addf %get3A_84, %gather3A_269 : vector<16xf32>
          %swap3A_1328 = arith.constant 0 : i32
          %swap3A_1329 = arith.index_cast %swap3A_1328 : i32 to index
          %swap3A_1330 = arith.index_cast %add3A_1266 : i32 to index
          %swap3A_1331 = arith.constant 160 : index
          %swap3A_1332 = tpu.vector_load %arg7[%swap3A_1329, %swap3A_1330, %swap3A_1331] {strides = array<i32>} : memref<2x64x512xf32, #tpu.memory_space<vmem>>, vector<16xf32>,
          tpu.vector_store %arg7[%swap3A_1329, %swap3A_1330, %swap3A_1331], %add3A_1327 {strides = array<i32>} : memref<2x64x512xf32, #tpu.memory_space<vmem>>, vector<16xf32>,
          %add3A_1333 = arith.addf %get3A_87, %gather3A_269 : vector<16xf32>
          %swap3A_1334 = arith.constant 0 : i32
          %swap3A_1335 = arith.index_cast %swap3A_1334 : i32 to index
          %swap3A_1336 = arith.index_cast %add3A_1266 : i32 to index
          %swap3A_1337 = arith.constant 176 : index
          %swap3A_1338 = tpu.vector_load %arg7[%swap3A_1335, %swap3A_1336, %swap3A_1337] {strides = array<i32>} : memref<2x64x512xf32, #tpu.memory_space<vmem>>, vector<16xf32>,
          tpu.vector_store %arg7[%swap3A_1335, %swap3A_1336, %swap3A_1337], %add3A_1333 {strides = array<i32>} : memref<2x64x512xf32, #tpu.memory_space<vmem>>, vector<16xf32>,
          %add3A_1339 = arith.addf %get3A_90, %gather3A_269 : vector<16xf32>
          %swap3A_1340 = arith.constant 0 : i32
          %swap3A_1341 = arith.index_cast %swap3A_1340 : i32 to index
          %swap3A_1342 = arith.index_cast %add3A_1266 : i32 to index
          %swap3A_1343 = arith.constant 192 : index
          %swap3A_1344 = tpu.vector_load %arg7[%swap3A_1341, %swap3A_1342, %swap3A_1343] {strides = array<i32>} : memref<2x64x512xf32, #tpu.memory_space<vmem>>, vector<16xf32>,
          tpu.vector_store %arg7[%swap3A_1341, %swap3A_1342, %swap3A_1343], %add3A_1339 {strides = array<i32>} : memref<2x64x512xf32, #tpu.memory_space<vmem>>, vector<16xf32>,
          %add3A_1345 = arith.addf %get3A_93, %gather3A_269 : vector<16xf32>
          %swap3A_1346 = arith.constant 0 : i32
          %swap3A_1347 = arith.index_cast %swap3A_1346 : i32 to index
          %swap3A_1348 = arith.index_cast %add3A_1266 : i32 to index
          %swap3A_1349 = arith.constant 208 : index
          %swap3A_1350 = tpu.vector_load %arg7[%swap3A_1347, %swap3A_1348, %swap3A_1349] {strides = array<i32>} : memref<2x64x512xf32, #tpu.memory_space<vmem>>, vector<16xf32>,
          tpu.vector_store %arg7[%swap3A_1347, %swap3A_1348, %swap3A_1349], %add3A_1345 {strides = array<i32>} : memref<2x64x512xf32, #tpu.memory_space<vmem>>, vector<16xf32>,
          %add3A_1351 = arith.addf %get3A_96, %gather3A_269 : vector<16xf32>
          %swap3A_1352 = arith.constant 0 : i32
          %swap3A_1353 = arith.index_cast %swap3A_1352 : i32 to index
          %swap3A_1354 = arith.index_cast %add3A_1266 : i32 to index
          %swap3A_1355 = arith.constant 224 : index
          %swap3A_1356 = tpu.vector_load %arg7[%swap3A_1353, %swap3A_1354, %swap3A_1355] {strides = array<i32>} : memref<2x64x512xf32, #tpu.memory_space<vmem>>, vector<16xf32>,
          tpu.vector_store %arg7[%swap3A_1353, %swap3A_1354, %swap3A_1355], %add3A_1351 {strides = array<i32>} : memref<2x64x512xf32, #tpu.memory_space<vmem>>, vector<16xf32>,
          %add3A_1357 = arith.addf %get3A_99, %gather3A_269 : vector<16xf32>
          %swap3A_1358 = arith.constant 0 : i32
          %swap3A_1359 = arith.index_cast %swap3A_1358 : i32 to index
          %swap3A_1360 = arith.index_cast %add3A_1266 : i32 to index
          %swap3A_1361 = arith.constant 240 : index
          %swap3A_1362 = tpu.vector_load %arg7[%swap3A_1359, %swap3A_1360, %swap3A_1361] {strides = array<i32>} : memref<2x64x512xf32, #tpu.memory_space<vmem>>, vector<16xf32>,
          tpu.vector_store %arg7[%swap3A_1359, %swap3A_1360, %swap3A_1361], %add3A_1357 {strides = array<i32>} : memref<2x64x512xf32, #tpu.memory_space<vmem>>, vector<16xf32>,
          %add3A_1363 = arith.addf %get3A_102, %gather3A_269 : vector<16xf32>
          %swap3A_1364 = arith.constant 0 : i32
          %swap3A_1365 = arith.index_cast %swap3A_1364 : i32 to index
          %swap3A_1366 = arith.index_cast %add3A_1266 : i32 to index
          %swap3A_1367 = arith.constant 256 : index
          %swap3A_1368 = tpu.vector_load %arg7[%swap3A_1365, %swap3A_1366, %swap3A_1367] {strides = array<i32>} : memref<2x64x512xf32, #tpu.memory_space<vmem>>, vector<16xf32>,
          tpu.vector_store %arg7[%swap3A_1365, %swap3A_1366, %swap3A_1367], %add3A_1363 {strides = array<i32>} : memref<2x64x512xf32, #tpu.memory_space<vmem>>, vector<16xf32>,
          %add3A_1369 = arith.addf %get3A_105, %gather3A_269 : vector<16xf32>
          %swap3A_1370 = arith.constant 0 : i32
          %swap3A_1371 = arith.index_cast %swap3A_1370 : i32 to index
          %swap3A_1372 = arith.index_cast %add3A_1266 : i32 to index
          %swap3A_1373 = arith.constant 272 : index
          %swap3A_1374 = tpu.vector_load %arg7[%swap3A_1371, %swap3A_1372, %swap3A_1373] {strides = array<i32>} : memref<2x64x512xf32, #tpu.memory_space<vmem>>, vector<16xf32>,
          tpu.vector_store %arg7[%swap3A_1371, %swap3A_1372, %swap3A_1373], %add3A_1369 {strides = array<i32>} : memref<2x64x512xf32, #tpu.memory_space<vmem>>, vector<16xf32>,
          %add3A_1375 = arith.addf %get3A_108, %gather3A_269 : vector<16xf32>
          %swap3A_1376 = arith.constant 0 : i32
          %swap3A_1377 = arith.index_cast %swap3A_1376 : i32 to index
          %swap3A_1378 = arith.index_cast %add3A_1266 : i32 to index
          %swap3A_1379 = arith.constant 288 : index
          %swap3A_1380 = tpu.vector_load %arg7[%swap3A_1377, %swap3A_1378, %swap3A_1379] {strides = array<i32>} : memref<2x64x512xf32, #tpu.memory_space<vmem>>, vector<16xf32>,
          tpu.vector_store %arg7[%swap3A_1377, %swap3A_1378, %swap3A_1379], %add3A_1375 {strides = array<i32>} : memref<2x64x512xf32, #tpu.memory_space<vmem>>, vector<16xf32>,
          %add3A_1381 = arith.addf %get3A_111, %gather3A_269 : vector<16xf32>
          %swap3A_1382 = arith.constant 0 : i32
          %swap3A_1383 = arith.index_cast %swap3A_1382 : i32 to index
          %swap3A_1384 = arith.index_cast %add3A_1266 : i32 to index
          %swap3A_1385 = arith.constant 304 : index
          %swap3A_1386 = tpu.vector_load %arg7[%swap3A_1383, %swap3A_1384, %swap3A_1385] {strides = array<i32>} : memref<2x64x512xf32, #tpu.memory_space<vmem>>, vector<16xf32>,
          tpu.vector_store %arg7[%swap3A_1383, %swap3A_1384, %swap3A_1385], %add3A_1381 {strides = array<i32>} : memref<2x64x512xf32, #tpu.memory_space<vmem>>, vector<16xf32>,
          %add3A_1387 = arith.addf %get3A_114, %gather3A_269 : vector<16xf32>
          %swap3A_1388 = arith.constant 0 : i32
          %swap3A_1389 = arith.index_cast %swap3A_1388 : i32 to index
          %swap3A_1390 = arith.index_cast %add3A_1266 : i32 to index
          %swap3A_1391 = arith.constant 320 : index
          %swap3A_1392 = tpu.vector_load %arg7[%swap3A_1389, %swap3A_1390, %swap3A_1391] {strides = array<i32>} : memref<2x64x512xf32, #tpu.memory_space<vmem>>, vector<16xf32>,
          tpu.vector_store %arg7[%swap3A_1389, %swap3A_1390, %swap3A_1391], %add3A_1387 {strides = array<i32>} : memref<2x64x512xf32, #tpu.memory_space<vmem>>, vector<16xf32>,
          %add3A_1393 = arith.addf %get3A_117, %gather3A_269 : vector<16xf32>
          %swap3A_1394 = arith.constant 0 : i32
          %swap3A_1395 = arith.index_cast %swap3A_1394 : i32 to index
          %swap3A_1396 = arith.index_cast %add3A_1266 : i32 to index
          %swap3A_1397 = arith.constant 336 : index
          %swap3A_1398 = tpu.vector_load %arg7[%swap3A_1395, %swap3A_1396, %swap3A_1397] {strides = array<i32>} : memref<2x64x512xf32, #tpu.memory_space<vmem>>, vector<16xf32>,
          tpu.vector_store %arg7[%swap3A_1395, %swap3A_1396, %swap3A_1397], %add3A_1393 {strides = array<i32>} : memref<2x64x512xf32, #tpu.memory_space<vmem>>, vector<16xf32>,
          %add3A_1399 = arith.addf %get3A_120, %gather3A_269 : vector<16xf32>
          %swap3A_1400 = arith.constant 0 : i32
          %swap3A_1401 = arith.index_cast %swap3A_1400 : i32 to index
          %swap3A_1402 = arith.index_cast %add3A_1266 : i32 to index
          %swap3A_1403 = arith.constant 352 : index
          %swap3A_1404 = tpu.vector_load %arg7[%swap3A_1401, %swap3A_1402, %swap3A_1403] {strides = array<i32>} : memref<2x64x512xf32, #tpu.memory_space<vmem>>, vector<16xf32>,
          tpu.vector_store %arg7[%swap3A_1401, %swap3A_1402, %swap3A_1403], %add3A_1399 {strides = array<i32>} : memref<2x64x512xf32, #tpu.memory_space<vmem>>, vector<16xf32>,
          %add3A_1405 = arith.addf %get3A_123, %gather3A_269 : vector<16xf32>
          %swap3A_1406 = arith.constant 0 : i32
          %swap3A_1407 = arith.index_cast %swap3A_1406 : i32 to index
          %swap3A_1408 = arith.index_cast %add3A_1266 : i32 to index
          %swap3A_1409 = arith.constant 368 : index
          %swap3A_1410 = tpu.vector_load %arg7[%swap3A_1407, %swap3A_1408, %swap3A_1409] {strides = array<i32>} : memref<2x64x512xf32, #tpu.memory_space<vmem>>, vector<16xf32>,
          tpu.vector_store %arg7[%swap3A_1407, %swap3A_1408, %swap3A_1409], %add3A_1405 {strides = array<i32>} : memref<2x64x512xf32, #tpu.memory_space<vmem>>, vector<16xf32>,
          %add3A_1411 = arith.addf %get3A_126, %gather3A_269 : vector<16xf32>
          %swap3A_1412 = arith.constant 0 : i32
          %swap3A_1413 = arith.index_cast %swap3A_1412 : i32 to index
          %swap3A_1414 = arith.index_cast %add3A_1266 : i32 to index
          %swap3A_1415 = arith.constant 384 : index
          %swap3A_1416 = tpu.vector_load %arg7[%swap3A_1413, %swap3A_1414, %swap3A_1415] {strides = array<i32>} : memref<2x64x512xf32, #tpu.memory_space<vmem>>, vector<16xf32>,
          tpu.vector_store %arg7[%swap3A_1413, %swap3A_1414, %swap3A_1415], %add3A_1411 {strides = array<i32>} : memref<2x64x512xf32, #tpu.memory_space<vmem>>, vector<16xf32>,
          %add3A_1417 = arith.addf %get3A_129, %gather3A_269 : vector<16xf32>
          %swap3A_1418 = arith.constant 0 : i32
          %swap3A_1419 = arith.index_cast %swap3A_1418 : i32 to index
          %swap3A_1420 = arith.index_cast %add3A_1266 : i32 to index
          %swap3A_1421 = arith.constant 400 : index
          %swap3A_1422 = tpu.vector_load %arg7[%swap3A_1419, %swap3A_1420, %swap3A_1421] {strides = array<i32>} : memref<2x64x512xf32, #tpu.memory_space<vmem>>, vector<16xf32>,
          tpu.vector_store %arg7[%swap3A_1419, %swap3A_1420, %swap3A_1421], %add3A_1417 {strides = array<i32>} : memref<2x64x512xf32, #tpu.memory_space<vmem>>, vector<16xf32>,
          %add3A_1423 = arith.addf %get3A_132, %gather3A_269 : vector<16xf32>
          %swap3A_1424 = arith.constant 0 : i32
          %swap3A_1425 = arith.index_cast %swap3A_1424 : i32 to index
          %swap3A_1426 = arith.index_cast %add3A_1266 : i32 to index
          %swap3A_1427 = arith.constant 416 : index
          %swap3A_1428 = tpu.vector_load %arg7[%swap3A_1425, %swap3A_1426, %swap3A_1427] {strides = array<i32>} : memref<2x64x512xf32, #tpu.memory_space<vmem>>, vector<16xf32>,
          tpu.vector_store %arg7[%swap3A_1425, %swap3A_1426, %swap3A_1427], %add3A_1423 {strides = array<i32>} : memref<2x64x512xf32, #tpu.memory_space<vmem>>, vector<16xf32>,
          %add3A_1429 = arith.addf %get3A_135, %gather3A_269 : vector<16xf32>
          %swap3A_1430 = arith.constant 0 : i32
          %swap3A_1431 = arith.index_cast %swap3A_1430 : i32 to index
          %swap3A_1432 = arith.index_cast %add3A_1266 : i32 to index
          %swap3A_1433 = arith.constant 432 : index
          %swap3A_1434 = tpu.vector_load %arg7[%swap3A_1431, %swap3A_1432, %swap3A_1433] {strides = array<i32>} : memref<2x64x512xf32, #tpu.memory_space<vmem>>, vector<16xf32>,
          tpu.vector_store %arg7[%swap3A_1431, %swap3A_1432, %swap3A_1433], %add3A_1429 {strides = array<i32>} : memref<2x64x512xf32, #tpu.memory_space<vmem>>, vector<16xf32>,
          %add3A_1435 = arith.addf %get3A_138, %gather3A_269 : vector<16xf32>
          %swap3A_1436 = arith.constant 0 : i32
          %swap3A_1437 = arith.index_cast %swap3A_1436 : i32 to index
          %swap3A_1438 = arith.index_cast %add3A_1266 : i32 to index
          %swap3A_1439 = arith.constant 448 : index
          %swap3A_1440 = tpu.vector_load %arg7[%swap3A_1437, %swap3A_1438, %swap3A_1439] {strides = array<i32>} : memref<2x64x512xf32, #tpu.memory_space<vmem>>, vector<16xf32>,
          tpu.vector_store %arg7[%swap3A_1437, %swap3A_1438, %swap3A_1439], %add3A_1435 {strides = array<i32>} : memref<2x64x512xf32, #tpu.memory_space<vmem>>, vector<16xf32>,
          %add3A_1441 = arith.addf %get3A_141, %gather3A_269 : vector<16xf32>
          %swap3A_1442 = arith.constant 0 : i32
          %swap3A_1443 = arith.index_cast %swap3A_1442 : i32 to index
          %swap3A_1444 = arith.index_cast %add3A_1266 : i32 to index
          %swap3A_1445 = arith.constant 464 : index
          %swap3A_1446 = tpu.vector_load %arg7[%swap3A_1443, %swap3A_1444, %swap3A_1445] {strides = array<i32>} : memref<2x64x512xf32, #tpu.memory_space<vmem>>, vector<16xf32>,
          tpu.vector_store %arg7[%swap3A_1443, %swap3A_1444, %swap3A_1445], %add3A_1441 {strides = array<i32>} : memref<2x64x512xf32, #tpu.memory_space<vmem>>, vector<16xf32>,
          %add3A_1447 = arith.addf %get3A_144, %gather3A_269 : vector<16xf32>
          %swap3A_1448 = arith.constant 0 : i32
          %swap3A_1449 = arith.index_cast %swap3A_1448 : i32 to index
          %swap3A_1450 = arith.index_cast %add3A_1266 : i32 to index
          %swap3A_1451 = arith.constant 480 : index
          %swap3A_1452 = tpu.vector_load %arg7[%swap3A_1449, %swap3A_1450, %swap3A_1451] {strides = array<i32>} : memref<2x64x512xf32, #tpu.memory_space<vmem>>, vector<16xf32>,
          tpu.vector_store %arg7[%swap3A_1449, %swap3A_1450, %swap3A_1451], %add3A_1447 {strides = array<i32>} : memref<2x64x512xf32, #tpu.memory_space<vmem>>, vector<16xf32>,
          %add3A_1453 = arith.addf %get3A_147, %gather3A_269 : vector<16xf32>
          %swap3A_1454 = arith.constant 0 : i32
          %swap3A_1455 = arith.index_cast %swap3A_1454 : i32 to index
          %swap3A_1456 = arith.index_cast %add3A_1266 : i32 to index
          %swap3A_1457 = arith.constant 496 : index
          %swap3A_1458 = tpu.vector_load %arg7[%swap3A_1455, %swap3A_1456, %swap3A_1457] {strides = array<i32>} : memref<2x64x512xf32, #tpu.memory_space<vmem>>, vector<16xf32>,
          tpu.vector_store %arg7[%swap3A_1455, %swap3A_1456, %swap3A_1457], %add3A_1453 {strides = array<i32>} : memref<2x64x512xf32, #tpu.memory_space<vmem>>, vector<16xf32>,
          %mul3A_1459 = arith.constant 8 : i32
          %mul3A_1460 = arith.muli %scan3A_228, %mul3A_1459 : i32
          %add3A_1461 = arith.constant 6 : i32
          %add3A_1462 = arith.addi %mul3A_1460, %add3A_1461 : i32
          %add3A_1463 = arith.addf %get3A_54, %gather3A_276 : vector<16xf32>
          %swap3A_1464 = arith.constant 0 : i32
          %swap3A_1465 = arith.index_cast %swap3A_1464 : i32 to index
          %swap3A_1466 = arith.index_cast %add3A_1462 : i32 to index
          %swap3A_1467 = arith.constant 0 : index
          %swap3A_1468 = tpu.vector_load %arg7[%swap3A_1465, %swap3A_1466, %swap3A_1467] {strides = array<i32>} : memref<2x64x512xf32, #tpu.memory_space<vmem>>, vector<16xf32>,
          tpu.vector_store %arg7[%swap3A_1465, %swap3A_1466, %swap3A_1467], %add3A_1463 {strides = array<i32>} : memref<2x64x512xf32, #tpu.memory_space<vmem>>, vector<16xf32>,
          %add3A_1469 = arith.addf %get3A_57, %gather3A_276 : vector<16xf32>
          %swap3A_1470 = arith.constant 0 : i32
          %swap3A_1471 = arith.index_cast %swap3A_1470 : i32 to index
          %swap3A_1472 = arith.index_cast %add3A_1462 : i32 to index
          %swap3A_1473 = arith.constant 16 : index
          %swap3A_1474 = tpu.vector_load %arg7[%swap3A_1471, %swap3A_1472, %swap3A_1473] {strides = array<i32>} : memref<2x64x512xf32, #tpu.memory_space<vmem>>, vector<16xf32>,
          tpu.vector_store %arg7[%swap3A_1471, %swap3A_1472, %swap3A_1473], %add3A_1469 {strides = array<i32>} : memref<2x64x512xf32, #tpu.memory_space<vmem>>, vector<16xf32>,
          %add3A_1475 = arith.addf %get3A_60, %gather3A_276 : vector<16xf32>
          %swap3A_1476 = arith.constant 0 : i32
          %swap3A_1477 = arith.index_cast %swap3A_1476 : i32 to index
          %swap3A_1478 = arith.index_cast %add3A_1462 : i32 to index
          %swap3A_1479 = arith.constant 32 : index
          %swap3A_1480 = tpu.vector_load %arg7[%swap3A_1477, %swap3A_1478, %swap3A_1479] {strides = array<i32>} : memref<2x64x512xf32, #tpu.memory_space<vmem>>, vector<16xf32>,
          tpu.vector_store %arg7[%swap3A_1477, %swap3A_1478, %swap3A_1479], %add3A_1475 {strides = array<i32>} : memref<2x64x512xf32, #tpu.memory_space<vmem>>, vector<16xf32>,
          %add3A_1481 = arith.addf %get3A_63, %gather3A_276 : vector<16xf32>
          %swap3A_1482 = arith.constant 0 : i32
          %swap3A_1483 = arith.index_cast %swap3A_1482 : i32 to index
          %swap3A_1484 = arith.index_cast %add3A_1462 : i32 to index
          %swap3A_1485 = arith.constant 48 : index
          %swap3A_1486 = tpu.vector_load %arg7[%swap3A_1483, %swap3A_1484, %swap3A_1485] {strides = array<i32>} : memref<2x64x512xf32, #tpu.memory_space<vmem>>, vector<16xf32>,
          tpu.vector_store %arg7[%swap3A_1483, %swap3A_1484, %swap3A_1485], %add3A_1481 {strides = array<i32>} : memref<2x64x512xf32, #tpu.memory_space<vmem>>, vector<16xf32>,
          %add3A_1487 = arith.addf %get3A_66, %gather3A_276 : vector<16xf32>
          %swap3A_1488 = arith.constant 0 : i32
          %swap3A_1489 = arith.index_cast %swap3A_1488 : i32 to index
          %swap3A_1490 = arith.index_cast %add3A_1462 : i32 to index
          %swap3A_1491 = arith.constant 64 : index
          %swap3A_1492 = tpu.vector_load %arg7[%swap3A_1489, %swap3A_1490, %swap3A_1491] {strides = array<i32>} : memref<2x64x512xf32, #tpu.memory_space<vmem>>, vector<16xf32>,
          tpu.vector_store %arg7[%swap3A_1489, %swap3A_1490, %swap3A_1491], %add3A_1487 {strides = array<i32>} : memref<2x64x512xf32, #tpu.memory_space<vmem>>, vector<16xf32>,
          %add3A_1493 = arith.addf %get3A_69, %gather3A_276 : vector<16xf32>
          %swap3A_1494 = arith.constant 0 : i32
          %swap3A_1495 = arith.index_cast %swap3A_1494 : i32 to index
          %swap3A_1496 = arith.index_cast %add3A_1462 : i32 to index
          %swap3A_1497 = arith.constant 80 : index
          %swap3A_1498 = tpu.vector_load %arg7[%swap3A_1495, %swap3A_1496, %swap3A_1497] {strides = array<i32>} : memref<2x64x512xf32, #tpu.memory_space<vmem>>, vector<16xf32>,
          tpu.vector_store %arg7[%swap3A_1495, %swap3A_1496, %swap3A_1497], %add3A_1493 {strides = array<i32>} : memref<2x64x512xf32, #tpu.memory_space<vmem>>, vector<16xf32>,
          %add3A_1499 = arith.addf %get3A_72, %gather3A_276 : vector<16xf32>
          %swap3A_1500 = arith.constant 0 : i32
          %swap3A_1501 = arith.index_cast %swap3A_1500 : i32 to index
          %swap3A_1502 = arith.index_cast %add3A_1462 : i32 to index
          %swap3A_1503 = arith.constant 96 : index
          %swap3A_1504 = tpu.vector_load %arg7[%swap3A_1501, %swap3A_1502, %swap3A_1503] {strides = array<i32>} : memref<2x64x512xf32, #tpu.memory_space<vmem>>, vector<16xf32>,
          tpu.vector_store %arg7[%swap3A_1501, %swap3A_1502, %swap3A_1503], %add3A_1499 {strides = array<i32>} : memref<2x64x512xf32, #tpu.memory_space<vmem>>, vector<16xf32>,
          %add3A_1505 = arith.addf %get3A_75, %gather3A_276 : vector<16xf32>
          %swap3A_1506 = arith.constant 0 : i32
          %swap3A_1507 = arith.index_cast %swap3A_1506 : i32 to index
          %swap3A_1508 = arith.index_cast %add3A_1462 : i32 to index
          %swap3A_1509 = arith.constant 112 : index
          %swap3A_1510 = tpu.vector_load %arg7[%swap3A_1507, %swap3A_1508, %swap3A_1509] {strides = array<i32>} : memref<2x64x512xf32, #tpu.memory_space<vmem>>, vector<16xf32>,
          tpu.vector_store %arg7[%swap3A_1507, %swap3A_1508, %swap3A_1509], %add3A_1505 {strides = array<i32>} : memref<2x64x512xf32, #tpu.memory_space<vmem>>, vector<16xf32>,
          %add3A_1511 = arith.addf %get3A_78, %gather3A_276 : vector<16xf32>
          %swap3A_1512 = arith.constant 0 : i32
          %swap3A_1513 = arith.index_cast %swap3A_1512 : i32 to index
          %swap3A_1514 = arith.index_cast %add3A_1462 : i32 to index
          %swap3A_1515 = arith.constant 128 : index
          %swap3A_1516 = tpu.vector_load %arg7[%swap3A_1513, %swap3A_1514, %swap3A_1515] {strides = array<i32>} : memref<2x64x512xf32, #tpu.memory_space<vmem>>, vector<16xf32>,
          tpu.vector_store %arg7[%swap3A_1513, %swap3A_1514, %swap3A_1515], %add3A_1511 {strides = array<i32>} : memref<2x64x512xf32, #tpu.memory_space<vmem>>, vector<16xf32>,
          %add3A_1517 = arith.addf %get3A_81, %gather3A_276 : vector<16xf32>
          %swap3A_1518 = arith.constant 0 : i32
          %swap3A_1519 = arith.index_cast %swap3A_1518 : i32 to index
          %swap3A_1520 = arith.index_cast %add3A_1462 : i32 to index
          %swap3A_1521 = arith.constant 144 : index
          %swap3A_1522 = tpu.vector_load %arg7[%swap3A_1519, %swap3A_1520, %swap3A_1521] {strides = array<i32>} : memref<2x64x512xf32, #tpu.memory_space<vmem>>, vector<16xf32>,
          tpu.vector_store %arg7[%swap3A_1519, %swap3A_1520, %swap3A_1521], %add3A_1517 {strides = array<i32>} : memref<2x64x512xf32, #tpu.memory_space<vmem>>, vector<16xf32>,
          %add3A_1523 = arith.addf %get3A_84, %gather3A_276 : vector<16xf32>
          %swap3A_1524 = arith.constant 0 : i32
          %swap3A_1525 = arith.index_cast %swap3A_1524 : i32 to index
          %swap3A_1526 = arith.index_cast %add3A_1462 : i32 to index
          %swap3A_1527 = arith.constant 160 : index
          %swap3A_1528 = tpu.vector_load %arg7[%swap3A_1525, %swap3A_1526, %swap3A_1527] {strides = array<i32>} : memref<2x64x512xf32, #tpu.memory_space<vmem>>, vector<16xf32>,
          tpu.vector_store %arg7[%swap3A_1525, %swap3A_1526, %swap3A_1527], %add3A_1523 {strides = array<i32>} : memref<2x64x512xf32, #tpu.memory_space<vmem>>, vector<16xf32>,
          %add3A_1529 = arith.addf %get3A_87, %gather3A_276 : vector<16xf32>
          %swap3A_1530 = arith.constant 0 : i32
          %swap3A_1531 = arith.index_cast %swap3A_1530 : i32 to index
          %swap3A_1532 = arith.index_cast %add3A_1462 : i32 to index
          %swap3A_1533 = arith.constant 176 : index
          %swap3A_1534 = tpu.vector_load %arg7[%swap3A_1531, %swap3A_1532, %swap3A_1533] {strides = array<i32>} : memref<2x64x512xf32, #tpu.memory_space<vmem>>, vector<16xf32>,
          tpu.vector_store %arg7[%swap3A_1531, %swap3A_1532, %swap3A_1533], %add3A_1529 {strides = array<i32>} : memref<2x64x512xf32, #tpu.memory_space<vmem>>, vector<16xf32>,
          %add3A_1535 = arith.addf %get3A_90, %gather3A_276 : vector<16xf32>
          %swap3A_1536 = arith.constant 0 : i32
          %swap3A_1537 = arith.index_cast %swap3A_1536 : i32 to index
          %swap3A_1538 = arith.index_cast %add3A_1462 : i32 to index
          %swap3A_1539 = arith.constant 192 : index
          %swap3A_1540 = tpu.vector_load %arg7[%swap3A_1537, %swap3A_1538, %swap3A_1539] {strides = array<i32>} : memref<2x64x512xf32, #tpu.memory_space<vmem>>, vector<16xf32>,
          tpu.vector_store %arg7[%swap3A_1537, %swap3A_1538, %swap3A_1539], %add3A_1535 {strides = array<i32>} : memref<2x64x512xf32, #tpu.memory_space<vmem>>, vector<16xf32>,
          %add3A_1541 = arith.addf %get3A_93, %gather3A_276 : vector<16xf32>
          %swap3A_1542 = arith.constant 0 : i32
          %swap3A_1543 = arith.index_cast %swap3A_1542 : i32 to index
          %swap3A_1544 = arith.index_cast %add3A_1462 : i32 to index
          %swap3A_1545 = arith.constant 208 : index
          %swap3A_1546 = tpu.vector_load %arg7[%swap3A_1543, %swap3A_1544, %swap3A_1545] {strides = array<i32>} : memref<2x64x512xf32, #tpu.memory_space<vmem>>, vector<16xf32>,
          tpu.vector_store %arg7[%swap3A_1543, %swap3A_1544, %swap3A_1545], %add3A_1541 {strides = array<i32>} : memref<2x64x512xf32, #tpu.memory_space<vmem>>, vector<16xf32>,
          %add3A_1547 = arith.addf %get3A_96, %gather3A_276 : vector<16xf32>
          %swap3A_1548 = arith.constant 0 : i32
          %swap3A_1549 = arith.index_cast %swap3A_1548 : i32 to index
          %swap3A_1550 = arith.index_cast %add3A_1462 : i32 to index
          %swap3A_1551 = arith.constant 224 : index
          %swap3A_1552 = tpu.vector_load %arg7[%swap3A_1549, %swap3A_1550, %swap3A_1551] {strides = array<i32>} : memref<2x64x512xf32, #tpu.memory_space<vmem>>, vector<16xf32>,
          tpu.vector_store %arg7[%swap3A_1549, %swap3A_1550, %swap3A_1551], %add3A_1547 {strides = array<i32>} : memref<2x64x512xf32, #tpu.memory_space<vmem>>, vector<16xf32>,
          %add3A_1553 = arith.addf %get3A_99, %gather3A_276 : vector<16xf32>
          %swap3A_1554 = arith.constant 0 : i32
          %swap3A_1555 = arith.index_cast %swap3A_1554 : i32 to index
          %swap3A_1556 = arith.index_cast %add3A_1462 : i32 to index
          %swap3A_1557 = arith.constant 240 : index
          %swap3A_1558 = tpu.vector_load %arg7[%swap3A_1555, %swap3A_1556, %swap3A_1557] {strides = array<i32>} : memref<2x64x512xf32, #tpu.memory_space<vmem>>, vector<16xf32>,
          tpu.vector_store %arg7[%swap3A_1555, %swap3A_1556, %swap3A_1557], %add3A_1553 {strides = array<i32>} : memref<2x64x512xf32, #tpu.memory_space<vmem>>, vector<16xf32>,
          %add3A_1559 = arith.addf %get3A_102, %gather3A_276 : vector<16xf32>
          %swap3A_1560 = arith.constant 0 : i32
          %swap3A_1561 = arith.index_cast %swap3A_1560 : i32 to index
          %swap3A_1562 = arith.index_cast %add3A_1462 : i32 to index
          %swap3A_1563 = arith.constant 256 : index
          %swap3A_1564 = tpu.vector_load %arg7[%swap3A_1561, %swap3A_1562, %swap3A_1563] {strides = array<i32>} : memref<2x64x512xf32, #tpu.memory_space<vmem>>, vector<16xf32>,
          tpu.vector_store %arg7[%swap3A_1561, %swap3A_1562, %swap3A_1563], %add3A_1559 {strides = array<i32>} : memref<2x64x512xf32, #tpu.memory_space<vmem>>, vector<16xf32>,
          %add3A_1565 = arith.addf %get3A_105, %gather3A_276 : vector<16xf32>
          %swap3A_1566 = arith.constant 0 : i32
          %swap3A_1567 = arith.index_cast %swap3A_1566 : i32 to index
          %swap3A_1568 = arith.index_cast %add3A_1462 : i32 to index
          %swap3A_1569 = arith.constant 272 : index
          %swap3A_1570 = tpu.vector_load %arg7[%swap3A_1567, %swap3A_1568, %swap3A_1569] {strides = array<i32>} : memref<2x64x512xf32, #tpu.memory_space<vmem>>, vector<16xf32>,
          tpu.vector_store %arg7[%swap3A_1567, %swap3A_1568, %swap3A_1569], %add3A_1565 {strides = array<i32>} : memref<2x64x512xf32, #tpu.memory_space<vmem>>, vector<16xf32>,
          %add3A_1571 = arith.addf %get3A_108, %gather3A_276 : vector<16xf32>
          %swap3A_1572 = arith.constant 0 : i32
          %swap3A_1573 = arith.index_cast %swap3A_1572 : i32 to index
          %swap3A_1574 = arith.index_cast %add3A_1462 : i32 to index
          %swap3A_1575 = arith.constant 288 : index
          %swap3A_1576 = tpu.vector_load %arg7[%swap3A_1573, %swap3A_1574, %swap3A_1575] {strides = array<i32>} : memref<2x64x512xf32, #tpu.memory_space<vmem>>, vector<16xf32>,
          tpu.vector_store %arg7[%swap3A_1573, %swap3A_1574, %swap3A_1575], %add3A_1571 {strides = array<i32>} : memref<2x64x512xf32, #tpu.memory_space<vmem>>, vector<16xf32>,
          %add3A_1577 = arith.addf %get3A_111, %gather3A_276 : vector<16xf32>
          %swap3A_1578 = arith.constant 0 : i32
          %swap3A_1579 = arith.index_cast %swap3A_1578 : i32 to index
          %swap3A_1580 = arith.index_cast %add3A_1462 : i32 to index
          %swap3A_1581 = arith.constant 304 : index
          %swap3A_1582 = tpu.vector_load %arg7[%swap3A_1579, %swap3A_1580, %swap3A_1581] {strides = array<i32>} : memref<2x64x512xf32, #tpu.memory_space<vmem>>, vector<16xf32>,
          tpu.vector_store %arg7[%swap3A_1579, %swap3A_1580, %swap3A_1581], %add3A_1577 {strides = array<i32>} : memref<2x64x512xf32, #tpu.memory_space<vmem>>, vector<16xf32>,
          %add3A_1583 = arith.addf %get3A_114, %gather3A_276 : vector<16xf32>
          %swap3A_1584 = arith.constant 0 : i32
          %swap3A_1585 = arith.index_cast %swap3A_1584 : i32 to index
          %swap3A_1586 = arith.index_cast %add3A_1462 : i32 to index
          %swap3A_1587 = arith.constant 320 : index
          %swap3A_1588 = tpu.vector_load %arg7[%swap3A_1585, %swap3A_1586, %swap3A_1587] {strides = array<i32>} : memref<2x64x512xf32, #tpu.memory_space<vmem>>, vector<16xf32>,
          tpu.vector_store %arg7[%swap3A_1585, %swap3A_1586, %swap3A_1587], %add3A_1583 {strides = array<i32>} : memref<2x64x512xf32, #tpu.memory_space<vmem>>, vector<16xf32>,
          %add3A_1589 = arith.addf %get3A_117, %gather3A_276 : vector<16xf32>
          %swap3A_1590 = arith.constant 0 : i32
          %swap3A_1591 = arith.index_cast %swap3A_1590 : i32 to index
          %swap3A_1592 = arith.index_cast %add3A_1462 : i32 to index
          %swap3A_1593 = arith.constant 336 : index
          %swap3A_1594 = tpu.vector_load %arg7[%swap3A_1591, %swap3A_1592, %swap3A_1593] {strides = array<i32>} : memref<2x64x512xf32, #tpu.memory_space<vmem>>, vector<16xf32>,
          tpu.vector_store %arg7[%swap3A_1591, %swap3A_1592, %swap3A_1593], %add3A_1589 {strides = array<i32>} : memref<2x64x512xf32, #tpu.memory_space<vmem>>, vector<16xf32>,
          %add3A_1595 = arith.addf %get3A_120, %gather3A_276 : vector<16xf32>
          %swap3A_1596 = arith.constant 0 : i32
          %swap3A_1597 = arith.index_cast %swap3A_1596 : i32 to index
          %swap3A_1598 = arith.index_cast %add3A_1462 : i32 to index
          %swap3A_1599 = arith.constant 352 : index
          %swap3A_1600 = tpu.vector_load %arg7[%swap3A_1597, %swap3A_1598, %swap3A_1599] {strides = array<i32>} : memref<2x64x512xf32, #tpu.memory_space<vmem>>, vector<16xf32>,
          tpu.vector_store %arg7[%swap3A_1597, %swap3A_1598, %swap3A_1599], %add3A_1595 {strides = array<i32>} : memref<2x64x512xf32, #tpu.memory_space<vmem>>, vector<16xf32>,
          %add3A_1601 = arith.addf %get3A_123, %gather3A_276 : vector<16xf32>
          %swap3A_1602 = arith.constant 0 : i32
          %swap3A_1603 = arith.index_cast %swap3A_1602 : i32 to index
          %swap3A_1604 = arith.index_cast %add3A_1462 : i32 to index
          %swap3A_1605 = arith.constant 368 : index
          %swap3A_1606 = tpu.vector_load %arg7[%swap3A_1603, %swap3A_1604, %swap3A_1605] {strides = array<i32>} : memref<2x64x512xf32, #tpu.memory_space<vmem>>, vector<16xf32>,
          tpu.vector_store %arg7[%swap3A_1603, %swap3A_1604, %swap3A_1605], %add3A_1601 {strides = array<i32>} : memref<2x64x512xf32, #tpu.memory_space<vmem>>, vector<16xf32>,
          %add3A_1607 = arith.addf %get3A_126, %gather3A_276 : vector<16xf32>
          %swap3A_1608 = arith.constant 0 : i32
          %swap3A_1609 = arith.index_cast %swap3A_1608 : i32 to index
          %swap3A_1610 = arith.index_cast %add3A_1462 : i32 to index
          %swap3A_1611 = arith.constant 384 : index
          %swap3A_1612 = tpu.vector_load %arg7[%swap3A_1609, %swap3A_1610, %swap3A_1611] {strides = array<i32>} : memref<2x64x512xf32, #tpu.memory_space<vmem>>, vector<16xf32>,
          tpu.vector_store %arg7[%swap3A_1609, %swap3A_1610, %swap3A_1611], %add3A_1607 {strides = array<i32>} : memref<2x64x512xf32, #tpu.memory_space<vmem>>, vector<16xf32>,
          %add3A_1613 = arith.addf %get3A_129, %gather3A_276 : vector<16xf32>
          %swap3A_1614 = arith.constant 0 : i32
          %swap3A_1615 = arith.index_cast %swap3A_1614 : i32 to index
          %swap3A_1616 = arith.index_cast %add3A_1462 : i32 to index
          %swap3A_1617 = arith.constant 400 : index
          %swap3A_1618 = tpu.vector_load %arg7[%swap3A_1615, %swap3A_1616, %swap3A_1617] {strides = array<i32>} : memref<2x64x512xf32, #tpu.memory_space<vmem>>, vector<16xf32>,
          tpu.vector_store %arg7[%swap3A_1615, %swap3A_1616, %swap3A_1617], %add3A_1613 {strides = array<i32>} : memref<2x64x512xf32, #tpu.memory_space<vmem>>, vector<16xf32>,
          %add3A_1619 = arith.addf %get3A_132, %gather3A_276 : vector<16xf32>
          %swap3A_1620 = arith.constant 0 : i32
          %swap3A_1621 = arith.index_cast %swap3A_1620 : i32 to index
          %swap3A_1622 = arith.index_cast %add3A_1462 : i32 to index
          %swap3A_1623 = arith.constant 416 : index
          %swap3A_1624 = tpu.vector_load %arg7[%swap3A_1621, %swap3A_1622, %swap3A_1623] {strides = array<i32>} : memref<2x64x512xf32, #tpu.memory_space<vmem>>, vector<16xf32>,
          tpu.vector_store %arg7[%swap3A_1621, %swap3A_1622, %swap3A_1623], %add3A_1619 {strides = array<i32>} : memref<2x64x512xf32, #tpu.memory_space<vmem>>, vector<16xf32>,
          %add3A_1625 = arith.addf %get3A_135, %gather3A_276 : vector<16xf32>
          %swap3A_1626 = arith.constant 0 : i32
          %swap3A_1627 = arith.index_cast %swap3A_1626 : i32 to index
          %swap3A_1628 = arith.index_cast %add3A_1462 : i32 to index
          %swap3A_1629 = arith.constant 432 : index
          %swap3A_1630 = tpu.vector_load %arg7[%swap3A_1627, %swap3A_1628, %swap3A_1629] {strides = array<i32>} : memref<2x64x512xf32, #tpu.memory_space<vmem>>, vector<16xf32>,
          tpu.vector_store %arg7[%swap3A_1627, %swap3A_1628, %swap3A_1629], %add3A_1625 {strides = array<i32>} : memref<2x64x512xf32, #tpu.memory_space<vmem>>, vector<16xf32>,
          %add3A_1631 = arith.addf %get3A_138, %gather3A_276 : vector<16xf32>
          %swap3A_1632 = arith.constant 0 : i32
          %swap3A_1633 = arith.index_cast %swap3A_1632 : i32 to index
          %swap3A_1634 = arith.index_cast %add3A_1462 : i32 to index
          %swap3A_1635 = arith.constant 448 : index
          %swap3A_1636 = tpu.vector_load %arg7[%swap3A_1633, %swap3A_1634, %swap3A_1635] {strides = array<i32>} : memref<2x64x512xf32, #tpu.memory_space<vmem>>, vector<16xf32>,
          tpu.vector_store %arg7[%swap3A_1633, %swap3A_1634, %swap3A_1635], %add3A_1631 {strides = array<i32>} : memref<2x64x512xf32, #tpu.memory_space<vmem>>, vector<16xf32>,
          %add3A_1637 = arith.addf %get3A_141, %gather3A_276 : vector<16xf32>
          %swap3A_1638 = arith.constant 0 : i32
          %swap3A_1639 = arith.index_cast %swap3A_1638 : i32 to index
          %swap3A_1640 = arith.index_cast %add3A_1462 : i32 to index
          %swap3A_1641 = arith.constant 464 : index
          %swap3A_1642 = tpu.vector_load %arg7[%swap3A_1639, %swap3A_1640, %swap3A_1641] {strides = array<i32>} : memref<2x64x512xf32, #tpu.memory_space<vmem>>, vector<16xf32>,
          tpu.vector_store %arg7[%swap3A_1639, %swap3A_1640, %swap3A_1641], %add3A_1637 {strides = array<i32>} : memref<2x64x512xf32, #tpu.memory_space<vmem>>, vector<16xf32>,
          %add3A_1643 = arith.addf %get3A_144, %gather3A_276 : vector<16xf32>
          %swap3A_1644 = arith.constant 0 : i32
          %swap3A_1645 = arith.index_cast %swap3A_1644 : i32 to index
          %swap3A_1646 = arith.index_cast %add3A_1462 : i32 to index
          %swap3A_1647 = arith.constant 480 : index
          %swap3A_1648 = tpu.vector_load %arg7[%swap3A_1645, %swap3A_1646, %swap3A_1647] {strides = array<i32>} : memref<2x64x512xf32, #tpu.memory_space<vmem>>, vector<16xf32>,
          tpu.vector_store %arg7[%swap3A_1645, %swap3A_1646, %swap3A_1647], %add3A_1643 {strides = array<i32>} : memref<2x64x512xf32, #tpu.memory_space<vmem>>, vector<16xf32>,
          %add3A_1649 = arith.addf %get3A_147, %gather3A_276 : vector<16xf32>
          %swap3A_1650 = arith.constant 0 : i32
          %swap3A_1651 = arith.index_cast %swap3A_1650 : i32 to index
          %swap3A_1652 = arith.index_cast %add3A_1462 : i32 to index
          %swap3A_1653 = arith.constant 496 : index
          %swap3A_1654 = tpu.vector_load %arg7[%swap3A_1651, %swap3A_1652, %swap3A_1653] {strides = array<i32>} : memref<2x64x512xf32, #tpu.memory_space<vmem>>, vector<16xf32>,
          tpu.vector_store %arg7[%swap3A_1651, %swap3A_1652, %swap3A_1653], %add3A_1649 {strides = array<i32>} : memref<2x64x512xf32, #tpu.memory_space<vmem>>, vector<16xf32>,
          %mul3A_1655 = arith.constant 8 : i32
          %mul3A_1656 = arith.muli %scan3A_228, %mul3A_1655 : i32
          %add3A_1657 = arith.constant 7 : i32
          %add3A_1658 = arith.addi %mul3A_1656, %add3A_1657 : i32
          %add3A_1659 = arith.addf %get3A_54, %gather3A_283 : vector<16xf32>
          %swap3A_1660 = arith.constant 0 : i32
          %swap3A_1661 = arith.index_cast %swap3A_1660 : i32 to index
          %swap3A_1662 = arith.index_cast %add3A_1658 : i32 to index
          %swap3A_1663 = arith.constant 0 : index
          %swap3A_1664 = tpu.vector_load %arg7[%swap3A_1661, %swap3A_1662, %swap3A_1663] {strides = array<i32>} : memref<2x64x512xf32, #tpu.memory_space<vmem>>, vector<16xf32>,
          tpu.vector_store %arg7[%swap3A_1661, %swap3A_1662, %swap3A_1663], %add3A_1659 {strides = array<i32>} : memref<2x64x512xf32, #tpu.memory_space<vmem>>, vector<16xf32>,
          %add3A_1665 = arith.addf %get3A_57, %gather3A_283 : vector<16xf32>
          %swap3A_1666 = arith.constant 0 : i32
          %swap3A_1667 = arith.index_cast %swap3A_1666 : i32 to index
          %swap3A_1668 = arith.index_cast %add3A_1658 : i32 to index
          %swap3A_1669 = arith.constant 16 : index
          %swap3A_1670 = tpu.vector_load %arg7[%swap3A_1667, %swap3A_1668, %swap3A_1669] {strides = array<i32>} : memref<2x64x512xf32, #tpu.memory_space<vmem>>, vector<16xf32>,
          tpu.vector_store %arg7[%swap3A_1667, %swap3A_1668, %swap3A_1669], %add3A_1665 {strides = array<i32>} : memref<2x64x512xf32, #tpu.memory_space<vmem>>, vector<16xf32>,
          %add3A_1671 = arith.addf %get3A_60, %gather3A_283 : vector<16xf32>
          %swap3A_1672 = arith.constant 0 : i32
          %swap3A_1673 = arith.index_cast %swap3A_1672 : i32 to index
          %swap3A_1674 = arith.index_cast %add3A_1658 : i32 to index
          %swap3A_1675 = arith.constant 32 : index
          %swap3A_1676 = tpu.vector_load %arg7[%swap3A_1673, %swap3A_1674, %swap3A_1675] {strides = array<i32>} : memref<2x64x512xf32, #tpu.memory_space<vmem>>, vector<16xf32>,
          tpu.vector_store %arg7[%swap3A_1673, %swap3A_1674, %swap3A_1675], %add3A_1671 {strides = array<i32>} : memref<2x64x512xf32, #tpu.memory_space<vmem>>, vector<16xf32>,
          %add3A_1677 = arith.addf %get3A_63, %gather3A_283 : vector<16xf32>
          %swap3A_1678 = arith.constant 0 : i32
          %swap3A_1679 = arith.index_cast %swap3A_1678 : i32 to index
          %swap3A_1680 = arith.index_cast %add3A_1658 : i32 to index
          %swap3A_1681 = arith.constant 48 : index
          %swap3A_1682 = tpu.vector_load %arg7[%swap3A_1679, %swap3A_1680, %swap3A_1681] {strides = array<i32>} : memref<2x64x512xf32, #tpu.memory_space<vmem>>, vector<16xf32>,
          tpu.vector_store %arg7[%swap3A_1679, %swap3A_1680, %swap3A_1681], %add3A_1677 {strides = array<i32>} : memref<2x64x512xf32, #tpu.memory_space<vmem>>, vector<16xf32>,
          %add3A_1683 = arith.addf %get3A_66, %gather3A_283 : vector<16xf32>
          %swap3A_1684 = arith.constant 0 : i32
          %swap3A_1685 = arith.index_cast %swap3A_1684 : i32 to index
          %swap3A_1686 = arith.index_cast %add3A_1658 : i32 to index
          %swap3A_1687 = arith.constant 64 : index
          %swap3A_1688 = tpu.vector_load %arg7[%swap3A_1685, %swap3A_1686, %swap3A_1687] {strides = array<i32>} : memref<2x64x512xf32, #tpu.memory_space<vmem>>, vector<16xf32>,
          tpu.vector_store %arg7[%swap3A_1685, %swap3A_1686, %swap3A_1687], %add3A_1683 {strides = array<i32>} : memref<2x64x512xf32, #tpu.memory_space<vmem>>, vector<16xf32>,
          %add3A_1689 = arith.addf %get3A_69, %gather3A_283 : vector<16xf32>
          %swap3A_1690 = arith.constant 0 : i32
          %swap3A_1691 = arith.index_cast %swap3A_1690 : i32 to index
          %swap3A_1692 = arith.index_cast %add3A_1658 : i32 to index
          %swap3A_1693 = arith.constant 80 : index
          %swap3A_1694 = tpu.vector_load %arg7[%swap3A_1691, %swap3A_1692, %swap3A_1693] {strides = array<i32>} : memref<2x64x512xf32, #tpu.memory_space<vmem>>, vector<16xf32>,
          tpu.vector_store %arg7[%swap3A_1691, %swap3A_1692, %swap3A_1693], %add3A_1689 {strides = array<i32>} : memref<2x64x512xf32, #tpu.memory_space<vmem>>, vector<16xf32>,
          %add3A_1695 = arith.addf %get3A_72, %gather3A_283 : vector<16xf32>
          %swap3A_1696 = arith.constant 0 : i32
          %swap3A_1697 = arith.index_cast %swap3A_1696 : i32 to index
          %swap3A_1698 = arith.index_cast %add3A_1658 : i32 to index
          %swap3A_1699 = arith.constant 96 : index
          %swap3A_1700 = tpu.vector_load %arg7[%swap3A_1697, %swap3A_1698, %swap3A_1699] {strides = array<i32>} : memref<2x64x512xf32, #tpu.memory_space<vmem>>, vector<16xf32>,
          tpu.vector_store %arg7[%swap3A_1697, %swap3A_1698, %swap3A_1699], %add3A_1695 {strides = array<i32>} : memref<2x64x512xf32, #tpu.memory_space<vmem>>, vector<16xf32>,
          %add3A_1701 = arith.addf %get3A_75, %gather3A_283 : vector<16xf32>
          %swap3A_1702 = arith.constant 0 : i32
          %swap3A_1703 = arith.index_cast %swap3A_1702 : i32 to index
          %swap3A_1704 = arith.index_cast %add3A_1658 : i32 to index
          %swap3A_1705 = arith.constant 112 : index
          %swap3A_1706 = tpu.vector_load %arg7[%swap3A_1703, %swap3A_1704, %swap3A_1705] {strides = array<i32>} : memref<2x64x512xf32, #tpu.memory_space<vmem>>, vector<16xf32>,
          tpu.vector_store %arg7[%swap3A_1703, %swap3A_1704, %swap3A_1705], %add3A_1701 {strides = array<i32>} : memref<2x64x512xf32, #tpu.memory_space<vmem>>, vector<16xf32>,
          %add3A_1707 = arith.addf %get3A_78, %gather3A_283 : vector<16xf32>
          %swap3A_1708 = arith.constant 0 : i32
          %swap3A_1709 = arith.index_cast %swap3A_1708 : i32 to index
          %swap3A_1710 = arith.index_cast %add3A_1658 : i32 to index
          %swap3A_1711 = arith.constant 128 : index
          %swap3A_1712 = tpu.vector_load %arg7[%swap3A_1709, %swap3A_1710, %swap3A_1711] {strides = array<i32>} : memref<2x64x512xf32, #tpu.memory_space<vmem>>, vector<16xf32>,
          tpu.vector_store %arg7[%swap3A_1709, %swap3A_1710, %swap3A_1711], %add3A_1707 {strides = array<i32>} : memref<2x64x512xf32, #tpu.memory_space<vmem>>, vector<16xf32>,
          %add3A_1713 = arith.addf %get3A_81, %gather3A_283 : vector<16xf32>
          %swap3A_1714 = arith.constant 0 : i32
          %swap3A_1715 = arith.index_cast %swap3A_1714 : i32 to index
          %swap3A_1716 = arith.index_cast %add3A_1658 : i32 to index
          %swap3A_1717 = arith.constant 144 : index
          %swap3A_1718 = tpu.vector_load %arg7[%swap3A_1715, %swap3A_1716, %swap3A_1717] {strides = array<i32>} : memref<2x64x512xf32, #tpu.memory_space<vmem>>, vector<16xf32>,
          tpu.vector_store %arg7[%swap3A_1715, %swap3A_1716, %swap3A_1717], %add3A_1713 {strides = array<i32>} : memref<2x64x512xf32, #tpu.memory_space<vmem>>, vector<16xf32>,
          %add3A_1719 = arith.addf %get3A_84, %gather3A_283 : vector<16xf32>
          %swap3A_1720 = arith.constant 0 : i32
          %swap3A_1721 = arith.index_cast %swap3A_1720 : i32 to index
          %swap3A_1722 = arith.index_cast %add3A_1658 : i32 to index
          %swap3A_1723 = arith.constant 160 : index
          %swap3A_1724 = tpu.vector_load %arg7[%swap3A_1721, %swap3A_1722, %swap3A_1723] {strides = array<i32>} : memref<2x64x512xf32, #tpu.memory_space<vmem>>, vector<16xf32>,
          tpu.vector_store %arg7[%swap3A_1721, %swap3A_1722, %swap3A_1723], %add3A_1719 {strides = array<i32>} : memref<2x64x512xf32, #tpu.memory_space<vmem>>, vector<16xf32>,
          %add3A_1725 = arith.addf %get3A_87, %gather3A_283 : vector<16xf32>
          %swap3A_1726 = arith.constant 0 : i32
          %swap3A_1727 = arith.index_cast %swap3A_1726 : i32 to index
          %swap3A_1728 = arith.index_cast %add3A_1658 : i32 to index
          %swap3A_1729 = arith.constant 176 : index
          %swap3A_1730 = tpu.vector_load %arg7[%swap3A_1727, %swap3A_1728, %swap3A_1729] {strides = array<i32>} : memref<2x64x512xf32, #tpu.memory_space<vmem>>, vector<16xf32>,
          tpu.vector_store %arg7[%swap3A_1727, %swap3A_1728, %swap3A_1729], %add3A_1725 {strides = array<i32>} : memref<2x64x512xf32, #tpu.memory_space<vmem>>, vector<16xf32>,
          %add3A_1731 = arith.addf %get3A_90, %gather3A_283 : vector<16xf32>
          %swap3A_1732 = arith.constant 0 : i32
          %swap3A_1733 = arith.index_cast %swap3A_1732 : i32 to index
          %swap3A_1734 = arith.index_cast %add3A_1658 : i32 to index
          %swap3A_1735 = arith.constant 192 : index
          %swap3A_1736 = tpu.vector_load %arg7[%swap3A_1733, %swap3A_1734, %swap3A_1735] {strides = array<i32>} : memref<2x64x512xf32, #tpu.memory_space<vmem>>, vector<16xf32>,
          tpu.vector_store %arg7[%swap3A_1733, %swap3A_1734, %swap3A_1735], %add3A_1731 {strides = array<i32>} : memref<2x64x512xf32, #tpu.memory_space<vmem>>, vector<16xf32>,
          %add3A_1737 = arith.addf %get3A_93, %gather3A_283 : vector<16xf32>
          %swap3A_1738 = arith.constant 0 : i32
          %swap3A_1739 = arith.index_cast %swap3A_1738 : i32 to index
          %swap3A_1740 = arith.index_cast %add3A_1658 : i32 to index
          %swap3A_1741 = arith.constant 208 : index
          %swap3A_1742 = tpu.vector_load %arg7[%swap3A_1739, %swap3A_1740, %swap3A_1741] {strides = array<i32>} : memref<2x64x512xf32, #tpu.memory_space<vmem>>, vector<16xf32>,
          tpu.vector_store %arg7[%swap3A_1739, %swap3A_1740, %swap3A_1741], %add3A_1737 {strides = array<i32>} : memref<2x64x512xf32, #tpu.memory_space<vmem>>, vector<16xf32>,
          %add3A_1743 = arith.addf %get3A_96, %gather3A_283 : vector<16xf32>
          %swap3A_1744 = arith.constant 0 : i32
          %swap3A_1745 = arith.index_cast %swap3A_1744 : i32 to index
          %swap3A_1746 = arith.index_cast %add3A_1658 : i32 to index
          %swap3A_1747 = arith.constant 224 : index
          %swap3A_1748 = tpu.vector_load %arg7[%swap3A_1745, %swap3A_1746, %swap3A_1747] {strides = array<i32>} : memref<2x64x512xf32, #tpu.memory_space<vmem>>, vector<16xf32>,
          tpu.vector_store %arg7[%swap3A_1745, %swap3A_1746, %swap3A_1747], %add3A_1743 {strides = array<i32>} : memref<2x64x512xf32, #tpu.memory_space<vmem>>, vector<16xf32>,
          %add3A_1749 = arith.addf %get3A_99, %gather3A_283 : vector<16xf32>
          %swap3A_1750 = arith.constant 0 : i32
          %swap3A_1751 = arith.index_cast %swap3A_1750 : i32 to index
          %swap3A_1752 = arith.index_cast %add3A_1658 : i32 to index
          %swap3A_1753 = arith.constant 240 : index
          %swap3A_1754 = tpu.vector_load %arg7[%swap3A_1751, %swap3A_1752, %swap3A_1753] {strides = array<i32>} : memref<2x64x512xf32, #tpu.memory_space<vmem>>, vector<16xf32>,
          tpu.vector_store %arg7[%swap3A_1751, %swap3A_1752, %swap3A_1753], %add3A_1749 {strides = array<i32>} : memref<2x64x512xf32, #tpu.memory_space<vmem>>, vector<16xf32>,
          %add3A_1755 = arith.addf %get3A_102, %gather3A_283 : vector<16xf32>
          %swap3A_1756 = arith.constant 0 : i32
          %swap3A_1757 = arith.index_cast %swap3A_1756 : i32 to index
          %swap3A_1758 = arith.index_cast %add3A_1658 : i32 to index
          %swap3A_1759 = arith.constant 256 : index
          %swap3A_1760 = tpu.vector_load %arg7[%swap3A_1757, %swap3A_1758, %swap3A_1759] {strides = array<i32>} : memref<2x64x512xf32, #tpu.memory_space<vmem>>, vector<16xf32>,
          tpu.vector_store %arg7[%swap3A_1757, %swap3A_1758, %swap3A_1759], %add3A_1755 {strides = array<i32>} : memref<2x64x512xf32, #tpu.memory_space<vmem>>, vector<16xf32>,
          %add3A_1761 = arith.addf %get3A_105, %gather3A_283 : vector<16xf32>
          %swap3A_1762 = arith.constant 0 : i32
          %swap3A_1763 = arith.index_cast %swap3A_1762 : i32 to index
          %swap3A_1764 = arith.index_cast %add3A_1658 : i32 to index
          %swap3A_1765 = arith.constant 272 : index
          %swap3A_1766 = tpu.vector_load %arg7[%swap3A_1763, %swap3A_1764, %swap3A_1765] {strides = array<i32>} : memref<2x64x512xf32, #tpu.memory_space<vmem>>, vector<16xf32>,
          tpu.vector_store %arg7[%swap3A_1763, %swap3A_1764, %swap3A_1765], %add3A_1761 {strides = array<i32>} : memref<2x64x512xf32, #tpu.memory_space<vmem>>, vector<16xf32>,
          %add3A_1767 = arith.addf %get3A_108, %gather3A_283 : vector<16xf32>
          %swap3A_1768 = arith.constant 0 : i32
          %swap3A_1769 = arith.index_cast %swap3A_1768 : i32 to index
          %swap3A_1770 = arith.index_cast %add3A_1658 : i32 to index
          %swap3A_1771 = arith.constant 288 : index
          %swap3A_1772 = tpu.vector_load %arg7[%swap3A_1769, %swap3A_1770, %swap3A_1771] {strides = array<i32>} : memref<2x64x512xf32, #tpu.memory_space<vmem>>, vector<16xf32>,
          tpu.vector_store %arg7[%swap3A_1769, %swap3A_1770, %swap3A_1771], %add3A_1767 {strides = array<i32>} : memref<2x64x512xf32, #tpu.memory_space<vmem>>, vector<16xf32>,
          %add3A_1773 = arith.addf %get3A_111, %gather3A_283 : vector<16xf32>
          %swap3A_1774 = arith.constant 0 : i32
          %swap3A_1775 = arith.index_cast %swap3A_1774 : i32 to index
          %swap3A_1776 = arith.index_cast %add3A_1658 : i32 to index
          %swap3A_1777 = arith.constant 304 : index
          %swap3A_1778 = tpu.vector_load %arg7[%swap3A_1775, %swap3A_1776, %swap3A_1777] {strides = array<i32>} : memref<2x64x512xf32, #tpu.memory_space<vmem>>, vector<16xf32>,
          tpu.vector_store %arg7[%swap3A_1775, %swap3A_1776, %swap3A_1777], %add3A_1773 {strides = array<i32>} : memref<2x64x512xf32, #tpu.memory_space<vmem>>, vector<16xf32>,
          %add3A_1779 = arith.addf %get3A_114, %gather3A_283 : vector<16xf32>
          %swap3A_1780 = arith.constant 0 : i32
          %swap3A_1781 = arith.index_cast %swap3A_1780 : i32 to index
          %swap3A_1782 = arith.index_cast %add3A_1658 : i32 to index
          %swap3A_1783 = arith.constant 320 : index
          %swap3A_1784 = tpu.vector_load %arg7[%swap3A_1781, %swap3A_1782, %swap3A_1783] {strides = array<i32>} : memref<2x64x512xf32, #tpu.memory_space<vmem>>, vector<16xf32>,
          tpu.vector_store %arg7[%swap3A_1781, %swap3A_1782, %swap3A_1783], %add3A_1779 {strides = array<i32>} : memref<2x64x512xf32, #tpu.memory_space<vmem>>, vector<16xf32>,
          %add3A_1785 = arith.addf %get3A_117, %gather3A_283 : vector<16xf32>
          %swap3A_1786 = arith.constant 0 : i32
          %swap3A_1787 = arith.index_cast %swap3A_1786 : i32 to index
          %swap3A_1788 = arith.index_cast %add3A_1658 : i32 to index
          %swap3A_1789 = arith.constant 336 : index
          %swap3A_1790 = tpu.vector_load %arg7[%swap3A_1787, %swap3A_1788, %swap3A_1789] {strides = array<i32>} : memref<2x64x512xf32, #tpu.memory_space<vmem>>, vector<16xf32>,
          tpu.vector_store %arg7[%swap3A_1787, %swap3A_1788, %swap3A_1789], %add3A_1785 {strides = array<i32>} : memref<2x64x512xf32, #tpu.memory_space<vmem>>, vector<16xf32>,
          %add3A_1791 = arith.addf %get3A_120, %gather3A_283 : vector<16xf32>
          %swap3A_1792 = arith.constant 0 : i32
          %swap3A_1793 = arith.index_cast %swap3A_1792 : i32 to index
          %swap3A_1794 = arith.index_cast %add3A_1658 : i32 to index
          %swap3A_1795 = arith.constant 352 : index
          %swap3A_1796 = tpu.vector_load %arg7[%swap3A_1793, %swap3A_1794, %swap3A_1795] {strides = array<i32>} : memref<2x64x512xf32, #tpu.memory_space<vmem>>, vector<16xf32>,
          tpu.vector_store %arg7[%swap3A_1793, %swap3A_1794, %swap3A_1795], %add3A_1791 {strides = array<i32>} : memref<2x64x512xf32, #tpu.memory_space<vmem>>, vector<16xf32>,
          %add3A_1797 = arith.addf %get3A_123, %gather3A_283 : vector<16xf32>
          %swap3A_1798 = arith.constant 0 : i32
          %swap3A_1799 = arith.index_cast %swap3A_1798 : i32 to index
          %swap3A_1800 = arith.index_cast %add3A_1658 : i32 to index
          %swap3A_1801 = arith.constant 368 : index
          %swap3A_1802 = tpu.vector_load %arg7[%swap3A_1799, %swap3A_1800, %swap3A_1801] {strides = array<i32>} : memref<2x64x512xf32, #tpu.memory_space<vmem>>, vector<16xf32>,
          tpu.vector_store %arg7[%swap3A_1799, %swap3A_1800, %swap3A_1801], %add3A_1797 {strides = array<i32>} : memref<2x64x512xf32, #tpu.memory_space<vmem>>, vector<16xf32>,
          %add3A_1803 = arith.addf %get3A_126, %gather3A_283 : vector<16xf32>
          %swap3A_1804 = arith.constant 0 : i32
          %swap3A_1805 = arith.index_cast %swap3A_1804 : i32 to index
          %swap3A_1806 = arith.index_cast %add3A_1658 : i32 to index
          %swap3A_1807 = arith.constant 384 : index
          %swap3A_1808 = tpu.vector_load %arg7[%swap3A_1805, %swap3A_1806, %swap3A_1807] {strides = array<i32>} : memref<2x64x512xf32, #tpu.memory_space<vmem>>, vector<16xf32>,
          tpu.vector_store %arg7[%swap3A_1805, %swap3A_1806, %swap3A_1807], %add3A_1803 {strides = array<i32>} : memref<2x64x512xf32, #tpu.memory_space<vmem>>, vector<16xf32>,
          %add3A_1809 = arith.addf %get3A_129, %gather3A_283 : vector<16xf32>
          %swap3A_1810 = arith.constant 0 : i32
          %swap3A_1811 = arith.index_cast %swap3A_1810 : i32 to index
          %swap3A_1812 = arith.index_cast %add3A_1658 : i32 to index
          %swap3A_1813 = arith.constant 400 : index
          %swap3A_1814 = tpu.vector_load %arg7[%swap3A_1811, %swap3A_1812, %swap3A_1813] {strides = array<i32>} : memref<2x64x512xf32, #tpu.memory_space<vmem>>, vector<16xf32>,
          tpu.vector_store %arg7[%swap3A_1811, %swap3A_1812, %swap3A_1813], %add3A_1809 {strides = array<i32>} : memref<2x64x512xf32, #tpu.memory_space<vmem>>, vector<16xf32>,
          %add3A_1815 = arith.addf %get3A_132, %gather3A_283 : vector<16xf32>
          %swap3A_1816 = arith.constant 0 : i32
          %swap3A_1817 = arith.index_cast %swap3A_1816 : i32 to index
          %swap3A_1818 = arith.index_cast %add3A_1658 : i32 to index
          %swap3A_1819 = arith.constant 416 : index
          %swap3A_1820 = tpu.vector_load %arg7[%swap3A_1817, %swap3A_1818, %swap3A_1819] {strides = array<i32>} : memref<2x64x512xf32, #tpu.memory_space<vmem>>, vector<16xf32>,
          tpu.vector_store %arg7[%swap3A_1817, %swap3A_1818, %swap3A_1819], %add3A_1815 {strides = array<i32>} : memref<2x64x512xf32, #tpu.memory_space<vmem>>, vector<16xf32>,
          %add3A_1821 = arith.addf %get3A_135, %gather3A_283 : vector<16xf32>
          %swap3A_1822 = arith.constant 0 : i32
          %swap3A_1823 = arith.index_cast %swap3A_1822 : i32 to index
          %swap3A_1824 = arith.index_cast %add3A_1658 : i32 to index
          %swap3A_1825 = arith.constant 432 : index
          %swap3A_1826 = tpu.vector_load %arg7[%swap3A_1823, %swap3A_1824, %swap3A_1825] {strides = array<i32>} : memref<2x64x512xf32, #tpu.memory_space<vmem>>, vector<16xf32>,
          tpu.vector_store %arg7[%swap3A_1823, %swap3A_1824, %swap3A_1825], %add3A_1821 {strides = array<i32>} : memref<2x64x512xf32, #tpu.memory_space<vmem>>, vector<16xf32>,
          %add3A_1827 = arith.addf %get3A_138, %gather3A_283 : vector<16xf32>
          %swap3A_1828 = arith.constant 0 : i32
          %swap3A_1829 = arith.index_cast %swap3A_1828 : i32 to index
          %swap3A_1830 = arith.index_cast %add3A_1658 : i32 to index
          %swap3A_1831 = arith.constant 448 : index
          %swap3A_1832 = tpu.vector_load %arg7[%swap3A_1829, %swap3A_1830, %swap3A_1831] {strides = array<i32>} : memref<2x64x512xf32, #tpu.memory_space<vmem>>, vector<16xf32>,
          tpu.vector_store %arg7[%swap3A_1829, %swap3A_1830, %swap3A_1831], %add3A_1827 {strides = array<i32>} : memref<2x64x512xf32, #tpu.memory_space<vmem>>, vector<16xf32>,
          %add3A_1833 = arith.addf %get3A_141, %gather3A_283 : vector<16xf32>
          %swap3A_1834 = arith.constant 0 : i32
          %swap3A_1835 = arith.index_cast %swap3A_1834 : i32 to index
          %swap3A_1836 = arith.index_cast %add3A_1658 : i32 to index
          %swap3A_1837 = arith.constant 464 : index
          %swap3A_1838 = tpu.vector_load %arg7[%swap3A_1835, %swap3A_1836, %swap3A_1837] {strides = array<i32>} : memref<2x64x512xf32, #tpu.memory_space<vmem>>, vector<16xf32>,
          tpu.vector_store %arg7[%swap3A_1835, %swap3A_1836, %swap3A_1837], %add3A_1833 {strides = array<i32>} : memref<2x64x512xf32, #tpu.memory_space<vmem>>, vector<16xf32>,
          %add3A_1839 = arith.addf %get3A_144, %gather3A_283 : vector<16xf32>
          %swap3A_1840 = arith.constant 0 : i32
          %swap3A_1841 = arith.index_cast %swap3A_1840 : i32 to index
          %swap3A_1842 = arith.index_cast %add3A_1658 : i32 to index
          %swap3A_1843 = arith.constant 480 : index
          %swap3A_1844 = tpu.vector_load %arg7[%swap3A_1841, %swap3A_1842, %swap3A_1843] {strides = array<i32>} : memref<2x64x512xf32, #tpu.memory_space<vmem>>, vector<16xf32>,
          tpu.vector_store %arg7[%swap3A_1841, %swap3A_1842, %swap3A_1843], %add3A_1839 {strides = array<i32>} : memref<2x64x512xf32, #tpu.memory_space<vmem>>, vector<16xf32>,
          %add3A_1845 = arith.addf %get3A_147, %gather3A_283 : vector<16xf32>
          %swap3A_1846 = arith.constant 0 : i32
          %swap3A_1847 = arith.index_cast %swap3A_1846 : i32 to index
          %swap3A_1848 = arith.index_cast %add3A_1658 : i32 to index
          %swap3A_1849 = arith.constant 496 : index
          %swap3A_1850 = tpu.vector_load %arg7[%swap3A_1847, %swap3A_1848, %swap3A_1849] {strides = array<i32>} : memref<2x64x512xf32, #tpu.memory_space<vmem>>, vector<16xf32>,
          tpu.vector_store %arg7[%swap3A_1847, %swap3A_1848, %swap3A_1849], %add3A_1845 {strides = array<i32>} : memref<2x64x512xf32, #tpu.memory_space<vmem>>, vector<16xf32>,
        }
        %scan3A_171 = arith.constant 8 : i32
        %add3A_172 = arith.addi %mul3A_2, %scan3A_52 : i32
        %mul3A_173 = arith.constant 512 : i32
        %mul3A_174 = arith.muli %add3A_172, %mul3A_173 : i32
        %add3A_175 = arith.addi %mul3A_174, %mul3A_165 : i32
        %dma_start3A_176 = arith.constant 0 : i32
        %dma_start3A_177 = arith.constant 0 : i32
        %dma_start3A_178 = arith.constant 0 : i32
        %dma_start3A_179 = tpu.memref_slice %arg7[%dma_start3A_176, %dma_start3A_177, %dma_start3A_178] : memref<2x64x512xf32, #tpu.memory_space<vmem>> -> memref<1x64x512xf32, #tpu.memory_space<vmem>>
        %dma_start3A_180 = tpu.memref_squeeze %dma_start3A_179 : memref<1x64x512xf32, #tpu.memory_space<vmem>> -> memref<64x512xf32, #tpu.memory_space<vmem>>
        %dma_start3A_181 = arith.constant 0 : i32
        %dma_start3A_182 = tpu.memref_slice %arg4[%add3A_175, %dma_start3A_181] : memref<65536x512xf32, #tpu.memory_space<hbm>> -> memref<64x512xf32, #tpu.memory_space<hbm>>
        %dma_start3A_183 = arith.constant 0 : i32
        %dma_start3A_184 = tpu.memref_slice %arg4[%add3A_175, %dma_start3A_183] : memref<65536x512xf32, #tpu.memory_space<hbm>> -> memref<64x512xf32, #tpu.memory_space<hbm>>
        %dma_start3A_185 = arith.constant 0 : i32
        %dma_start3A_186 = arith.constant 0 : i32
        %dma_start3A_187 = tpu.memref_slice %arg7[%dma_start3A_176, %dma_start3A_185, %dma_start3A_186] : memref<2x64x512xf32, #tpu.memory_space<vmem>> -> memref<1x64x512xf32, #tpu.memory_space<vmem>>
        %dma_start3A_188 = tpu.memref_squeeze %dma_start3A_187 : memref<1x64x512xf32, #tpu.memory_space<vmem>> -> memref<64x512xf32, #tpu.memory_space<vmem>>
        tpu.enqueue_dma source(%dma_start3A_188 : memref<64x512xf32, #tpu.memory_space<vmem>>) target(%dma_start3A_184 : memref<64x512xf32, #tpu.memory_space<hbm>>) target_semaphore(%arg8 : memref<!tpu.dma_semaphore, #tpu.memory_space<semaphore_mem>>)
        %mul3A_189 = arith.constant 2 : i32
        %mul3A_190 = arith.muli %scan3A_154, %mul3A_189 : i32
        %add3A_191 = arith.constant 1 : i32
        %add3A_192 = arith.addi %mul3A_190, %add3A_191 : i32
        %eq3A_193 = arith.constant 0 : i32
        %eq3A_194 = arith.cmpi eq, %scan3A_52, %eq3A_193 : i32
        %eq3A_195 = arith.constant 0 : i32
        %eq3A_196 = arith.cmpi eq, %scan3A_154, %eq3A_195 : i32
        %and3A_197 = arith.andi %eq3A_194, %eq3A_196 : i1
        %not3A_198 = arith.constant true
        %not3A_199 = arith.xori %and3A_197, %not3A_198 : i1
        %convert_element_type3A_200 = arith.extui %not3A_199 : i1 to i32
        %cond3A_201 = arith.constant 0 : i32
        %cond3A_202 = arith.cmpi ne, %convert_element_type3A_200, %cond3A_201 : i32
        scf.if %cond3A_202 {
          %dma_wait3A_228 = arith.constant 1 : i32
          %dma_wait3A_229 = arith.constant 0 : i32
          %dma_wait3A_230 = arith.constant 0 : i32
          %dma_wait3A_231 = tpu.memref_slice %arg7[%dma_wait3A_228, %dma_wait3A_229, %dma_wait3A_230] : memref<2x64x512xf32, #tpu.memory_space<vmem>> -> memref<1x64x512xf32, #tpu.memory_space<vmem>>
          %dma_wait3A_232 = tpu.memref_squeeze %dma_wait3A_231 : memref<1x64x512xf32, #tpu.memory_space<vmem>> -> memref<64x512xf32, #tpu.memory_space<vmem>>
          %dma_wait3A_233 = arith.constant 0 : i32
          %dma_wait3A_234 = arith.constant 0 : i32
          %dma_wait3A_235 = tpu.memref_slice %arg4[%dma_wait3A_233, %dma_wait3A_234] : memref<65536x512xf32, #tpu.memory_space<hbm>> -> memref<64x512xf32, #tpu.memory_space<hbm>>
          %dma_wait3A_236 = arith.constant 0 : i32
          %dma_wait3A_237 = arith.constant 0 : i32
          %dma_wait3A_238 = tpu.memref_slice %arg4[%dma_wait3A_236, %dma_wait3A_237] : memref<65536x512xf32, #tpu.memory_space<hbm>> -> memref<64x512xf32, #tpu.memory_space<hbm>>
          %dma_wait3A_239 = arith.constant 0 : i32
          %dma_wait3A_240 = arith.constant 0 : i32
          %dma_wait3A_241 = tpu.memref_slice %arg7[%dma_wait3A_228, %dma_wait3A_239, %dma_wait3A_240] : memref<2x64x512xf32, #tpu.memory_space<vmem>> -> memref<1x64x512xf32, #tpu.memory_space<vmem>>
          %dma_wait3A_242 = tpu.memref_squeeze %dma_wait3A_241 : memref<1x64x512xf32, #tpu.memory_space<vmem>> -> memref<64x512xf32, #tpu.memory_space<vmem>>
          tpu.wait_dma2 semaphore(%arg9 : memref<!tpu.dma_semaphore, #tpu.memory_space<semaphore_mem>>) src(%dma_wait3A_242 : memref<64x512xf32, #tpu.memory_space<vmem>>) dst(%dma_wait3A_238 : memref<64x512xf32, #tpu.memory_space<hbm>>)
        } else {
        }
        %mul3A_203 = arith.constant 64 : i32
        %mul3A_204 = arith.muli %add3A_192, %mul3A_203 : i32
        %scan3A_205 = arith.constant 0 : i32
        %scan3A_206 = arith.constant 0 : i32
        %scan3A_207 = arith.constant 8 : i32
        %scan3A_208 = arith.addi %scan3A_206, %scan3A_207 : i32
        %scan3A_209 = arith.constant 1 : i32
        scf.for %scan3A_228 = %scan3A_206 to %scan3A_208 step %scan3A_209  : i32 {
          %mul3A_229 = arith.constant 8 : i32
          %mul3A_230 = arith.muli %scan3A_228, %mul3A_229 : i32
          %add3A_231 = arith.constant 0 : i32
          %add3A_232 = arith.addi %mul3A_230, %add3A_231 : i32
          %add3A_233 = arith.addi %mul3A_204, %add3A_232 : i32
          %broadcast_in_dim3A_234 = vector.broadcast %add3A_233 : i32 to vector<16xi32>
          %gather3A = tpu.vector_load_idx %arg6[%broadcast_in_dim3A, %broadcast_in_dim3A_234] : memref<4x512xf32, #tpu.memory_space<vmem>>[vector<16xi32>, vector<16xi32>], vector<16xf32>,
          %mul3A_235 = arith.constant 8 : i32
          %mul3A_236 = arith.muli %scan3A_228, %mul3A_235 : i32
          %add3A_237 = arith.constant 1 : i32
          %add3A_238 = arith.addi %mul3A_236, %add3A_237 : i32
          %add3A_239 = arith.addi %mul3A_204, %add3A_238 : i32
          %broadcast_in_dim3A_240 = vector.broadcast %add3A_239 : i32 to vector<16xi32>
          %gather3A_241 = tpu.vector_load_idx %arg6[%broadcast_in_dim3A, %broadcast_in_dim3A_240] : memref<4x512xf32, #tpu.memory_space<vmem>>[vector<16xi32>, vector<16xi32>], vector<16xf32>,
          %mul3A_242 = arith.constant 8 : i32
          %mul3A_243 = arith.muli %scan3A_228, %mul3A_242 : i32
          %add3A_244 = arith.constant 2 : i32
          %add3A_245 = arith.addi %mul3A_243, %add3A_244 : i32
          %add3A_246 = arith.addi %mul3A_204, %add3A_245 : i32
          %broadcast_in_dim3A_247 = vector.broadcast %add3A_246 : i32 to vector<16xi32>
          %gather3A_248 = tpu.vector_load_idx %arg6[%broadcast_in_dim3A, %broadcast_in_dim3A_247] : memref<4x512xf32, #tpu.memory_space<vmem>>[vector<16xi32>, vector<16xi32>], vector<16xf32>,
          %mul3A_249 = arith.constant 8 : i32
          %mul3A_250 = arith.muli %scan3A_228, %mul3A_249 : i32
          %add3A_251 = arith.constant 3 : i32
          %add3A_252 = arith.addi %mul3A_250, %add3A_251 : i32
          %add3A_253 = arith.addi %mul3A_204, %add3A_252 : i32
          %broadcast_in_dim3A_254 = vector.broadcast %add3A_253 : i32 to vector<16xi32>
          %gather3A_255 = tpu.vector_load_idx %arg6[%broadcast_in_dim3A, %broadcast_in_dim3A_254] : memref<4x512xf32, #tpu.memory_space<vmem>>[vector<16xi32>, vector<16xi32>], vector<16xf32>,
          %mul3A_256 = arith.constant 8 : i32
          %mul3A_257 = arith.muli %scan3A_228, %mul3A_256 : i32
          %add3A_258 = arith.constant 4 : i32
          %add3A_259 = arith.addi %mul3A_257, %add3A_258 : i32
          %add3A_260 = arith.addi %mul3A_204, %add3A_259 : i32
          %broadcast_in_dim3A_261 = vector.broadcast %add3A_260 : i32 to vector<16xi32>
          %gather3A_262 = tpu.vector_load_idx %arg6[%broadcast_in_dim3A, %broadcast_in_dim3A_261] : memref<4x512xf32, #tpu.memory_space<vmem>>[vector<16xi32>, vector<16xi32>], vector<16xf32>,
          %mul3A_263 = arith.constant 8 : i32
          %mul3A_264 = arith.muli %scan3A_228, %mul3A_263 : i32
          %add3A_265 = arith.constant 5 : i32
          %add3A_266 = arith.addi %mul3A_264, %add3A_265 : i32
          %add3A_267 = arith.addi %mul3A_204, %add3A_266 : i32
          %broadcast_in_dim3A_268 = vector.broadcast %add3A_267 : i32 to vector<16xi32>
          %gather3A_269 = tpu.vector_load_idx %arg6[%broadcast_in_dim3A, %broadcast_in_dim3A_268] : memref<4x512xf32, #tpu.memory_space<vmem>>[vector<16xi32>, vector<16xi32>], vector<16xf32>,
          %mul3A_270 = arith.constant 8 : i32
          %mul3A_271 = arith.muli %scan3A_228, %mul3A_270 : i32
          %add3A_272 = arith.constant 6 : i32
          %add3A_273 = arith.addi %mul3A_271, %add3A_272 : i32
          %add3A_274 = arith.addi %mul3A_204, %add3A_273 : i32
          %broadcast_in_dim3A_275 = vector.broadcast %add3A_274 : i32 to vector<16xi32>
          %gather3A_276 = tpu.vector_load_idx %arg6[%broadcast_in_dim3A, %broadcast_in_dim3A_275] : memref<4x512xf32, #tpu.memory_space<vmem>>[vector<16xi32>, vector<16xi32>], vector<16xf32>,
          %mul3A_277 = arith.constant 8 : i32
          %mul3A_278 = arith.muli %scan3A_228, %mul3A_277 : i32
          %add3A_279 = arith.constant 7 : i32
          %add3A_280 = arith.addi %mul3A_278, %add3A_279 : i32
          %add3A_281 = arith.addi %mul3A_204, %add3A_280 : i32
          %broadcast_in_dim3A_282 = vector.broadcast %add3A_281 : i32 to vector<16xi32>
          %gather3A_283 = tpu.vector_load_idx %arg6[%broadcast_in_dim3A, %broadcast_in_dim3A_282] : memref<4x512xf32, #tpu.memory_space<vmem>>[vector<16xi32>, vector<16xi32>], vector<16xf32>,
          %mul3A_284 = arith.constant 8 : i32
          %mul3A_285 = arith.muli %scan3A_228, %mul3A_284 : i32
          %add3A_286 = arith.constant 0 : i32
          %add3A_287 = arith.addi %mul3A_285, %add3A_286 : i32
          %add3A_288 = arith.addf %get3A_54, %gather3A : vector<16xf32>
          %swap3A = arith.constant 1 : i32
          %swap3A_289 = arith.index_cast %swap3A : i32 to index
          %swap3A_290 = arith.index_cast %add3A_287 : i32 to index
          %swap3A_291 = arith.constant 0 : index
          %swap3A_292 = tpu.vector_load %arg7[%swap3A_289, %swap3A_290, %swap3A_291] {strides = array<i32>} : memref<2x64x512xf32, #tpu.memory_space<vmem>>, vector<16xf32>,
          tpu.vector_store %arg7[%swap3A_289, %swap3A_290, %swap3A_291], %add3A_288 {strides = array<i32>} : memref<2x64x512xf32, #tpu.memory_space<vmem>>, vector<16xf32>,
          %add3A_293 = arith.addf %get3A_57, %gather3A : vector<16xf32>
          %swap3A_294 = arith.constant 1 : i32
          %swap3A_295 = arith.index_cast %swap3A_294 : i32 to index
          %swap3A_296 = arith.index_cast %add3A_287 : i32 to index
          %swap3A_297 = arith.constant 16 : index
          %swap3A_298 = tpu.vector_load %arg7[%swap3A_295, %swap3A_296, %swap3A_297] {strides = array<i32>} : memref<2x64x512xf32, #tpu.memory_space<vmem>>, vector<16xf32>,
          tpu.vector_store %arg7[%swap3A_295, %swap3A_296, %swap3A_297], %add3A_293 {strides = array<i32>} : memref<2x64x512xf32, #tpu.memory_space<vmem>>, vector<16xf32>,
          %add3A_299 = arith.addf %get3A_60, %gather3A : vector<16xf32>
          %swap3A_300 = arith.constant 1 : i32
          %swap3A_301 = arith.index_cast %swap3A_300 : i32 to index
          %swap3A_302 = arith.index_cast %add3A_287 : i32 to index
          %swap3A_303 = arith.constant 32 : index
          %swap3A_304 = tpu.vector_load %arg7[%swap3A_301, %swap3A_302, %swap3A_303] {strides = array<i32>} : memref<2x64x512xf32, #tpu.memory_space<vmem>>, vector<16xf32>,
          tpu.vector_store %arg7[%swap3A_301, %swap3A_302, %swap3A_303], %add3A_299 {strides = array<i32>} : memref<2x64x512xf32, #tpu.memory_space<vmem>>, vector<16xf32>,
          %add3A_305 = arith.addf %get3A_63, %gather3A : vector<16xf32>
          %swap3A_306 = arith.constant 1 : i32
          %swap3A_307 = arith.index_cast %swap3A_306 : i32 to index
          %swap3A_308 = arith.index_cast %add3A_287 : i32 to index
          %swap3A_309 = arith.constant 48 : index
          %swap3A_310 = tpu.vector_load %arg7[%swap3A_307, %swap3A_308, %swap3A_309] {strides = array<i32>} : memref<2x64x512xf32, #tpu.memory_space<vmem>>, vector<16xf32>,
          tpu.vector_store %arg7[%swap3A_307, %swap3A_308, %swap3A_309], %add3A_305 {strides = array<i32>} : memref<2x64x512xf32, #tpu.memory_space<vmem>>, vector<16xf32>,
          %add3A_311 = arith.addf %get3A_66, %gather3A : vector<16xf32>
          %swap3A_312 = arith.constant 1 : i32
          %swap3A_313 = arith.index_cast %swap3A_312 : i32 to index
          %swap3A_314 = arith.index_cast %add3A_287 : i32 to index
          %swap3A_315 = arith.constant 64 : index
          %swap3A_316 = tpu.vector_load %arg7[%swap3A_313, %swap3A_314, %swap3A_315] {strides = array<i32>} : memref<2x64x512xf32, #tpu.memory_space<vmem>>, vector<16xf32>,
          tpu.vector_store %arg7[%swap3A_313, %swap3A_314, %swap3A_315], %add3A_311 {strides = array<i32>} : memref<2x64x512xf32, #tpu.memory_space<vmem>>, vector<16xf32>,
          %add3A_317 = arith.addf %get3A_69, %gather3A : vector<16xf32>
          %swap3A_318 = arith.constant 1 : i32
          %swap3A_319 = arith.index_cast %swap3A_318 : i32 to index
          %swap3A_320 = arith.index_cast %add3A_287 : i32 to index
          %swap3A_321 = arith.constant 80 : index
          %swap3A_322 = tpu.vector_load %arg7[%swap3A_319, %swap3A_320, %swap3A_321] {strides = array<i32>} : memref<2x64x512xf32, #tpu.memory_space<vmem>>, vector<16xf32>,
          tpu.vector_store %arg7[%swap3A_319, %swap3A_320, %swap3A_321], %add3A_317 {strides = array<i32>} : memref<2x64x512xf32, #tpu.memory_space<vmem>>, vector<16xf32>,
          %add3A_323 = arith.addf %get3A_72, %gather3A : vector<16xf32>
          %swap3A_324 = arith.constant 1 : i32
          %swap3A_325 = arith.index_cast %swap3A_324 : i32 to index
          %swap3A_326 = arith.index_cast %add3A_287 : i32 to index
          %swap3A_327 = arith.constant 96 : index
          %swap3A_328 = tpu.vector_load %arg7[%swap3A_325, %swap3A_326, %swap3A_327] {strides = array<i32>} : memref<2x64x512xf32, #tpu.memory_space<vmem>>, vector<16xf32>,
          tpu.vector_store %arg7[%swap3A_325, %swap3A_326, %swap3A_327], %add3A_323 {strides = array<i32>} : memref<2x64x512xf32, #tpu.memory_space<vmem>>, vector<16xf32>,
          %add3A_329 = arith.addf %get3A_75, %gather3A : vector<16xf32>
          %swap3A_330 = arith.constant 1 : i32
          %swap3A_331 = arith.index_cast %swap3A_330 : i32 to index
          %swap3A_332 = arith.index_cast %add3A_287 : i32 to index
          %swap3A_333 = arith.constant 112 : index
          %swap3A_334 = tpu.vector_load %arg7[%swap3A_331, %swap3A_332, %swap3A_333] {strides = array<i32>} : memref<2x64x512xf32, #tpu.memory_space<vmem>>, vector<16xf32>,
          tpu.vector_store %arg7[%swap3A_331, %swap3A_332, %swap3A_333], %add3A_329 {strides = array<i32>} : memref<2x64x512xf32, #tpu.memory_space<vmem>>, vector<16xf32>,
          %add3A_335 = arith.addf %get3A_78, %gather3A : vector<16xf32>
          %swap3A_336 = arith.constant 1 : i32
          %swap3A_337 = arith.index_cast %swap3A_336 : i32 to index
          %swap3A_338 = arith.index_cast %add3A_287 : i32 to index
          %swap3A_339 = arith.constant 128 : index
          %swap3A_340 = tpu.vector_load %arg7[%swap3A_337, %swap3A_338, %swap3A_339] {strides = array<i32>} : memref<2x64x512xf32, #tpu.memory_space<vmem>>, vector<16xf32>,
          tpu.vector_store %arg7[%swap3A_337, %swap3A_338, %swap3A_339], %add3A_335 {strides = array<i32>} : memref<2x64x512xf32, #tpu.memory_space<vmem>>, vector<16xf32>,
          %add3A_341 = arith.addf %get3A_81, %gather3A : vector<16xf32>
          %swap3A_342 = arith.constant 1 : i32
          %swap3A_343 = arith.index_cast %swap3A_342 : i32 to index
          %swap3A_344 = arith.index_cast %add3A_287 : i32 to index
          %swap3A_345 = arith.constant 144 : index
          %swap3A_346 = tpu.vector_load %arg7[%swap3A_343, %swap3A_344, %swap3A_345] {strides = array<i32>} : memref<2x64x512xf32, #tpu.memory_space<vmem>>, vector<16xf32>,
          tpu.vector_store %arg7[%swap3A_343, %swap3A_344, %swap3A_345], %add3A_341 {strides = array<i32>} : memref<2x64x512xf32, #tpu.memory_space<vmem>>, vector<16xf32>,
          %add3A_347 = arith.addf %get3A_84, %gather3A : vector<16xf32>
          %swap3A_348 = arith.constant 1 : i32
          %swap3A_349 = arith.index_cast %swap3A_348 : i32 to index
          %swap3A_350 = arith.index_cast %add3A_287 : i32 to index
          %swap3A_351 = arith.constant 160 : index
          %swap3A_352 = tpu.vector_load %arg7[%swap3A_349, %swap3A_350, %swap3A_351] {strides = array<i32>} : memref<2x64x512xf32, #tpu.memory_space<vmem>>, vector<16xf32>,
          tpu.vector_store %arg7[%swap3A_349, %swap3A_350, %swap3A_351], %add3A_347 {strides = array<i32>} : memref<2x64x512xf32, #tpu.memory_space<vmem>>, vector<16xf32>,
          %add3A_353 = arith.addf %get3A_87, %gather3A : vector<16xf32>
          %swap3A_354 = arith.constant 1 : i32
          %swap3A_355 = arith.index_cast %swap3A_354 : i32 to index
          %swap3A_356 = arith.index_cast %add3A_287 : i32 to index
          %swap3A_357 = arith.constant 176 : index
          %swap3A_358 = tpu.vector_load %arg7[%swap3A_355, %swap3A_356, %swap3A_357] {strides = array<i32>} : memref<2x64x512xf32, #tpu.memory_space<vmem>>, vector<16xf32>,
          tpu.vector_store %arg7[%swap3A_355, %swap3A_356, %swap3A_357], %add3A_353 {strides = array<i32>} : memref<2x64x512xf32, #tpu.memory_space<vmem>>, vector<16xf32>,
          %add3A_359 = arith.addf %get3A_90, %gather3A : vector<16xf32>
          %swap3A_360 = arith.constant 1 : i32
          %swap3A_361 = arith.index_cast %swap3A_360 : i32 to index
          %swap3A_362 = arith.index_cast %add3A_287 : i32 to index
          %swap3A_363 = arith.constant 192 : index
          %swap3A_364 = tpu.vector_load %arg7[%swap3A_361, %swap3A_362, %swap3A_363] {strides = array<i32>} : memref<2x64x512xf32, #tpu.memory_space<vmem>>, vector<16xf32>,
          tpu.vector_store %arg7[%swap3A_361, %swap3A_362, %swap3A_363], %add3A_359 {strides = array<i32>} : memref<2x64x512xf32, #tpu.memory_space<vmem>>, vector<16xf32>,
          %add3A_365 = arith.addf %get3A_93, %gather3A : vector<16xf32>
          %swap3A_366 = arith.constant 1 : i32
          %swap3A_367 = arith.index_cast %swap3A_366 : i32 to index
          %swap3A_368 = arith.index_cast %add3A_287 : i32 to index
          %swap3A_369 = arith.constant 208 : index
          %swap3A_370 = tpu.vector_load %arg7[%swap3A_367, %swap3A_368, %swap3A_369] {strides = array<i32>} : memref<2x64x512xf32, #tpu.memory_space<vmem>>, vector<16xf32>,
          tpu.vector_store %arg7[%swap3A_367, %swap3A_368, %swap3A_369], %add3A_365 {strides = array<i32>} : memref<2x64x512xf32, #tpu.memory_space<vmem>>, vector<16xf32>,
          %add3A_371 = arith.addf %get3A_96, %gather3A : vector<16xf32>
          %swap3A_372 = arith.constant 1 : i32
          %swap3A_373 = arith.index_cast %swap3A_372 : i32 to index
          %swap3A_374 = arith.index_cast %add3A_287 : i32 to index
          %swap3A_375 = arith.constant 224 : index
          %swap3A_376 = tpu.vector_load %arg7[%swap3A_373, %swap3A_374, %swap3A_375] {strides = array<i32>} : memref<2x64x512xf32, #tpu.memory_space<vmem>>, vector<16xf32>,
          tpu.vector_store %arg7[%swap3A_373, %swap3A_374, %swap3A_375], %add3A_371 {strides = array<i32>} : memref<2x64x512xf32, #tpu.memory_space<vmem>>, vector<16xf32>,
          %add3A_377 = arith.addf %get3A_99, %gather3A : vector<16xf32>
          %swap3A_378 = arith.constant 1 : i32
          %swap3A_379 = arith.index_cast %swap3A_378 : i32 to index
          %swap3A_380 = arith.index_cast %add3A_287 : i32 to index
          %swap3A_381 = arith.constant 240 : index
          %swap3A_382 = tpu.vector_load %arg7[%swap3A_379, %swap3A_380, %swap3A_381] {strides = array<i32>} : memref<2x64x512xf32, #tpu.memory_space<vmem>>, vector<16xf32>,
          tpu.vector_store %arg7[%swap3A_379, %swap3A_380, %swap3A_381], %add3A_377 {strides = array<i32>} : memref<2x64x512xf32, #tpu.memory_space<vmem>>, vector<16xf32>,
          %add3A_383 = arith.addf %get3A_102, %gather3A : vector<16xf32>
          %swap3A_384 = arith.constant 1 : i32
          %swap3A_385 = arith.index_cast %swap3A_384 : i32 to index
          %swap3A_386 = arith.index_cast %add3A_287 : i32 to index
          %swap3A_387 = arith.constant 256 : index
          %swap3A_388 = tpu.vector_load %arg7[%swap3A_385, %swap3A_386, %swap3A_387] {strides = array<i32>} : memref<2x64x512xf32, #tpu.memory_space<vmem>>, vector<16xf32>,
          tpu.vector_store %arg7[%swap3A_385, %swap3A_386, %swap3A_387], %add3A_383 {strides = array<i32>} : memref<2x64x512xf32, #tpu.memory_space<vmem>>, vector<16xf32>,
          %add3A_389 = arith.addf %get3A_105, %gather3A : vector<16xf32>
          %swap3A_390 = arith.constant 1 : i32
          %swap3A_391 = arith.index_cast %swap3A_390 : i32 to index
          %swap3A_392 = arith.index_cast %add3A_287 : i32 to index
          %swap3A_393 = arith.constant 272 : index
          %swap3A_394 = tpu.vector_load %arg7[%swap3A_391, %swap3A_392, %swap3A_393] {strides = array<i32>} : memref<2x64x512xf32, #tpu.memory_space<vmem>>, vector<16xf32>,
          tpu.vector_store %arg7[%swap3A_391, %swap3A_392, %swap3A_393], %add3A_389 {strides = array<i32>} : memref<2x64x512xf32, #tpu.memory_space<vmem>>, vector<16xf32>,
          %add3A_395 = arith.addf %get3A_108, %gather3A : vector<16xf32>
          %swap3A_396 = arith.constant 1 : i32
          %swap3A_397 = arith.index_cast %swap3A_396 : i32 to index
          %swap3A_398 = arith.index_cast %add3A_287 : i32 to index
          %swap3A_399 = arith.constant 288 : index
          %swap3A_400 = tpu.vector_load %arg7[%swap3A_397, %swap3A_398, %swap3A_399] {strides = array<i32>} : memref<2x64x512xf32, #tpu.memory_space<vmem>>, vector<16xf32>,
          tpu.vector_store %arg7[%swap3A_397, %swap3A_398, %swap3A_399], %add3A_395 {strides = array<i32>} : memref<2x64x512xf32, #tpu.memory_space<vmem>>, vector<16xf32>,
          %add3A_401 = arith.addf %get3A_111, %gather3A : vector<16xf32>
          %swap3A_402 = arith.constant 1 : i32
          %swap3A_403 = arith.index_cast %swap3A_402 : i32 to index
          %swap3A_404 = arith.index_cast %add3A_287 : i32 to index
          %swap3A_405 = arith.constant 304 : index
          %swap3A_406 = tpu.vector_load %arg7[%swap3A_403, %swap3A_404, %swap3A_405] {strides = array<i32>} : memref<2x64x512xf32, #tpu.memory_space<vmem>>, vector<16xf32>,
          tpu.vector_store %arg7[%swap3A_403, %swap3A_404, %swap3A_405], %add3A_401 {strides = array<i32>} : memref<2x64x512xf32, #tpu.memory_space<vmem>>, vector<16xf32>,
          %add3A_407 = arith.addf %get3A_114, %gather3A : vector<16xf32>
          %swap3A_408 = arith.constant 1 : i32
          %swap3A_409 = arith.index_cast %swap3A_408 : i32 to index
          %swap3A_410 = arith.index_cast %add3A_287 : i32 to index
          %swap3A_411 = arith.constant 320 : index
          %swap3A_412 = tpu.vector_load %arg7[%swap3A_409, %swap3A_410, %swap3A_411] {strides = array<i32>} : memref<2x64x512xf32, #tpu.memory_space<vmem>>, vector<16xf32>,
          tpu.vector_store %arg7[%swap3A_409, %swap3A_410, %swap3A_411], %add3A_407 {strides = array<i32>} : memref<2x64x512xf32, #tpu.memory_space<vmem>>, vector<16xf32>,
          %add3A_413 = arith.addf %get3A_117, %gather3A : vector<16xf32>
          %swap3A_414 = arith.constant 1 : i32
          %swap3A_415 = arith.index_cast %swap3A_414 : i32 to index
          %swap3A_416 = arith.index_cast %add3A_287 : i32 to index
          %swap3A_417 = arith.constant 336 : index
          %swap3A_418 = tpu.vector_load %arg7[%swap3A_415, %swap3A_416, %swap3A_417] {strides = array<i32>} : memref<2x64x512xf32, #tpu.memory_space<vmem>>, vector<16xf32>,
          tpu.vector_store %arg7[%swap3A_415, %swap3A_416, %swap3A_417], %add3A_413 {strides = array<i32>} : memref<2x64x512xf32, #tpu.memory_space<vmem>>, vector<16xf32>,
          %add3A_419 = arith.addf %get3A_120, %gather3A : vector<16xf32>
          %swap3A_420 = arith.constant 1 : i32
          %swap3A_421 = arith.index_cast %swap3A_420 : i32 to index
          %swap3A_422 = arith.index_cast %add3A_287 : i32 to index
          %swap3A_423 = arith.constant 352 : index
          %swap3A_424 = tpu.vector_load %arg7[%swap3A_421, %swap3A_422, %swap3A_423] {strides = array<i32>} : memref<2x64x512xf32, #tpu.memory_space<vmem>>, vector<16xf32>,
          tpu.vector_store %arg7[%swap3A_421, %swap3A_422, %swap3A_423], %add3A_419 {strides = array<i32>} : memref<2x64x512xf32, #tpu.memory_space<vmem>>, vector<16xf32>,
          %add3A_425 = arith.addf %get3A_123, %gather3A : vector<16xf32>
          %swap3A_426 = arith.constant 1 : i32
          %swap3A_427 = arith.index_cast %swap3A_426 : i32 to index
          %swap3A_428 = arith.index_cast %add3A_287 : i32 to index
          %swap3A_429 = arith.constant 368 : index
          %swap3A_430 = tpu.vector_load %arg7[%swap3A_427, %swap3A_428, %swap3A_429] {strides = array<i32>} : memref<2x64x512xf32, #tpu.memory_space<vmem>>, vector<16xf32>,
          tpu.vector_store %arg7[%swap3A_427, %swap3A_428, %swap3A_429], %add3A_425 {strides = array<i32>} : memref<2x64x512xf32, #tpu.memory_space<vmem>>, vector<16xf32>,
          %add3A_431 = arith.addf %get3A_126, %gather3A : vector<16xf32>
          %swap3A_432 = arith.constant 1 : i32
          %swap3A_433 = arith.index_cast %swap3A_432 : i32 to index
          %swap3A_434 = arith.index_cast %add3A_287 : i32 to index
          %swap3A_435 = arith.constant 384 : index
          %swap3A_436 = tpu.vector_load %arg7[%swap3A_433, %swap3A_434, %swap3A_435] {strides = array<i32>} : memref<2x64x512xf32, #tpu.memory_space<vmem>>, vector<16xf32>,
          tpu.vector_store %arg7[%swap3A_433, %swap3A_434, %swap3A_435], %add3A_431 {strides = array<i32>} : memref<2x64x512xf32, #tpu.memory_space<vmem>>, vector<16xf32>,
          %add3A_437 = arith.addf %get3A_129, %gather3A : vector<16xf32>
          %swap3A_438 = arith.constant 1 : i32
          %swap3A_439 = arith.index_cast %swap3A_438 : i32 to index
          %swap3A_440 = arith.index_cast %add3A_287 : i32 to index
          %swap3A_441 = arith.constant 400 : index
          %swap3A_442 = tpu.vector_load %arg7[%swap3A_439, %swap3A_440, %swap3A_441] {strides = array<i32>} : memref<2x64x512xf32, #tpu.memory_space<vmem>>, vector<16xf32>,
          tpu.vector_store %arg7[%swap3A_439, %swap3A_440, %swap3A_441], %add3A_437 {strides = array<i32>} : memref<2x64x512xf32, #tpu.memory_space<vmem>>, vector<16xf32>,
          %add3A_443 = arith.addf %get3A_132, %gather3A : vector<16xf32>
          %swap3A_444 = arith.constant 1 : i32
          %swap3A_445 = arith.index_cast %swap3A_444 : i32 to index
          %swap3A_446 = arith.index_cast %add3A_287 : i32 to index
          %swap3A_447 = arith.constant 416 : index
          %swap3A_448 = tpu.vector_load %arg7[%swap3A_445, %swap3A_446, %swap3A_447] {strides = array<i32>} : memref<2x64x512xf32, #tpu.memory_space<vmem>>, vector<16xf32>,
          tpu.vector_store %arg7[%swap3A_445, %swap3A_446, %swap3A_447], %add3A_443 {strides = array<i32>} : memref<2x64x512xf32, #tpu.memory_space<vmem>>, vector<16xf32>,
          %add3A_449 = arith.addf %get3A_135, %gather3A : vector<16xf32>
          %swap3A_450 = arith.constant 1 : i32
          %swap3A_451 = arith.index_cast %swap3A_450 : i32 to index
          %swap3A_452 = arith.index_cast %add3A_287 : i32 to index
          %swap3A_453 = arith.constant 432 : index
          %swap3A_454 = tpu.vector_load %arg7[%swap3A_451, %swap3A_452, %swap3A_453] {strides = array<i32>} : memref<2x64x512xf32, #tpu.memory_space<vmem>>, vector<16xf32>,
          tpu.vector_store %arg7[%swap3A_451, %swap3A_452, %swap3A_453], %add3A_449 {strides = array<i32>} : memref<2x64x512xf32, #tpu.memory_space<vmem>>, vector<16xf32>,
          %add3A_455 = arith.addf %get3A_138, %gather3A : vector<16xf32>
          %swap3A_456 = arith.constant 1 : i32
          %swap3A_457 = arith.index_cast %swap3A_456 : i32 to index
          %swap3A_458 = arith.index_cast %add3A_287 : i32 to index
          %swap3A_459 = arith.constant 448 : index
          %swap3A_460 = tpu.vector_load %arg7[%swap3A_457, %swap3A_458, %swap3A_459] {strides = array<i32>} : memref<2x64x512xf32, #tpu.memory_space<vmem>>, vector<16xf32>,
          tpu.vector_store %arg7[%swap3A_457, %swap3A_458, %swap3A_459], %add3A_455 {strides = array<i32>} : memref<2x64x512xf32, #tpu.memory_space<vmem>>, vector<16xf32>,
          %add3A_461 = arith.addf %get3A_141, %gather3A : vector<16xf32>
          %swap3A_462 = arith.constant 1 : i32
          %swap3A_463 = arith.index_cast %swap3A_462 : i32 to index
          %swap3A_464 = arith.index_cast %add3A_287 : i32 to index
          %swap3A_465 = arith.constant 464 : index
          %swap3A_466 = tpu.vector_load %arg7[%swap3A_463, %swap3A_464, %swap3A_465] {strides = array<i32>} : memref<2x64x512xf32, #tpu.memory_space<vmem>>, vector<16xf32>,
          tpu.vector_store %arg7[%swap3A_463, %swap3A_464, %swap3A_465], %add3A_461 {strides = array<i32>} : memref<2x64x512xf32, #tpu.memory_space<vmem>>, vector<16xf32>,
          %add3A_467 = arith.addf %get3A_144, %gather3A : vector<16xf32>
          %swap3A_468 = arith.constant 1 : i32
          %swap3A_469 = arith.index_cast %swap3A_468 : i32 to index
          %swap3A_470 = arith.index_cast %add3A_287 : i32 to index
          %swap3A_471 = arith.constant 480 : index
          %swap3A_472 = tpu.vector_load %arg7[%swap3A_469, %swap3A_470, %swap3A_471] {strides = array<i32>} : memref<2x64x512xf32, #tpu.memory_space<vmem>>, vector<16xf32>,
          tpu.vector_store %arg7[%swap3A_469, %swap3A_470, %swap3A_471], %add3A_467 {strides = array<i32>} : memref<2x64x512xf32, #tpu.memory_space<vmem>>, vector<16xf32>,
          %add3A_473 = arith.addf %get3A_147, %gather3A : vector<16xf32>
          %swap3A_474 = arith.constant 1 : i32
          %swap3A_475 = arith.index_cast %swap3A_474 : i32 to index
          %swap3A_476 = arith.index_cast %add3A_287 : i32 to index
          %swap3A_477 = arith.constant 496 : index
          %swap3A_478 = tpu.vector_load %arg7[%swap3A_475, %swap3A_476, %swap3A_477] {strides = array<i32>} : memref<2x64x512xf32, #tpu.memory_space<vmem>>, vector<16xf32>,
          tpu.vector_store %arg7[%swap3A_475, %swap3A_476, %swap3A_477], %add3A_473 {strides = array<i32>} : memref<2x64x512xf32, #tpu.memory_space<vmem>>, vector<16xf32>,
          %mul3A_479 = arith.constant 8 : i32
          %mul3A_480 = arith.muli %scan3A_228, %mul3A_479 : i32
          %add3A_481 = arith.constant 1 : i32
          %add3A_482 = arith.addi %mul3A_480, %add3A_481 : i32
          %add3A_483 = arith.addf %get3A_54, %gather3A_241 : vector<16xf32>
          %swap3A_484 = arith.constant 1 : i32
          %swap3A_485 = arith.index_cast %swap3A_484 : i32 to index
          %swap3A_486 = arith.index_cast %add3A_482 : i32 to index
          %swap3A_487 = arith.constant 0 : index
          %swap3A_488 = tpu.vector_load %arg7[%swap3A_485, %swap3A_486, %swap3A_487] {strides = array<i32>} : memref<2x64x512xf32, #tpu.memory_space<vmem>>, vector<16xf32>,
          tpu.vector_store %arg7[%swap3A_485, %swap3A_486, %swap3A_487], %add3A_483 {strides = array<i32>} : memref<2x64x512xf32, #tpu.memory_space<vmem>>, vector<16xf32>,
          %add3A_489 = arith.addf %get3A_57, %gather3A_241 : vector<16xf32>
          %swap3A_490 = arith.constant 1 : i32
          %swap3A_491 = arith.index_cast %swap3A_490 : i32 to index
          %swap3A_492 = arith.index_cast %add3A_482 : i32 to index
          %swap3A_493 = arith.constant 16 : index
          %swap3A_494 = tpu.vector_load %arg7[%swap3A_491, %swap3A_492, %swap3A_493] {strides = array<i32>} : memref<2x64x512xf32, #tpu.memory_space<vmem>>, vector<16xf32>,
          tpu.vector_store %arg7[%swap3A_491, %swap3A_492, %swap3A_493], %add3A_489 {strides = array<i32>} : memref<2x64x512xf32, #tpu.memory_space<vmem>>, vector<16xf32>,
          %add3A_495 = arith.addf %get3A_60, %gather3A_241 : vector<16xf32>
          %swap3A_496 = arith.constant 1 : i32
          %swap3A_497 = arith.index_cast %swap3A_496 : i32 to index
          %swap3A_498 = arith.index_cast %add3A_482 : i32 to index
          %swap3A_499 = arith.constant 32 : index
          %swap3A_500 = tpu.vector_load %arg7[%swap3A_497, %swap3A_498, %swap3A_499] {strides = array<i32>} : memref<2x64x512xf32, #tpu.memory_space<vmem>>, vector<16xf32>,
          tpu.vector_store %arg7[%swap3A_497, %swap3A_498, %swap3A_499], %add3A_495 {strides = array<i32>} : memref<2x64x512xf32, #tpu.memory_space<vmem>>, vector<16xf32>,
          %add3A_501 = arith.addf %get3A_63, %gather3A_241 : vector<16xf32>
          %swap3A_502 = arith.constant 1 : i32
          %swap3A_503 = arith.index_cast %swap3A_502 : i32 to index
          %swap3A_504 = arith.index_cast %add3A_482 : i32 to index
          %swap3A_505 = arith.constant 48 : index
          %swap3A_506 = tpu.vector_load %arg7[%swap3A_503, %swap3A_504, %swap3A_505] {strides = array<i32>} : memref<2x64x512xf32, #tpu.memory_space<vmem>>, vector<16xf32>,
          tpu.vector_store %arg7[%swap3A_503, %swap3A_504, %swap3A_505], %add3A_501 {strides = array<i32>} : memref<2x64x512xf32, #tpu.memory_space<vmem>>, vector<16xf32>,
          %add3A_507 = arith.addf %get3A_66, %gather3A_241 : vector<16xf32>
          %swap3A_508 = arith.constant 1 : i32
          %swap3A_509 = arith.index_cast %swap3A_508 : i32 to index
          %swap3A_510 = arith.index_cast %add3A_482 : i32 to index
          %swap3A_511 = arith.constant 64 : index
          %swap3A_512 = tpu.vector_load %arg7[%swap3A_509, %swap3A_510, %swap3A_511] {strides = array<i32>} : memref<2x64x512xf32, #tpu.memory_space<vmem>>, vector<16xf32>,
          tpu.vector_store %arg7[%swap3A_509, %swap3A_510, %swap3A_511], %add3A_507 {strides = array<i32>} : memref<2x64x512xf32, #tpu.memory_space<vmem>>, vector<16xf32>,
          %add3A_513 = arith.addf %get3A_69, %gather3A_241 : vector<16xf32>
          %swap3A_514 = arith.constant 1 : i32
          %swap3A_515 = arith.index_cast %swap3A_514 : i32 to index
          %swap3A_516 = arith.index_cast %add3A_482 : i32 to index
          %swap3A_517 = arith.constant 80 : index
          %swap3A_518 = tpu.vector_load %arg7[%swap3A_515, %swap3A_516, %swap3A_517] {strides = array<i32>} : memref<2x64x512xf32, #tpu.memory_space<vmem>>, vector<16xf32>,
          tpu.vector_store %arg7[%swap3A_515, %swap3A_516, %swap3A_517], %add3A_513 {strides = array<i32>} : memref<2x64x512xf32, #tpu.memory_space<vmem>>, vector<16xf32>,
          %add3A_519 = arith.addf %get3A_72, %gather3A_241 : vector<16xf32>
          %swap3A_520 = arith.constant 1 : i32
          %swap3A_521 = arith.index_cast %swap3A_520 : i32 to index
          %swap3A_522 = arith.index_cast %add3A_482 : i32 to index
          %swap3A_523 = arith.constant 96 : index
          %swap3A_524 = tpu.vector_load %arg7[%swap3A_521, %swap3A_522, %swap3A_523] {strides = array<i32>} : memref<2x64x512xf32, #tpu.memory_space<vmem>>, vector<16xf32>,
          tpu.vector_store %arg7[%swap3A_521, %swap3A_522, %swap3A_523], %add3A_519 {strides = array<i32>} : memref<2x64x512xf32, #tpu.memory_space<vmem>>, vector<16xf32>,
          %add3A_525 = arith.addf %get3A_75, %gather3A_241 : vector<16xf32>
          %swap3A_526 = arith.constant 1 : i32
          %swap3A_527 = arith.index_cast %swap3A_526 : i32 to index
          %swap3A_528 = arith.index_cast %add3A_482 : i32 to index
          %swap3A_529 = arith.constant 112 : index
          %swap3A_530 = tpu.vector_load %arg7[%swap3A_527, %swap3A_528, %swap3A_529] {strides = array<i32>} : memref<2x64x512xf32, #tpu.memory_space<vmem>>, vector<16xf32>,
          tpu.vector_store %arg7[%swap3A_527, %swap3A_528, %swap3A_529], %add3A_525 {strides = array<i32>} : memref<2x64x512xf32, #tpu.memory_space<vmem>>, vector<16xf32>,
          %add3A_531 = arith.addf %get3A_78, %gather3A_241 : vector<16xf32>
          %swap3A_532 = arith.constant 1 : i32
          %swap3A_533 = arith.index_cast %swap3A_532 : i32 to index
          %swap3A_534 = arith.index_cast %add3A_482 : i32 to index
          %swap3A_535 = arith.constant 128 : index
          %swap3A_536 = tpu.vector_load %arg7[%swap3A_533, %swap3A_534, %swap3A_535] {strides = array<i32>} : memref<2x64x512xf32, #tpu.memory_space<vmem>>, vector<16xf32>,
          tpu.vector_store %arg7[%swap3A_533, %swap3A_534, %swap3A_535], %add3A_531 {strides = array<i32>} : memref<2x64x512xf32, #tpu.memory_space<vmem>>, vector<16xf32>,
          %add3A_537 = arith.addf %get3A_81, %gather3A_241 : vector<16xf32>
          %swap3A_538 = arith.constant 1 : i32
          %swap3A_539 = arith.index_cast %swap3A_538 : i32 to index
          %swap3A_540 = arith.index_cast %add3A_482 : i32 to index
          %swap3A_541 = arith.constant 144 : index
          %swap3A_542 = tpu.vector_load %arg7[%swap3A_539, %swap3A_540, %swap3A_541] {strides = array<i32>} : memref<2x64x512xf32, #tpu.memory_space<vmem>>, vector<16xf32>,
          tpu.vector_store %arg7[%swap3A_539, %swap3A_540, %swap3A_541], %add3A_537 {strides = array<i32>} : memref<2x64x512xf32, #tpu.memory_space<vmem>>, vector<16xf32>,
          %add3A_543 = arith.addf %get3A_84, %gather3A_241 : vector<16xf32>
          %swap3A_544 = arith.constant 1 : i32
          %swap3A_545 = arith.index_cast %swap3A_544 : i32 to index
          %swap3A_546 = arith.index_cast %add3A_482 : i32 to index
          %swap3A_547 = arith.constant 160 : index
          %swap3A_548 = tpu.vector_load %arg7[%swap3A_545, %swap3A_546, %swap3A_547] {strides = array<i32>} : memref<2x64x512xf32, #tpu.memory_space<vmem>>, vector<16xf32>,
          tpu.vector_store %arg7[%swap3A_545, %swap3A_546, %swap3A_547], %add3A_543 {strides = array<i32>} : memref<2x64x512xf32, #tpu.memory_space<vmem>>, vector<16xf32>,
          %add3A_549 = arith.addf %get3A_87, %gather3A_241 : vector<16xf32>
          %swap3A_550 = arith.constant 1 : i32
          %swap3A_551 = arith.index_cast %swap3A_550 : i32 to index
          %swap3A_552 = arith.index_cast %add3A_482 : i32 to index
          %swap3A_553 = arith.constant 176 : index
          %swap3A_554 = tpu.vector_load %arg7[%swap3A_551, %swap3A_552, %swap3A_553] {strides = array<i32>} : memref<2x64x512xf32, #tpu.memory_space<vmem>>, vector<16xf32>,
          tpu.vector_store %arg7[%swap3A_551, %swap3A_552, %swap3A_553], %add3A_549 {strides = array<i32>} : memref<2x64x512xf32, #tpu.memory_space<vmem>>, vector<16xf32>,
          %add3A_555 = arith.addf %get3A_90, %gather3A_241 : vector<16xf32>
          %swap3A_556 = arith.constant 1 : i32
          %swap3A_557 = arith.index_cast %swap3A_556 : i32 to index
          %swap3A_558 = arith.index_cast %add3A_482 : i32 to index
          %swap3A_559 = arith.constant 192 : index
          %swap3A_560 = tpu.vector_load %arg7[%swap3A_557, %swap3A_558, %swap3A_559] {strides = array<i32>} : memref<2x64x512xf32, #tpu.memory_space<vmem>>, vector<16xf32>,
          tpu.vector_store %arg7[%swap3A_557, %swap3A_558, %swap3A_559], %add3A_555 {strides = array<i32>} : memref<2x64x512xf32, #tpu.memory_space<vmem>>, vector<16xf32>,
          %add3A_561 = arith.addf %get3A_93, %gather3A_241 : vector<16xf32>
          %swap3A_562 = arith.constant 1 : i32
          %swap3A_563 = arith.index_cast %swap3A_562 : i32 to index
          %swap3A_564 = arith.index_cast %add3A_482 : i32 to index
          %swap3A_565 = arith.constant 208 : index
          %swap3A_566 = tpu.vector_load %arg7[%swap3A_563, %swap3A_564, %swap3A_565] {strides = array<i32>} : memref<2x64x512xf32, #tpu.memory_space<vmem>>, vector<16xf32>,
          tpu.vector_store %arg7[%swap3A_563, %swap3A_564, %swap3A_565], %add3A_561 {strides = array<i32>} : memref<2x64x512xf32, #tpu.memory_space<vmem>>, vector<16xf32>,
          %add3A_567 = arith.addf %get3A_96, %gather3A_241 : vector<16xf32>
          %swap3A_568 = arith.constant 1 : i32
          %swap3A_569 = arith.index_cast %swap3A_568 : i32 to index
          %swap3A_570 = arith.index_cast %add3A_482 : i32 to index
          %swap3A_571 = arith.constant 224 : index
          %swap3A_572 = tpu.vector_load %arg7[%swap3A_569, %swap3A_570, %swap3A_571] {strides = array<i32>} : memref<2x64x512xf32, #tpu.memory_space<vmem>>, vector<16xf32>,
          tpu.vector_store %arg7[%swap3A_569, %swap3A_570, %swap3A_571], %add3A_567 {strides = array<i32>} : memref<2x64x512xf32, #tpu.memory_space<vmem>>, vector<16xf32>,
          %add3A_573 = arith.addf %get3A_99, %gather3A_241 : vector<16xf32>
          %swap3A_574 = arith.constant 1 : i32
          %swap3A_575 = arith.index_cast %swap3A_574 : i32 to index
          %swap3A_576 = arith.index_cast %add3A_482 : i32 to index
          %swap3A_577 = arith.constant 240 : index
          %swap3A_578 = tpu.vector_load %arg7[%swap3A_575, %swap3A_576, %swap3A_577] {strides = array<i32>} : memref<2x64x512xf32, #tpu.memory_space<vmem>>, vector<16xf32>,
          tpu.vector_store %arg7[%swap3A_575, %swap3A_576, %swap3A_577], %add3A_573 {strides = array<i32>} : memref<2x64x512xf32, #tpu.memory_space<vmem>>, vector<16xf32>,
          %add3A_579 = arith.addf %get3A_102, %gather3A_241 : vector<16xf32>
          %swap3A_580 = arith.constant 1 : i32
          %swap3A_581 = arith.index_cast %swap3A_580 : i32 to index
          %swap3A_582 = arith.index_cast %add3A_482 : i32 to index
          %swap3A_583 = arith.constant 256 : index
          %swap3A_584 = tpu.vector_load %arg7[%swap3A_581, %swap3A_582, %swap3A_583] {strides = array<i32>} : memref<2x64x512xf32, #tpu.memory_space<vmem>>, vector<16xf32>,
          tpu.vector_store %arg7[%swap3A_581, %swap3A_582, %swap3A_583], %add3A_579 {strides = array<i32>} : memref<2x64x512xf32, #tpu.memory_space<vmem>>, vector<16xf32>,
          %add3A_585 = arith.addf %get3A_105, %gather3A_241 : vector<16xf32>
          %swap3A_586 = arith.constant 1 : i32
          %swap3A_587 = arith.index_cast %swap3A_586 : i32 to index
          %swap3A_588 = arith.index_cast %add3A_482 : i32 to index
          %swap3A_589 = arith.constant 272 : index
          %swap3A_590 = tpu.vector_load %arg7[%swap3A_587, %swap3A_588, %swap3A_589] {strides = array<i32>} : memref<2x64x512xf32, #tpu.memory_space<vmem>>, vector<16xf32>,
          tpu.vector_store %arg7[%swap3A_587, %swap3A_588, %swap3A_589], %add3A_585 {strides = array<i32>} : memref<2x64x512xf32, #tpu.memory_space<vmem>>, vector<16xf32>,
          %add3A_591 = arith.addf %get3A_108, %gather3A_241 : vector<16xf32>
          %swap3A_592 = arith.constant 1 : i32
          %swap3A_593 = arith.index_cast %swap3A_592 : i32 to index
          %swap3A_594 = arith.index_cast %add3A_482 : i32 to index
          %swap3A_595 = arith.constant 288 : index
          %swap3A_596 = tpu.vector_load %arg7[%swap3A_593, %swap3A_594, %swap3A_595] {strides = array<i32>} : memref<2x64x512xf32, #tpu.memory_space<vmem>>, vector<16xf32>,
          tpu.vector_store %arg7[%swap3A_593, %swap3A_594, %swap3A_595], %add3A_591 {strides = array<i32>} : memref<2x64x512xf32, #tpu.memory_space<vmem>>, vector<16xf32>,
          %add3A_597 = arith.addf %get3A_111, %gather3A_241 : vector<16xf32>
          %swap3A_598 = arith.constant 1 : i32
          %swap3A_599 = arith.index_cast %swap3A_598 : i32 to index
          %swap3A_600 = arith.index_cast %add3A_482 : i32 to index
          %swap3A_601 = arith.constant 304 : index
          %swap3A_602 = tpu.vector_load %arg7[%swap3A_599, %swap3A_600, %swap3A_601] {strides = array<i32>} : memref<2x64x512xf32, #tpu.memory_space<vmem>>, vector<16xf32>,
          tpu.vector_store %arg7[%swap3A_599, %swap3A_600, %swap3A_601], %add3A_597 {strides = array<i32>} : memref<2x64x512xf32, #tpu.memory_space<vmem>>, vector<16xf32>,
          %add3A_603 = arith.addf %get3A_114, %gather3A_241 : vector<16xf32>
          %swap3A_604 = arith.constant 1 : i32
          %swap3A_605 = arith.index_cast %swap3A_604 : i32 to index
          %swap3A_606 = arith.index_cast %add3A_482 : i32 to index
          %swap3A_607 = arith.constant 320 : index
          %swap3A_608 = tpu.vector_load %arg7[%swap3A_605, %swap3A_606, %swap3A_607] {strides = array<i32>} : memref<2x64x512xf32, #tpu.memory_space<vmem>>, vector<16xf32>,
          tpu.vector_store %arg7[%swap3A_605, %swap3A_606, %swap3A_607], %add3A_603 {strides = array<i32>} : memref<2x64x512xf32, #tpu.memory_space<vmem>>, vector<16xf32>,
          %add3A_609 = arith.addf %get3A_117, %gather3A_241 : vector<16xf32>
          %swap3A_610 = arith.constant 1 : i32
          %swap3A_611 = arith.index_cast %swap3A_610 : i32 to index
          %swap3A_612 = arith.index_cast %add3A_482 : i32 to index
          %swap3A_613 = arith.constant 336 : index
          %swap3A_614 = tpu.vector_load %arg7[%swap3A_611, %swap3A_612, %swap3A_613] {strides = array<i32>} : memref<2x64x512xf32, #tpu.memory_space<vmem>>, vector<16xf32>,
          tpu.vector_store %arg7[%swap3A_611, %swap3A_612, %swap3A_613], %add3A_609 {strides = array<i32>} : memref<2x64x512xf32, #tpu.memory_space<vmem>>, vector<16xf32>,
          %add3A_615 = arith.addf %get3A_120, %gather3A_241 : vector<16xf32>
          %swap3A_616 = arith.constant 1 : i32
          %swap3A_617 = arith.index_cast %swap3A_616 : i32 to index
          %swap3A_618 = arith.index_cast %add3A_482 : i32 to index
          %swap3A_619 = arith.constant 352 : index
          %swap3A_620 = tpu.vector_load %arg7[%swap3A_617, %swap3A_618, %swap3A_619] {strides = array<i32>} : memref<2x64x512xf32, #tpu.memory_space<vmem>>, vector<16xf32>,
          tpu.vector_store %arg7[%swap3A_617, %swap3A_618, %swap3A_619], %add3A_615 {strides = array<i32>} : memref<2x64x512xf32, #tpu.memory_space<vmem>>, vector<16xf32>,
          %add3A_621 = arith.addf %get3A_123, %gather3A_241 : vector<16xf32>
          %swap3A_622 = arith.constant 1 : i32
          %swap3A_623 = arith.index_cast %swap3A_622 : i32 to index
          %swap3A_624 = arith.index_cast %add3A_482 : i32 to index
          %swap3A_625 = arith.constant 368 : index
          %swap3A_626 = tpu.vector_load %arg7[%swap3A_623, %swap3A_624, %swap3A_625] {strides = array<i32>} : memref<2x64x512xf32, #tpu.memory_space<vmem>>, vector<16xf32>,
          tpu.vector_store %arg7[%swap3A_623, %swap3A_624, %swap3A_625], %add3A_621 {strides = array<i32>} : memref<2x64x512xf32, #tpu.memory_space<vmem>>, vector<16xf32>,
          %add3A_627 = arith.addf %get3A_126, %gather3A_241 : vector<16xf32>
          %swap3A_628 = arith.constant 1 : i32
          %swap3A_629 = arith.index_cast %swap3A_628 : i32 to index
          %swap3A_630 = arith.index_cast %add3A_482 : i32 to index
          %swap3A_631 = arith.constant 384 : index
          %swap3A_632 = tpu.vector_load %arg7[%swap3A_629, %swap3A_630, %swap3A_631] {strides = array<i32>} : memref<2x64x512xf32, #tpu.memory_space<vmem>>, vector<16xf32>,
          tpu.vector_store %arg7[%swap3A_629, %swap3A_630, %swap3A_631], %add3A_627 {strides = array<i32>} : memref<2x64x512xf32, #tpu.memory_space<vmem>>, vector<16xf32>,
          %add3A_633 = arith.addf %get3A_129, %gather3A_241 : vector<16xf32>
          %swap3A_634 = arith.constant 1 : i32
          %swap3A_635 = arith.index_cast %swap3A_634 : i32 to index
          %swap3A_636 = arith.index_cast %add3A_482 : i32 to index
          %swap3A_637 = arith.constant 400 : index
          %swap3A_638 = tpu.vector_load %arg7[%swap3A_635, %swap3A_636, %swap3A_637] {strides = array<i32>} : memref<2x64x512xf32, #tpu.memory_space<vmem>>, vector<16xf32>,
          tpu.vector_store %arg7[%swap3A_635, %swap3A_636, %swap3A_637], %add3A_633 {strides = array<i32>} : memref<2x64x512xf32, #tpu.memory_space<vmem>>, vector<16xf32>,
          %add3A_639 = arith.addf %get3A_132, %gather3A_241 : vector<16xf32>
          %swap3A_640 = arith.constant 1 : i32
          %swap3A_641 = arith.index_cast %swap3A_640 : i32 to index
          %swap3A_642 = arith.index_cast %add3A_482 : i32 to index
          %swap3A_643 = arith.constant 416 : index
          %swap3A_644 = tpu.vector_load %arg7[%swap3A_641, %swap3A_642, %swap3A_643] {strides = array<i32>} : memref<2x64x512xf32, #tpu.memory_space<vmem>>, vector<16xf32>,
          tpu.vector_store %arg7[%swap3A_641, %swap3A_642, %swap3A_643], %add3A_639 {strides = array<i32>} : memref<2x64x512xf32, #tpu.memory_space<vmem>>, vector<16xf32>,
          %add3A_645 = arith.addf %get3A_135, %gather3A_241 : vector<16xf32>
          %swap3A_646 = arith.constant 1 : i32
          %swap3A_647 = arith.index_cast %swap3A_646 : i32 to index
          %swap3A_648 = arith.index_cast %add3A_482 : i32 to index
          %swap3A_649 = arith.constant 432 : index
          %swap3A_650 = tpu.vector_load %arg7[%swap3A_647, %swap3A_648, %swap3A_649] {strides = array<i32>} : memref<2x64x512xf32, #tpu.memory_space<vmem>>, vector<16xf32>,
          tpu.vector_store %arg7[%swap3A_647, %swap3A_648, %swap3A_649], %add3A_645 {strides = array<i32>} : memref<2x64x512xf32, #tpu.memory_space<vmem>>, vector<16xf32>,
          %add3A_651 = arith.addf %get3A_138, %gather3A_241 : vector<16xf32>
          %swap3A_652 = arith.constant 1 : i32
          %swap3A_653 = arith.index_cast %swap3A_652 : i32 to index
          %swap3A_654 = arith.index_cast %add3A_482 : i32 to index
          %swap3A_655 = arith.constant 448 : index
          %swap3A_656 = tpu.vector_load %arg7[%swap3A_653, %swap3A_654, %swap3A_655] {strides = array<i32>} : memref<2x64x512xf32, #tpu.memory_space<vmem>>, vector<16xf32>,
          tpu.vector_store %arg7[%swap3A_653, %swap3A_654, %swap3A_655], %add3A_651 {strides = array<i32>} : memref<2x64x512xf32, #tpu.memory_space<vmem>>, vector<16xf32>,
          %add3A_657 = arith.addf %get3A_141, %gather3A_241 : vector<16xf32>
          %swap3A_658 = arith.constant 1 : i32
          %swap3A_659 = arith.index_cast %swap3A_658 : i32 to index
          %swap3A_660 = arith.index_cast %add3A_482 : i32 to index
          %swap3A_661 = arith.constant 464 : index
          %swap3A_662 = tpu.vector_load %arg7[%swap3A_659, %swap3A_660, %swap3A_661] {strides = array<i32>} : memref<2x64x512xf32, #tpu.memory_space<vmem>>, vector<16xf32>,
          tpu.vector_store %arg7[%swap3A_659, %swap3A_660, %swap3A_661], %add3A_657 {strides = array<i32>} : memref<2x64x512xf32, #tpu.memory_space<vmem>>, vector<16xf32>,
          %add3A_663 = arith.addf %get3A_144, %gather3A_241 : vector<16xf32>
          %swap3A_664 = arith.constant 1 : i32
          %swap3A_665 = arith.index_cast %swap3A_664 : i32 to index
          %swap3A_666 = arith.index_cast %add3A_482 : i32 to index
          %swap3A_667 = arith.constant 480 : index
          %swap3A_668 = tpu.vector_load %arg7[%swap3A_665, %swap3A_666, %swap3A_667] {strides = array<i32>} : memref<2x64x512xf32, #tpu.memory_space<vmem>>, vector<16xf32>,
          tpu.vector_store %arg7[%swap3A_665, %swap3A_666, %swap3A_667], %add3A_663 {strides = array<i32>} : memref<2x64x512xf32, #tpu.memory_space<vmem>>, vector<16xf32>,
          %add3A_669 = arith.addf %get3A_147, %gather3A_241 : vector<16xf32>
          %swap3A_670 = arith.constant 1 : i32
          %swap3A_671 = arith.index_cast %swap3A_670 : i32 to index
          %swap3A_672 = arith.index_cast %add3A_482 : i32 to index
          %swap3A_673 = arith.constant 496 : index
          %swap3A_674 = tpu.vector_load %arg7[%swap3A_671, %swap3A_672, %swap3A_673] {strides = array<i32>} : memref<2x64x512xf32, #tpu.memory_space<vmem>>, vector<16xf32>,
          tpu.vector_store %arg7[%swap3A_671, %swap3A_672, %swap3A_673], %add3A_669 {strides = array<i32>} : memref<2x64x512xf32, #tpu.memory_space<vmem>>, vector<16xf32>,
          %mul3A_675 = arith.constant 8 : i32
          %mul3A_676 = arith.muli %scan3A_228, %mul3A_675 : i32
          %add3A_677 = arith.constant 2 : i32
          %add3A_678 = arith.addi %mul3A_676, %add3A_677 : i32
          %add3A_679 = arith.addf %get3A_54, %gather3A_248 : vector<16xf32>
          %swap3A_680 = arith.constant 1 : i32
          %swap3A_681 = arith.index_cast %swap3A_680 : i32 to index
          %swap3A_682 = arith.index_cast %add3A_678 : i32 to index
          %swap3A_683 = arith.constant 0 : index
          %swap3A_684 = tpu.vector_load %arg7[%swap3A_681, %swap3A_682, %swap3A_683] {strides = array<i32>} : memref<2x64x512xf32, #tpu.memory_space<vmem>>, vector<16xf32>,
          tpu.vector_store %arg7[%swap3A_681, %swap3A_682, %swap3A_683], %add3A_679 {strides = array<i32>} : memref<2x64x512xf32, #tpu.memory_space<vmem>>, vector<16xf32>,
          %add3A_685 = arith.addf %get3A_57, %gather3A_248 : vector<16xf32>
          %swap3A_686 = arith.constant 1 : i32
          %swap3A_687 = arith.index_cast %swap3A_686 : i32 to index
          %swap3A_688 = arith.index_cast %add3A_678 : i32 to index
          %swap3A_689 = arith.constant 16 : index
          %swap3A_690 = tpu.vector_load %arg7[%swap3A_687, %swap3A_688, %swap3A_689] {strides = array<i32>} : memref<2x64x512xf32, #tpu.memory_space<vmem>>, vector<16xf32>,
          tpu.vector_store %arg7[%swap3A_687, %swap3A_688, %swap3A_689], %add3A_685 {strides = array<i32>} : memref<2x64x512xf32, #tpu.memory_space<vmem>>, vector<16xf32>,
          %add3A_691 = arith.addf %get3A_60, %gather3A_248 : vector<16xf32>
          %swap3A_692 = arith.constant 1 : i32
          %swap3A_693 = arith.index_cast %swap3A_692 : i32 to index
          %swap3A_694 = arith.index_cast %add3A_678 : i32 to index
          %swap3A_695 = arith.constant 32 : index
          %swap3A_696 = tpu.vector_load %arg7[%swap3A_693, %swap3A_694, %swap3A_695] {strides = array<i32>} : memref<2x64x512xf32, #tpu.memory_space<vmem>>, vector<16xf32>,
          tpu.vector_store %arg7[%swap3A_693, %swap3A_694, %swap3A_695], %add3A_691 {strides = array<i32>} : memref<2x64x512xf32, #tpu.memory_space<vmem>>, vector<16xf32>,
          %add3A_697 = arith.addf %get3A_63, %gather3A_248 : vector<16xf32>
          %swap3A_698 = arith.constant 1 : i32
          %swap3A_699 = arith.index_cast %swap3A_698 : i32 to index
          %swap3A_700 = arith.index_cast %add3A_678 : i32 to index
          %swap3A_701 = arith.constant 48 : index
          %swap3A_702 = tpu.vector_load %arg7[%swap3A_699, %swap3A_700, %swap3A_701] {strides = array<i32>} : memref<2x64x512xf32, #tpu.memory_space<vmem>>, vector<16xf32>,
          tpu.vector_store %arg7[%swap3A_699, %swap3A_700, %swap3A_701], %add3A_697 {strides = array<i32>} : memref<2x64x512xf32, #tpu.memory_space<vmem>>, vector<16xf32>,
          %add3A_703 = arith.addf %get3A_66, %gather3A_248 : vector<16xf32>
          %swap3A_704 = arith.constant 1 : i32
          %swap3A_705 = arith.index_cast %swap3A_704 : i32 to index
          %swap3A_706 = arith.index_cast %add3A_678 : i32 to index
          %swap3A_707 = arith.constant 64 : index
          %swap3A_708 = tpu.vector_load %arg7[%swap3A_705, %swap3A_706, %swap3A_707] {strides = array<i32>} : memref<2x64x512xf32, #tpu.memory_space<vmem>>, vector<16xf32>,
          tpu.vector_store %arg7[%swap3A_705, %swap3A_706, %swap3A_707], %add3A_703 {strides = array<i32>} : memref<2x64x512xf32, #tpu.memory_space<vmem>>, vector<16xf32>,
          %add3A_709 = arith.addf %get3A_69, %gather3A_248 : vector<16xf32>
          %swap3A_710 = arith.constant 1 : i32
          %swap3A_711 = arith.index_cast %swap3A_710 : i32 to index
          %swap3A_712 = arith.index_cast %add3A_678 : i32 to index
          %swap3A_713 = arith.constant 80 : index
          %swap3A_714 = tpu.vector_load %arg7[%swap3A_711, %swap3A_712, %swap3A_713] {strides = array<i32>} : memref<2x64x512xf32, #tpu.memory_space<vmem>>, vector<16xf32>,
          tpu.vector_store %arg7[%swap3A_711, %swap3A_712, %swap3A_713], %add3A_709 {strides = array<i32>} : memref<2x64x512xf32, #tpu.memory_space<vmem>>, vector<16xf32>,
          %add3A_715 = arith.addf %get3A_72, %gather3A_248 : vector<16xf32>
          %swap3A_716 = arith.constant 1 : i32
          %swap3A_717 = arith.index_cast %swap3A_716 : i32 to index
          %swap3A_718 = arith.index_cast %add3A_678 : i32 to index
          %swap3A_719 = arith.constant 96 : index
          %swap3A_720 = tpu.vector_load %arg7[%swap3A_717, %swap3A_718, %swap3A_719] {strides = array<i32>} : memref<2x64x512xf32, #tpu.memory_space<vmem>>, vector<16xf32>,
          tpu.vector_store %arg7[%swap3A_717, %swap3A_718, %swap3A_719], %add3A_715 {strides = array<i32>} : memref<2x64x512xf32, #tpu.memory_space<vmem>>, vector<16xf32>,
          %add3A_721 = arith.addf %get3A_75, %gather3A_248 : vector<16xf32>
          %swap3A_722 = arith.constant 1 : i32
          %swap3A_723 = arith.index_cast %swap3A_722 : i32 to index
          %swap3A_724 = arith.index_cast %add3A_678 : i32 to index
          %swap3A_725 = arith.constant 112 : index
          %swap3A_726 = tpu.vector_load %arg7[%swap3A_723, %swap3A_724, %swap3A_725] {strides = array<i32>} : memref<2x64x512xf32, #tpu.memory_space<vmem>>, vector<16xf32>,
          tpu.vector_store %arg7[%swap3A_723, %swap3A_724, %swap3A_725], %add3A_721 {strides = array<i32>} : memref<2x64x512xf32, #tpu.memory_space<vmem>>, vector<16xf32>,
          %add3A_727 = arith.addf %get3A_78, %gather3A_248 : vector<16xf32>
          %swap3A_728 = arith.constant 1 : i32
          %swap3A_729 = arith.index_cast %swap3A_728 : i32 to index
          %swap3A_730 = arith.index_cast %add3A_678 : i32 to index
          %swap3A_731 = arith.constant 128 : index
          %swap3A_732 = tpu.vector_load %arg7[%swap3A_729, %swap3A_730, %swap3A_731] {strides = array<i32>} : memref<2x64x512xf32, #tpu.memory_space<vmem>>, vector<16xf32>,
          tpu.vector_store %arg7[%swap3A_729, %swap3A_730, %swap3A_731], %add3A_727 {strides = array<i32>} : memref<2x64x512xf32, #tpu.memory_space<vmem>>, vector<16xf32>,
          %add3A_733 = arith.addf %get3A_81, %gather3A_248 : vector<16xf32>
          %swap3A_734 = arith.constant 1 : i32
          %swap3A_735 = arith.index_cast %swap3A_734 : i32 to index
          %swap3A_736 = arith.index_cast %add3A_678 : i32 to index
          %swap3A_737 = arith.constant 144 : index
          %swap3A_738 = tpu.vector_load %arg7[%swap3A_735, %swap3A_736, %swap3A_737] {strides = array<i32>} : memref<2x64x512xf32, #tpu.memory_space<vmem>>, vector<16xf32>,
          tpu.vector_store %arg7[%swap3A_735, %swap3A_736, %swap3A_737], %add3A_733 {strides = array<i32>} : memref<2x64x512xf32, #tpu.memory_space<vmem>>, vector<16xf32>,
          %add3A_739 = arith.addf %get3A_84, %gather3A_248 : vector<16xf32>
          %swap3A_740 = arith.constant 1 : i32
          %swap3A_741 = arith.index_cast %swap3A_740 : i32 to index
          %swap3A_742 = arith.index_cast %add3A_678 : i32 to index
          %swap3A_743 = arith.constant 160 : index
          %swap3A_744 = tpu.vector_load %arg7[%swap3A_741, %swap3A_742, %swap3A_743] {strides = array<i32>} : memref<2x64x512xf32, #tpu.memory_space<vmem>>, vector<16xf32>,
          tpu.vector_store %arg7[%swap3A_741, %swap3A_742, %swap3A_743], %add3A_739 {strides = array<i32>} : memref<2x64x512xf32, #tpu.memory_space<vmem>>, vector<16xf32>,
          %add3A_745 = arith.addf %get3A_87, %gather3A_248 : vector<16xf32>
          %swap3A_746 = arith.constant 1 : i32
          %swap3A_747 = arith.index_cast %swap3A_746 : i32 to index
          %swap3A_748 = arith.index_cast %add3A_678 : i32 to index
          %swap3A_749 = arith.constant 176 : index
          %swap3A_750 = tpu.vector_load %arg7[%swap3A_747, %swap3A_748, %swap3A_749] {strides = array<i32>} : memref<2x64x512xf32, #tpu.memory_space<vmem>>, vector<16xf32>,
          tpu.vector_store %arg7[%swap3A_747, %swap3A_748, %swap3A_749], %add3A_745 {strides = array<i32>} : memref<2x64x512xf32, #tpu.memory_space<vmem>>, vector<16xf32>,
          %add3A_751 = arith.addf %get3A_90, %gather3A_248 : vector<16xf32>
          %swap3A_752 = arith.constant 1 : i32
          %swap3A_753 = arith.index_cast %swap3A_752 : i32 to index
          %swap3A_754 = arith.index_cast %add3A_678 : i32 to index
          %swap3A_755 = arith.constant 192 : index
          %swap3A_756 = tpu.vector_load %arg7[%swap3A_753, %swap3A_754, %swap3A_755] {strides = array<i32>} : memref<2x64x512xf32, #tpu.memory_space<vmem>>, vector<16xf32>,
          tpu.vector_store %arg7[%swap3A_753, %swap3A_754, %swap3A_755], %add3A_751 {strides = array<i32>} : memref<2x64x512xf32, #tpu.memory_space<vmem>>, vector<16xf32>,
          %add3A_757 = arith.addf %get3A_93, %gather3A_248 : vector<16xf32>
          %swap3A_758 = arith.constant 1 : i32
          %swap3A_759 = arith.index_cast %swap3A_758 : i32 to index
          %swap3A_760 = arith.index_cast %add3A_678 : i32 to index
          %swap3A_761 = arith.constant 208 : index
          %swap3A_762 = tpu.vector_load %arg7[%swap3A_759, %swap3A_760, %swap3A_761] {strides = array<i32>} : memref<2x64x512xf32, #tpu.memory_space<vmem>>, vector<16xf32>,
          tpu.vector_store %arg7[%swap3A_759, %swap3A_760, %swap3A_761], %add3A_757 {strides = array<i32>} : memref<2x64x512xf32, #tpu.memory_space<vmem>>, vector<16xf32>,
          %add3A_763 = arith.addf %get3A_96, %gather3A_248 : vector<16xf32>
          %swap3A_764 = arith.constant 1 : i32
          %swap3A_765 = arith.index_cast %swap3A_764 : i32 to index
          %swap3A_766 = arith.index_cast %add3A_678 : i32 to index
          %swap3A_767 = arith.constant 224 : index
          %swap3A_768 = tpu.vector_load %arg7[%swap3A_765, %swap3A_766, %swap3A_767] {strides = array<i32>} : memref<2x64x512xf32, #tpu.memory_space<vmem>>, vector<16xf32>,
          tpu.vector_store %arg7[%swap3A_765, %swap3A_766, %swap3A_767], %add3A_763 {strides = array<i32>} : memref<2x64x512xf32, #tpu.memory_space<vmem>>, vector<16xf32>,
          %add3A_769 = arith.addf %get3A_99, %gather3A_248 : vector<16xf32>
          %swap3A_770 = arith.constant 1 : i32
          %swap3A_771 = arith.index_cast %swap3A_770 : i32 to index
          %swap3A_772 = arith.index_cast %add3A_678 : i32 to index
          %swap3A_773 = arith.constant 240 : index
          %swap3A_774 = tpu.vector_load %arg7[%swap3A_771, %swap3A_772, %swap3A_773] {strides = array<i32>} : memref<2x64x512xf32, #tpu.memory_space<vmem>>, vector<16xf32>,
          tpu.vector_store %arg7[%swap3A_771, %swap3A_772, %swap3A_773], %add3A_769 {strides = array<i32>} : memref<2x64x512xf32, #tpu.memory_space<vmem>>, vector<16xf32>,
          %add3A_775 = arith.addf %get3A_102, %gather3A_248 : vector<16xf32>
          %swap3A_776 = arith.constant 1 : i32
          %swap3A_777 = arith.index_cast %swap3A_776 : i32 to index
          %swap3A_778 = arith.index_cast %add3A_678 : i32 to index
          %swap3A_779 = arith.constant 256 : index
          %swap3A_780 = tpu.vector_load %arg7[%swap3A_777, %swap3A_778, %swap3A_779] {strides = array<i32>} : memref<2x64x512xf32, #tpu.memory_space<vmem>>, vector<16xf32>,
          tpu.vector_store %arg7[%swap3A_777, %swap3A_778, %swap3A_779], %add3A_775 {strides = array<i32>} : memref<2x64x512xf32, #tpu.memory_space<vmem>>, vector<16xf32>,
          %add3A_781 = arith.addf %get3A_105, %gather3A_248 : vector<16xf32>
          %swap3A_782 = arith.constant 1 : i32
          %swap3A_783 = arith.index_cast %swap3A_782 : i32 to index
          %swap3A_784 = arith.index_cast %add3A_678 : i32 to index
          %swap3A_785 = arith.constant 272 : index
          %swap3A_786 = tpu.vector_load %arg7[%swap3A_783, %swap3A_784, %swap3A_785] {strides = array<i32>} : memref<2x64x512xf32, #tpu.memory_space<vmem>>, vector<16xf32>,
          tpu.vector_store %arg7[%swap3A_783, %swap3A_784, %swap3A_785], %add3A_781 {strides = array<i32>} : memref<2x64x512xf32, #tpu.memory_space<vmem>>, vector<16xf32>,
          %add3A_787 = arith.addf %get3A_108, %gather3A_248 : vector<16xf32>
          %swap3A_788 = arith.constant 1 : i32
          %swap3A_789 = arith.index_cast %swap3A_788 : i32 to index
          %swap3A_790 = arith.index_cast %add3A_678 : i32 to index
          %swap3A_791 = arith.constant 288 : index
          %swap3A_792 = tpu.vector_load %arg7[%swap3A_789, %swap3A_790, %swap3A_791] {strides = array<i32>} : memref<2x64x512xf32, #tpu.memory_space<vmem>>, vector<16xf32>,
          tpu.vector_store %arg7[%swap3A_789, %swap3A_790, %swap3A_791], %add3A_787 {strides = array<i32>} : memref<2x64x512xf32, #tpu.memory_space<vmem>>, vector<16xf32>,
          %add3A_793 = arith.addf %get3A_111, %gather3A_248 : vector<16xf32>
          %swap3A_794 = arith.constant 1 : i32
          %swap3A_795 = arith.index_cast %swap3A_794 : i32 to index
          %swap3A_796 = arith.index_cast %add3A_678 : i32 to index
          %swap3A_797 = arith.constant 304 : index
          %swap3A_798 = tpu.vector_load %arg7[%swap3A_795, %swap3A_796, %swap3A_797] {strides = array<i32>} : memref<2x64x512xf32, #tpu.memory_space<vmem>>, vector<16xf32>,
          tpu.vector_store %arg7[%swap3A_795, %swap3A_796, %swap3A_797], %add3A_793 {strides = array<i32>} : memref<2x64x512xf32, #tpu.memory_space<vmem>>, vector<16xf32>,
          %add3A_799 = arith.addf %get3A_114, %gather3A_248 : vector<16xf32>
          %swap3A_800 = arith.constant 1 : i32
          %swap3A_801 = arith.index_cast %swap3A_800 : i32 to index
          %swap3A_802 = arith.index_cast %add3A_678 : i32 to index
          %swap3A_803 = arith.constant 320 : index
          %swap3A_804 = tpu.vector_load %arg7[%swap3A_801, %swap3A_802, %swap3A_803] {strides = array<i32>} : memref<2x64x512xf32, #tpu.memory_space<vmem>>, vector<16xf32>,
          tpu.vector_store %arg7[%swap3A_801, %swap3A_802, %swap3A_803], %add3A_799 {strides = array<i32>} : memref<2x64x512xf32, #tpu.memory_space<vmem>>, vector<16xf32>,
          %add3A_805 = arith.addf %get3A_117, %gather3A_248 : vector<16xf32>
          %swap3A_806 = arith.constant 1 : i32
          %swap3A_807 = arith.index_cast %swap3A_806 : i32 to index
          %swap3A_808 = arith.index_cast %add3A_678 : i32 to index
          %swap3A_809 = arith.constant 336 : index
          %swap3A_810 = tpu.vector_load %arg7[%swap3A_807, %swap3A_808, %swap3A_809] {strides = array<i32>} : memref<2x64x512xf32, #tpu.memory_space<vmem>>, vector<16xf32>,
          tpu.vector_store %arg7[%swap3A_807, %swap3A_808, %swap3A_809], %add3A_805 {strides = array<i32>} : memref<2x64x512xf32, #tpu.memory_space<vmem>>, vector<16xf32>,
          %add3A_811 = arith.addf %get3A_120, %gather3A_248 : vector<16xf32>
          %swap3A_812 = arith.constant 1 : i32
          %swap3A_813 = arith.index_cast %swap3A_812 : i32 to index
          %swap3A_814 = arith.index_cast %add3A_678 : i32 to index
          %swap3A_815 = arith.constant 352 : index
          %swap3A_816 = tpu.vector_load %arg7[%swap3A_813, %swap3A_814, %swap3A_815] {strides = array<i32>} : memref<2x64x512xf32, #tpu.memory_space<vmem>>, vector<16xf32>,
          tpu.vector_store %arg7[%swap3A_813, %swap3A_814, %swap3A_815], %add3A_811 {strides = array<i32>} : memref<2x64x512xf32, #tpu.memory_space<vmem>>, vector<16xf32>,
          %add3A_817 = arith.addf %get3A_123, %gather3A_248 : vector<16xf32>
          %swap3A_818 = arith.constant 1 : i32
          %swap3A_819 = arith.index_cast %swap3A_818 : i32 to index
          %swap3A_820 = arith.index_cast %add3A_678 : i32 to index
          %swap3A_821 = arith.constant 368 : index
          %swap3A_822 = tpu.vector_load %arg7[%swap3A_819, %swap3A_820, %swap3A_821] {strides = array<i32>} : memref<2x64x512xf32, #tpu.memory_space<vmem>>, vector<16xf32>,
          tpu.vector_store %arg7[%swap3A_819, %swap3A_820, %swap3A_821], %add3A_817 {strides = array<i32>} : memref<2x64x512xf32, #tpu.memory_space<vmem>>, vector<16xf32>,
          %add3A_823 = arith.addf %get3A_126, %gather3A_248 : vector<16xf32>
          %swap3A_824 = arith.constant 1 : i32
          %swap3A_825 = arith.index_cast %swap3A_824 : i32 to index
          %swap3A_826 = arith.index_cast %add3A_678 : i32 to index
          %swap3A_827 = arith.constant 384 : index
          %swap3A_828 = tpu.vector_load %arg7[%swap3A_825, %swap3A_826, %swap3A_827] {strides = array<i32>} : memref<2x64x512xf32, #tpu.memory_space<vmem>>, vector<16xf32>,
          tpu.vector_store %arg7[%swap3A_825, %swap3A_826, %swap3A_827], %add3A_823 {strides = array<i32>} : memref<2x64x512xf32, #tpu.memory_space<vmem>>, vector<16xf32>,
          %add3A_829 = arith.addf %get3A_129, %gather3A_248 : vector<16xf32>
          %swap3A_830 = arith.constant 1 : i32
          %swap3A_831 = arith.index_cast %swap3A_830 : i32 to index
          %swap3A_832 = arith.index_cast %add3A_678 : i32 to index
          %swap3A_833 = arith.constant 400 : index
          %swap3A_834 = tpu.vector_load %arg7[%swap3A_831, %swap3A_832, %swap3A_833] {strides = array<i32>} : memref<2x64x512xf32, #tpu.memory_space<vmem>>, vector<16xf32>,
          tpu.vector_store %arg7[%swap3A_831, %swap3A_832, %swap3A_833], %add3A_829 {strides = array<i32>} : memref<2x64x512xf32, #tpu.memory_space<vmem>>, vector<16xf32>,
          %add3A_835 = arith.addf %get3A_132, %gather3A_248 : vector<16xf32>
          %swap3A_836 = arith.constant 1 : i32
          %swap3A_837 = arith.index_cast %swap3A_836 : i32 to index
          %swap3A_838 = arith.index_cast %add3A_678 : i32 to index
          %swap3A_839 = arith.constant 416 : index
          %swap3A_840 = tpu.vector_load %arg7[%swap3A_837, %swap3A_838, %swap3A_839] {strides = array<i32>} : memref<2x64x512xf32, #tpu.memory_space<vmem>>, vector<16xf32>,
          tpu.vector_store %arg7[%swap3A_837, %swap3A_838, %swap3A_839], %add3A_835 {strides = array<i32>} : memref<2x64x512xf32, #tpu.memory_space<vmem>>, vector<16xf32>,
          %add3A_841 = arith.addf %get3A_135, %gather3A_248 : vector<16xf32>
          %swap3A_842 = arith.constant 1 : i32
          %swap3A_843 = arith.index_cast %swap3A_842 : i32 to index
          %swap3A_844 = arith.index_cast %add3A_678 : i32 to index
          %swap3A_845 = arith.constant 432 : index
          %swap3A_846 = tpu.vector_load %arg7[%swap3A_843, %swap3A_844, %swap3A_845] {strides = array<i32>} : memref<2x64x512xf32, #tpu.memory_space<vmem>>, vector<16xf32>,
          tpu.vector_store %arg7[%swap3A_843, %swap3A_844, %swap3A_845], %add3A_841 {strides = array<i32>} : memref<2x64x512xf32, #tpu.memory_space<vmem>>, vector<16xf32>,
          %add3A_847 = arith.addf %get3A_138, %gather3A_248 : vector<16xf32>
          %swap3A_848 = arith.constant 1 : i32
          %swap3A_849 = arith.index_cast %swap3A_848 : i32 to index
          %swap3A_850 = arith.index_cast %add3A_678 : i32 to index
          %swap3A_851 = arith.constant 448 : index
          %swap3A_852 = tpu.vector_load %arg7[%swap3A_849, %swap3A_850, %swap3A_851] {strides = array<i32>} : memref<2x64x512xf32, #tpu.memory_space<vmem>>, vector<16xf32>,
          tpu.vector_store %arg7[%swap3A_849, %swap3A_850, %swap3A_851], %add3A_847 {strides = array<i32>} : memref<2x64x512xf32, #tpu.memory_space<vmem>>, vector<16xf32>,
          %add3A_853 = arith.addf %get3A_141, %gather3A_248 : vector<16xf32>
          %swap3A_854 = arith.constant 1 : i32
          %swap3A_855 = arith.index_cast %swap3A_854 : i32 to index
          %swap3A_856 = arith.index_cast %add3A_678 : i32 to index
          %swap3A_857 = arith.constant 464 : index
          %swap3A_858 = tpu.vector_load %arg7[%swap3A_855, %swap3A_856, %swap3A_857] {strides = array<i32>} : memref<2x64x512xf32, #tpu.memory_space<vmem>>, vector<16xf32>,
          tpu.vector_store %arg7[%swap3A_855, %swap3A_856, %swap3A_857], %add3A_853 {strides = array<i32>} : memref<2x64x512xf32, #tpu.memory_space<vmem>>, vector<16xf32>,
          %add3A_859 = arith.addf %get3A_144, %gather3A_248 : vector<16xf32>
          %swap3A_860 = arith.constant 1 : i32
          %swap3A_861 = arith.index_cast %swap3A_860 : i32 to index
          %swap3A_862 = arith.index_cast %add3A_678 : i32 to index
          %swap3A_863 = arith.constant 480 : index
          %swap3A_864 = tpu.vector_load %arg7[%swap3A_861, %swap3A_862, %swap3A_863] {strides = array<i32>} : memref<2x64x512xf32, #tpu.memory_space<vmem>>, vector<16xf32>,
          tpu.vector_store %arg7[%swap3A_861, %swap3A_862, %swap3A_863], %add3A_859 {strides = array<i32>} : memref<2x64x512xf32, #tpu.memory_space<vmem>>, vector<16xf32>,
          %add3A_865 = arith.addf %get3A_147, %gather3A_248 : vector<16xf32>
          %swap3A_866 = arith.constant 1 : i32
          %swap3A_867 = arith.index_cast %swap3A_866 : i32 to index
          %swap3A_868 = arith.index_cast %add3A_678 : i32 to index
          %swap3A_869 = arith.constant 496 : index
          %swap3A_870 = tpu.vector_load %arg7[%swap3A_867, %swap3A_868, %swap3A_869] {strides = array<i32>} : memref<2x64x512xf32, #tpu.memory_space<vmem>>, vector<16xf32>,
          tpu.vector_store %arg7[%swap3A_867, %swap3A_868, %swap3A_869], %add3A_865 {strides = array<i32>} : memref<2x64x512xf32, #tpu.memory_space<vmem>>, vector<16xf32>,
          %mul3A_871 = arith.constant 8 : i32
          %mul3A_872 = arith.muli %scan3A_228, %mul3A_871 : i32
          %add3A_873 = arith.constant 3 : i32
          %add3A_874 = arith.addi %mul3A_872, %add3A_873 : i32
          %add3A_875 = arith.addf %get3A_54, %gather3A_255 : vector<16xf32>
          %swap3A_876 = arith.constant 1 : i32
          %swap3A_877 = arith.index_cast %swap3A_876 : i32 to index
          %swap3A_878 = arith.index_cast %add3A_874 : i32 to index
          %swap3A_879 = arith.constant 0 : index
          %swap3A_880 = tpu.vector_load %arg7[%swap3A_877, %swap3A_878, %swap3A_879] {strides = array<i32>} : memref<2x64x512xf32, #tpu.memory_space<vmem>>, vector<16xf32>,
          tpu.vector_store %arg7[%swap3A_877, %swap3A_878, %swap3A_879], %add3A_875 {strides = array<i32>} : memref<2x64x512xf32, #tpu.memory_space<vmem>>, vector<16xf32>,
          %add3A_881 = arith.addf %get3A_57, %gather3A_255 : vector<16xf32>
          %swap3A_882 = arith.constant 1 : i32
          %swap3A_883 = arith.index_cast %swap3A_882 : i32 to index
          %swap3A_884 = arith.index_cast %add3A_874 : i32 to index
          %swap3A_885 = arith.constant 16 : index
          %swap3A_886 = tpu.vector_load %arg7[%swap3A_883, %swap3A_884, %swap3A_885] {strides = array<i32>} : memref<2x64x512xf32, #tpu.memory_space<vmem>>, vector<16xf32>,
          tpu.vector_store %arg7[%swap3A_883, %swap3A_884, %swap3A_885], %add3A_881 {strides = array<i32>} : memref<2x64x512xf32, #tpu.memory_space<vmem>>, vector<16xf32>,
          %add3A_887 = arith.addf %get3A_60, %gather3A_255 : vector<16xf32>
          %swap3A_888 = arith.constant 1 : i32
          %swap3A_889 = arith.index_cast %swap3A_888 : i32 to index
          %swap3A_890 = arith.index_cast %add3A_874 : i32 to index
          %swap3A_891 = arith.constant 32 : index
          %swap3A_892 = tpu.vector_load %arg7[%swap3A_889, %swap3A_890, %swap3A_891] {strides = array<i32>} : memref<2x64x512xf32, #tpu.memory_space<vmem>>, vector<16xf32>,
          tpu.vector_store %arg7[%swap3A_889, %swap3A_890, %swap3A_891], %add3A_887 {strides = array<i32>} : memref<2x64x512xf32, #tpu.memory_space<vmem>>, vector<16xf32>,
          %add3A_893 = arith.addf %get3A_63, %gather3A_255 : vector<16xf32>
          %swap3A_894 = arith.constant 1 : i32
          %swap3A_895 = arith.index_cast %swap3A_894 : i32 to index
          %swap3A_896 = arith.index_cast %add3A_874 : i32 to index
          %swap3A_897 = arith.constant 48 : index
          %swap3A_898 = tpu.vector_load %arg7[%swap3A_895, %swap3A_896, %swap3A_897] {strides = array<i32>} : memref<2x64x512xf32, #tpu.memory_space<vmem>>, vector<16xf32>,
          tpu.vector_store %arg7[%swap3A_895, %swap3A_896, %swap3A_897], %add3A_893 {strides = array<i32>} : memref<2x64x512xf32, #tpu.memory_space<vmem>>, vector<16xf32>,
          %add3A_899 = arith.addf %get3A_66, %gather3A_255 : vector<16xf32>
          %swap3A_900 = arith.constant 1 : i32
          %swap3A_901 = arith.index_cast %swap3A_900 : i32 to index
          %swap3A_902 = arith.index_cast %add3A_874 : i32 to index
          %swap3A_903 = arith.constant 64 : index
          %swap3A_904 = tpu.vector_load %arg7[%swap3A_901, %swap3A_902, %swap3A_903] {strides = array<i32>} : memref<2x64x512xf32, #tpu.memory_space<vmem>>, vector<16xf32>,
          tpu.vector_store %arg7[%swap3A_901, %swap3A_902, %swap3A_903], %add3A_899 {strides = array<i32>} : memref<2x64x512xf32, #tpu.memory_space<vmem>>, vector<16xf32>,
          %add3A_905 = arith.addf %get3A_69, %gather3A_255 : vector<16xf32>
          %swap3A_906 = arith.constant 1 : i32
          %swap3A_907 = arith.index_cast %swap3A_906 : i32 to index
          %swap3A_908 = arith.index_cast %add3A_874 : i32 to index
          %swap3A_909 = arith.constant 80 : index
          %swap3A_910 = tpu.vector_load %arg7[%swap3A_907, %swap3A_908, %swap3A_909] {strides = array<i32>} : memref<2x64x512xf32, #tpu.memory_space<vmem>>, vector<16xf32>,
          tpu.vector_store %arg7[%swap3A_907, %swap3A_908, %swap3A_909], %add3A_905 {strides = array<i32>} : memref<2x64x512xf32, #tpu.memory_space<vmem>>, vector<16xf32>,
          %add3A_911 = arith.addf %get3A_72, %gather3A_255 : vector<16xf32>
          %swap3A_912 = arith.constant 1 : i32
          %swap3A_913 = arith.index_cast %swap3A_912 : i32 to index
          %swap3A_914 = arith.index_cast %add3A_874 : i32 to index
          %swap3A_915 = arith.constant 96 : index
          %swap3A_916 = tpu.vector_load %arg7[%swap3A_913, %swap3A_914, %swap3A_915] {strides = array<i32>} : memref<2x64x512xf32, #tpu.memory_space<vmem>>, vector<16xf32>,
          tpu.vector_store %arg7[%swap3A_913, %swap3A_914, %swap3A_915], %add3A_911 {strides = array<i32>} : memref<2x64x512xf32, #tpu.memory_space<vmem>>, vector<16xf32>,
          %add3A_917 = arith.addf %get3A_75, %gather3A_255 : vector<16xf32>
          %swap3A_918 = arith.constant 1 : i32
          %swap3A_919 = arith.index_cast %swap3A_918 : i32 to index
          %swap3A_920 = arith.index_cast %add3A_874 : i32 to index
          %swap3A_921 = arith.constant 112 : index
          %swap3A_922 = tpu.vector_load %arg7[%swap3A_919, %swap3A_920, %swap3A_921] {strides = array<i32>} : memref<2x64x512xf32, #tpu.memory_space<vmem>>, vector<16xf32>,
          tpu.vector_store %arg7[%swap3A_919, %swap3A_920, %swap3A_921], %add3A_917 {strides = array<i32>} : memref<2x64x512xf32, #tpu.memory_space<vmem>>, vector<16xf32>,
          %add3A_923 = arith.addf %get3A_78, %gather3A_255 : vector<16xf32>
          %swap3A_924 = arith.constant 1 : i32
          %swap3A_925 = arith.index_cast %swap3A_924 : i32 to index
          %swap3A_926 = arith.index_cast %add3A_874 : i32 to index
          %swap3A_927 = arith.constant 128 : index
          %swap3A_928 = tpu.vector_load %arg7[%swap3A_925, %swap3A_926, %swap3A_927] {strides = array<i32>} : memref<2x64x512xf32, #tpu.memory_space<vmem>>, vector<16xf32>,
          tpu.vector_store %arg7[%swap3A_925, %swap3A_926, %swap3A_927], %add3A_923 {strides = array<i32>} : memref<2x64x512xf32, #tpu.memory_space<vmem>>, vector<16xf32>,
          %add3A_929 = arith.addf %get3A_81, %gather3A_255 : vector<16xf32>
          %swap3A_930 = arith.constant 1 : i32
          %swap3A_931 = arith.index_cast %swap3A_930 : i32 to index
          %swap3A_932 = arith.index_cast %add3A_874 : i32 to index
          %swap3A_933 = arith.constant 144 : index
          %swap3A_934 = tpu.vector_load %arg7[%swap3A_931, %swap3A_932, %swap3A_933] {strides = array<i32>} : memref<2x64x512xf32, #tpu.memory_space<vmem>>, vector<16xf32>,
          tpu.vector_store %arg7[%swap3A_931, %swap3A_932, %swap3A_933], %add3A_929 {strides = array<i32>} : memref<2x64x512xf32, #tpu.memory_space<vmem>>, vector<16xf32>,
          %add3A_935 = arith.addf %get3A_84, %gather3A_255 : vector<16xf32>
          %swap3A_936 = arith.constant 1 : i32
          %swap3A_937 = arith.index_cast %swap3A_936 : i32 to index
          %swap3A_938 = arith.index_cast %add3A_874 : i32 to index
          %swap3A_939 = arith.constant 160 : index
          %swap3A_940 = tpu.vector_load %arg7[%swap3A_937, %swap3A_938, %swap3A_939] {strides = array<i32>} : memref<2x64x512xf32, #tpu.memory_space<vmem>>, vector<16xf32>,
          tpu.vector_store %arg7[%swap3A_937, %swap3A_938, %swap3A_939], %add3A_935 {strides = array<i32>} : memref<2x64x512xf32, #tpu.memory_space<vmem>>, vector<16xf32>,
          %add3A_941 = arith.addf %get3A_87, %gather3A_255 : vector<16xf32>
          %swap3A_942 = arith.constant 1 : i32
          %swap3A_943 = arith.index_cast %swap3A_942 : i32 to index
          %swap3A_944 = arith.index_cast %add3A_874 : i32 to index
          %swap3A_945 = arith.constant 176 : index
          %swap3A_946 = tpu.vector_load %arg7[%swap3A_943, %swap3A_944, %swap3A_945] {strides = array<i32>} : memref<2x64x512xf32, #tpu.memory_space<vmem>>, vector<16xf32>,
          tpu.vector_store %arg7[%swap3A_943, %swap3A_944, %swap3A_945], %add3A_941 {strides = array<i32>} : memref<2x64x512xf32, #tpu.memory_space<vmem>>, vector<16xf32>,
          %add3A_947 = arith.addf %get3A_90, %gather3A_255 : vector<16xf32>
          %swap3A_948 = arith.constant 1 : i32
          %swap3A_949 = arith.index_cast %swap3A_948 : i32 to index
          %swap3A_950 = arith.index_cast %add3A_874 : i32 to index
          %swap3A_951 = arith.constant 192 : index
          %swap3A_952 = tpu.vector_load %arg7[%swap3A_949, %swap3A_950, %swap3A_951] {strides = array<i32>} : memref<2x64x512xf32, #tpu.memory_space<vmem>>, vector<16xf32>,
          tpu.vector_store %arg7[%swap3A_949, %swap3A_950, %swap3A_951], %add3A_947 {strides = array<i32>} : memref<2x64x512xf32, #tpu.memory_space<vmem>>, vector<16xf32>,
          %add3A_953 = arith.addf %get3A_93, %gather3A_255 : vector<16xf32>
          %swap3A_954 = arith.constant 1 : i32
          %swap3A_955 = arith.index_cast %swap3A_954 : i32 to index
          %swap3A_956 = arith.index_cast %add3A_874 : i32 to index
          %swap3A_957 = arith.constant 208 : index
          %swap3A_958 = tpu.vector_load %arg7[%swap3A_955, %swap3A_956, %swap3A_957] {strides = array<i32>} : memref<2x64x512xf32, #tpu.memory_space<vmem>>, vector<16xf32>,
          tpu.vector_store %arg7[%swap3A_955, %swap3A_956, %swap3A_957], %add3A_953 {strides = array<i32>} : memref<2x64x512xf32, #tpu.memory_space<vmem>>, vector<16xf32>,
          %add3A_959 = arith.addf %get3A_96, %gather3A_255 : vector<16xf32>
          %swap3A_960 = arith.constant 1 : i32
          %swap3A_961 = arith.index_cast %swap3A_960 : i32 to index
          %swap3A_962 = arith.index_cast %add3A_874 : i32 to index
          %swap3A_963 = arith.constant 224 : index
          %swap3A_964 = tpu.vector_load %arg7[%swap3A_961, %swap3A_962, %swap3A_963] {strides = array<i32>} : memref<2x64x512xf32, #tpu.memory_space<vmem>>, vector<16xf32>,
          tpu.vector_store %arg7[%swap3A_961, %swap3A_962, %swap3A_963], %add3A_959 {strides = array<i32>} : memref<2x64x512xf32, #tpu.memory_space<vmem>>, vector<16xf32>,
          %add3A_965 = arith.addf %get3A_99, %gather3A_255 : vector<16xf32>
          %swap3A_966 = arith.constant 1 : i32
          %swap3A_967 = arith.index_cast %swap3A_966 : i32 to index
          %swap3A_968 = arith.index_cast %add3A_874 : i32 to index
          %swap3A_969 = arith.constant 240 : index
          %swap3A_970 = tpu.vector_load %arg7[%swap3A_967, %swap3A_968, %swap3A_969] {strides = array<i32>} : memref<2x64x512xf32, #tpu.memory_space<vmem>>, vector<16xf32>,
          tpu.vector_store %arg7[%swap3A_967, %swap3A_968, %swap3A_969], %add3A_965 {strides = array<i32>} : memref<2x64x512xf32, #tpu.memory_space<vmem>>, vector<16xf32>,
          %add3A_971 = arith.addf %get3A_102, %gather3A_255 : vector<16xf32>
          %swap3A_972 = arith.constant 1 : i32
          %swap3A_973 = arith.index_cast %swap3A_972 : i32 to index
          %swap3A_974 = arith.index_cast %add3A_874 : i32 to index
          %swap3A_975 = arith.constant 256 : index
          %swap3A_976 = tpu.vector_load %arg7[%swap3A_973, %swap3A_974, %swap3A_975] {strides = array<i32>} : memref<2x64x512xf32, #tpu.memory_space<vmem>>, vector<16xf32>,
          tpu.vector_store %arg7[%swap3A_973, %swap3A_974, %swap3A_975], %add3A_971 {strides = array<i32>} : memref<2x64x512xf32, #tpu.memory_space<vmem>>, vector<16xf32>,
          %add3A_977 = arith.addf %get3A_105, %gather3A_255 : vector<16xf32>
          %swap3A_978 = arith.constant 1 : i32
          %swap3A_979 = arith.index_cast %swap3A_978 : i32 to index
          %swap3A_980 = arith.index_cast %add3A_874 : i32 to index
          %swap3A_981 = arith.constant 272 : index
          %swap3A_982 = tpu.vector_load %arg7[%swap3A_979, %swap3A_980, %swap3A_981] {strides = array<i32>} : memref<2x64x512xf32, #tpu.memory_space<vmem>>, vector<16xf32>,
          tpu.vector_store %arg7[%swap3A_979, %swap3A_980, %swap3A_981], %add3A_977 {strides = array<i32>} : memref<2x64x512xf32, #tpu.memory_space<vmem>>, vector<16xf32>,
          %add3A_983 = arith.addf %get3A_108, %gather3A_255 : vector<16xf32>
          %swap3A_984 = arith.constant 1 : i32
          %swap3A_985 = arith.index_cast %swap3A_984 : i32 to index
          %swap3A_986 = arith.index_cast %add3A_874 : i32 to index
          %swap3A_987 = arith.constant 288 : index
          %swap3A_988 = tpu.vector_load %arg7[%swap3A_985, %swap3A_986, %swap3A_987] {strides = array<i32>} : memref<2x64x512xf32, #tpu.memory_space<vmem>>, vector<16xf32>,
          tpu.vector_store %arg7[%swap3A_985, %swap3A_986, %swap3A_987], %add3A_983 {strides = array<i32>} : memref<2x64x512xf32, #tpu.memory_space<vmem>>, vector<16xf32>,
          %add3A_989 = arith.addf %get3A_111, %gather3A_255 : vector<16xf32>
          %swap3A_990 = arith.constant 1 : i32
          %swap3A_991 = arith.index_cast %swap3A_990 : i32 to index
          %swap3A_992 = arith.index_cast %add3A_874 : i32 to index
          %swap3A_993 = arith.constant 304 : index
          %swap3A_994 = tpu.vector_load %arg7[%swap3A_991, %swap3A_992, %swap3A_993] {strides = array<i32>} : memref<2x64x512xf32, #tpu.memory_space<vmem>>, vector<16xf32>,
          tpu.vector_store %arg7[%swap3A_991, %swap3A_992, %swap3A_993], %add3A_989 {strides = array<i32>} : memref<2x64x512xf32, #tpu.memory_space<vmem>>, vector<16xf32>,
          %add3A_995 = arith.addf %get3A_114, %gather3A_255 : vector<16xf32>
          %swap3A_996 = arith.constant 1 : i32
          %swap3A_997 = arith.index_cast %swap3A_996 : i32 to index
          %swap3A_998 = arith.index_cast %add3A_874 : i32 to index
          %swap3A_999 = arith.constant 320 : index
          %swap3A_1000 = tpu.vector_load %arg7[%swap3A_997, %swap3A_998, %swap3A_999] {strides = array<i32>} : memref<2x64x512xf32, #tpu.memory_space<vmem>>, vector<16xf32>,
          tpu.vector_store %arg7[%swap3A_997, %swap3A_998, %swap3A_999], %add3A_995 {strides = array<i32>} : memref<2x64x512xf32, #tpu.memory_space<vmem>>, vector<16xf32>,
          %add3A_1001 = arith.addf %get3A_117, %gather3A_255 : vector<16xf32>
          %swap3A_1002 = arith.constant 1 : i32
          %swap3A_1003 = arith.index_cast %swap3A_1002 : i32 to index
          %swap3A_1004 = arith.index_cast %add3A_874 : i32 to index
          %swap3A_1005 = arith.constant 336 : index
          %swap3A_1006 = tpu.vector_load %arg7[%swap3A_1003, %swap3A_1004, %swap3A_1005] {strides = array<i32>} : memref<2x64x512xf32, #tpu.memory_space<vmem>>, vector<16xf32>,
          tpu.vector_store %arg7[%swap3A_1003, %swap3A_1004, %swap3A_1005], %add3A_1001 {strides = array<i32>} : memref<2x64x512xf32, #tpu.memory_space<vmem>>, vector<16xf32>,
          %add3A_1007 = arith.addf %get3A_120, %gather3A_255 : vector<16xf32>
          %swap3A_1008 = arith.constant 1 : i32
          %swap3A_1009 = arith.index_cast %swap3A_1008 : i32 to index
          %swap3A_1010 = arith.index_cast %add3A_874 : i32 to index
          %swap3A_1011 = arith.constant 352 : index
          %swap3A_1012 = tpu.vector_load %arg7[%swap3A_1009, %swap3A_1010, %swap3A_1011] {strides = array<i32>} : memref<2x64x512xf32, #tpu.memory_space<vmem>>, vector<16xf32>,
          tpu.vector_store %arg7[%swap3A_1009, %swap3A_1010, %swap3A_1011], %add3A_1007 {strides = array<i32>} : memref<2x64x512xf32, #tpu.memory_space<vmem>>, vector<16xf32>,
          %add3A_1013 = arith.addf %get3A_123, %gather3A_255 : vector<16xf32>
          %swap3A_1014 = arith.constant 1 : i32
          %swap3A_1015 = arith.index_cast %swap3A_1014 : i32 to index
          %swap3A_1016 = arith.index_cast %add3A_874 : i32 to index
          %swap3A_1017 = arith.constant 368 : index
          %swap3A_1018 = tpu.vector_load %arg7[%swap3A_1015, %swap3A_1016, %swap3A_1017] {strides = array<i32>} : memref<2x64x512xf32, #tpu.memory_space<vmem>>, vector<16xf32>,
          tpu.vector_store %arg7[%swap3A_1015, %swap3A_1016, %swap3A_1017], %add3A_1013 {strides = array<i32>} : memref<2x64x512xf32, #tpu.memory_space<vmem>>, vector<16xf32>,
          %add3A_1019 = arith.addf %get3A_126, %gather3A_255 : vector<16xf32>
          %swap3A_1020 = arith.constant 1 : i32
          %swap3A_1021 = arith.index_cast %swap3A_1020 : i32 to index
          %swap3A_1022 = arith.index_cast %add3A_874 : i32 to index
          %swap3A_1023 = arith.constant 384 : index
          %swap3A_1024 = tpu.vector_load %arg7[%swap3A_1021, %swap3A_1022, %swap3A_1023] {strides = array<i32>} : memref<2x64x512xf32, #tpu.memory_space<vmem>>, vector<16xf32>,
          tpu.vector_store %arg7[%swap3A_1021, %swap3A_1022, %swap3A_1023], %add3A_1019 {strides = array<i32>} : memref<2x64x512xf32, #tpu.memory_space<vmem>>, vector<16xf32>,
          %add3A_1025 = arith.addf %get3A_129, %gather3A_255 : vector<16xf32>
          %swap3A_1026 = arith.constant 1 : i32
          %swap3A_1027 = arith.index_cast %swap3A_1026 : i32 to index
          %swap3A_1028 = arith.index_cast %add3A_874 : i32 to index
          %swap3A_1029 = arith.constant 400 : index
          %swap3A_1030 = tpu.vector_load %arg7[%swap3A_1027, %swap3A_1028, %swap3A_1029] {strides = array<i32>} : memref<2x64x512xf32, #tpu.memory_space<vmem>>, vector<16xf32>,
          tpu.vector_store %arg7[%swap3A_1027, %swap3A_1028, %swap3A_1029], %add3A_1025 {strides = array<i32>} : memref<2x64x512xf32, #tpu.memory_space<vmem>>, vector<16xf32>,
          %add3A_1031 = arith.addf %get3A_132, %gather3A_255 : vector<16xf32>
          %swap3A_1032 = arith.constant 1 : i32
          %swap3A_1033 = arith.index_cast %swap3A_1032 : i32 to index
          %swap3A_1034 = arith.index_cast %add3A_874 : i32 to index
          %swap3A_1035 = arith.constant 416 : index
          %swap3A_1036 = tpu.vector_load %arg7[%swap3A_1033, %swap3A_1034, %swap3A_1035] {strides = array<i32>} : memref<2x64x512xf32, #tpu.memory_space<vmem>>, vector<16xf32>,
          tpu.vector_store %arg7[%swap3A_1033, %swap3A_1034, %swap3A_1035], %add3A_1031 {strides = array<i32>} : memref<2x64x512xf32, #tpu.memory_space<vmem>>, vector<16xf32>,
          %add3A_1037 = arith.addf %get3A_135, %gather3A_255 : vector<16xf32>
          %swap3A_1038 = arith.constant 1 : i32
          %swap3A_1039 = arith.index_cast %swap3A_1038 : i32 to index
          %swap3A_1040 = arith.index_cast %add3A_874 : i32 to index
          %swap3A_1041 = arith.constant 432 : index
          %swap3A_1042 = tpu.vector_load %arg7[%swap3A_1039, %swap3A_1040, %swap3A_1041] {strides = array<i32>} : memref<2x64x512xf32, #tpu.memory_space<vmem>>, vector<16xf32>,
          tpu.vector_store %arg7[%swap3A_1039, %swap3A_1040, %swap3A_1041], %add3A_1037 {strides = array<i32>} : memref<2x64x512xf32, #tpu.memory_space<vmem>>, vector<16xf32>,
          %add3A_1043 = arith.addf %get3A_138, %gather3A_255 : vector<16xf32>
          %swap3A_1044 = arith.constant 1 : i32
          %swap3A_1045 = arith.index_cast %swap3A_1044 : i32 to index
          %swap3A_1046 = arith.index_cast %add3A_874 : i32 to index
          %swap3A_1047 = arith.constant 448 : index
          %swap3A_1048 = tpu.vector_load %arg7[%swap3A_1045, %swap3A_1046, %swap3A_1047] {strides = array<i32>} : memref<2x64x512xf32, #tpu.memory_space<vmem>>, vector<16xf32>,
          tpu.vector_store %arg7[%swap3A_1045, %swap3A_1046, %swap3A_1047], %add3A_1043 {strides = array<i32>} : memref<2x64x512xf32, #tpu.memory_space<vmem>>, vector<16xf32>,
          %add3A_1049 = arith.addf %get3A_141, %gather3A_255 : vector<16xf32>
          %swap3A_1050 = arith.constant 1 : i32
          %swap3A_1051 = arith.index_cast %swap3A_1050 : i32 to index
          %swap3A_1052 = arith.index_cast %add3A_874 : i32 to index
          %swap3A_1053 = arith.constant 464 : index
          %swap3A_1054 = tpu.vector_load %arg7[%swap3A_1051, %swap3A_1052, %swap3A_1053] {strides = array<i32>} : memref<2x64x512xf32, #tpu.memory_space<vmem>>, vector<16xf32>,
          tpu.vector_store %arg7[%swap3A_1051, %swap3A_1052, %swap3A_1053], %add3A_1049 {strides = array<i32>} : memref<2x64x512xf32, #tpu.memory_space<vmem>>, vector<16xf32>,
          %add3A_1055 = arith.addf %get3A_144, %gather3A_255 : vector<16xf32>
          %swap3A_1056 = arith.constant 1 : i32
          %swap3A_1057 = arith.index_cast %swap3A_1056 : i32 to index
          %swap3A_1058 = arith.index_cast %add3A_874 : i32 to index
          %swap3A_1059 = arith.constant 480 : index
          %swap3A_1060 = tpu.vector_load %arg7[%swap3A_1057, %swap3A_1058, %swap3A_1059] {strides = array<i32>} : memref<2x64x512xf32, #tpu.memory_space<vmem>>, vector<16xf32>,
          tpu.vector_store %arg7[%swap3A_1057, %swap3A_1058, %swap3A_1059], %add3A_1055 {strides = array<i32>} : memref<2x64x512xf32, #tpu.memory_space<vmem>>, vector<16xf32>,
          %add3A_1061 = arith.addf %get3A_147, %gather3A_255 : vector<16xf32>
          %swap3A_1062 = arith.constant 1 : i32
          %swap3A_1063 = arith.index_cast %swap3A_1062 : i32 to index
          %swap3A_1064 = arith.index_cast %add3A_874 : i32 to index
          %swap3A_1065 = arith.constant 496 : index
          %swap3A_1066 = tpu.vector_load %arg7[%swap3A_1063, %swap3A_1064, %swap3A_1065] {strides = array<i32>} : memref<2x64x512xf32, #tpu.memory_space<vmem>>, vector<16xf32>,
          tpu.vector_store %arg7[%swap3A_1063, %swap3A_1064, %swap3A_1065], %add3A_1061 {strides = array<i32>} : memref<2x64x512xf32, #tpu.memory_space<vmem>>, vector<16xf32>,
          %mul3A_1067 = arith.constant 8 : i32
          %mul3A_1068 = arith.muli %scan3A_228, %mul3A_1067 : i32
          %add3A_1069 = arith.constant 4 : i32
          %add3A_1070 = arith.addi %mul3A_1068, %add3A_1069 : i32
          %add3A_1071 = arith.addf %get3A_54, %gather3A_262 : vector<16xf32>
          %swap3A_1072 = arith.constant 1 : i32
          %swap3A_1073 = arith.index_cast %swap3A_1072 : i32 to index
          %swap3A_1074 = arith.index_cast %add3A_1070 : i32 to index
          %swap3A_1075 = arith.constant 0 : index
          %swap3A_1076 = tpu.vector_load %arg7[%swap3A_1073, %swap3A_1074, %swap3A_1075] {strides = array<i32>} : memref<2x64x512xf32, #tpu.memory_space<vmem>>, vector<16xf32>,
          tpu.vector_store %arg7[%swap3A_1073, %swap3A_1074, %swap3A_1075], %add3A_1071 {strides = array<i32>} : memref<2x64x512xf32, #tpu.memory_space<vmem>>, vector<16xf32>,
          %add3A_1077 = arith.addf %get3A_57, %gather3A_262 : vector<16xf32>
          %swap3A_1078 = arith.constant 1 : i32
          %swap3A_1079 = arith.index_cast %swap3A_1078 : i32 to index
          %swap3A_1080 = arith.index_cast %add3A_1070 : i32 to index
          %swap3A_1081 = arith.constant 16 : index
          %swap3A_1082 = tpu.vector_load %arg7[%swap3A_1079, %swap3A_1080, %swap3A_1081] {strides = array<i32>} : memref<2x64x512xf32, #tpu.memory_space<vmem>>, vector<16xf32>,
          tpu.vector_store %arg7[%swap3A_1079, %swap3A_1080, %swap3A_1081], %add3A_1077 {strides = array<i32>} : memref<2x64x512xf32, #tpu.memory_space<vmem>>, vector<16xf32>,
          %add3A_1083 = arith.addf %get3A_60, %gather3A_262 : vector<16xf32>
          %swap3A_1084 = arith.constant 1 : i32
          %swap3A_1085 = arith.index_cast %swap3A_1084 : i32 to index
          %swap3A_1086 = arith.index_cast %add3A_1070 : i32 to index
          %swap3A_1087 = arith.constant 32 : index
          %swap3A_1088 = tpu.vector_load %arg7[%swap3A_1085, %swap3A_1086, %swap3A_1087] {strides = array<i32>} : memref<2x64x512xf32, #tpu.memory_space<vmem>>, vector<16xf32>,
          tpu.vector_store %arg7[%swap3A_1085, %swap3A_1086, %swap3A_1087], %add3A_1083 {strides = array<i32>} : memref<2x64x512xf32, #tpu.memory_space<vmem>>, vector<16xf32>,
          %add3A_1089 = arith.addf %get3A_63, %gather3A_262 : vector<16xf32>
          %swap3A_1090 = arith.constant 1 : i32
          %swap3A_1091 = arith.index_cast %swap3A_1090 : i32 to index
          %swap3A_1092 = arith.index_cast %add3A_1070 : i32 to index
          %swap3A_1093 = arith.constant 48 : index
          %swap3A_1094 = tpu.vector_load %arg7[%swap3A_1091, %swap3A_1092, %swap3A_1093] {strides = array<i32>} : memref<2x64x512xf32, #tpu.memory_space<vmem>>, vector<16xf32>,
          tpu.vector_store %arg7[%swap3A_1091, %swap3A_1092, %swap3A_1093], %add3A_1089 {strides = array<i32>} : memref<2x64x512xf32, #tpu.memory_space<vmem>>, vector<16xf32>,
          %add3A_1095 = arith.addf %get3A_66, %gather3A_262 : vector<16xf32>
          %swap3A_1096 = arith.constant 1 : i32
          %swap3A_1097 = arith.index_cast %swap3A_1096 : i32 to index
          %swap3A_1098 = arith.index_cast %add3A_1070 : i32 to index
          %swap3A_1099 = arith.constant 64 : index
          %swap3A_1100 = tpu.vector_load %arg7[%swap3A_1097, %swap3A_1098, %swap3A_1099] {strides = array<i32>} : memref<2x64x512xf32, #tpu.memory_space<vmem>>, vector<16xf32>,
          tpu.vector_store %arg7[%swap3A_1097, %swap3A_1098, %swap3A_1099], %add3A_1095 {strides = array<i32>} : memref<2x64x512xf32, #tpu.memory_space<vmem>>, vector<16xf32>,
          %add3A_1101 = arith.addf %get3A_69, %gather3A_262 : vector<16xf32>
          %swap3A_1102 = arith.constant 1 : i32
          %swap3A_1103 = arith.index_cast %swap3A_1102 : i32 to index
          %swap3A_1104 = arith.index_cast %add3A_1070 : i32 to index
          %swap3A_1105 = arith.constant 80 : index
          %swap3A_1106 = tpu.vector_load %arg7[%swap3A_1103, %swap3A_1104, %swap3A_1105] {strides = array<i32>} : memref<2x64x512xf32, #tpu.memory_space<vmem>>, vector<16xf32>,
          tpu.vector_store %arg7[%swap3A_1103, %swap3A_1104, %swap3A_1105], %add3A_1101 {strides = array<i32>} : memref<2x64x512xf32, #tpu.memory_space<vmem>>, vector<16xf32>,
          %add3A_1107 = arith.addf %get3A_72, %gather3A_262 : vector<16xf32>
          %swap3A_1108 = arith.constant 1 : i32
          %swap3A_1109 = arith.index_cast %swap3A_1108 : i32 to index
          %swap3A_1110 = arith.index_cast %add3A_1070 : i32 to index
          %swap3A_1111 = arith.constant 96 : index
          %swap3A_1112 = tpu.vector_load %arg7[%swap3A_1109, %swap3A_1110, %swap3A_1111] {strides = array<i32>} : memref<2x64x512xf32, #tpu.memory_space<vmem>>, vector<16xf32>,
          tpu.vector_store %arg7[%swap3A_1109, %swap3A_1110, %swap3A_1111], %add3A_1107 {strides = array<i32>} : memref<2x64x512xf32, #tpu.memory_space<vmem>>, vector<16xf32>,
          %add3A_1113 = arith.addf %get3A_75, %gather3A_262 : vector<16xf32>
          %swap3A_1114 = arith.constant 1 : i32
          %swap3A_1115 = arith.index_cast %swap3A_1114 : i32 to index
          %swap3A_1116 = arith.index_cast %add3A_1070 : i32 to index
          %swap3A_1117 = arith.constant 112 : index
          %swap3A_1118 = tpu.vector_load %arg7[%swap3A_1115, %swap3A_1116, %swap3A_1117] {strides = array<i32>} : memref<2x64x512xf32, #tpu.memory_space<vmem>>, vector<16xf32>,
          tpu.vector_store %arg7[%swap3A_1115, %swap3A_1116, %swap3A_1117], %add3A_1113 {strides = array<i32>} : memref<2x64x512xf32, #tpu.memory_space<vmem>>, vector<16xf32>,
          %add3A_1119 = arith.addf %get3A_78, %gather3A_262 : vector<16xf32>
          %swap3A_1120 = arith.constant 1 : i32
          %swap3A_1121 = arith.index_cast %swap3A_1120 : i32 to index
          %swap3A_1122 = arith.index_cast %add3A_1070 : i32 to index
          %swap3A_1123 = arith.constant 128 : index
          %swap3A_1124 = tpu.vector_load %arg7[%swap3A_1121, %swap3A_1122, %swap3A_1123] {strides = array<i32>} : memref<2x64x512xf32, #tpu.memory_space<vmem>>, vector<16xf32>,
          tpu.vector_store %arg7[%swap3A_1121, %swap3A_1122, %swap3A_1123], %add3A_1119 {strides = array<i32>} : memref<2x64x512xf32, #tpu.memory_space<vmem>>, vector<16xf32>,
          %add3A_1125 = arith.addf %get3A_81, %gather3A_262 : vector<16xf32>
          %swap3A_1126 = arith.constant 1 : i32
          %swap3A_1127 = arith.index_cast %swap3A_1126 : i32 to index
          %swap3A_1128 = arith.index_cast %add3A_1070 : i32 to index
          %swap3A_1129 = arith.constant 144 : index
          %swap3A_1130 = tpu.vector_load %arg7[%swap3A_1127, %swap3A_1128, %swap3A_1129] {strides = array<i32>} : memref<2x64x512xf32, #tpu.memory_space<vmem>>, vector<16xf32>,
          tpu.vector_store %arg7[%swap3A_1127, %swap3A_1128, %swap3A_1129], %add3A_1125 {strides = array<i32>} : memref<2x64x512xf32, #tpu.memory_space<vmem>>, vector<16xf32>,
          %add3A_1131 = arith.addf %get3A_84, %gather3A_262 : vector<16xf32>
          %swap3A_1132 = arith.constant 1 : i32
          %swap3A_1133 = arith.index_cast %swap3A_1132 : i32 to index
          %swap3A_1134 = arith.index_cast %add3A_1070 : i32 to index
          %swap3A_1135 = arith.constant 160 : index
          %swap3A_1136 = tpu.vector_load %arg7[%swap3A_1133, %swap3A_1134, %swap3A_1135] {strides = array<i32>} : memref<2x64x512xf32, #tpu.memory_space<vmem>>, vector<16xf32>,
          tpu.vector_store %arg7[%swap3A_1133, %swap3A_1134, %swap3A_1135], %add3A_1131 {strides = array<i32>} : memref<2x64x512xf32, #tpu.memory_space<vmem>>, vector<16xf32>,
          %add3A_1137 = arith.addf %get3A_87, %gather3A_262 : vector<16xf32>
          %swap3A_1138 = arith.constant 1 : i32
          %swap3A_1139 = arith.index_cast %swap3A_1138 : i32 to index
          %swap3A_1140 = arith.index_cast %add3A_1070 : i32 to index
          %swap3A_1141 = arith.constant 176 : index
          %swap3A_1142 = tpu.vector_load %arg7[%swap3A_1139, %swap3A_1140, %swap3A_1141] {strides = array<i32>} : memref<2x64x512xf32, #tpu.memory_space<vmem>>, vector<16xf32>,
          tpu.vector_store %arg7[%swap3A_1139, %swap3A_1140, %swap3A_1141], %add3A_1137 {strides = array<i32>} : memref<2x64x512xf32, #tpu.memory_space<vmem>>, vector<16xf32>,
          %add3A_1143 = arith.addf %get3A_90, %gather3A_262 : vector<16xf32>
          %swap3A_1144 = arith.constant 1 : i32
          %swap3A_1145 = arith.index_cast %swap3A_1144 : i32 to index
          %swap3A_1146 = arith.index_cast %add3A_1070 : i32 to index
          %swap3A_1147 = arith.constant 192 : index
          %swap3A_1148 = tpu.vector_load %arg7[%swap3A_1145, %swap3A_1146, %swap3A_1147] {strides = array<i32>} : memref<2x64x512xf32, #tpu.memory_space<vmem>>, vector<16xf32>,
          tpu.vector_store %arg7[%swap3A_1145, %swap3A_1146, %swap3A_1147], %add3A_1143 {strides = array<i32>} : memref<2x64x512xf32, #tpu.memory_space<vmem>>, vector<16xf32>,
          %add3A_1149 = arith.addf %get3A_93, %gather3A_262 : vector<16xf32>
          %swap3A_1150 = arith.constant 1 : i32
          %swap3A_1151 = arith.index_cast %swap3A_1150 : i32 to index
          %swap3A_1152 = arith.index_cast %add3A_1070 : i32 to index
          %swap3A_1153 = arith.constant 208 : index
          %swap3A_1154 = tpu.vector_load %arg7[%swap3A_1151, %swap3A_1152, %swap3A_1153] {strides = array<i32>} : memref<2x64x512xf32, #tpu.memory_space<vmem>>, vector<16xf32>,
          tpu.vector_store %arg7[%swap3A_1151, %swap3A_1152, %swap3A_1153], %add3A_1149 {strides = array<i32>} : memref<2x64x512xf32, #tpu.memory_space<vmem>>, vector<16xf32>,
          %add3A_1155 = arith.addf %get3A_96, %gather3A_262 : vector<16xf32>
          %swap3A_1156 = arith.constant 1 : i32
          %swap3A_1157 = arith.index_cast %swap3A_1156 : i32 to index
          %swap3A_1158 = arith.index_cast %add3A_1070 : i32 to index
          %swap3A_1159 = arith.constant 224 : index
          %swap3A_1160 = tpu.vector_load %arg7[%swap3A_1157, %swap3A_1158, %swap3A_1159] {strides = array<i32>} : memref<2x64x512xf32, #tpu.memory_space<vmem>>, vector<16xf32>,
          tpu.vector_store %arg7[%swap3A_1157, %swap3A_1158, %swap3A_1159], %add3A_1155 {strides = array<i32>} : memref<2x64x512xf32, #tpu.memory_space<vmem>>, vector<16xf32>,
          %add3A_1161 = arith.addf %get3A_99, %gather3A_262 : vector<16xf32>
          %swap3A_1162 = arith.constant 1 : i32
          %swap3A_1163 = arith.index_cast %swap3A_1162 : i32 to index
          %swap3A_1164 = arith.index_cast %add3A_1070 : i32 to index
          %swap3A_1165 = arith.constant 240 : index
          %swap3A_1166 = tpu.vector_load %arg7[%swap3A_1163, %swap3A_1164, %swap3A_1165] {strides = array<i32>} : memref<2x64x512xf32, #tpu.memory_space<vmem>>, vector<16xf32>,
          tpu.vector_store %arg7[%swap3A_1163, %swap3A_1164, %swap3A_1165], %add3A_1161 {strides = array<i32>} : memref<2x64x512xf32, #tpu.memory_space<vmem>>, vector<16xf32>,
          %add3A_1167 = arith.addf %get3A_102, %gather3A_262 : vector<16xf32>
          %swap3A_1168 = arith.constant 1 : i32
          %swap3A_1169 = arith.index_cast %swap3A_1168 : i32 to index
          %swap3A_1170 = arith.index_cast %add3A_1070 : i32 to index
          %swap3A_1171 = arith.constant 256 : index
          %swap3A_1172 = tpu.vector_load %arg7[%swap3A_1169, %swap3A_1170, %swap3A_1171] {strides = array<i32>} : memref<2x64x512xf32, #tpu.memory_space<vmem>>, vector<16xf32>,
          tpu.vector_store %arg7[%swap3A_1169, %swap3A_1170, %swap3A_1171], %add3A_1167 {strides = array<i32>} : memref<2x64x512xf32, #tpu.memory_space<vmem>>, vector<16xf32>,
          %add3A_1173 = arith.addf %get3A_105, %gather3A_262 : vector<16xf32>
          %swap3A_1174 = arith.constant 1 : i32
          %swap3A_1175 = arith.index_cast %swap3A_1174 : i32 to index
          %swap3A_1176 = arith.index_cast %add3A_1070 : i32 to index
          %swap3A_1177 = arith.constant 272 : index
          %swap3A_1178 = tpu.vector_load %arg7[%swap3A_1175, %swap3A_1176, %swap3A_1177] {strides = array<i32>} : memref<2x64x512xf32, #tpu.memory_space<vmem>>, vector<16xf32>,
          tpu.vector_store %arg7[%swap3A_1175, %swap3A_1176, %swap3A_1177], %add3A_1173 {strides = array<i32>} : memref<2x64x512xf32, #tpu.memory_space<vmem>>, vector<16xf32>,
          %add3A_1179 = arith.addf %get3A_108, %gather3A_262 : vector<16xf32>
          %swap3A_1180 = arith.constant 1 : i32
          %swap3A_1181 = arith.index_cast %swap3A_1180 : i32 to index
          %swap3A_1182 = arith.index_cast %add3A_1070 : i32 to index
          %swap3A_1183 = arith.constant 288 : index
          %swap3A_1184 = tpu.vector_load %arg7[%swap3A_1181, %swap3A_1182, %swap3A_1183] {strides = array<i32>} : memref<2x64x512xf32, #tpu.memory_space<vmem>>, vector<16xf32>,
          tpu.vector_store %arg7[%swap3A_1181, %swap3A_1182, %swap3A_1183], %add3A_1179 {strides = array<i32>} : memref<2x64x512xf32, #tpu.memory_space<vmem>>, vector<16xf32>,
          %add3A_1185 = arith.addf %get3A_111, %gather3A_262 : vector<16xf32>
          %swap3A_1186 = arith.constant 1 : i32
          %swap3A_1187 = arith.index_cast %swap3A_1186 : i32 to index
          %swap3A_1188 = arith.index_cast %add3A_1070 : i32 to index
          %swap3A_1189 = arith.constant 304 : index
          %swap3A_1190 = tpu.vector_load %arg7[%swap3A_1187, %swap3A_1188, %swap3A_1189] {strides = array<i32>} : memref<2x64x512xf32, #tpu.memory_space<vmem>>, vector<16xf32>,
          tpu.vector_store %arg7[%swap3A_1187, %swap3A_1188, %swap3A_1189], %add3A_1185 {strides = array<i32>} : memref<2x64x512xf32, #tpu.memory_space<vmem>>, vector<16xf32>,
          %add3A_1191 = arith.addf %get3A_114, %gather3A_262 : vector<16xf32>
          %swap3A_1192 = arith.constant 1 : i32
          %swap3A_1193 = arith.index_cast %swap3A_1192 : i32 to index
          %swap3A_1194 = arith.index_cast %add3A_1070 : i32 to index
          %swap3A_1195 = arith.constant 320 : index
          %swap3A_1196 = tpu.vector_load %arg7[%swap3A_1193, %swap3A_1194, %swap3A_1195] {strides = array<i32>} : memref<2x64x512xf32, #tpu.memory_space<vmem>>, vector<16xf32>,
          tpu.vector_store %arg7[%swap3A_1193, %swap3A_1194, %swap3A_1195], %add3A_1191 {strides = array<i32>} : memref<2x64x512xf32, #tpu.memory_space<vmem>>, vector<16xf32>,
          %add3A_1197 = arith.addf %get3A_117, %gather3A_262 : vector<16xf32>
          %swap3A_1198 = arith.constant 1 : i32
          %swap3A_1199 = arith.index_cast %swap3A_1198 : i32 to index
          %swap3A_1200 = arith.index_cast %add3A_1070 : i32 to index
          %swap3A_1201 = arith.constant 336 : index
          %swap3A_1202 = tpu.vector_load %arg7[%swap3A_1199, %swap3A_1200, %swap3A_1201] {strides = array<i32>} : memref<2x64x512xf32, #tpu.memory_space<vmem>>, vector<16xf32>,
          tpu.vector_store %arg7[%swap3A_1199, %swap3A_1200, %swap3A_1201], %add3A_1197 {strides = array<i32>} : memref<2x64x512xf32, #tpu.memory_space<vmem>>, vector<16xf32>,
          %add3A_1203 = arith.addf %get3A_120, %gather3A_262 : vector<16xf32>
          %swap3A_1204 = arith.constant 1 : i32
          %swap3A_1205 = arith.index_cast %swap3A_1204 : i32 to index
          %swap3A_1206 = arith.index_cast %add3A_1070 : i32 to index
          %swap3A_1207 = arith.constant 352 : index
          %swap3A_1208 = tpu.vector_load %arg7[%swap3A_1205, %swap3A_1206, %swap3A_1207] {strides = array<i32>} : memref<2x64x512xf32, #tpu.memory_space<vmem>>, vector<16xf32>,
          tpu.vector_store %arg7[%swap3A_1205, %swap3A_1206, %swap3A_1207], %add3A_1203 {strides = array<i32>} : memref<2x64x512xf32, #tpu.memory_space<vmem>>, vector<16xf32>,
          %add3A_1209 = arith.addf %get3A_123, %gather3A_262 : vector<16xf32>
          %swap3A_1210 = arith.constant 1 : i32
          %swap3A_1211 = arith.index_cast %swap3A_1210 : i32 to index
          %swap3A_1212 = arith.index_cast %add3A_1070 : i32 to index
          %swap3A_1213 = arith.constant 368 : index
          %swap3A_1214 = tpu.vector_load %arg7[%swap3A_1211, %swap3A_1212, %swap3A_1213] {strides = array<i32>} : memref<2x64x512xf32, #tpu.memory_space<vmem>>, vector<16xf32>,
          tpu.vector_store %arg7[%swap3A_1211, %swap3A_1212, %swap3A_1213], %add3A_1209 {strides = array<i32>} : memref<2x64x512xf32, #tpu.memory_space<vmem>>, vector<16xf32>,
          %add3A_1215 = arith.addf %get3A_126, %gather3A_262 : vector<16xf32>
          %swap3A_1216 = arith.constant 1 : i32
          %swap3A_1217 = arith.index_cast %swap3A_1216 : i32 to index
          %swap3A_1218 = arith.index_cast %add3A_1070 : i32 to index
          %swap3A_1219 = arith.constant 384 : index
          %swap3A_1220 = tpu.vector_load %arg7[%swap3A_1217, %swap3A_1218, %swap3A_1219] {strides = array<i32>} : memref<2x64x512xf32, #tpu.memory_space<vmem>>, vector<16xf32>,
          tpu.vector_store %arg7[%swap3A_1217, %swap3A_1218, %swap3A_1219], %add3A_1215 {strides = array<i32>} : memref<2x64x512xf32, #tpu.memory_space<vmem>>, vector<16xf32>,
          %add3A_1221 = arith.addf %get3A_129, %gather3A_262 : vector<16xf32>
          %swap3A_1222 = arith.constant 1 : i32
          %swap3A_1223 = arith.index_cast %swap3A_1222 : i32 to index
          %swap3A_1224 = arith.index_cast %add3A_1070 : i32 to index
          %swap3A_1225 = arith.constant 400 : index
          %swap3A_1226 = tpu.vector_load %arg7[%swap3A_1223, %swap3A_1224, %swap3A_1225] {strides = array<i32>} : memref<2x64x512xf32, #tpu.memory_space<vmem>>, vector<16xf32>,
          tpu.vector_store %arg7[%swap3A_1223, %swap3A_1224, %swap3A_1225], %add3A_1221 {strides = array<i32>} : memref<2x64x512xf32, #tpu.memory_space<vmem>>, vector<16xf32>,
          %add3A_1227 = arith.addf %get3A_132, %gather3A_262 : vector<16xf32>
          %swap3A_1228 = arith.constant 1 : i32
          %swap3A_1229 = arith.index_cast %swap3A_1228 : i32 to index
          %swap3A_1230 = arith.index_cast %add3A_1070 : i32 to index
          %swap3A_1231 = arith.constant 416 : index
          %swap3A_1232 = tpu.vector_load %arg7[%swap3A_1229, %swap3A_1230, %swap3A_1231] {strides = array<i32>} : memref<2x64x512xf32, #tpu.memory_space<vmem>>, vector<16xf32>,
          tpu.vector_store %arg7[%swap3A_1229, %swap3A_1230, %swap3A_1231], %add3A_1227 {strides = array<i32>} : memref<2x64x512xf32, #tpu.memory_space<vmem>>, vector<16xf32>,
          %add3A_1233 = arith.addf %get3A_135, %gather3A_262 : vector<16xf32>
          %swap3A_1234 = arith.constant 1 : i32
          %swap3A_1235 = arith.index_cast %swap3A_1234 : i32 to index
          %swap3A_1236 = arith.index_cast %add3A_1070 : i32 to index
          %swap3A_1237 = arith.constant 432 : index
          %swap3A_1238 = tpu.vector_load %arg7[%swap3A_1235, %swap3A_1236, %swap3A_1237] {strides = array<i32>} : memref<2x64x512xf32, #tpu.memory_space<vmem>>, vector<16xf32>,
          tpu.vector_store %arg7[%swap3A_1235, %swap3A_1236, %swap3A_1237], %add3A_1233 {strides = array<i32>} : memref<2x64x512xf32, #tpu.memory_space<vmem>>, vector<16xf32>,
          %add3A_1239 = arith.addf %get3A_138, %gather3A_262 : vector<16xf32>
          %swap3A_1240 = arith.constant 1 : i32
          %swap3A_1241 = arith.index_cast %swap3A_1240 : i32 to index
          %swap3A_1242 = arith.index_cast %add3A_1070 : i32 to index
          %swap3A_1243 = arith.constant 448 : index
          %swap3A_1244 = tpu.vector_load %arg7[%swap3A_1241, %swap3A_1242, %swap3A_1243] {strides = array<i32>} : memref<2x64x512xf32, #tpu.memory_space<vmem>>, vector<16xf32>,
          tpu.vector_store %arg7[%swap3A_1241, %swap3A_1242, %swap3A_1243], %add3A_1239 {strides = array<i32>} : memref<2x64x512xf32, #tpu.memory_space<vmem>>, vector<16xf32>,
          %add3A_1245 = arith.addf %get3A_141, %gather3A_262 : vector<16xf32>
          %swap3A_1246 = arith.constant 1 : i32
          %swap3A_1247 = arith.index_cast %swap3A_1246 : i32 to index
          %swap3A_1248 = arith.index_cast %add3A_1070 : i32 to index
          %swap3A_1249 = arith.constant 464 : index
          %swap3A_1250 = tpu.vector_load %arg7[%swap3A_1247, %swap3A_1248, %swap3A_1249] {strides = array<i32>} : memref<2x64x512xf32, #tpu.memory_space<vmem>>, vector<16xf32>,
          tpu.vector_store %arg7[%swap3A_1247, %swap3A_1248, %swap3A_1249], %add3A_1245 {strides = array<i32>} : memref<2x64x512xf32, #tpu.memory_space<vmem>>, vector<16xf32>,
          %add3A_1251 = arith.addf %get3A_144, %gather3A_262 : vector<16xf32>
          %swap3A_1252 = arith.constant 1 : i32
          %swap3A_1253 = arith.index_cast %swap3A_1252 : i32 to index
          %swap3A_1254 = arith.index_cast %add3A_1070 : i32 to index
          %swap3A_1255 = arith.constant 480 : index
          %swap3A_1256 = tpu.vector_load %arg7[%swap3A_1253, %swap3A_1254, %swap3A_1255] {strides = array<i32>} : memref<2x64x512xf32, #tpu.memory_space<vmem>>, vector<16xf32>,
          tpu.vector_store %arg7[%swap3A_1253, %swap3A_1254, %swap3A_1255], %add3A_1251 {strides = array<i32>} : memref<2x64x512xf32, #tpu.memory_space<vmem>>, vector<16xf32>,
          %add3A_1257 = arith.addf %get3A_147, %gather3A_262 : vector<16xf32>
          %swap3A_1258 = arith.constant 1 : i32
          %swap3A_1259 = arith.index_cast %swap3A_1258 : i32 to index
          %swap3A_1260 = arith.index_cast %add3A_1070 : i32 to index
          %swap3A_1261 = arith.constant 496 : index
          %swap3A_1262 = tpu.vector_load %arg7[%swap3A_1259, %swap3A_1260, %swap3A_1261] {strides = array<i32>} : memref<2x64x512xf32, #tpu.memory_space<vmem>>, vector<16xf32>,
          tpu.vector_store %arg7[%swap3A_1259, %swap3A_1260, %swap3A_1261], %add3A_1257 {strides = array<i32>} : memref<2x64x512xf32, #tpu.memory_space<vmem>>, vector<16xf32>,
          %mul3A_1263 = arith.constant 8 : i32
          %mul3A_1264 = arith.muli %scan3A_228, %mul3A_1263 : i32
          %add3A_1265 = arith.constant 5 : i32
          %add3A_1266 = arith.addi %mul3A_1264, %add3A_1265 : i32
          %add3A_1267 = arith.addf %get3A_54, %gather3A_269 : vector<16xf32>
          %swap3A_1268 = arith.constant 1 : i32
          %swap3A_1269 = arith.index_cast %swap3A_1268 : i32 to index
          %swap3A_1270 = arith.index_cast %add3A_1266 : i32 to index
          %swap3A_1271 = arith.constant 0 : index
          %swap3A_1272 = tpu.vector_load %arg7[%swap3A_1269, %swap3A_1270, %swap3A_1271] {strides = array<i32>} : memref<2x64x512xf32, #tpu.memory_space<vmem>>, vector<16xf32>,
          tpu.vector_store %arg7[%swap3A_1269, %swap3A_1270, %swap3A_1271], %add3A_1267 {strides = array<i32>} : memref<2x64x512xf32, #tpu.memory_space<vmem>>, vector<16xf32>,
          %add3A_1273 = arith.addf %get3A_57, %gather3A_269 : vector<16xf32>
          %swap3A_1274 = arith.constant 1 : i32
          %swap3A_1275 = arith.index_cast %swap3A_1274 : i32 to index
          %swap3A_1276 = arith.index_cast %add3A_1266 : i32 to index
          %swap3A_1277 = arith.constant 16 : index
          %swap3A_1278 = tpu.vector_load %arg7[%swap3A_1275, %swap3A_1276, %swap3A_1277] {strides = array<i32>} : memref<2x64x512xf32, #tpu.memory_space<vmem>>, vector<16xf32>,
          tpu.vector_store %arg7[%swap3A_1275, %swap3A_1276, %swap3A_1277], %add3A_1273 {strides = array<i32>} : memref<2x64x512xf32, #tpu.memory_space<vmem>>, vector<16xf32>,
          %add3A_1279 = arith.addf %get3A_60, %gather3A_269 : vector<16xf32>
          %swap3A_1280 = arith.constant 1 : i32
          %swap3A_1281 = arith.index_cast %swap3A_1280 : i32 to index
          %swap3A_1282 = arith.index_cast %add3A_1266 : i32 to index
          %swap3A_1283 = arith.constant 32 : index
          %swap3A_1284 = tpu.vector_load %arg7[%swap3A_1281, %swap3A_1282, %swap3A_1283] {strides = array<i32>} : memref<2x64x512xf32, #tpu.memory_space<vmem>>, vector<16xf32>,
          tpu.vector_store %arg7[%swap3A_1281, %swap3A_1282, %swap3A_1283], %add3A_1279 {strides = array<i32>} : memref<2x64x512xf32, #tpu.memory_space<vmem>>, vector<16xf32>,
          %add3A_1285 = arith.addf %get3A_63, %gather3A_269 : vector<16xf32>
          %swap3A_1286 = arith.constant 1 : i32
          %swap3A_1287 = arith.index_cast %swap3A_1286 : i32 to index
          %swap3A_1288 = arith.index_cast %add3A_1266 : i32 to index
          %swap3A_1289 = arith.constant 48 : index
          %swap3A_1290 = tpu.vector_load %arg7[%swap3A_1287, %swap3A_1288, %swap3A_1289] {strides = array<i32>} : memref<2x64x512xf32, #tpu.memory_space<vmem>>, vector<16xf32>,
          tpu.vector_store %arg7[%swap3A_1287, %swap3A_1288, %swap3A_1289], %add3A_1285 {strides = array<i32>} : memref<2x64x512xf32, #tpu.memory_space<vmem>>, vector<16xf32>,
          %add3A_1291 = arith.addf %get3A_66, %gather3A_269 : vector<16xf32>
          %swap3A_1292 = arith.constant 1 : i32
          %swap3A_1293 = arith.index_cast %swap3A_1292 : i32 to index
          %swap3A_1294 = arith.index_cast %add3A_1266 : i32 to index
          %swap3A_1295 = arith.constant 64 : index
          %swap3A_1296 = tpu.vector_load %arg7[%swap3A_1293, %swap3A_1294, %swap3A_1295] {strides = array<i32>} : memref<2x64x512xf32, #tpu.memory_space<vmem>>, vector<16xf32>,
          tpu.vector_store %arg7[%swap3A_1293, %swap3A_1294, %swap3A_1295], %add3A_1291 {strides = array<i32>} : memref<2x64x512xf32, #tpu.memory_space<vmem>>, vector<16xf32>,
          %add3A_1297 = arith.addf %get3A_69, %gather3A_269 : vector<16xf32>
          %swap3A_1298 = arith.constant 1 : i32
          %swap3A_1299 = arith.index_cast %swap3A_1298 : i32 to index
          %swap3A_1300 = arith.index_cast %add3A_1266 : i32 to index
          %swap3A_1301 = arith.constant 80 : index
          %swap3A_1302 = tpu.vector_load %arg7[%swap3A_1299, %swap3A_1300, %swap3A_1301] {strides = array<i32>} : memref<2x64x512xf32, #tpu.memory_space<vmem>>, vector<16xf32>,
          tpu.vector_store %arg7[%swap3A_1299, %swap3A_1300, %swap3A_1301], %add3A_1297 {strides = array<i32>} : memref<2x64x512xf32, #tpu.memory_space<vmem>>, vector<16xf32>,
          %add3A_1303 = arith.addf %get3A_72, %gather3A_269 : vector<16xf32>
          %swap3A_1304 = arith.constant 1 : i32
          %swap3A_1305 = arith.index_cast %swap3A_1304 : i32 to index
          %swap3A_1306 = arith.index_cast %add3A_1266 : i32 to index
          %swap3A_1307 = arith.constant 96 : index
          %swap3A_1308 = tpu.vector_load %arg7[%swap3A_1305, %swap3A_1306, %swap3A_1307] {strides = array<i32>} : memref<2x64x512xf32, #tpu.memory_space<vmem>>, vector<16xf32>,
          tpu.vector_store %arg7[%swap3A_1305, %swap3A_1306, %swap3A_1307], %add3A_1303 {strides = array<i32>} : memref<2x64x512xf32, #tpu.memory_space<vmem>>, vector<16xf32>,
          %add3A_1309 = arith.addf %get3A_75, %gather3A_269 : vector<16xf32>
          %swap3A_1310 = arith.constant 1 : i32
          %swap3A_1311 = arith.index_cast %swap3A_1310 : i32 to index
          %swap3A_1312 = arith.index_cast %add3A_1266 : i32 to index
          %swap3A_1313 = arith.constant 112 : index
          %swap3A_1314 = tpu.vector_load %arg7[%swap3A_1311, %swap3A_1312, %swap3A_1313] {strides = array<i32>} : memref<2x64x512xf32, #tpu.memory_space<vmem>>, vector<16xf32>,
          tpu.vector_store %arg7[%swap3A_1311, %swap3A_1312, %swap3A_1313], %add3A_1309 {strides = array<i32>} : memref<2x64x512xf32, #tpu.memory_space<vmem>>, vector<16xf32>,
          %add3A_1315 = arith.addf %get3A_78, %gather3A_269 : vector<16xf32>
          %swap3A_1316 = arith.constant 1 : i32
          %swap3A_1317 = arith.index_cast %swap3A_1316 : i32 to index
          %swap3A_1318 = arith.index_cast %add3A_1266 : i32 to index
          %swap3A_1319 = arith.constant 128 : index
          %swap3A_1320 = tpu.vector_load %arg7[%swap3A_1317, %swap3A_1318, %swap3A_1319] {strides = array<i32>} : memref<2x64x512xf32, #tpu.memory_space<vmem>>, vector<16xf32>,
          tpu.vector_store %arg7[%swap3A_1317, %swap3A_1318, %swap3A_1319], %add3A_1315 {strides = array<i32>} : memref<2x64x512xf32, #tpu.memory_space<vmem>>, vector<16xf32>,
          %add3A_1321 = arith.addf %get3A_81, %gather3A_269 : vector<16xf32>
          %swap3A_1322 = arith.constant 1 : i32
          %swap3A_1323 = arith.index_cast %swap3A_1322 : i32 to index
          %swap3A_1324 = arith.index_cast %add3A_1266 : i32 to index
          %swap3A_1325 = arith.constant 144 : index
          %swap3A_1326 = tpu.vector_load %arg7[%swap3A_1323, %swap3A_1324, %swap3A_1325] {strides = array<i32>} : memref<2x64x512xf32, #tpu.memory_space<vmem>>, vector<16xf32>,
          tpu.vector_store %arg7[%swap3A_1323, %swap3A_1324, %swap3A_1325], %add3A_1321 {strides = array<i32>} : memref<2x64x512xf32, #tpu.memory_space<vmem>>, vector<16xf32>,
          %add3A_1327 = arith.addf %get3A_84, %gather3A_269 : vector<16xf32>
          %swap3A_1328 = arith.constant 1 : i32
          %swap3A_1329 = arith.index_cast %swap3A_1328 : i32 to index
          %swap3A_1330 = arith.index_cast %add3A_1266 : i32 to index
          %swap3A_1331 = arith.constant 160 : index
          %swap3A_1332 = tpu.vector_load %arg7[%swap3A_1329, %swap3A_1330, %swap3A_1331] {strides = array<i32>} : memref<2x64x512xf32, #tpu.memory_space<vmem>>, vector<16xf32>,
          tpu.vector_store %arg7[%swap3A_1329, %swap3A_1330, %swap3A_1331], %add3A_1327 {strides = array<i32>} : memref<2x64x512xf32, #tpu.memory_space<vmem>>, vector<16xf32>,
          %add3A_1333 = arith.addf %get3A_87, %gather3A_269 : vector<16xf32>
          %swap3A_1334 = arith.constant 1 : i32
          %swap3A_1335 = arith.index_cast %swap3A_1334 : i32 to index
          %swap3A_1336 = arith.index_cast %add3A_1266 : i32 to index
          %swap3A_1337 = arith.constant 176 : index
          %swap3A_1338 = tpu.vector_load %arg7[%swap3A_1335, %swap3A_1336, %swap3A_1337] {strides = array<i32>} : memref<2x64x512xf32, #tpu.memory_space<vmem>>, vector<16xf32>,
          tpu.vector_store %arg7[%swap3A_1335, %swap3A_1336, %swap3A_1337], %add3A_1333 {strides = array<i32>} : memref<2x64x512xf32, #tpu.memory_space<vmem>>, vector<16xf32>,
          %add3A_1339 = arith.addf %get3A_90, %gather3A_269 : vector<16xf32>
          %swap3A_1340 = arith.constant 1 : i32
          %swap3A_1341 = arith.index_cast %swap3A_1340 : i32 to index
          %swap3A_1342 = arith.index_cast %add3A_1266 : i32 to index
          %swap3A_1343 = arith.constant 192 : index
          %swap3A_1344 = tpu.vector_load %arg7[%swap3A_1341, %swap3A_1342, %swap3A_1343] {strides = array<i32>} : memref<2x64x512xf32, #tpu.memory_space<vmem>>, vector<16xf32>,
          tpu.vector_store %arg7[%swap3A_1341, %swap3A_1342, %swap3A_1343], %add3A_1339 {strides = array<i32>} : memref<2x64x512xf32, #tpu.memory_space<vmem>>, vector<16xf32>,
          %add3A_1345 = arith.addf %get3A_93, %gather3A_269 : vector<16xf32>
          %swap3A_1346 = arith.constant 1 : i32
          %swap3A_1347 = arith.index_cast %swap3A_1346 : i32 to index
          %swap3A_1348 = arith.index_cast %add3A_1266 : i32 to index
          %swap3A_1349 = arith.constant 208 : index
          %swap3A_1350 = tpu.vector_load %arg7[%swap3A_1347, %swap3A_1348, %swap3A_1349] {strides = array<i32>} : memref<2x64x512xf32, #tpu.memory_space<vmem>>, vector<16xf32>,
          tpu.vector_store %arg7[%swap3A_1347, %swap3A_1348, %swap3A_1349], %add3A_1345 {strides = array<i32>} : memref<2x64x512xf32, #tpu.memory_space<vmem>>, vector<16xf32>,
          %add3A_1351 = arith.addf %get3A_96, %gather3A_269 : vector<16xf32>
          %swap3A_1352 = arith.constant 1 : i32
          %swap3A_1353 = arith.index_cast %swap3A_1352 : i32 to index
          %swap3A_1354 = arith.index_cast %add3A_1266 : i32 to index
          %swap3A_1355 = arith.constant 224 : index
          %swap3A_1356 = tpu.vector_load %arg7[%swap3A_1353, %swap3A_1354, %swap3A_1355] {strides = array<i32>} : memref<2x64x512xf32, #tpu.memory_space<vmem>>, vector<16xf32>,
          tpu.vector_store %arg7[%swap3A_1353, %swap3A_1354, %swap3A_1355], %add3A_1351 {strides = array<i32>} : memref<2x64x512xf32, #tpu.memory_space<vmem>>, vector<16xf32>,
          %add3A_1357 = arith.addf %get3A_99, %gather3A_269 : vector<16xf32>
          %swap3A_1358 = arith.constant 1 : i32
          %swap3A_1359 = arith.index_cast %swap3A_1358 : i32 to index
          %swap3A_1360 = arith.index_cast %add3A_1266 : i32 to index
          %swap3A_1361 = arith.constant 240 : index
          %swap3A_1362 = tpu.vector_load %arg7[%swap3A_1359, %swap3A_1360, %swap3A_1361] {strides = array<i32>} : memref<2x64x512xf32, #tpu.memory_space<vmem>>, vector<16xf32>,
          tpu.vector_store %arg7[%swap3A_1359, %swap3A_1360, %swap3A_1361], %add3A_1357 {strides = array<i32>} : memref<2x64x512xf32, #tpu.memory_space<vmem>>, vector<16xf32>,
          %add3A_1363 = arith.addf %get3A_102, %gather3A_269 : vector<16xf32>
          %swap3A_1364 = arith.constant 1 : i32
          %swap3A_1365 = arith.index_cast %swap3A_1364 : i32 to index
          %swap3A_1366 = arith.index_cast %add3A_1266 : i32 to index
          %swap3A_1367 = arith.constant 256 : index
          %swap3A_1368 = tpu.vector_load %arg7[%swap3A_1365, %swap3A_1366, %swap3A_1367] {strides = array<i32>} : memref<2x64x512xf32, #tpu.memory_space<vmem>>, vector<16xf32>,
          tpu.vector_store %arg7[%swap3A_1365, %swap3A_1366, %swap3A_1367], %add3A_1363 {strides = array<i32>} : memref<2x64x512xf32, #tpu.memory_space<vmem>>, vector<16xf32>,
          %add3A_1369 = arith.addf %get3A_105, %gather3A_269 : vector<16xf32>
          %swap3A_1370 = arith.constant 1 : i32
          %swap3A_1371 = arith.index_cast %swap3A_1370 : i32 to index
          %swap3A_1372 = arith.index_cast %add3A_1266 : i32 to index
          %swap3A_1373 = arith.constant 272 : index
          %swap3A_1374 = tpu.vector_load %arg7[%swap3A_1371, %swap3A_1372, %swap3A_1373] {strides = array<i32>} : memref<2x64x512xf32, #tpu.memory_space<vmem>>, vector<16xf32>,
          tpu.vector_store %arg7[%swap3A_1371, %swap3A_1372, %swap3A_1373], %add3A_1369 {strides = array<i32>} : memref<2x64x512xf32, #tpu.memory_space<vmem>>, vector<16xf32>,
          %add3A_1375 = arith.addf %get3A_108, %gather3A_269 : vector<16xf32>
          %swap3A_1376 = arith.constant 1 : i32
          %swap3A_1377 = arith.index_cast %swap3A_1376 : i32 to index
          %swap3A_1378 = arith.index_cast %add3A_1266 : i32 to index
          %swap3A_1379 = arith.constant 288 : index
          %swap3A_1380 = tpu.vector_load %arg7[%swap3A_1377, %swap3A_1378, %swap3A_1379] {strides = array<i32>} : memref<2x64x512xf32, #tpu.memory_space<vmem>>, vector<16xf32>,
          tpu.vector_store %arg7[%swap3A_1377, %swap3A_1378, %swap3A_1379], %add3A_1375 {strides = array<i32>} : memref<2x64x512xf32, #tpu.memory_space<vmem>>, vector<16xf32>,
          %add3A_1381 = arith.addf %get3A_111, %gather3A_269 : vector<16xf32>
          %swap3A_1382 = arith.constant 1 : i32
          %swap3A_1383 = arith.index_cast %swap3A_1382 : i32 to index
          %swap3A_1384 = arith.index_cast %add3A_1266 : i32 to index
          %swap3A_1385 = arith.constant 304 : index
          %swap3A_1386 = tpu.vector_load %arg7[%swap3A_1383, %swap3A_1384, %swap3A_1385] {strides = array<i32>} : memref<2x64x512xf32, #tpu.memory_space<vmem>>, vector<16xf32>,
          tpu.vector_store %arg7[%swap3A_1383, %swap3A_1384, %swap3A_1385], %add3A_1381 {strides = array<i32>} : memref<2x64x512xf32, #tpu.memory_space<vmem>>, vector<16xf32>,
          %add3A_1387 = arith.addf %get3A_114, %gather3A_269 : vector<16xf32>
          %swap3A_1388 = arith.constant 1 : i32
          %swap3A_1389 = arith.index_cast %swap3A_1388 : i32 to index
          %swap3A_1390 = arith.index_cast %add3A_1266 : i32 to index
          %swap3A_1391 = arith.constant 320 : index
          %swap3A_1392 = tpu.vector_load %arg7[%swap3A_1389, %swap3A_1390, %swap3A_1391] {strides = array<i32>} : memref<2x64x512xf32, #tpu.memory_space<vmem>>, vector<16xf32>,
          tpu.vector_store %arg7[%swap3A_1389, %swap3A_1390, %swap3A_1391], %add3A_1387 {strides = array<i32>} : memref<2x64x512xf32, #tpu.memory_space<vmem>>, vector<16xf32>,
          %add3A_1393 = arith.addf %get3A_117, %gather3A_269 : vector<16xf32>
          %swap3A_1394 = arith.constant 1 : i32
          %swap3A_1395 = arith.index_cast %swap3A_1394 : i32 to index
          %swap3A_1396 = arith.index_cast %add3A_1266 : i32 to index
          %swap3A_1397 = arith.constant 336 : index
          %swap3A_1398 = tpu.vector_load %arg7[%swap3A_1395, %swap3A_1396, %swap3A_1397] {strides = array<i32>} : memref<2x64x512xf32, #tpu.memory_space<vmem>>, vector<16xf32>,
          tpu.vector_store %arg7[%swap3A_1395, %swap3A_1396, %swap3A_1397], %add3A_1393 {strides = array<i32>} : memref<2x64x512xf32, #tpu.memory_space<vmem>>, vector<16xf32>,
          %add3A_1399 = arith.addf %get3A_120, %gather3A_269 : vector<16xf32>
          %swap3A_1400 = arith.constant 1 : i32
          %swap3A_1401 = arith.index_cast %swap3A_1400 : i32 to index
          %swap3A_1402 = arith.index_cast %add3A_1266 : i32 to index
          %swap3A_1403 = arith.constant 352 : index
          %swap3A_1404 = tpu.vector_load %arg7[%swap3A_1401, %swap3A_1402, %swap3A_1403] {strides = array<i32>} : memref<2x64x512xf32, #tpu.memory_space<vmem>>, vector<16xf32>,
          tpu.vector_store %arg7[%swap3A_1401, %swap3A_1402, %swap3A_1403], %add3A_1399 {strides = array<i32>} : memref<2x64x512xf32, #tpu.memory_space<vmem>>, vector<16xf32>,
          %add3A_1405 = arith.addf %get3A_123, %gather3A_269 : vector<16xf32>
          %swap3A_1406 = arith.constant 1 : i32
          %swap3A_1407 = arith.index_cast %swap3A_1406 : i32 to index
          %swap3A_1408 = arith.index_cast %add3A_1266 : i32 to index
          %swap3A_1409 = arith.constant 368 : index
          %swap3A_1410 = tpu.vector_load %arg7[%swap3A_1407, %swap3A_1408, %swap3A_1409] {strides = array<i32>} : memref<2x64x512xf32, #tpu.memory_space<vmem>>, vector<16xf32>,
          tpu.vector_store %arg7[%swap3A_1407, %swap3A_1408, %swap3A_1409], %add3A_1405 {strides = array<i32>} : memref<2x64x512xf32, #tpu.memory_space<vmem>>, vector<16xf32>,
          %add3A_1411 = arith.addf %get3A_126, %gather3A_269 : vector<16xf32>
          %swap3A_1412 = arith.constant 1 : i32
          %swap3A_1413 = arith.index_cast %swap3A_1412 : i32 to index
          %swap3A_1414 = arith.index_cast %add3A_1266 : i32 to index
          %swap3A_1415 = arith.constant 384 : index
          %swap3A_1416 = tpu.vector_load %arg7[%swap3A_1413, %swap3A_1414, %swap3A_1415] {strides = array<i32>} : memref<2x64x512xf32, #tpu.memory_space<vmem>>, vector<16xf32>,
          tpu.vector_store %arg7[%swap3A_1413, %swap3A_1414, %swap3A_1415], %add3A_1411 {strides = array<i32>} : memref<2x64x512xf32, #tpu.memory_space<vmem>>, vector<16xf32>,
          %add3A_1417 = arith.addf %get3A_129, %gather3A_269 : vector<16xf32>
          %swap3A_1418 = arith.constant 1 : i32
          %swap3A_1419 = arith.index_cast %swap3A_1418 : i32 to index
          %swap3A_1420 = arith.index_cast %add3A_1266 : i32 to index
          %swap3A_1421 = arith.constant 400 : index
          %swap3A_1422 = tpu.vector_load %arg7[%swap3A_1419, %swap3A_1420, %swap3A_1421] {strides = array<i32>} : memref<2x64x512xf32, #tpu.memory_space<vmem>>, vector<16xf32>,
          tpu.vector_store %arg7[%swap3A_1419, %swap3A_1420, %swap3A_1421], %add3A_1417 {strides = array<i32>} : memref<2x64x512xf32, #tpu.memory_space<vmem>>, vector<16xf32>,
          %add3A_1423 = arith.addf %get3A_132, %gather3A_269 : vector<16xf32>
          %swap3A_1424 = arith.constant 1 : i32
          %swap3A_1425 = arith.index_cast %swap3A_1424 : i32 to index
          %swap3A_1426 = arith.index_cast %add3A_1266 : i32 to index
          %swap3A_1427 = arith.constant 416 : index
          %swap3A_1428 = tpu.vector_load %arg7[%swap3A_1425, %swap3A_1426, %swap3A_1427] {strides = array<i32>} : memref<2x64x512xf32, #tpu.memory_space<vmem>>, vector<16xf32>,
          tpu.vector_store %arg7[%swap3A_1425, %swap3A_1426, %swap3A_1427], %add3A_1423 {strides = array<i32>} : memref<2x64x512xf32, #tpu.memory_space<vmem>>, vector<16xf32>,
          %add3A_1429 = arith.addf %get3A_135, %gather3A_269 : vector<16xf32>
          %swap3A_1430 = arith.constant 1 : i32
          %swap3A_1431 = arith.index_cast %swap3A_1430 : i32 to index
          %swap3A_1432 = arith.index_cast %add3A_1266 : i32 to index
          %swap3A_1433 = arith.constant 432 : index
          %swap3A_1434 = tpu.vector_load %arg7[%swap3A_1431, %swap3A_1432, %swap3A_1433] {strides = array<i32>} : memref<2x64x512xf32, #tpu.memory_space<vmem>>, vector<16xf32>,
          tpu.vector_store %arg7[%swap3A_1431, %swap3A_1432, %swap3A_1433], %add3A_1429 {strides = array<i32>} : memref<2x64x512xf32, #tpu.memory_space<vmem>>, vector<16xf32>,
          %add3A_1435 = arith.addf %get3A_138, %gather3A_269 : vector<16xf32>
          %swap3A_1436 = arith.constant 1 : i32
          %swap3A_1437 = arith.index_cast %swap3A_1436 : i32 to index
          %swap3A_1438 = arith.index_cast %add3A_1266 : i32 to index
          %swap3A_1439 = arith.constant 448 : index
          %swap3A_1440 = tpu.vector_load %arg7[%swap3A_1437, %swap3A_1438, %swap3A_1439] {strides = array<i32>} : memref<2x64x512xf32, #tpu.memory_space<vmem>>, vector<16xf32>,
          tpu.vector_store %arg7[%swap3A_1437, %swap3A_1438, %swap3A_1439], %add3A_1435 {strides = array<i32>} : memref<2x64x512xf32, #tpu.memory_space<vmem>>, vector<16xf32>,
          %add3A_1441 = arith.addf %get3A_141, %gather3A_269 : vector<16xf32>
          %swap3A_1442 = arith.constant 1 : i32
          %swap3A_1443 = arith.index_cast %swap3A_1442 : i32 to index
          %swap3A_1444 = arith.index_cast %add3A_1266 : i32 to index
          %swap3A_1445 = arith.constant 464 : index
          %swap3A_1446 = tpu.vector_load %arg7[%swap3A_1443, %swap3A_1444, %swap3A_1445] {strides = array<i32>} : memref<2x64x512xf32, #tpu.memory_space<vmem>>, vector<16xf32>,
          tpu.vector_store %arg7[%swap3A_1443, %swap3A_1444, %swap3A_1445], %add3A_1441 {strides = array<i32>} : memref<2x64x512xf32, #tpu.memory_space<vmem>>, vector<16xf32>,
          %add3A_1447 = arith.addf %get3A_144, %gather3A_269 : vector<16xf32>
          %swap3A_1448 = arith.constant 1 : i32
          %swap3A_1449 = arith.index_cast %swap3A_1448 : i32 to index
          %swap3A_1450 = arith.index_cast %add3A_1266 : i32 to index
          %swap3A_1451 = arith.constant 480 : index
          %swap3A_1452 = tpu.vector_load %arg7[%swap3A_1449, %swap3A_1450, %swap3A_1451] {strides = array<i32>} : memref<2x64x512xf32, #tpu.memory_space<vmem>>, vector<16xf32>,
          tpu.vector_store %arg7[%swap3A_1449, %swap3A_1450, %swap3A_1451], %add3A_1447 {strides = array<i32>} : memref<2x64x512xf32, #tpu.memory_space<vmem>>, vector<16xf32>,
          %add3A_1453 = arith.addf %get3A_147, %gather3A_269 : vector<16xf32>
          %swap3A_1454 = arith.constant 1 : i32
          %swap3A_1455 = arith.index_cast %swap3A_1454 : i32 to index
          %swap3A_1456 = arith.index_cast %add3A_1266 : i32 to index
          %swap3A_1457 = arith.constant 496 : index
          %swap3A_1458 = tpu.vector_load %arg7[%swap3A_1455, %swap3A_1456, %swap3A_1457] {strides = array<i32>} : memref<2x64x512xf32, #tpu.memory_space<vmem>>, vector<16xf32>,
          tpu.vector_store %arg7[%swap3A_1455, %swap3A_1456, %swap3A_1457], %add3A_1453 {strides = array<i32>} : memref<2x64x512xf32, #tpu.memory_space<vmem>>, vector<16xf32>,
          %mul3A_1459 = arith.constant 8 : i32
          %mul3A_1460 = arith.muli %scan3A_228, %mul3A_1459 : i32
          %add3A_1461 = arith.constant 6 : i32
          %add3A_1462 = arith.addi %mul3A_1460, %add3A_1461 : i32
          %add3A_1463 = arith.addf %get3A_54, %gather3A_276 : vector<16xf32>
          %swap3A_1464 = arith.constant 1 : i32
          %swap3A_1465 = arith.index_cast %swap3A_1464 : i32 to index
          %swap3A_1466 = arith.index_cast %add3A_1462 : i32 to index
          %swap3A_1467 = arith.constant 0 : index
          %swap3A_1468 = tpu.vector_load %arg7[%swap3A_1465, %swap3A_1466, %swap3A_1467] {strides = array<i32>} : memref<2x64x512xf32, #tpu.memory_space<vmem>>, vector<16xf32>,
          tpu.vector_store %arg7[%swap3A_1465, %swap3A_1466, %swap3A_1467], %add3A_1463 {strides = array<i32>} : memref<2x64x512xf32, #tpu.memory_space<vmem>>, vector<16xf32>,
          %add3A_1469 = arith.addf %get3A_57, %gather3A_276 : vector<16xf32>
          %swap3A_1470 = arith.constant 1 : i32
          %swap3A_1471 = arith.index_cast %swap3A_1470 : i32 to index
          %swap3A_1472 = arith.index_cast %add3A_1462 : i32 to index
          %swap3A_1473 = arith.constant 16 : index
          %swap3A_1474 = tpu.vector_load %arg7[%swap3A_1471, %swap3A_1472, %swap3A_1473] {strides = array<i32>} : memref<2x64x512xf32, #tpu.memory_space<vmem>>, vector<16xf32>,
          tpu.vector_store %arg7[%swap3A_1471, %swap3A_1472, %swap3A_1473], %add3A_1469 {strides = array<i32>} : memref<2x64x512xf32, #tpu.memory_space<vmem>>, vector<16xf32>,
          %add3A_1475 = arith.addf %get3A_60, %gather3A_276 : vector<16xf32>
          %swap3A_1476 = arith.constant 1 : i32
          %swap3A_1477 = arith.index_cast %swap3A_1476 : i32 to index
          %swap3A_1478 = arith.index_cast %add3A_1462 : i32 to index
          %swap3A_1479 = arith.constant 32 : index
          %swap3A_1480 = tpu.vector_load %arg7[%swap3A_1477, %swap3A_1478, %swap3A_1479] {strides = array<i32>} : memref<2x64x512xf32, #tpu.memory_space<vmem>>, vector<16xf32>,
          tpu.vector_store %arg7[%swap3A_1477, %swap3A_1478, %swap3A_1479], %add3A_1475 {strides = array<i32>} : memref<2x64x512xf32, #tpu.memory_space<vmem>>, vector<16xf32>,
          %add3A_1481 = arith.addf %get3A_63, %gather3A_276 : vector<16xf32>
          %swap3A_1482 = arith.constant 1 : i32
          %swap3A_1483 = arith.index_cast %swap3A_1482 : i32 to index
          %swap3A_1484 = arith.index_cast %add3A_1462 : i32 to index
          %swap3A_1485 = arith.constant 48 : index
          %swap3A_1486 = tpu.vector_load %arg7[%swap3A_1483, %swap3A_1484, %swap3A_1485] {strides = array<i32>} : memref<2x64x512xf32, #tpu.memory_space<vmem>>, vector<16xf32>,
          tpu.vector_store %arg7[%swap3A_1483, %swap3A_1484, %swap3A_1485], %add3A_1481 {strides = array<i32>} : memref<2x64x512xf32, #tpu.memory_space<vmem>>, vector<16xf32>,
          %add3A_1487 = arith.addf %get3A_66, %gather3A_276 : vector<16xf32>
          %swap3A_1488 = arith.constant 1 : i32
          %swap3A_1489 = arith.index_cast %swap3A_1488 : i32 to index
          %swap3A_1490 = arith.index_cast %add3A_1462 : i32 to index
          %swap3A_1491 = arith.constant 64 : index
          %swap3A_1492 = tpu.vector_load %arg7[%swap3A_1489, %swap3A_1490, %swap3A_1491] {strides = array<i32>} : memref<2x64x512xf32, #tpu.memory_space<vmem>>, vector<16xf32>,
          tpu.vector_store %arg7[%swap3A_1489, %swap3A_1490, %swap3A_1491], %add3A_1487 {strides = array<i32>} : memref<2x64x512xf32, #tpu.memory_space<vmem>>, vector<16xf32>,
          %add3A_1493 = arith.addf %get3A_69, %gather3A_276 : vector<16xf32>
          %swap3A_1494 = arith.constant 1 : i32
          %swap3A_1495 = arith.index_cast %swap3A_1494 : i32 to index
          %swap3A_1496 = arith.index_cast %add3A_1462 : i32 to index
          %swap3A_1497 = arith.constant 80 : index
          %swap3A_1498 = tpu.vector_load %arg7[%swap3A_1495, %swap3A_1496, %swap3A_1497] {strides = array<i32>} : memref<2x64x512xf32, #tpu.memory_space<vmem>>, vector<16xf32>,
          tpu.vector_store %arg7[%swap3A_1495, %swap3A_1496, %swap3A_1497], %add3A_1493 {strides = array<i32>} : memref<2x64x512xf32, #tpu.memory_space<vmem>>, vector<16xf32>,
          %add3A_1499 = arith.addf %get3A_72, %gather3A_276 : vector<16xf32>
          %swap3A_1500 = arith.constant 1 : i32
          %swap3A_1501 = arith.index_cast %swap3A_1500 : i32 to index
          %swap3A_1502 = arith.index_cast %add3A_1462 : i32 to index
          %swap3A_1503 = arith.constant 96 : index
          %swap3A_1504 = tpu.vector_load %arg7[%swap3A_1501, %swap3A_1502, %swap3A_1503] {strides = array<i32>} : memref<2x64x512xf32, #tpu.memory_space<vmem>>, vector<16xf32>,
          tpu.vector_store %arg7[%swap3A_1501, %swap3A_1502, %swap3A_1503], %add3A_1499 {strides = array<i32>} : memref<2x64x512xf32, #tpu.memory_space<vmem>>, vector<16xf32>,
          %add3A_1505 = arith.addf %get3A_75, %gather3A_276 : vector<16xf32>
          %swap3A_1506 = arith.constant 1 : i32
          %swap3A_1507 = arith.index_cast %swap3A_1506 : i32 to index
          %swap3A_1508 = arith.index_cast %add3A_1462 : i32 to index
          %swap3A_1509 = arith.constant 112 : index
          %swap3A_1510 = tpu.vector_load %arg7[%swap3A_1507, %swap3A_1508, %swap3A_1509] {strides = array<i32>} : memref<2x64x512xf32, #tpu.memory_space<vmem>>, vector<16xf32>,
          tpu.vector_store %arg7[%swap3A_1507, %swap3A_1508, %swap3A_1509], %add3A_1505 {strides = array<i32>} : memref<2x64x512xf32, #tpu.memory_space<vmem>>, vector<16xf32>,
          %add3A_1511 = arith.addf %get3A_78, %gather3A_276 : vector<16xf32>
          %swap3A_1512 = arith.constant 1 : i32
          %swap3A_1513 = arith.index_cast %swap3A_1512 : i32 to index
          %swap3A_1514 = arith.index_cast %add3A_1462 : i32 to index
          %swap3A_1515 = arith.constant 128 : index
          %swap3A_1516 = tpu.vector_load %arg7[%swap3A_1513, %swap3A_1514, %swap3A_1515] {strides = array<i32>} : memref<2x64x512xf32, #tpu.memory_space<vmem>>, vector<16xf32>,
          tpu.vector_store %arg7[%swap3A_1513, %swap3A_1514, %swap3A_1515], %add3A_1511 {strides = array<i32>} : memref<2x64x512xf32, #tpu.memory_space<vmem>>, vector<16xf32>,
          %add3A_1517 = arith.addf %get3A_81, %gather3A_276 : vector<16xf32>
          %swap3A_1518 = arith.constant 1 : i32
          %swap3A_1519 = arith.index_cast %swap3A_1518 : i32 to index
          %swap3A_1520 = arith.index_cast %add3A_1462 : i32 to index
          %swap3A_1521 = arith.constant 144 : index
          %swap3A_1522 = tpu.vector_load %arg7[%swap3A_1519, %swap3A_1520, %swap3A_1521] {strides = array<i32>} : memref<2x64x512xf32, #tpu.memory_space<vmem>>, vector<16xf32>,
          tpu.vector_store %arg7[%swap3A_1519, %swap3A_1520, %swap3A_1521], %add3A_1517 {strides = array<i32>} : memref<2x64x512xf32, #tpu.memory_space<vmem>>, vector<16xf32>,
          %add3A_1523 = arith.addf %get3A_84, %gather3A_276 : vector<16xf32>
          %swap3A_1524 = arith.constant 1 : i32
          %swap3A_1525 = arith.index_cast %swap3A_1524 : i32 to index
          %swap3A_1526 = arith.index_cast %add3A_1462 : i32 to index
          %swap3A_1527 = arith.constant 160 : index
          %swap3A_1528 = tpu.vector_load %arg7[%swap3A_1525, %swap3A_1526, %swap3A_1527] {strides = array<i32>} : memref<2x64x512xf32, #tpu.memory_space<vmem>>, vector<16xf32>,
          tpu.vector_store %arg7[%swap3A_1525, %swap3A_1526, %swap3A_1527], %add3A_1523 {strides = array<i32>} : memref<2x64x512xf32, #tpu.memory_space<vmem>>, vector<16xf32>,
          %add3A_1529 = arith.addf %get3A_87, %gather3A_276 : vector<16xf32>
          %swap3A_1530 = arith.constant 1 : i32
          %swap3A_1531 = arith.index_cast %swap3A_1530 : i32 to index
          %swap3A_1532 = arith.index_cast %add3A_1462 : i32 to index
          %swap3A_1533 = arith.constant 176 : index
          %swap3A_1534 = tpu.vector_load %arg7[%swap3A_1531, %swap3A_1532, %swap3A_1533] {strides = array<i32>} : memref<2x64x512xf32, #tpu.memory_space<vmem>>, vector<16xf32>,
          tpu.vector_store %arg7[%swap3A_1531, %swap3A_1532, %swap3A_1533], %add3A_1529 {strides = array<i32>} : memref<2x64x512xf32, #tpu.memory_space<vmem>>, vector<16xf32>,
          %add3A_1535 = arith.addf %get3A_90, %gather3A_276 : vector<16xf32>
          %swap3A_1536 = arith.constant 1 : i32
          %swap3A_1537 = arith.index_cast %swap3A_1536 : i32 to index
          %swap3A_1538 = arith.index_cast %add3A_1462 : i32 to index
          %swap3A_1539 = arith.constant 192 : index
          %swap3A_1540 = tpu.vector_load %arg7[%swap3A_1537, %swap3A_1538, %swap3A_1539] {strides = array<i32>} : memref<2x64x512xf32, #tpu.memory_space<vmem>>, vector<16xf32>,
          tpu.vector_store %arg7[%swap3A_1537, %swap3A_1538, %swap3A_1539], %add3A_1535 {strides = array<i32>} : memref<2x64x512xf32, #tpu.memory_space<vmem>>, vector<16xf32>,
          %add3A_1541 = arith.addf %get3A_93, %gather3A_276 : vector<16xf32>
          %swap3A_1542 = arith.constant 1 : i32
          %swap3A_1543 = arith.index_cast %swap3A_1542 : i32 to index
          %swap3A_1544 = arith.index_cast %add3A_1462 : i32 to index
          %swap3A_1545 = arith.constant 208 : index
          %swap3A_1546 = tpu.vector_load %arg7[%swap3A_1543, %swap3A_1544, %swap3A_1545] {strides = array<i32>} : memref<2x64x512xf32, #tpu.memory_space<vmem>>, vector<16xf32>,
          tpu.vector_store %arg7[%swap3A_1543, %swap3A_1544, %swap3A_1545], %add3A_1541 {strides = array<i32>} : memref<2x64x512xf32, #tpu.memory_space<vmem>>, vector<16xf32>,
          %add3A_1547 = arith.addf %get3A_96, %gather3A_276 : vector<16xf32>
          %swap3A_1548 = arith.constant 1 : i32
          %swap3A_1549 = arith.index_cast %swap3A_1548 : i32 to index
          %swap3A_1550 = arith.index_cast %add3A_1462 : i32 to index
          %swap3A_1551 = arith.constant 224 : index
          %swap3A_1552 = tpu.vector_load %arg7[%swap3A_1549, %swap3A_1550, %swap3A_1551] {strides = array<i32>} : memref<2x64x512xf32, #tpu.memory_space<vmem>>, vector<16xf32>,
          tpu.vector_store %arg7[%swap3A_1549, %swap3A_1550, %swap3A_1551], %add3A_1547 {strides = array<i32>} : memref<2x64x512xf32, #tpu.memory_space<vmem>>, vector<16xf32>,
          %add3A_1553 = arith.addf %get3A_99, %gather3A_276 : vector<16xf32>
          %swap3A_1554 = arith.constant 1 : i32
          %swap3A_1555 = arith.index_cast %swap3A_1554 : i32 to index
          %swap3A_1556 = arith.index_cast %add3A_1462 : i32 to index
          %swap3A_1557 = arith.constant 240 : index
          %swap3A_1558 = tpu.vector_load %arg7[%swap3A_1555, %swap3A_1556, %swap3A_1557] {strides = array<i32>} : memref<2x64x512xf32, #tpu.memory_space<vmem>>, vector<16xf32>,
          tpu.vector_store %arg7[%swap3A_1555, %swap3A_1556, %swap3A_1557], %add3A_1553 {strides = array<i32>} : memref<2x64x512xf32, #tpu.memory_space<vmem>>, vector<16xf32>,
          %add3A_1559 = arith.addf %get3A_102, %gather3A_276 : vector<16xf32>
          %swap3A_1560 = arith.constant 1 : i32
          %swap3A_1561 = arith.index_cast %swap3A_1560 : i32 to index
          %swap3A_1562 = arith.index_cast %add3A_1462 : i32 to index
          %swap3A_1563 = arith.constant 256 : index
          %swap3A_1564 = tpu.vector_load %arg7[%swap3A_1561, %swap3A_1562, %swap3A_1563] {strides = array<i32>} : memref<2x64x512xf32, #tpu.memory_space<vmem>>, vector<16xf32>,
          tpu.vector_store %arg7[%swap3A_1561, %swap3A_1562, %swap3A_1563], %add3A_1559 {strides = array<i32>} : memref<2x64x512xf32, #tpu.memory_space<vmem>>, vector<16xf32>,
          %add3A_1565 = arith.addf %get3A_105, %gather3A_276 : vector<16xf32>
          %swap3A_1566 = arith.constant 1 : i32
          %swap3A_1567 = arith.index_cast %swap3A_1566 : i32 to index
          %swap3A_1568 = arith.index_cast %add3A_1462 : i32 to index
          %swap3A_1569 = arith.constant 272 : index
          %swap3A_1570 = tpu.vector_load %arg7[%swap3A_1567, %swap3A_1568, %swap3A_1569] {strides = array<i32>} : memref<2x64x512xf32, #tpu.memory_space<vmem>>, vector<16xf32>,
          tpu.vector_store %arg7[%swap3A_1567, %swap3A_1568, %swap3A_1569], %add3A_1565 {strides = array<i32>} : memref<2x64x512xf32, #tpu.memory_space<vmem>>, vector<16xf32>,
          %add3A_1571 = arith.addf %get3A_108, %gather3A_276 : vector<16xf32>
          %swap3A_1572 = arith.constant 1 : i32
          %swap3A_1573 = arith.index_cast %swap3A_1572 : i32 to index
          %swap3A_1574 = arith.index_cast %add3A_1462 : i32 to index
          %swap3A_1575 = arith.constant 288 : index
          %swap3A_1576 = tpu.vector_load %arg7[%swap3A_1573, %swap3A_1574, %swap3A_1575] {strides = array<i32>} : memref<2x64x512xf32, #tpu.memory_space<vmem>>, vector<16xf32>,
          tpu.vector_store %arg7[%swap3A_1573, %swap3A_1574, %swap3A_1575], %add3A_1571 {strides = array<i32>} : memref<2x64x512xf32, #tpu.memory_space<vmem>>, vector<16xf32>,
          %add3A_1577 = arith.addf %get3A_111, %gather3A_276 : vector<16xf32>
          %swap3A_1578 = arith.constant 1 : i32
          %swap3A_1579 = arith.index_cast %swap3A_1578 : i32 to index
          %swap3A_1580 = arith.index_cast %add3A_1462 : i32 to index
          %swap3A_1581 = arith.constant 304 : index
          %swap3A_1582 = tpu.vector_load %arg7[%swap3A_1579, %swap3A_1580, %swap3A_1581] {strides = array<i32>} : memref<2x64x512xf32, #tpu.memory_space<vmem>>, vector<16xf32>,
          tpu.vector_store %arg7[%swap3A_1579, %swap3A_1580, %swap3A_1581], %add3A_1577 {strides = array<i32>} : memref<2x64x512xf32, #tpu.memory_space<vmem>>, vector<16xf32>,
          %add3A_1583 = arith.addf %get3A_114, %gather3A_276 : vector<16xf32>
          %swap3A_1584 = arith.constant 1 : i32
          %swap3A_1585 = arith.index_cast %swap3A_1584 : i32 to index
          %swap3A_1586 = arith.index_cast %add3A_1462 : i32 to index
          %swap3A_1587 = arith.constant 320 : index
          %swap3A_1588 = tpu.vector_load %arg7[%swap3A_1585, %swap3A_1586, %swap3A_1587] {strides = array<i32>} : memref<2x64x512xf32, #tpu.memory_space<vmem>>, vector<16xf32>,
          tpu.vector_store %arg7[%swap3A_1585, %swap3A_1586, %swap3A_1587], %add3A_1583 {strides = array<i32>} : memref<2x64x512xf32, #tpu.memory_space<vmem>>, vector<16xf32>,
          %add3A_1589 = arith.addf %get3A_117, %gather3A_276 : vector<16xf32>
          %swap3A_1590 = arith.constant 1 : i32
          %swap3A_1591 = arith.index_cast %swap3A_1590 : i32 to index
          %swap3A_1592 = arith.index_cast %add3A_1462 : i32 to index
          %swap3A_1593 = arith.constant 336 : index
          %swap3A_1594 = tpu.vector_load %arg7[%swap3A_1591, %swap3A_1592, %swap3A_1593] {strides = array<i32>} : memref<2x64x512xf32, #tpu.memory_space<vmem>>, vector<16xf32>,
          tpu.vector_store %arg7[%swap3A_1591, %swap3A_1592, %swap3A_1593], %add3A_1589 {strides = array<i32>} : memref<2x64x512xf32, #tpu.memory_space<vmem>>, vector<16xf32>,
          %add3A_1595 = arith.addf %get3A_120, %gather3A_276 : vector<16xf32>
          %swap3A_1596 = arith.constant 1 : i32
          %swap3A_1597 = arith.index_cast %swap3A_1596 : i32 to index
          %swap3A_1598 = arith.index_cast %add3A_1462 : i32 to index
          %swap3A_1599 = arith.constant 352 : index
          %swap3A_1600 = tpu.vector_load %arg7[%swap3A_1597, %swap3A_1598, %swap3A_1599] {strides = array<i32>} : memref<2x64x512xf32, #tpu.memory_space<vmem>>, vector<16xf32>,
          tpu.vector_store %arg7[%swap3A_1597, %swap3A_1598, %swap3A_1599], %add3A_1595 {strides = array<i32>} : memref<2x64x512xf32, #tpu.memory_space<vmem>>, vector<16xf32>,
          %add3A_1601 = arith.addf %get3A_123, %gather3A_276 : vector<16xf32>
          %swap3A_1602 = arith.constant 1 : i32
          %swap3A_1603 = arith.index_cast %swap3A_1602 : i32 to index
          %swap3A_1604 = arith.index_cast %add3A_1462 : i32 to index
          %swap3A_1605 = arith.constant 368 : index
          %swap3A_1606 = tpu.vector_load %arg7[%swap3A_1603, %swap3A_1604, %swap3A_1605] {strides = array<i32>} : memref<2x64x512xf32, #tpu.memory_space<vmem>>, vector<16xf32>,
          tpu.vector_store %arg7[%swap3A_1603, %swap3A_1604, %swap3A_1605], %add3A_1601 {strides = array<i32>} : memref<2x64x512xf32, #tpu.memory_space<vmem>>, vector<16xf32>,
          %add3A_1607 = arith.addf %get3A_126, %gather3A_276 : vector<16xf32>
          %swap3A_1608 = arith.constant 1 : i32
          %swap3A_1609 = arith.index_cast %swap3A_1608 : i32 to index
          %swap3A_1610 = arith.index_cast %add3A_1462 : i32 to index
          %swap3A_1611 = arith.constant 384 : index
          %swap3A_1612 = tpu.vector_load %arg7[%swap3A_1609, %swap3A_1610, %swap3A_1611] {strides = array<i32>} : memref<2x64x512xf32, #tpu.memory_space<vmem>>, vector<16xf32>,
          tpu.vector_store %arg7[%swap3A_1609, %swap3A_1610, %swap3A_1611], %add3A_1607 {strides = array<i32>} : memref<2x64x512xf32, #tpu.memory_space<vmem>>, vector<16xf32>,
          %add3A_1613 = arith.addf %get3A_129, %gather3A_276 : vector<16xf32>
          %swap3A_1614 = arith.constant 1 : i32
          %swap3A_1615 = arith.index_cast %swap3A_1614 : i32 to index
          %swap3A_1616 = arith.index_cast %add3A_1462 : i32 to index
          %swap3A_1617 = arith.constant 400 : index
          %swap3A_1618 = tpu.vector_load %arg7[%swap3A_1615, %swap3A_1616, %swap3A_1617] {strides = array<i32>} : memref<2x64x512xf32, #tpu.memory_space<vmem>>, vector<16xf32>,
          tpu.vector_store %arg7[%swap3A_1615, %swap3A_1616, %swap3A_1617], %add3A_1613 {strides = array<i32>} : memref<2x64x512xf32, #tpu.memory_space<vmem>>, vector<16xf32>,
          %add3A_1619 = arith.addf %get3A_132, %gather3A_276 : vector<16xf32>
          %swap3A_1620 = arith.constant 1 : i32
          %swap3A_1621 = arith.index_cast %swap3A_1620 : i32 to index
          %swap3A_1622 = arith.index_cast %add3A_1462 : i32 to index
          %swap3A_1623 = arith.constant 416 : index
          %swap3A_1624 = tpu.vector_load %arg7[%swap3A_1621, %swap3A_1622, %swap3A_1623] {strides = array<i32>} : memref<2x64x512xf32, #tpu.memory_space<vmem>>, vector<16xf32>,
          tpu.vector_store %arg7[%swap3A_1621, %swap3A_1622, %swap3A_1623], %add3A_1619 {strides = array<i32>} : memref<2x64x512xf32, #tpu.memory_space<vmem>>, vector<16xf32>,
          %add3A_1625 = arith.addf %get3A_135, %gather3A_276 : vector<16xf32>
          %swap3A_1626 = arith.constant 1 : i32
          %swap3A_1627 = arith.index_cast %swap3A_1626 : i32 to index
          %swap3A_1628 = arith.index_cast %add3A_1462 : i32 to index
          %swap3A_1629 = arith.constant 432 : index
          %swap3A_1630 = tpu.vector_load %arg7[%swap3A_1627, %swap3A_1628, %swap3A_1629] {strides = array<i32>} : memref<2x64x512xf32, #tpu.memory_space<vmem>>, vector<16xf32>,
          tpu.vector_store %arg7[%swap3A_1627, %swap3A_1628, %swap3A_1629], %add3A_1625 {strides = array<i32>} : memref<2x64x512xf32, #tpu.memory_space<vmem>>, vector<16xf32>,
          %add3A_1631 = arith.addf %get3A_138, %gather3A_276 : vector<16xf32>
          %swap3A_1632 = arith.constant 1 : i32
          %swap3A_1633 = arith.index_cast %swap3A_1632 : i32 to index
          %swap3A_1634 = arith.index_cast %add3A_1462 : i32 to index
          %swap3A_1635 = arith.constant 448 : index
          %swap3A_1636 = tpu.vector_load %arg7[%swap3A_1633, %swap3A_1634, %swap3A_1635] {strides = array<i32>} : memref<2x64x512xf32, #tpu.memory_space<vmem>>, vector<16xf32>,
          tpu.vector_store %arg7[%swap3A_1633, %swap3A_1634, %swap3A_1635], %add3A_1631 {strides = array<i32>} : memref<2x64x512xf32, #tpu.memory_space<vmem>>, vector<16xf32>,
          %add3A_1637 = arith.addf %get3A_141, %gather3A_276 : vector<16xf32>
          %swap3A_1638 = arith.constant 1 : i32
          %swap3A_1639 = arith.index_cast %swap3A_1638 : i32 to index
          %swap3A_1640 = arith.index_cast %add3A_1462 : i32 to index
          %swap3A_1641 = arith.constant 464 : index
          %swap3A_1642 = tpu.vector_load %arg7[%swap3A_1639, %swap3A_1640, %swap3A_1641] {strides = array<i32>} : memref<2x64x512xf32, #tpu.memory_space<vmem>>, vector<16xf32>,
          tpu.vector_store %arg7[%swap3A_1639, %swap3A_1640, %swap3A_1641], %add3A_1637 {strides = array<i32>} : memref<2x64x512xf32, #tpu.memory_space<vmem>>, vector<16xf32>,
          %add3A_1643 = arith.addf %get3A_144, %gather3A_276 : vector<16xf32>
          %swap3A_1644 = arith.constant 1 : i32
          %swap3A_1645 = arith.index_cast %swap3A_1644 : i32 to index
          %swap3A_1646 = arith.index_cast %add3A_1462 : i32 to index
          %swap3A_1647 = arith.constant 480 : index
          %swap3A_1648 = tpu.vector_load %arg7[%swap3A_1645, %swap3A_1646, %swap3A_1647] {strides = array<i32>} : memref<2x64x512xf32, #tpu.memory_space<vmem>>, vector<16xf32>,
          tpu.vector_store %arg7[%swap3A_1645, %swap3A_1646, %swap3A_1647], %add3A_1643 {strides = array<i32>} : memref<2x64x512xf32, #tpu.memory_space<vmem>>, vector<16xf32>,
          %add3A_1649 = arith.addf %get3A_147, %gather3A_276 : vector<16xf32>
          %swap3A_1650 = arith.constant 1 : i32
          %swap3A_1651 = arith.index_cast %swap3A_1650 : i32 to index
          %swap3A_1652 = arith.index_cast %add3A_1462 : i32 to index
          %swap3A_1653 = arith.constant 496 : index
          %swap3A_1654 = tpu.vector_load %arg7[%swap3A_1651, %swap3A_1652, %swap3A_1653] {strides = array<i32>} : memref<2x64x512xf32, #tpu.memory_space<vmem>>, vector<16xf32>,
          tpu.vector_store %arg7[%swap3A_1651, %swap3A_1652, %swap3A_1653], %add3A_1649 {strides = array<i32>} : memref<2x64x512xf32, #tpu.memory_space<vmem>>, vector<16xf32>,
          %mul3A_1655 = arith.constant 8 : i32
          %mul3A_1656 = arith.muli %scan3A_228, %mul3A_1655 : i32
          %add3A_1657 = arith.constant 7 : i32
          %add3A_1658 = arith.addi %mul3A_1656, %add3A_1657 : i32
          %add3A_1659 = arith.addf %get3A_54, %gather3A_283 : vector<16xf32>
          %swap3A_1660 = arith.constant 1 : i32
          %swap3A_1661 = arith.index_cast %swap3A_1660 : i32 to index
          %swap3A_1662 = arith.index_cast %add3A_1658 : i32 to index
          %swap3A_1663 = arith.constant 0 : index
          %swap3A_1664 = tpu.vector_load %arg7[%swap3A_1661, %swap3A_1662, %swap3A_1663] {strides = array<i32>} : memref<2x64x512xf32, #tpu.memory_space<vmem>>, vector<16xf32>,
          tpu.vector_store %arg7[%swap3A_1661, %swap3A_1662, %swap3A_1663], %add3A_1659 {strides = array<i32>} : memref<2x64x512xf32, #tpu.memory_space<vmem>>, vector<16xf32>,
          %add3A_1665 = arith.addf %get3A_57, %gather3A_283 : vector<16xf32>
          %swap3A_1666 = arith.constant 1 : i32
          %swap3A_1667 = arith.index_cast %swap3A_1666 : i32 to index
          %swap3A_1668 = arith.index_cast %add3A_1658 : i32 to index
          %swap3A_1669 = arith.constant 16 : index
          %swap3A_1670 = tpu.vector_load %arg7[%swap3A_1667, %swap3A_1668, %swap3A_1669] {strides = array<i32>} : memref<2x64x512xf32, #tpu.memory_space<vmem>>, vector<16xf32>,
          tpu.vector_store %arg7[%swap3A_1667, %swap3A_1668, %swap3A_1669], %add3A_1665 {strides = array<i32>} : memref<2x64x512xf32, #tpu.memory_space<vmem>>, vector<16xf32>,
          %add3A_1671 = arith.addf %get3A_60, %gather3A_283 : vector<16xf32>
          %swap3A_1672 = arith.constant 1 : i32
          %swap3A_1673 = arith.index_cast %swap3A_1672 : i32 to index
          %swap3A_1674 = arith.index_cast %add3A_1658 : i32 to index
          %swap3A_1675 = arith.constant 32 : index
          %swap3A_1676 = tpu.vector_load %arg7[%swap3A_1673, %swap3A_1674, %swap3A_1675] {strides = array<i32>} : memref<2x64x512xf32, #tpu.memory_space<vmem>>, vector<16xf32>,
          tpu.vector_store %arg7[%swap3A_1673, %swap3A_1674, %swap3A_1675], %add3A_1671 {strides = array<i32>} : memref<2x64x512xf32, #tpu.memory_space<vmem>>, vector<16xf32>,
          %add3A_1677 = arith.addf %get3A_63, %gather3A_283 : vector<16xf32>
          %swap3A_1678 = arith.constant 1 : i32
          %swap3A_1679 = arith.index_cast %swap3A_1678 : i32 to index
          %swap3A_1680 = arith.index_cast %add3A_1658 : i32 to index
          %swap3A_1681 = arith.constant 48 : index
          %swap3A_1682 = tpu.vector_load %arg7[%swap3A_1679, %swap3A_1680, %swap3A_1681] {strides = array<i32>} : memref<2x64x512xf32, #tpu.memory_space<vmem>>, vector<16xf32>,
          tpu.vector_store %arg7[%swap3A_1679, %swap3A_1680, %swap3A_1681], %add3A_1677 {strides = array<i32>} : memref<2x64x512xf32, #tpu.memory_space<vmem>>, vector<16xf32>,
          %add3A_1683 = arith.addf %get3A_66, %gather3A_283 : vector<16xf32>
          %swap3A_1684 = arith.constant 1 : i32
          %swap3A_1685 = arith.index_cast %swap3A_1684 : i32 to index
          %swap3A_1686 = arith.index_cast %add3A_1658 : i32 to index
          %swap3A_1687 = arith.constant 64 : index
          %swap3A_1688 = tpu.vector_load %arg7[%swap3A_1685, %swap3A_1686, %swap3A_1687] {strides = array<i32>} : memref<2x64x512xf32, #tpu.memory_space<vmem>>, vector<16xf32>,
          tpu.vector_store %arg7[%swap3A_1685, %swap3A_1686, %swap3A_1687], %add3A_1683 {strides = array<i32>} : memref<2x64x512xf32, #tpu.memory_space<vmem>>, vector<16xf32>,
          %add3A_1689 = arith.addf %get3A_69, %gather3A_283 : vector<16xf32>
          %swap3A_1690 = arith.constant 1 : i32
          %swap3A_1691 = arith.index_cast %swap3A_1690 : i32 to index
          %swap3A_1692 = arith.index_cast %add3A_1658 : i32 to index
          %swap3A_1693 = arith.constant 80 : index
          %swap3A_1694 = tpu.vector_load %arg7[%swap3A_1691, %swap3A_1692, %swap3A_1693] {strides = array<i32>} : memref<2x64x512xf32, #tpu.memory_space<vmem>>, vector<16xf32>,
          tpu.vector_store %arg7[%swap3A_1691, %swap3A_1692, %swap3A_1693], %add3A_1689 {strides = array<i32>} : memref<2x64x512xf32, #tpu.memory_space<vmem>>, vector<16xf32>,
          %add3A_1695 = arith.addf %get3A_72, %gather3A_283 : vector<16xf32>
          %swap3A_1696 = arith.constant 1 : i32
          %swap3A_1697 = arith.index_cast %swap3A_1696 : i32 to index
          %swap3A_1698 = arith.index_cast %add3A_1658 : i32 to index
          %swap3A_1699 = arith.constant 96 : index
          %swap3A_1700 = tpu.vector_load %arg7[%swap3A_1697, %swap3A_1698, %swap3A_1699] {strides = array<i32>} : memref<2x64x512xf32, #tpu.memory_space<vmem>>, vector<16xf32>,
          tpu.vector_store %arg7[%swap3A_1697, %swap3A_1698, %swap3A_1699], %add3A_1695 {strides = array<i32>} : memref<2x64x512xf32, #tpu.memory_space<vmem>>, vector<16xf32>,
          %add3A_1701 = arith.addf %get3A_75, %gather3A_283 : vector<16xf32>
          %swap3A_1702 = arith.constant 1 : i32
          %swap3A_1703 = arith.index_cast %swap3A_1702 : i32 to index
          %swap3A_1704 = arith.index_cast %add3A_1658 : i32 to index
          %swap3A_1705 = arith.constant 112 : index
          %swap3A_1706 = tpu.vector_load %arg7[%swap3A_1703, %swap3A_1704, %swap3A_1705] {strides = array<i32>} : memref<2x64x512xf32, #tpu.memory_space<vmem>>, vector<16xf32>,
          tpu.vector_store %arg7[%swap3A_1703, %swap3A_1704, %swap3A_1705], %add3A_1701 {strides = array<i32>} : memref<2x64x512xf32, #tpu.memory_space<vmem>>, vector<16xf32>,
          %add3A_1707 = arith.addf %get3A_78, %gather3A_283 : vector<16xf32>
          %swap3A_1708 = arith.constant 1 : i32
          %swap3A_1709 = arith.index_cast %swap3A_1708 : i32 to index
          %swap3A_1710 = arith.index_cast %add3A_1658 : i32 to index
          %swap3A_1711 = arith.constant 128 : index
          %swap3A_1712 = tpu.vector_load %arg7[%swap3A_1709, %swap3A_1710, %swap3A_1711] {strides = array<i32>} : memref<2x64x512xf32, #tpu.memory_space<vmem>>, vector<16xf32>,
          tpu.vector_store %arg7[%swap3A_1709, %swap3A_1710, %swap3A_1711], %add3A_1707 {strides = array<i32>} : memref<2x64x512xf32, #tpu.memory_space<vmem>>, vector<16xf32>,
          %add3A_1713 = arith.addf %get3A_81, %gather3A_283 : vector<16xf32>
          %swap3A_1714 = arith.constant 1 : i32
          %swap3A_1715 = arith.index_cast %swap3A_1714 : i32 to index
          %swap3A_1716 = arith.index_cast %add3A_1658 : i32 to index
          %swap3A_1717 = arith.constant 144 : index
          %swap3A_1718 = tpu.vector_load %arg7[%swap3A_1715, %swap3A_1716, %swap3A_1717] {strides = array<i32>} : memref<2x64x512xf32, #tpu.memory_space<vmem>>, vector<16xf32>,
          tpu.vector_store %arg7[%swap3A_1715, %swap3A_1716, %swap3A_1717], %add3A_1713 {strides = array<i32>} : memref<2x64x512xf32, #tpu.memory_space<vmem>>, vector<16xf32>,
          %add3A_1719 = arith.addf %get3A_84, %gather3A_283 : vector<16xf32>
          %swap3A_1720 = arith.constant 1 : i32
          %swap3A_1721 = arith.index_cast %swap3A_1720 : i32 to index
          %swap3A_1722 = arith.index_cast %add3A_1658 : i32 to index
          %swap3A_1723 = arith.constant 160 : index
          %swap3A_1724 = tpu.vector_load %arg7[%swap3A_1721, %swap3A_1722, %swap3A_1723] {strides = array<i32>} : memref<2x64x512xf32, #tpu.memory_space<vmem>>, vector<16xf32>,
          tpu.vector_store %arg7[%swap3A_1721, %swap3A_1722, %swap3A_1723], %add3A_1719 {strides = array<i32>} : memref<2x64x512xf32, #tpu.memory_space<vmem>>, vector<16xf32>,
          %add3A_1725 = arith.addf %get3A_87, %gather3A_283 : vector<16xf32>
          %swap3A_1726 = arith.constant 1 : i32
          %swap3A_1727 = arith.index_cast %swap3A_1726 : i32 to index
          %swap3A_1728 = arith.index_cast %add3A_1658 : i32 to index
          %swap3A_1729 = arith.constant 176 : index
          %swap3A_1730 = tpu.vector_load %arg7[%swap3A_1727, %swap3A_1728, %swap3A_1729] {strides = array<i32>} : memref<2x64x512xf32, #tpu.memory_space<vmem>>, vector<16xf32>,
          tpu.vector_store %arg7[%swap3A_1727, %swap3A_1728, %swap3A_1729], %add3A_1725 {strides = array<i32>} : memref<2x64x512xf32, #tpu.memory_space<vmem>>, vector<16xf32>,
          %add3A_1731 = arith.addf %get3A_90, %gather3A_283 : vector<16xf32>
          %swap3A_1732 = arith.constant 1 : i32
          %swap3A_1733 = arith.index_cast %swap3A_1732 : i32 to index
          %swap3A_1734 = arith.index_cast %add3A_1658 : i32 to index
          %swap3A_1735 = arith.constant 192 : index
          %swap3A_1736 = tpu.vector_load %arg7[%swap3A_1733, %swap3A_1734, %swap3A_1735] {strides = array<i32>} : memref<2x64x512xf32, #tpu.memory_space<vmem>>, vector<16xf32>,
          tpu.vector_store %arg7[%swap3A_1733, %swap3A_1734, %swap3A_1735], %add3A_1731 {strides = array<i32>} : memref<2x64x512xf32, #tpu.memory_space<vmem>>, vector<16xf32>,
          %add3A_1737 = arith.addf %get3A_93, %gather3A_283 : vector<16xf32>
          %swap3A_1738 = arith.constant 1 : i32
          %swap3A_1739 = arith.index_cast %swap3A_1738 : i32 to index
          %swap3A_1740 = arith.index_cast %add3A_1658 : i32 to index
          %swap3A_1741 = arith.constant 208 : index
          %swap3A_1742 = tpu.vector_load %arg7[%swap3A_1739, %swap3A_1740, %swap3A_1741] {strides = array<i32>} : memref<2x64x512xf32, #tpu.memory_space<vmem>>, vector<16xf32>,
          tpu.vector_store %arg7[%swap3A_1739, %swap3A_1740, %swap3A_1741], %add3A_1737 {strides = array<i32>} : memref<2x64x512xf32, #tpu.memory_space<vmem>>, vector<16xf32>,
          %add3A_1743 = arith.addf %get3A_96, %gather3A_283 : vector<16xf32>
          %swap3A_1744 = arith.constant 1 : i32
          %swap3A_1745 = arith.index_cast %swap3A_1744 : i32 to index
          %swap3A_1746 = arith.index_cast %add3A_1658 : i32 to index
          %swap3A_1747 = arith.constant 224 : index
          %swap3A_1748 = tpu.vector_load %arg7[%swap3A_1745, %swap3A_1746, %swap3A_1747] {strides = array<i32>} : memref<2x64x512xf32, #tpu.memory_space<vmem>>, vector<16xf32>,
          tpu.vector_store %arg7[%swap3A_1745, %swap3A_1746, %swap3A_1747], %add3A_1743 {strides = array<i32>} : memref<2x64x512xf32, #tpu.memory_space<vmem>>, vector<16xf32>,
          %add3A_1749 = arith.addf %get3A_99, %gather3A_283 : vector<16xf32>
          %swap3A_1750 = arith.constant 1 : i32
          %swap3A_1751 = arith.index_cast %swap3A_1750 : i32 to index
          %swap3A_1752 = arith.index_cast %add3A_1658 : i32 to index
          %swap3A_1753 = arith.constant 240 : index
          %swap3A_1754 = tpu.vector_load %arg7[%swap3A_1751, %swap3A_1752, %swap3A_1753] {strides = array<i32>} : memref<2x64x512xf32, #tpu.memory_space<vmem>>, vector<16xf32>,
          tpu.vector_store %arg7[%swap3A_1751, %swap3A_1752, %swap3A_1753], %add3A_1749 {strides = array<i32>} : memref<2x64x512xf32, #tpu.memory_space<vmem>>, vector<16xf32>,
          %add3A_1755 = arith.addf %get3A_102, %gather3A_283 : vector<16xf32>
          %swap3A_1756 = arith.constant 1 : i32
          %swap3A_1757 = arith.index_cast %swap3A_1756 : i32 to index
          %swap3A_1758 = arith.index_cast %add3A_1658 : i32 to index
          %swap3A_1759 = arith.constant 256 : index
          %swap3A_1760 = tpu.vector_load %arg7[%swap3A_1757, %swap3A_1758, %swap3A_1759] {strides = array<i32>} : memref<2x64x512xf32, #tpu.memory_space<vmem>>, vector<16xf32>,
          tpu.vector_store %arg7[%swap3A_1757, %swap3A_1758, %swap3A_1759], %add3A_1755 {strides = array<i32>} : memref<2x64x512xf32, #tpu.memory_space<vmem>>, vector<16xf32>,
          %add3A_1761 = arith.addf %get3A_105, %gather3A_283 : vector<16xf32>
          %swap3A_1762 = arith.constant 1 : i32
          %swap3A_1763 = arith.index_cast %swap3A_1762 : i32 to index
          %swap3A_1764 = arith.index_cast %add3A_1658 : i32 to index
          %swap3A_1765 = arith.constant 272 : index
          %swap3A_1766 = tpu.vector_load %arg7[%swap3A_1763, %swap3A_1764, %swap3A_1765] {strides = array<i32>} : memref<2x64x512xf32, #tpu.memory_space<vmem>>, vector<16xf32>,
          tpu.vector_store %arg7[%swap3A_1763, %swap3A_1764, %swap3A_1765], %add3A_1761 {strides = array<i32>} : memref<2x64x512xf32, #tpu.memory_space<vmem>>, vector<16xf32>,
          %add3A_1767 = arith.addf %get3A_108, %gather3A_283 : vector<16xf32>
          %swap3A_1768 = arith.constant 1 : i32
          %swap3A_1769 = arith.index_cast %swap3A_1768 : i32 to index
          %swap3A_1770 = arith.index_cast %add3A_1658 : i32 to index
          %swap3A_1771 = arith.constant 288 : index
          %swap3A_1772 = tpu.vector_load %arg7[%swap3A_1769, %swap3A_1770, %swap3A_1771] {strides = array<i32>} : memref<2x64x512xf32, #tpu.memory_space<vmem>>, vector<16xf32>,
          tpu.vector_store %arg7[%swap3A_1769, %swap3A_1770, %swap3A_1771], %add3A_1767 {strides = array<i32>} : memref<2x64x512xf32, #tpu.memory_space<vmem>>, vector<16xf32>,
          %add3A_1773 = arith.addf %get3A_111, %gather3A_283 : vector<16xf32>
          %swap3A_1774 = arith.constant 1 : i32
          %swap3A_1775 = arith.index_cast %swap3A_1774 : i32 to index
          %swap3A_1776 = arith.index_cast %add3A_1658 : i32 to index
          %swap3A_1777 = arith.constant 304 : index
          %swap3A_1778 = tpu.vector_load %arg7[%swap3A_1775, %swap3A_1776, %swap3A_1777] {strides = array<i32>} : memref<2x64x512xf32, #tpu.memory_space<vmem>>, vector<16xf32>,
          tpu.vector_store %arg7[%swap3A_1775, %swap3A_1776, %swap3A_1777], %add3A_1773 {strides = array<i32>} : memref<2x64x512xf32, #tpu.memory_space<vmem>>, vector<16xf32>,
          %add3A_1779 = arith.addf %get3A_114, %gather3A_283 : vector<16xf32>
          %swap3A_1780 = arith.constant 1 : i32
          %swap3A_1781 = arith.index_cast %swap3A_1780 : i32 to index
          %swap3A_1782 = arith.index_cast %add3A_1658 : i32 to index
          %swap3A_1783 = arith.constant 320 : index
          %swap3A_1784 = tpu.vector_load %arg7[%swap3A_1781, %swap3A_1782, %swap3A_1783] {strides = array<i32>} : memref<2x64x512xf32, #tpu.memory_space<vmem>>, vector<16xf32>,
          tpu.vector_store %arg7[%swap3A_1781, %swap3A_1782, %swap3A_1783], %add3A_1779 {strides = array<i32>} : memref<2x64x512xf32, #tpu.memory_space<vmem>>, vector<16xf32>,
          %add3A_1785 = arith.addf %get3A_117, %gather3A_283 : vector<16xf32>
          %swap3A_1786 = arith.constant 1 : i32
          %swap3A_1787 = arith.index_cast %swap3A_1786 : i32 to index
          %swap3A_1788 = arith.index_cast %add3A_1658 : i32 to index
          %swap3A_1789 = arith.constant 336 : index
          %swap3A_1790 = tpu.vector_load %arg7[%swap3A_1787, %swap3A_1788, %swap3A_1789] {strides = array<i32>} : memref<2x64x512xf32, #tpu.memory_space<vmem>>, vector<16xf32>,
          tpu.vector_store %arg7[%swap3A_1787, %swap3A_1788, %swap3A_1789], %add3A_1785 {strides = array<i32>} : memref<2x64x512xf32, #tpu.memory_space<vmem>>, vector<16xf32>,
          %add3A_1791 = arith.addf %get3A_120, %gather3A_283 : vector<16xf32>
          %swap3A_1792 = arith.constant 1 : i32
          %swap3A_1793 = arith.index_cast %swap3A_1792 : i32 to index
          %swap3A_1794 = arith.index_cast %add3A_1658 : i32 to index
          %swap3A_1795 = arith.constant 352 : index
          %swap3A_1796 = tpu.vector_load %arg7[%swap3A_1793, %swap3A_1794, %swap3A_1795] {strides = array<i32>} : memref<2x64x512xf32, #tpu.memory_space<vmem>>, vector<16xf32>,
          tpu.vector_store %arg7[%swap3A_1793, %swap3A_1794, %swap3A_1795], %add3A_1791 {strides = array<i32>} : memref<2x64x512xf32, #tpu.memory_space<vmem>>, vector<16xf32>,
          %add3A_1797 = arith.addf %get3A_123, %gather3A_283 : vector<16xf32>
          %swap3A_1798 = arith.constant 1 : i32
          %swap3A_1799 = arith.index_cast %swap3A_1798 : i32 to index
          %swap3A_1800 = arith.index_cast %add3A_1658 : i32 to index
          %swap3A_1801 = arith.constant 368 : index
          %swap3A_1802 = tpu.vector_load %arg7[%swap3A_1799, %swap3A_1800, %swap3A_1801] {strides = array<i32>} : memref<2x64x512xf32, #tpu.memory_space<vmem>>, vector<16xf32>,
          tpu.vector_store %arg7[%swap3A_1799, %swap3A_1800, %swap3A_1801], %add3A_1797 {strides = array<i32>} : memref<2x64x512xf32, #tpu.memory_space<vmem>>, vector<16xf32>,
          %add3A_1803 = arith.addf %get3A_126, %gather3A_283 : vector<16xf32>
          %swap3A_1804 = arith.constant 1 : i32
          %swap3A_1805 = arith.index_cast %swap3A_1804 : i32 to index
          %swap3A_1806 = arith.index_cast %add3A_1658 : i32 to index
          %swap3A_1807 = arith.constant 384 : index
          %swap3A_1808 = tpu.vector_load %arg7[%swap3A_1805, %swap3A_1806, %swap3A_1807] {strides = array<i32>} : memref<2x64x512xf32, #tpu.memory_space<vmem>>, vector<16xf32>,
          tpu.vector_store %arg7[%swap3A_1805, %swap3A_1806, %swap3A_1807], %add3A_1803 {strides = array<i32>} : memref<2x64x512xf32, #tpu.memory_space<vmem>>, vector<16xf32>,
          %add3A_1809 = arith.addf %get3A_129, %gather3A_283 : vector<16xf32>
          %swap3A_1810 = arith.constant 1 : i32
          %swap3A_1811 = arith.index_cast %swap3A_1810 : i32 to index
          %swap3A_1812 = arith.index_cast %add3A_1658 : i32 to index
          %swap3A_1813 = arith.constant 400 : index
          %swap3A_1814 = tpu.vector_load %arg7[%swap3A_1811, %swap3A_1812, %swap3A_1813] {strides = array<i32>} : memref<2x64x512xf32, #tpu.memory_space<vmem>>, vector<16xf32>,
          tpu.vector_store %arg7[%swap3A_1811, %swap3A_1812, %swap3A_1813], %add3A_1809 {strides = array<i32>} : memref<2x64x512xf32, #tpu.memory_space<vmem>>, vector<16xf32>,
          %add3A_1815 = arith.addf %get3A_132, %gather3A_283 : vector<16xf32>
          %swap3A_1816 = arith.constant 1 : i32
          %swap3A_1817 = arith.index_cast %swap3A_1816 : i32 to index
          %swap3A_1818 = arith.index_cast %add3A_1658 : i32 to index
          %swap3A_1819 = arith.constant 416 : index
          %swap3A_1820 = tpu.vector_load %arg7[%swap3A_1817, %swap3A_1818, %swap3A_1819] {strides = array<i32>} : memref<2x64x512xf32, #tpu.memory_space<vmem>>, vector<16xf32>,
          tpu.vector_store %arg7[%swap3A_1817, %swap3A_1818, %swap3A_1819], %add3A_1815 {strides = array<i32>} : memref<2x64x512xf32, #tpu.memory_space<vmem>>, vector<16xf32>,
          %add3A_1821 = arith.addf %get3A_135, %gather3A_283 : vector<16xf32>
          %swap3A_1822 = arith.constant 1 : i32
          %swap3A_1823 = arith.index_cast %swap3A_1822 : i32 to index
          %swap3A_1824 = arith.index_cast %add3A_1658 : i32 to index
          %swap3A_1825 = arith.constant 432 : index
          %swap3A_1826 = tpu.vector_load %arg7[%swap3A_1823, %swap3A_1824, %swap3A_1825] {strides = array<i32>} : memref<2x64x512xf32, #tpu.memory_space<vmem>>, vector<16xf32>,
          tpu.vector_store %arg7[%swap3A_1823, %swap3A_1824, %swap3A_1825], %add3A_1821 {strides = array<i32>} : memref<2x64x512xf32, #tpu.memory_space<vmem>>, vector<16xf32>,
          %add3A_1827 = arith.addf %get3A_138, %gather3A_283 : vector<16xf32>
          %swap3A_1828 = arith.constant 1 : i32
          %swap3A_1829 = arith.index_cast %swap3A_1828 : i32 to index
          %swap3A_1830 = arith.index_cast %add3A_1658 : i32 to index
          %swap3A_1831 = arith.constant 448 : index
          %swap3A_1832 = tpu.vector_load %arg7[%swap3A_1829, %swap3A_1830, %swap3A_1831] {strides = array<i32>} : memref<2x64x512xf32, #tpu.memory_space<vmem>>, vector<16xf32>,
          tpu.vector_store %arg7[%swap3A_1829, %swap3A_1830, %swap3A_1831], %add3A_1827 {strides = array<i32>} : memref<2x64x512xf32, #tpu.memory_space<vmem>>, vector<16xf32>,
          %add3A_1833 = arith.addf %get3A_141, %gather3A_283 : vector<16xf32>
          %swap3A_1834 = arith.constant 1 : i32
          %swap3A_1835 = arith.index_cast %swap3A_1834 : i32 to index
          %swap3A_1836 = arith.index_cast %add3A_1658 : i32 to index
          %swap3A_1837 = arith.constant 464 : index
          %swap3A_1838 = tpu.vector_load %arg7[%swap3A_1835, %swap3A_1836, %swap3A_1837] {strides = array<i32>} : memref<2x64x512xf32, #tpu.memory_space<vmem>>, vector<16xf32>,
          tpu.vector_store %arg7[%swap3A_1835, %swap3A_1836, %swap3A_1837], %add3A_1833 {strides = array<i32>} : memref<2x64x512xf32, #tpu.memory_space<vmem>>, vector<16xf32>,
          %add3A_1839 = arith.addf %get3A_144, %gather3A_283 : vector<16xf32>
          %swap3A_1840 = arith.constant 1 : i32
          %swap3A_1841 = arith.index_cast %swap3A_1840 : i32 to index
          %swap3A_1842 = arith.index_cast %add3A_1658 : i32 to index
          %swap3A_1843 = arith.constant 480 : index
          %swap3A_1844 = tpu.vector_load %arg7[%swap3A_1841, %swap3A_1842, %swap3A_1843] {strides = array<i32>} : memref<2x64x512xf32, #tpu.memory_space<vmem>>, vector<16xf32>,
          tpu.vector_store %arg7[%swap3A_1841, %swap3A_1842, %swap3A_1843], %add3A_1839 {strides = array<i32>} : memref<2x64x512xf32, #tpu.memory_space<vmem>>, vector<16xf32>,
          %add3A_1845 = arith.addf %get3A_147, %gather3A_283 : vector<16xf32>
          %swap3A_1846 = arith.constant 1 : i32
          %swap3A_1847 = arith.index_cast %swap3A_1846 : i32 to index
          %swap3A_1848 = arith.index_cast %add3A_1658 : i32 to index
          %swap3A_1849 = arith.constant 496 : index
          %swap3A_1850 = tpu.vector_load %arg7[%swap3A_1847, %swap3A_1848, %swap3A_1849] {strides = array<i32>} : memref<2x64x512xf32, #tpu.memory_space<vmem>>, vector<16xf32>,
          tpu.vector_store %arg7[%swap3A_1847, %swap3A_1848, %swap3A_1849], %add3A_1845 {strides = array<i32>} : memref<2x64x512xf32, #tpu.memory_space<vmem>>, vector<16xf32>,
        }
        %scan3A_210 = arith.constant 8 : i32
        %add3A_211 = arith.addi %mul3A_2, %scan3A_52 : i32
        %mul3A_212 = arith.constant 512 : i32
        %mul3A_213 = arith.muli %add3A_211, %mul3A_212 : i32
        %add3A_214 = arith.addi %mul3A_213, %mul3A_204 : i32
        %dma_start3A_215 = arith.constant 1 : i32
        %dma_start3A_216 = arith.constant 0 : i32
        %dma_start3A_217 = arith.constant 0 : i32
        %dma_start3A_218 = tpu.memref_slice %arg7[%dma_start3A_215, %dma_start3A_216, %dma_start3A_217] : memref<2x64x512xf32, #tpu.memory_space<vmem>> -> memref<1x64x512xf32, #tpu.memory_space<vmem>>
        %dma_start3A_219 = tpu.memref_squeeze %dma_start3A_218 : memref<1x64x512xf32, #tpu.memory_space<vmem>> -> memref<64x512xf32, #tpu.memory_space<vmem>>
        %dma_start3A_220 = arith.constant 0 : i32
        %dma_start3A_221 = tpu.memref_slice %arg4[%add3A_214, %dma_start3A_220] : memref<65536x512xf32, #tpu.memory_space<hbm>> -> memref<64x512xf32, #tpu.memory_space<hbm>>
        %dma_start3A_222 = arith.constant 0 : i32
        %dma_start3A_223 = tpu.memref_slice %arg4[%add3A_214, %dma_start3A_222] : memref<65536x512xf32, #tpu.memory_space<hbm>> -> memref<64x512xf32, #tpu.memory_space<hbm>>
        %dma_start3A_224 = arith.constant 0 : i32
        %dma_start3A_225 = arith.constant 0 : i32
        %dma_start3A_226 = tpu.memref_slice %arg7[%dma_start3A_215, %dma_start3A_224, %dma_start3A_225] : memref<2x64x512xf32, #tpu.memory_space<vmem>> -> memref<1x64x512xf32, #tpu.memory_space<vmem>>
        %dma_start3A_227 = tpu.memref_squeeze %dma_start3A_226 : memref<1x64x512xf32, #tpu.memory_space<vmem>> -> memref<64x512xf32, #tpu.memory_space<vmem>>
        tpu.enqueue_dma source(%dma_start3A_227 : memref<64x512xf32, #tpu.memory_space<vmem>>) target(%dma_start3A_223 : memref<64x512xf32, #tpu.memory_space<hbm>>) target_semaphore(%arg9 : memref<!tpu.dma_semaphore, #tpu.memory_space<semaphore_mem>>)
      }
      %scan3A_153 = arith.constant 4 : i32
    }
    %scan3A_21 = arith.constant 4 : i32
    %dma_wait3A_22 = arith.constant 0 : i32
    %dma_wait3A_23 = arith.constant 0 : i32
    %dma_wait3A_24 = arith.constant 0 : i32
    %dma_wait3A_25 = tpu.memref_slice %arg7[%dma_wait3A_22, %dma_wait3A_23, %dma_wait3A_24] : memref<2x64x512xf32, #tpu.memory_space<vmem>> -> memref<1x64x512xf32, #tpu.memory_space<vmem>>
    %dma_wait3A_26 = tpu.memref_squeeze %dma_wait3A_25 : memref<1x64x512xf32, #tpu.memory_space<vmem>> -> memref<64x512xf32, #tpu.memory_space<vmem>>
    %dma_wait3A_27 = arith.constant 0 : i32
    %dma_wait3A_28 = arith.constant 0 : i32
    %dma_wait3A_29 = tpu.memref_slice %arg4[%dma_wait3A_27, %dma_wait3A_28] : memref<65536x512xf32, #tpu.memory_space<hbm>> -> memref<64x512xf32, #tpu.memory_space<hbm>>
    %dma_wait3A_30 = arith.constant 0 : i32
    %dma_wait3A_31 = arith.constant 0 : i32
    %dma_wait3A_32 = tpu.memref_slice %arg4[%dma_wait3A_30, %dma_wait3A_31] : memref<65536x512xf32, #tpu.memory_space<hbm>> -> memref<64x512xf32, #tpu.memory_space<hbm>>
    %dma_wait3A_33 = arith.constant 0 : i32
    %dma_wait3A_34 = arith.constant 0 : i32
    %dma_wait3A_35 = tpu.memref_slice %arg7[%dma_wait3A_22, %dma_wait3A_33, %dma_wait3A_34] : memref<2x64x512xf32, #tpu.memory_space<vmem>> -> memref<1x64x512xf32, #tpu.memory_space<vmem>>
    %dma_wait3A_36 = tpu.memref_squeeze %dma_wait3A_35 : memref<1x64x512xf32, #tpu.memory_space<vmem>> -> memref<64x512xf32, #tpu.memory_space<vmem>>
    tpu.wait_dma2 semaphore(%arg8 : memref<!tpu.dma_semaphore, #tpu.memory_space<semaphore_mem>>) src(%dma_wait3A_36 : memref<64x512xf32, #tpu.memory_space<vmem>>) dst(%dma_wait3A_32 : memref<64x512xf32, #tpu.memory_space<hbm>>)
    %dma_wait3A_37 = arith.constant 1 : i32
    %dma_wait3A_38 = arith.constant 0 : i32
    %dma_wait3A_39 = arith.constant 0 : i32
    %dma_wait3A_40 = tpu.memref_slice %arg7[%dma_wait3A_37, %dma_wait3A_38, %dma_wait3A_39] : memref<2x64x512xf32, #tpu.memory_space<vmem>> -> memref<1x64x512xf32, #tpu.memory_space<vmem>>
    %dma_wait3A_41 = tpu.memref_squeeze %dma_wait3A_40 : memref<1x64x512xf32, #tpu.memory_space<vmem>> -> memref<64x512xf32, #tpu.memory_space<vmem>>
    %dma_wait3A_42 = arith.constant 0 : i32
    %dma_wait3A_43 = arith.constant 0 : i32
    %dma_wait3A_44 = tpu.memref_slice %arg4[%dma_wait3A_42, %dma_wait3A_43] : memref<65536x512xf32, #tpu.memory_space<hbm>> -> memref<64x512xf32, #tpu.memory_space<hbm>>
    %dma_wait3A_45 = arith.constant 0 : i32
    %dma_wait3A_46 = arith.constant 0 : i32
    %dma_wait3A_47 = tpu.memref_slice %arg4[%dma_wait3A_45, %dma_wait3A_46] : memref<65536x512xf32, #tpu.memory_space<hbm>> -> memref<64x512xf32, #tpu.memory_space<hbm>>
    %dma_wait3A_48 = arith.constant 0 : i32
    %dma_wait3A_49 = arith.constant 0 : i32
    %dma_wait3A_50 = tpu.memref_slice %arg7[%dma_wait3A_37, %dma_wait3A_48, %dma_wait3A_49] : memref<2x64x512xf32, #tpu.memory_space<vmem>> -> memref<1x64x512xf32, #tpu.memory_space<vmem>>
    %dma_wait3A_51 = tpu.memref_squeeze %dma_wait3A_50 : memref<1x64x512xf32, #tpu.memory_space<vmem>> -> memref<64x512xf32, #tpu.memory_space<vmem>>
    tpu.wait_dma2 semaphore(%arg9 : memref<!tpu.dma_semaphore, #tpu.memory_space<semaphore_mem>>) src(%dma_wait3A_51 : memref<64x512xf32, #tpu.memory_space<vmem>>) dst(%dma_wait3A_47 : memref<64x512xf32, #tpu.memory_space<hbm>>)
    return
  }
}

</mosaic_0001>

<sc_bundles>
// kernel: kernel.3.cloned.1.call-start
scs
__scs_entry_jumppad:
0x0: {  	(pc) =	sbr.rel $0x88, $3  }
0x1: {  	(tag) =	ssettag $0x0;
	lr =	simm.s32 $0x1  }
0x2: {  	[smem:$0x3F9F] =	sst lr;
	_ =	strace $0xD0000000  }
0x3: {  	_ = 	snop  }
0x4: {  	_ = 	snop  }
0x5: {  	_ = 	snop  }
0x6: {  	_ = 	snop  }
0x7: {  	_ = 	snop  }
__scs_overlays_trampoline_lowered:
0x8: {  	[smem:$0x3FAE] =	sst s0  }
0x9: {  	[smem:$0x3FAF] =	sst s1  }
0xa: {  	[smem:$0x3FB0] =	sst s2  }
0xb: {  	[smem:$0x3FB1] =	sst s3  }
0xc: {  	[smem:$0x3FB2] =	sst s4  }
0xd: {  	[smem:$0x3FB3] =	sst s5  }
0xe: {  	[smem:$0x3FB4] =	sst s6  }
0xf: {  	[smem:$0x3FB5] =	sst s7  }
0x10: {  	[smem:$0x3FB6] =	sst s8  }
0x11: {  	[smem:$0x3FB7] =	sst s9;
	s0 =	simm.s32 @!p0 $0x0  }
0x12: {  	s1 =	sld [smem:$0x3F9D];
	s0 =	simm.s32 @p0 $0x1  }
0x13: {  	[smem:$0x3FB8] =	sst s0;
	s0 =	simm.s32 @!p1 $0x0  }
0x14: {  	s2 =	sld [smem:$0x3F9C];
	s0 =	simm.s32 @p1 $0x1  }
0x15: {  	[smem:$0x3FB9] =	sst s0;
	s0 =	simm.s32 @!p2 $0x0  }
0x16: {  	s3 =	sld [smem:$0x3FDB];
	s0 =	simm.s32 @p2 $0x1  }
0x17: {  	s4 =	simm.s32 $0x1BF5;
	[smem:$0x3FBB] =	sst s0  }
0x18: {  	s0 =	sld [smem:$0x3F9E];
	_ =	swait.ge [sflag:s4], $0x0  }
0x19: {  	s7 =	sld [smem:$0x3F9F]  }
0x1a: {  	s8 =	sadd.s32 $0xFFFFE003, lr  }
0x1b: {  	s9 =	sadd.s32 $0xFFFFFEF7, lr;
	s5 =	simm.s32 $0xFFFFFFFF;
	p2 =	slt.u32 s8, $0xFFFFF086  }
0x1c: {  	p1 =	slt.u32 s9, $0xF7A;
	s5 =	simm.s32 @!p2 $0x0  }
0x1d: {  	s5 =	simm.s32 @p1 $0x1;
	p0 =	seq.s32 s7, s2  }
0x1e: {  	s7 =	smul.u32 @!p0 $0xF7A, s2;
	p2 =	seq.s32 @!p0 s5, $0x0  }
0x1f: {  	s9 =	smul.u32 $0xF7A, s1;
	s8 =	simm.s32 @!p0 $0x1BF5;
	p2 =	por !p2, p0  }
0x20: {  	[sflag:s8] =	ssyncset.s32 @!p0 $0xFFFFF086;
	s6 =	sadd.s32 @!p0 s3, s7;
	s7 =	simm.s32 @!p0 $0x108  }
0x21: {  	s3 =	sadd.s32 s3, s9;
	s6 =	sadd.s32 @!p0 $0x88, s6;
	s7 =	simm.s32 @p2 $0x1082  }
0x22: {  	[simem:s7], [sflag:s8] =	dma.local @!p0 [hbm:s6], $0xF7A  }
0x23: {  	s9 =	sor.u32 $0xD0000000, s2;
	s6 =	simm.s32 $0x108;
	_ =	swait.ge @!p0 [sflag:s8], $0x0  }
0x24: {  	s3 =	sadd.s32 $0x88, s3;
	s6 =	simm.s32 @!p1 $0x1082;
	[sflag:s4] =	ssyncset.s32 $0xFFFFF086  }
0x25: {  	[simem:s6], [sflag:s4] =	dma.local [hbm:s3], $0xF7A  }
0x26: {  	[smem:$0x3F9F] =	sst s1;
	(tag) =	ssettag s2;
	_ =	strace s9  }
0x27: {  	s1 =	sld [smem:$0x3FAF]  }
0x28: {  	s2 =	sld [smem:$0x3FB0]  }
0x29: {  	s4 =	sld [smem:$0x3FB2]  }
0x2a: {  	p0 =	seq.s32 s5, $0x0;
	s5 =	sld [smem:$0x3FB3]  }
0x2b: {  	s6 =	sld [smem:$0x3FB4]  }
0x2c: {  	s7 =	sld [smem:$0x3FB5]  }
0x2d: {  	s3 =	simm.s32 $0x108;
	s8 =	sld [smem:$0x3FB6]  }
0x2e: {  	s3 =	simm.s32 @!p0 $0x1082;
	s9 =	sld [smem:$0x3FB7]  }
0x2f: {  	lr =	sadd.s32 s0, s3;
	s0 =	sld [smem:$0x3FAE]  }
0x30: {  	s3 =	sld [smem:$0x3FB1]  }
0x31: {  	[smem:$0x3FBA] =	sst s10  }
0x32: {  	s10 =	sld [smem:$0x3FB8];
	_ =	sdelay $0x3  }
0x33: {  	p0 =	seq.s32 s10, $0x1;
	s10 =	sld [smem:$0x3FBA];
	_ =	sdelay $0x3  }
0x34: {  	[smem:$0x3FBA] =	sst s10  }
0x35: {  	s10 =	sld [smem:$0x3FB9];
	_ =	sdelay $0x3  }
0x36: {  	p1 =	seq.s32 s10, $0x1;
	s10 =	sld [smem:$0x3FBA];
	_ =	sdelay $0x3  }
0x37: {  	[smem:$0x3FBA] =	sst s10  }
0x38: {  	s10 =	sld [smem:$0x3FBB]  }
0x39: {  	_ = 	snop;
	(pc) =	sbr.ind lr, $3  }
0x3a: {  	_ = 	snop  }
0x3b: {  	_ = 	snop  }
0x3c: {  	p2 =	seq.s32 s10, $0x1;
	s10 =	sld [smem:$0x3FBA]  }
0x3d: {  	_ =	shalt  }
0x3e: {  	_ =	shalt  }
0x3f: {  	_ =	shalt  }
0x40: {  	_ =	shalt  }
0x41: {  	_ =	shalt  }
0x42: {  	_ =	shalt  }
0x43: {  	_ =	shalt  }
0x44: {  	_ =	shalt  }
0x45: {  	_ =	shalt  }
0x46: {  	_ =	shalt  }
0x47: {  	_ =	shalt  }
0x48: {  	_ =	shalt  }
0x49: {  	_ =	shalt  }
0x4a: {  	_ =	shalt  }
0x4b: {  	_ =	shalt  }
0x4c: {  	_ =	shalt  }
0x4d: {  	_ =	shalt  }
0x4e: {  	_ =	shalt  }
0x4f: {  	_ =	shalt  }
0x50: {  	_ =	shalt  }
0x51: {  	_ =	shalt  }
0x52: {  	_ =	shalt  }
0x53: {  	_ =	shalt  }
0x54: {  	_ =	shalt  }
0x55: {  	_ =	shalt  }
0x56: {  	_ =	shalt  }
0x57: {  	_ =	shalt  }
0x58: {  	_ =	shalt  }
0x59: {  	_ =	shalt  }
0x5a: {  	_ =	shalt  }
0x5b: {  	_ =	shalt  }
0x5c: {  	_ =	shalt  }
0x5d: {  	_ =	shalt  }
0x5e: {  	_ =	shalt  }
0x5f: {  	_ =	shalt  }
0x60: {  	_ =	shalt  }
0x61: {  	_ =	shalt  }
0x62: {  	_ =	shalt  }
0x63: {  	_ =	shalt  }
0x64: {  	_ =	shalt  }
0x65: {  	_ =	shalt  }
0x66: {  	_ =	shalt  }
0x67: {  	_ =	shalt  }
0x68: {  	_ =	shalt  }
0x69: {  	_ =	shalt  }
0x6a: {  	_ =	shalt  }
0x6b: {  	_ =	shalt  }
0x6c: {  	_ =	shalt  }
0x6d: {  	_ =	shalt  }
0x6e: {  	_ =	shalt  }
0x6f: {  	_ =	shalt  }
0x70: {  	_ =	shalt  }
0x71: {  	_ =	shalt  }
0x72: {  	_ =	shalt  }
0x73: {  	_ =	shalt  }
0x74: {  	_ =	shalt  }
0x75: {  	_ =	shalt  }
0x76: {  	_ =	shalt  }
0x77: {  	_ =	shalt  }
0x78: {  	_ =	shalt  }
0x79: {  	_ =	shalt  }
0x7a: {  	_ =	shalt  }
0x7b: {  	_ =	shalt  }
0x7c: {  	_ =	shalt  }
0x7d: {  	_ =	shalt  }
0x7e: {  	_ =	shalt  }
0x7f: {  	_ =	shalt  }
0x80: {  	_ =	shalt  }
0x81: {  	_ =	shalt  }
0x82: {  	_ =	shalt  }
0x83: {  	_ =	shalt  }
0x84: {  	_ =	shalt  }
0x85: {  	_ =	shalt  }
0x86: {  	_ =	shalt  }
0x87: {  	_ =	shalt  }
.Lfunc_end0:
.L_simem_size_0:
called_computation_lowered:
.L_overlay_start_0:
0x88: {  	s2 =	sld [smem:$0x3FD9]  }
0x89: {  	s3 =	sld [smem:$0x3FFE];
	_ =	sdelay $0x1  }
0x8a: {  	s1 =	srdreg.scid  }
0x8b: {  	s0 =	sand.u32 $0x1, s1  }
0x8c: {  	s17 =	sshll.u32 s0, $0xA;
	s2 =	sadd.s32 s3, s2  }
0x8d: {  	s2 =	sadd.s32 s2, s17  }
0x8e: {  	[smem:$0x3FC6] =	sst s2  }
0x8f: {  	_ = 	snop  }
0x90: {  	s2 =	sld [smem:$0x3FD0];
	(tm) =	ssettm $0x1  }
0x91: {  	s18 =	sld [smem:$0x3FFB];
	_ =	sdelay $0x3  }
0x92: {  	_ =	strace s18  }
0x93: {  	s3 =	sld [smem:$0x3FFC];
	_ =	sdelay $0x3  }
0x94: {  	_ =	strace s3  }
0x95: {  	s3 =	sld [smem:$0x3FFD];
	_ =	sdelay $0x3  }
0x96: {  	_ =	strace s3  }
0x97: {  	_ =	strace $0x8FFFFFFF  }
0x98: {  	s19 =	sld [smem:$0x3FDB];
	_ =	sdelay $0x1  }
0x99: {  	s4 =	simm.s32 $_scs_section_size  }
0x9a: {  	s5 =	simm.s32 $_size__tile_overlayer_lowered;
	s6 =	simm.s32 $_tile_overlayer_lowered  }
0x9b: {  	s22 =	simm.s32 $0x1BFF;
	s21 =	sshll.u32 s6, $0x1;
	s3 =	sadd.s32 s4, s19  }
0x9c: {  	s7 =	simm.s32 $0x0;
	s20 =	sshll.u32 s5, $0x1;
	s5 =	sadd.s32 s21, s3  }
0x9d: {  	[timem:s7], [sflag:s22] =	dma.local [hbm:s5], s20  }
0x9e: {  	_ =	swait.ge [sflag:s22], s20  }
0x9f: {  	s4 =	ssub.s32 $0x0, s20;
	[sflag:s22] =	ssyncset.done $0x0  }
0xa0: {  	[sflag:s22] =	ssyncadd.s32 s4;
	_ =	sdelay $0x1  }
0xa1: {  	s23 =	simm.s32 $0x1B8B  }
0xa2: {  	_ =	swait.ge [sflag:s23], $0x1  }
0xa3: {  	[sflag:s23] =	ssyncset.done $0x0  }
0xa4: {  	s25 =	simm.s32 $0x1B8E;
	s24 =	sld [smem:$0x3FFE];
	[sflag:s23] =	ssyncadd.s32 $0xFFFFFFFF  }
0xa5: {  	s26 =	simm.s32 $execute0_lowered;
	[smem:$0x3FD2] =	sst s25  }
0xa6: {  	s5 =	sshll.u32 s26, $0x1;
	_ =	strace $0x80000046;
	[dreg:$0x1] =	wrdreg $0xFFFFFFFF  }
0xa7: {  	s28 =	simm.s32 $_size_execute0_lowered;
	s3 =	sadd.s32 s3, s5;
	[dreg:$0x0] =	wrdreg $0x0  }
0xa8: {  	s5 =	sshll.u32 s28, $0x1;
	[dreg:$0x2] =	wrdreg s3  }
0xa9: {  	[dreg:$0x3] =	wrdreg s5  }
0xaa: {  	[dreg:$0x4] =	wrdreg $0xC0  }
0xab: {  	_ =	task [dreg:s7], $0x5FFFF  }
0xac: {  	[dreg:$0x1] =	wrdreg $0xFFFFFFFF  }
0xad: {  	[dreg:$0x0] =	wrdreg $0x60  }
0xae: {  	[dreg:$0x2] =	wrdreg s24  }
0xaf: {  	[dreg:$0x3] =	wrdreg s2  }
0xb0: {  	[dreg:$0x4] =	wrdreg $0x9  }
0xb1: {  	_ =	task.clear_ibuf [dreg:s7], $0x5FFFF;
	_ =	strace $0x90000046  }
0xb2: {  	s29 =	simm.s32 $0x9;
	_ =	strace $0x80000048  }
0xb3: {  	_ =	swait.ge [sflag:s29], $0x1  }
0xb4: {  	[sflag:s29] =	ssyncadd.s32 $0xFFFFFFFF  }
0xb5: {  	_ =	strace $0x90000048  }
0xb6: {  	_ =	sfence  }
0xb7: {  	s30 =	sld [smem:$0x0];
	_ =	sdelay $0x2  }
0xb8: {  	s31 =	sshll.u32 s1, $0xD;
	s1 =	sshrl.u32 s1, $0x2  }
0xb9: {  	s3 =	sand.u32 $0x4000, s31;
	s1 =	sadd.s32 s1, s30  }
0xba: {  	s0 =	sor.u32 s3, s0;
	s1 =	sshll.u32 s1, $0x11  }
0xbb: {  	s0 =	sor.u32 s1, s0  }
0xbc: {  	s0 =	sadd.s32 $0x8F2B, s0  }
0xbd: {  	[sflag:s0] =	ssyncadd.remote.s32 $0x1  }
0xbe: {  	_ =	sfence.sel $0xFFFF  }
0xbf: {  	[dreg:$0x0] =	wrdreg $0xFFFFFFFF;
	(pc) =	sbr.abs _section_cstart, $3  }
0xc0: {  	[dreg:$0x1] =	wrdreg $0xFFFFFFFF  }
0xc1: {  	_ =	task.clear_ibuf [dreg:s7], $0x2FFFF;
	_ =	strace $0x9FFFFFFF  }
0xc2: {  	(tm) =	ssettm $0x7FFFFFFF  }
0xc3: {  	_ =	shalt  }
tec
execute0_lowered:
.L_overlay_start_1:
0x0: {  	(tag) =	ssettag $0x1  }
0x1: {  	s4 =	rddreg [dreg:$0x0]  }
0x2: {  	s2 =	rddreg [dreg:$0x1];
	s3 =	srdreg.scid  }
0x3: {  	s0 =	rddreg [dreg:$0x2];
	s1 =	stileid.u32;
	s8 =	simm.s32 $0x200  }
0x4: {  	s9 =	simm.s32 $0x400;
	s10 =	simm.s32 $0x800;
	s11 =	simm.s32 $0x1  }
0x5: {  	s12 =	simm.s32 $0x2;
	s13 =	simm.s32 $0x1000;
	s14 =	simm.s32 $0x9000  }
0x6: {  	s15 =	simm.s32 $0x0;
	s5 =	sand.u32 $0x1, s3;
	s3 =	simm.s32 $0x0  }
0x7: {  	s6 =	sshll.u32 s1, $0x9;
	s31 =	sshll.u32 s1, $0x3;
	s7 =	sshll.u32 s5, $0x6  }
0x8: {  	[smem:$0x7FF] =	sst s3;
	s29 =	ssub.s32 $0x2, s5;
	s5 =	sshll.u32 s5, $0x2  }
0x9: {  	s6 =	sor.u32 s7, s6;
	_ =	strace $0x80000047;
	s30 =	sshrl.u32 s29, $0x1  }
0xa: {  	s6 =	sadd.s32 s6, s4;
	s7 =	ssub.s32 s29, s30;
	s4 =	sor.u32 s5, s31  }
0xb: {  	s5 =	sadd.s32 $0x400, s6;
	s6 =	sadd.s32 $0x2400, s6;
	s7 =	smax.u32 s7, $0x1  }
.LBB2_1:
0xc: {  	[tilespmem:s3], [sflag:$0x1] =	stream.strided.gather [hbm4b:s5+s8], $0x800, s9, s8, $0x38;
	[tilespmem:$0x11000] =	vst v63  }
0xd: {  	_ = 	snop  }
0xe: {  	[tilespmem:s10], [sflag:$0x2] =	stream.strided.gather [hbm4b:s6+s8], $0x800, s9, s8, $0x38;
	[tilespmem:$0x11000] =	vst v63  }
0xf: {  	_ =	swait.ge [sflag:s11], $0x800  }
0x10: {  	[sflag:s11] =	ssyncset.done $0x0  }
0x11: {  	[sflag:s11] =	ssyncadd.s32 $0xFFFFF800  }
0x12: {  	_ =	swait.ge [sflag:s12], $0x800  }
0x13: {  	[sflag:s12] =	ssyncset.done $0x0  }
0x14: {  	s16 =	simm.s32 $0x0;
	[sflag:s12] =	ssyncadd.s32 $0xFFFFF800  }
.LBB2_2:
0x15: {  	s17 =	sshll.u32 s16, $0x7  }
0x16: {  	s17 =	sand.u32 $0x3FFFFF80, s17  }
0x17: {  	v0 =	vld [tilespmem:s17+$0x0]  }
0x18: {  	v1 =	vld [tilespmem:s17+$0x10]  }
0x19: {  	v2 =	vld [tilespmem:s17+$0x20]  }
0x1a: {  	v3 =	vld [tilespmem:s17+$0x30]  }
0x1b: {  	v4 =	vld [tilespmem:s17+$0x40]  }
0x1c: {  	v5 =	vld [tilespmem:s17+$0x50]  }
0x1d: {  	v6 =	vld [tilespmem:s17+$0x60]  }
0x1e: {  	v7 =	vld [tilespmem:s17+$0x70]  }
0x1f: {  	v8 =	vld [tilespmem:s17+$0x200]  }
0x20: {  	v9 =	vld [tilespmem:s17+$0x210]  }
0x21: {  	v10 =	vld [tilespmem:s17+$0x220]  }
0x22: {  	v11 =	vld [tilespmem:s17+$0x230]  }
0x23: {  	v12 =	vld [tilespmem:s17+$0x240]  }
0x24: {  	v13 =	vld [tilespmem:s17+$0x250]  }
0x25: {  	v14 =	vld [tilespmem:s17+$0x260]  }
0x26: {  	v15 =	vld [tilespmem:s17+$0x270]  }
0x27: {  	v16 =	vld [tilespmem:s17+$0x400]  }
0x28: {  	v17 =	vld [tilespmem:s17+$0x410]  }
0x29: {  	v18 =	vld [tilespmem:s17+$0x420]  }
0x2a: {  	v19 =	vld [tilespmem:s17+$0x430]  }
0x2b: {  	v20 =	vld [tilespmem:s17+$0x440]  }
0x2c: {  	v21 =	vld [tilespmem:s17+$0x450]  }
0x2d: {  	v22 =	vld [tilespmem:s17+$0x460]  }
0x2e: {  	v23 =	vld [tilespmem:s17+$0x470]  }
0x2f: {  	v24 =	vld [tilespmem:s17+$0x600]  }
0x30: {  	v25 =	vld [tilespmem:s17+$0x610]  }
0x31: {  	v26 =	vld [tilespmem:s17+$0x620]  }
0x32: {  	v27 =	vld [tilespmem:s17+$0x630]  }
0x33: {  	v28 =	vld [tilespmem:s17+$0x640]  }
0x34: {  	v31 =	vmov s16;
	v29 =	vld [tilespmem:s17+$0x650]  }
0x35: {  	s18 =	sadd.s32 s4, s16;
	v32 =	vshll.u32 v31, $0x7;
	v30 =	vld [tilespmem:s17+$0x660]  }
0x36: {  	v31 =	vld [tilespmem:s17+$0x670];
	v32 =	vbroadcast v32, $0x0;
	s17 =	sshll.u32 s18, $0x9;
	s18 =	simm.s32 $0x0  }
.LBB2_3:
0x37: {  	s19 =	sor.u32 s16, s18  }
0x38: {  	p0 =	seq.s32 s19, $0x0  }
0x39: {  	s19 =	simm.s32 @!p0 $0x1  }
0x3a: {  	_ =	swait.ge @!p0 [sflag:s19], $0x8000  }
0x3b: {  	[sflag:s19] =	ssyncset.done @!p0 $0x0  }
0x3c: {  	s20 =	simm.s32 $0x0;
	[sflag:s19] =	ssyncadd.s32 @!p0 $0xFFFF8000;
	s19 =	sshll.u32 s18, $0x7  }
.LBB2_4:
0x3d: {  	s21 =	sshll.u32 s20, $0x3  }
0x3e: {  	s21 =	sor.u32 s19, s21  }
0x3f: {  	v33 =	vmov s21;
	s22 =	sor.u32 $0x1, s21  }
0x40: {  	s25 =	sor.u32 $0x2, s21;
	s26 =	sor.u32 $0x3, s21;
	v34 =	vshll.u32 v33, $0x2;
	v35 =	vmov s22  }
0x41: {  	s28 =	sor.u32 $0x4, s21;
	s29 =	sor.u32 $0x5, s21;
	s30 =	sor.u32 $0x6, s21;
	v33 =	vand.u32 $0x38, v33;
	v43 =	vmov s25;
	v37 =	vmov s26  }
0x42: {  	s21 =	sor.u32 $0x7, s21;
	v47 =	vmov s28;
	v39 =	vmov s29;
	v53 =	vmov s30  }
0x43: {  	v55 =	vmov s21;
	v34 =	vand.u32 $0x600, v34;
	v36 =	vshll.u32 v35, $0x2  }
0x44: {  	v41 =	vand.u32 $0x39, v35;
	v44 =	vshll.u32 v43, $0x2;
	v35 =	vand.u32 $0x3A, v43  }
0x45: {  	v38 =	vshll.u32 v37, $0x2;
	v45 =	vand.u32 $0x3B, v37;
	v48 =	vshll.u32 v47, $0x2  }
0x46: {  	v37 =	vand.u32 $0x3C, v47;
	v40 =	vshll.u32 v39, $0x2;
	v49 =	vand.u32 $0x3D, v39  }
0x47: {  	v54 =	vshll.u32 v53, $0x2;
	v57 =	vand.u32 $0x3F, v55;
	v33 =	vor.u32 v34, v33  }
0x48: {  	v42 =	vand.u32 $0x7FFFFE00, v36;
	v36 =	vand.u32 $0x7FFFFE00, v44;
	v46 =	vand.u32 $0x7FFFFE00, v38  }
0x49: {  	v38 =	vand.u32 $0x7FFFFE00, v48;
	v33 =	vor.u32 v32, v33;
	v34 =	vor.u32 v42, v41  }
0x4a: {  	v50 =	vand.u32 $0x7FFFFE00, v40;
	v35 =	vor.u32 v36, v35;
	v34 =	vor.u32 v32, v34  }
0x4b: {  	v36 =	vor.u32 v46, v45;
	v37 =	vor.u32 v38, v37;
	v35 =	vor.u32 v32, v35  }
0x4c: {  	v52 =	vor.u32 v50, v49;
	v38 =	vand.u32 $0x3E, v53;
	v36 =	vor.u32 v32, v36  }
0x4d: {  	v42 =	vshll.u32 v55, $0x2;
	v51 =	vor.u32 v32, v37;
	v37 =	vand.u32 $0x7FFFFE00, v54  }
0x4e: {  	v41 =	vor.u32 v32, v52;
	v58 =	vand.u32 $0x7FFFFE00, v42;
	v56 =	vor.u32 v37, v38;
	v43 =	vld.idx.msk [tilespmem:v33+s10+$0x0], $0xffff  }
0x4f: {  	v59 =	vor.u32 v58, v57;
	v33 =	vor.u32 v32, v56;
	v39 =	vld.idx.msk [tilespmem:v34+s10+$0x0], $0xffff  }
0x50: {  	v60 =	vor.u32 v32, v59;
	v38 =	vld.idx.msk [tilespmem:v35+s10+$0x0], $0xffff  }
0x51: {  	v37 =	vld.idx.msk [tilespmem:v36+s10+$0x0], $0xffff  }
0x52: {  	v36 =	vld.idx.msk [tilespmem:v51+s10+$0x0], $0xffff  }
0x53: {  	s31 =	sshll.u32 s20, $0xC;
	v35 =	vld.idx.msk [tilespmem:v41+s10+$0x0], $0xffff;
	v61 =	vadd.f32 v43, v0  }
0x54: {  	s21 =	sand.u32 $0x3FFFF000, s31;
	v34 =	vld.idx.msk [tilespmem:v33+s10+$0x0], $0xffff;
	v62 =	vadd.f32 v43, v1  }
0x55: {  	v33 =	vld.idx.msk [tilespmem:v60+s10+$0x0], $0xffff;
	v63 =	vadd.f32 v43, v2;
	[tilespmem:s21+$0x1000] =	vst v61  }
0x56: {  	v44 =	vadd.f32 v43, v3;
	[tilespmem:s21+$0x1010] =	vst v62  }
0x57: {  	v45 =	vadd.f32 v43, v4;
	[tilespmem:s21+$0x1020] =	vst v63  }
0x58: {  	v46 =	vadd.f32 v43, v5;
	[tilespmem:s21+$0x1030] =	vst v44  }
0x59: {  	v47 =	vadd.f32 v43, v6;
	[tilespmem:s21+$0x1040] =	vst v45  }
0x5a: {  	v48 =	vadd.f32 v43, v7;
	[tilespmem:s21+$0x1050] =	vst v46  }
0x5b: {  	v49 =	vadd.f32 v43, v8;
	[tilespmem:s21+$0x1060] =	vst v47  }
0x5c: {  	v50 =	vadd.f32 v43, v9;
	[tilespmem:s21+$0x1070] =	vst v48  }
0x5d: {  	v51 =	vadd.f32 v43, v10;
	[tilespmem:s21+$0x1400] =	vst v49  }
0x5e: {  	v52 =	vadd.f32 v43, v11;
	[tilespmem:s21+$0x1410] =	vst v50  }
0x5f: {  	v53 =	vadd.f32 v43, v12;
	[tilespmem:s21+$0x1420] =	vst v51  }
0x60: {  	v54 =	vadd.f32 v43, v13;
	[tilespmem:s21+$0x1430] =	vst v52  }
0x61: {  	v55 =	vadd.f32 v43, v14;
	[tilespmem:s21+$0x1440] =	vst v53  }
0x62: {  	v56 =	vadd.f32 v43, v15;
	[tilespmem:s21+$0x1450] =	vst v54  }
0x63: {  	v57 =	vadd.f32 v43, v16;
	[tilespmem:s21+$0x1460] =	vst v55  }
0x64: {  	v58 =	vadd.f32 v43, v17;
	[tilespmem:s21+$0x1470] =	vst v56  }
0x65: {  	v59 =	vadd.f32 v43, v18;
	[tilespmem:s21+$0x1800] =	vst v57  }
0x66: {  	v60 =	vadd.f32 v43, v19;
	[tilespmem:s21+$0x1810] =	vst v58  }
0x67: {  	v42 =	vadd.f32 v37, v9;
	[tilespmem:s21+$0x1820] =	vst v59  }
0x68: {  	v40 =	vadd.f32 v36, v0;
	[tilespmem:s21+$0x1830] =	vst v60  }
0x69: {  	v41 =	vadd.f32 v36, v1;
	[tilespmem:s21+$0x1590] =	vst v42  }
0x6a: {  	v61 =	vadd.f32 v43, v20;
	[tilespmem:s21+$0x1200] =	vst v40  }
0x6b: {  	v62 =	vadd.f32 v43, v21;
	[tilespmem:s21+$0x1210] =	vst v41  }
0x6c: {  	v63 =	vadd.f32 v43, v22;
	[tilespmem:s21+$0x1840] =	vst v61  }
0x6d: {  	v44 =	vadd.f32 v43, v23;
	[tilespmem:s21+$0x1850] =	vst v62  }
0x6e: {  	v45 =	vadd.f32 v43, v24;
	[tilespmem:s21+$0x1860] =	vst v63  }
0x6f: {  	v46 =	vadd.f32 v43, v25;
	[tilespmem:s21+$0x1870] =	vst v44  }
0x70: {  	v47 =	vadd.f32 v43, v26;
	[tilespmem:s21+$0x1C00] =	vst v45  }
0x71: {  	v48 =	vadd.f32 v43, v27;
	[tilespmem:s21+$0x1C10] =	vst v46  }
0x72: {  	v49 =	vadd.f32 v43, v28;
	[tilespmem:s21+$0x1C20] =	vst v47  }
0x73: {  	v50 =	vadd.f32 v43, v29;
	[tilespmem:s21+$0x1C30] =	vst v48  }
0x74: {  	v51 =	vadd.f32 v43, v30;
	[tilespmem:s21+$0x1C40] =	vst v49  }
0x75: {  	v52 =	vadd.f32 v43, v31;
	[tilespmem:s21+$0x1C50] =	vst v50  }
0x76: {  	v53 =	vadd.f32 v39, v0;
	[tilespmem:s21+$0x1C60] =	vst v51  }
0x77: {  	v54 =	vadd.f32 v39, v1;
	[tilespmem:s21+$0x1C70] =	vst v52  }
0x78: {  	v55 =	vadd.f32 v39, v2;
	[tilespmem:s21+$0x1080] =	vst v53  }
0x79: {  	v56 =	vadd.f32 v39, v3;
	[tilespmem:s21+$0x1090] =	vst v54  }
0x7a: {  	v57 =	vadd.f32 v39, v4;
	[tilespmem:s21+$0x10A0] =	vst v55  }
0x7b: {  	v58 =	vadd.f32 v39, v5;
	[tilespmem:s21+$0x10B0] =	vst v56  }
0x7c: {  	v59 =	vadd.f32 v39, v6;
	[tilespmem:s21+$0x10C0] =	vst v57  }
0x7d: {  	v60 =	vadd.f32 v39, v7;
	[tilespmem:s21+$0x10D0] =	vst v58  }
0x7e: {  	v43 =	vadd.f32 v37, v10;
	[tilespmem:s21+$0x10E0] =	vst v59  }
0x7f: {  	v42 =	vadd.f32 v36, v2;
	[tilespmem:s21+$0x10F0] =	vst v60  }
0x80: {  	v40 =	vadd.f32 v36, v24;
	[tilespmem:s21+$0x15A0] =	vst v43  }
0x81: {  	v41 =	vadd.f32 v36, v25;
	[tilespmem:s21+$0x1220] =	vst v42  }
0x82: {  	v61 =	vadd.f32 v39, v8;
	[tilespmem:s21+$0x1E00] =	vst v40  }
0x83: {  	v62 =	vadd.f32 v39, v9;
	[tilespmem:s21+$0x1E10] =	vst v41  }
0x84: {  	v63 =	vadd.f32 v39, v10;
	[tilespmem:s21+$0x1480] =	vst v61  }
0x85: {  	v44 =	vadd.f32 v39, v11;
	[tilespmem:s21+$0x1490] =	vst v62  }
0x86: {  	v45 =	vadd.f32 v39, v12;
	[tilespmem:s21+$0x14A0] =	vst v63  }
0x87: {  	v46 =	vadd.f32 v39, v13;
	[tilespmem:s21+$0x14B0] =	vst v44  }
0x88: {  	v47 =	vadd.f32 v39, v14;
	[tilespmem:s21+$0x14C0] =	vst v45  }
0x89: {  	v48 =	vadd.f32 v39, v15;
	[tilespmem:s21+$0x14D0] =	vst v46  }
0x8a: {  	v49 =	vadd.f32 v39, v16;
	[tilespmem:s21+$0x14E0] =	vst v47  }
0x8b: {  	v50 =	vadd.f32 v39, v17;
	[tilespmem:s21+$0x14F0] =	vst v48  }
0x8c: {  	v51 =	vadd.f32 v39, v18;
	[tilespmem:s21+$0x1880] =	vst v49  }
0x8d: {  	v52 =	vadd.f32 v39, v19;
	[tilespmem:s21+$0x1890] =	vst v50  }
0x8e: {  	v53 =	vadd.f32 v39, v20;
	[tilespmem:s21+$0x18A0] =	vst v51  }
0x8f: {  	v54 =	vadd.f32 v39, v21;
	[tilespmem:s21+$0x18B0] =	vst v52  }
0x90: {  	v55 =	vadd.f32 v39, v22;
	[tilespmem:s21+$0x18C0] =	vst v53  }
0x91: {  	v56 =	vadd.f32 v39, v23;
	[tilespmem:s21+$0x18D0] =	vst v54  }
0x92: {  	v57 =	vadd.f32 v39, v24;
	[tilespmem:s21+$0x18E0] =	vst v55  }
0x93: {  	v58 =	vadd.f32 v39, v25;
	[tilespmem:s21+$0x18F0] =	vst v56  }
0x94: {  	v59 =	vadd.f32 v39, v26;
	[tilespmem:s21+$0x1C80] =	vst v57  }
0x95: {  	v60 =	vadd.f32 v39, v27;
	[tilespmem:s21+$0x1C90] =	vst v58  }
0x96: {  	v43 =	vadd.f32 v36, v3;
	[tilespmem:s21+$0x1CA0] =	vst v59  }
0x97: {  	v42 =	vadd.f32 v36, v26;
	[tilespmem:s21+$0x1CB0] =	vst v60  }
0x98: {  	v40 =	vadd.f32 v35, v17;
	[tilespmem:s21+$0x1230] =	vst v43  }
0x99: {  	v41 =	vadd.f32 v35, v18;
	[tilespmem:s21+$0x1E20] =	vst v42  }
0x9a: {  	v61 =	vadd.f32 v39, v28;
	[tilespmem:s21+$0x1A90] =	vst v40  }
0x9b: {  	v62 =	vadd.f32 v39, v29;
	[tilespmem:s21+$0x1AA0] =	vst v41  }
0x9c: {  	v63 =	vadd.f32 v39, v30;
	[tilespmem:s21+$0x1CC0] =	vst v61  }
0x9d: {  	v39 =	vadd.f32 v39, v31;
	[tilespmem:s21+$0x1CD0] =	vst v62  }
0x9e: {  	v44 =	vadd.f32 v38, v0;
	[tilespmem:s21+$0x1CE0] =	vst v63  }
0x9f: {  	v45 =	vadd.f32 v38, v1;
	[tilespmem:s21+$0x1CF0] =	vst v39  }
0xa0: {  	v46 =	vadd.f32 v38, v2;
	[tilespmem:s21+$0x1100] =	vst v44  }
0xa1: {  	v47 =	vadd.f32 v38, v3;
	[tilespmem:s21+$0x1110] =	vst v45  }
0xa2: {  	v48 =	vadd.f32 v38, v4;
	[tilespmem:s21+$0x1120] =	vst v46  }
0xa3: {  	v49 =	vadd.f32 v38, v5;
	[tilespmem:s21+$0x1130] =	vst v47  }
0xa4: {  	v50 =	vadd.f32 v38, v6;
	[tilespmem:s21+$0x1140] =	vst v48  }
0xa5: {  	v51 =	vadd.f32 v38, v7;
	[tilespmem:s21+$0x1150] =	vst v49  }
0xa6: {  	v52 =	vadd.f32 v38, v8;
	[tilespmem:s21+$0x1160] =	vst v50  }
0xa7: {  	v53 =	vadd.f32 v38, v9;
	[tilespmem:s21+$0x1170] =	vst v51  }
0xa8: {  	v54 =	vadd.f32 v38, v10;
	[tilespmem:s21+$0x1500] =	vst v52  }
0xa9: {  	v55 =	vadd.f32 v38, v11;
	[tilespmem:s21+$0x1510] =	vst v53  }
0xaa: {  	v56 =	vadd.f32 v38, v12;
	[tilespmem:s21+$0x1520] =	vst v54  }
0xab: {  	v57 =	vadd.f32 v38, v13;
	[tilespmem:s21+$0x1530] =	vst v55  }
0xac: {  	v58 =	vadd.f32 v38, v14;
	[tilespmem:s21+$0x1540] =	vst v56  }
0xad: {  	v59 =	vadd.f32 v38, v15;
	[tilespmem:s21+$0x1550] =	vst v57  }
0xae: {  	v60 =	vadd.f32 v38, v16;
	[tilespmem:s21+$0x1560] =	vst v58  }
0xaf: {  	v43 =	vadd.f32 v36, v27;
	[tilespmem:s21+$0x1570] =	vst v59  }
0xb0: {  	v42 =	vadd.f32 v35, v19;
	[tilespmem:s21+$0x1900] =	vst v60  }
0xb1: {  	v40 =	vadd.f32 v34, v10;
	[tilespmem:s21+$0x1E30] =	vst v43  }
0xb2: {  	v41 =	vadd.f32 v34, v11;
	[tilespmem:s21+$0x1AB0] =	vst v42  }
0xb3: {  	v61 =	vadd.f32 v38, v17;
	[tilespmem:s21+$0x1720] =	vst v40  }
0xb4: {  	v62 =	vadd.f32 v38, v18;
	[tilespmem:s21+$0x1730] =	vst v41  }
0xb5: {  	v63 =	vadd.f32 v38, v19;
	[tilespmem:s21+$0x1910] =	vst v61  }
0xb6: {  	v44 =	vadd.f32 v38, v20;
	[tilespmem:s21+$0x1920] =	vst v62  }
0xb7: {  	v45 =	vadd.f32 v38, v21;
	[tilespmem:s21+$0x1930] =	vst v63  }
0xb8: {  	v46 =	vadd.f32 v38, v22;
	[tilespmem:s21+$0x1940] =	vst v44  }
0xb9: {  	v47 =	vadd.f32 v38, v23;
	[tilespmem:s21+$0x1950] =	vst v45  }
0xba: {  	v48 =	vadd.f32 v38, v24;
	[tilespmem:s21+$0x1960] =	vst v46  }
0xbb: {  	v49 =	vadd.f32 v38, v25;
	[tilespmem:s21+$0x1970] =	vst v47  }
0xbc: {  	v50 =	vadd.f32 v38, v26;
	[tilespmem:s21+$0x1D00] =	vst v48  }
0xbd: {  	v51 =	vadd.f32 v38, v27;
	[tilespmem:s21+$0x1D10] =	vst v49  }
0xbe: {  	v52 =	vadd.f32 v38, v28;
	[tilespmem:s21+$0x1D20] =	vst v50  }
0xbf: {  	v53 =	vadd.f32 v38, v29;
	[tilespmem:s21+$0x1D30] =	vst v51  }
0xc0: {  	v54 =	vadd.f32 v38, v30;
	[tilespmem:s21+$0x1D40] =	vst v52  }
0xc1: {  	v38 =	vadd.f32 v38, v31;
	[tilespmem:s21+$0x1D50] =	vst v53  }
0xc2: {  	v55 =	vadd.f32 v37, v0;
	[tilespmem:s21+$0x1D60] =	vst v54  }
0xc3: {  	v56 =	vadd.f32 v37, v1;
	[tilespmem:s21+$0x1D70] =	vst v38  }
0xc4: {  	v57 =	vadd.f32 v37, v2;
	[tilespmem:s21+$0x1180] =	vst v55  }
0xc5: {  	v58 =	vadd.f32 v37, v3;
	[tilespmem:s21+$0x1190] =	vst v56  }
0xc6: {  	v59 =	vadd.f32 v37, v4;
	[tilespmem:s21+$0x11A0] =	vst v57  }
0xc7: {  	v60 =	vadd.f32 v37, v5;
	[tilespmem:s21+$0x11B0] =	vst v58  }
0xc8: {  	v43 =	vadd.f32 v35, v20;
	[tilespmem:s21+$0x11C0] =	vst v59  }
0xc9: {  	v42 =	vadd.f32 v34, v12;
	[tilespmem:s21+$0x11D0] =	vst v60  }
0xca: {  	v39 =	vadd.f32 v33, v6;
	[tilespmem:s21+$0x1AC0] =	vst v43  }
0xcb: {  	v61 =	vadd.f32 v37, v6;
	[tilespmem:s21+$0x1740] =	vst v42  }
0xcc: {  	v62 =	vadd.f32 v37, v7;
	[tilespmem:s21+$0x13E0] =	vst v39  }
0xcd: {  	v63 =	vadd.f32 v37, v8;
	[tilespmem:s21+$0x11E0] =	vst v61  }
0xce: {  	v44 =	vadd.f32 v37, v11;
	[tilespmem:s21+$0x11F0] =	vst v62  }
0xcf: {  	v45 =	vadd.f32 v37, v12;
	[tilespmem:s21+$0x1580] =	vst v63  }
0xd0: {  	v46 =	vadd.f32 v37, v13;
	[tilespmem:s21+$0x15B0] =	vst v44  }
0xd1: {  	v47 =	vadd.f32 v37, v14;
	[tilespmem:s21+$0x15C0] =	vst v45  }
0xd2: {  	v48 =	vadd.f32 v37, v15;
	[tilespmem:s21+$0x15D0] =	vst v46  }
0xd3: {  	v49 =	vadd.f32 v37, v16;
	[tilespmem:s21+$0x15E0] =	vst v47  }
0xd4: {  	v50 =	vadd.f32 v37, v17;
	[tilespmem:s21+$0x15F0] =	vst v48  }
0xd5: {  	v51 =	vadd.f32 v37, v18;
	[tilespmem:s21+$0x1980] =	vst v49  }
0xd6: {  	v52 =	vadd.f32 v37, v19;
	[tilespmem:s21+$0x1990] =	vst v50  }
0xd7: {  	v53 =	vadd.f32 v37, v20;
	[tilespmem:s21+$0x19A0] =	vst v51  }
0xd8: {  	v54 =	vadd.f32 v37, v21;
	[tilespmem:s21+$0x19B0] =	vst v52  }
0xd9: {  	v55 =	vadd.f32 v37, v22;
	[tilespmem:s21+$0x19C0] =	vst v53  }
0xda: {  	v56 =	vadd.f32 v37, v23;
	[tilespmem:s21+$0x19D0] =	vst v54  }
0xdb: {  	v57 =	vadd.f32 v37, v24;
	[tilespmem:s21+$0x19E0] =	vst v55  }
0xdc: {  	v58 =	vadd.f32 v37, v25;
	[tilespmem:s21+$0x19F0] =	vst v56  }
0xdd: {  	v59 =	vadd.f32 v37, v26;
	[tilespmem:s21+$0x1D80] =	vst v57  }
0xde: {  	v60 =	vadd.f32 v37, v27;
	[tilespmem:s21+$0x1D90] =	vst v58  }
0xdf: {  	v43 =	vadd.f32 v34, v13;
	[tilespmem:s21+$0x1DA0] =	vst v59  }
0xe0: {  	v38 =	vadd.f32 v33, v5;
	[tilespmem:s21+$0x1DB0] =	vst v60  }
0xe1: {  	v40 =	vadd.f32 v33, v7;
	[tilespmem:s21+$0x1750] =	vst v43  }
0xe2: {  	v41 =	vadd.f32 v33, v8;
	[tilespmem:s21+$0x13D0] =	vst v38  }
0xe3: {  	v42 =	vadd.f32 v33, v9;
	[tilespmem:s21+$0x13F0] =	vst v40  }
0xe4: {  	v61 =	vadd.f32 v37, v28;
	[tilespmem:s21+$0x1780] =	vst v41  }
0xe5: {  	v62 =	vadd.f32 v37, v29;
	[tilespmem:s21+$0x1790] =	vst v42  }
0xe6: {  	v63 =	vadd.f32 v37, v30;
	[tilespmem:s21+$0x1DC0] =	vst v61  }
0xe7: {  	v37 =	vadd.f32 v37, v31;
	[tilespmem:s21+$0x1DD0] =	vst v62  }
0xe8: {  	v44 =	vadd.f32 v36, v4;
	[tilespmem:s21+$0x1DE0] =	vst v63  }
0xe9: {  	v45 =	vadd.f32 v36, v5;
	[tilespmem:s21+$0x1DF0] =	vst v37  }
0xea: {  	v46 =	vadd.f32 v36, v6;
	[tilespmem:s21+$0x1240] =	vst v44  }
0xeb: {  	v47 =	vadd.f32 v36, v7;
	[tilespmem:s21+$0x1250] =	vst v45  }
0xec: {  	v48 =	vadd.f32 v36, v8;
	[tilespmem:s21+$0x1260] =	vst v46  }
0xed: {  	v49 =	vadd.f32 v36, v9;
	[tilespmem:s21+$0x1270] =	vst v47  }
0xee: {  	v50 =	vadd.f32 v36, v10;
	[tilespmem:s21+$0x1600] =	vst v48  }
0xef: {  	v51 =	vadd.f32 v36, v11;
	[tilespmem:s21+$0x1610] =	vst v49  }
0xf0: {  	v52 =	vadd.f32 v36, v12;
	[tilespmem:s21+$0x1620] =	vst v50  }
0xf1: {  	v53 =	vadd.f32 v36, v13;
	[tilespmem:s21+$0x1630] =	vst v51  }
0xf2: {  	v54 =	vadd.f32 v36, v14;
	[tilespmem:s21+$0x1640] =	vst v52  }
0xf3: {  	v55 =	vadd.f32 v36, v15;
	[tilespmem:s21+$0x1650] =	vst v53  }
0xf4: {  	v56 =	vadd.f32 v36, v16;
	[tilespmem:s21+$0x1660] =	vst v54  }
0xf5: {  	v57 =	vadd.f32 v36, v17;
	[tilespmem:s21+$0x1670] =	vst v55  }
0xf6: {  	v58 =	vadd.f32 v36, v18;
	[tilespmem:s21+$0x1A00] =	vst v56  }
0xf7: {  	v59 =	vadd.f32 v36, v19;
	[tilespmem:s21+$0x1A10] =	vst v57  }
0xf8: {  	v60 =	vadd.f32 v36, v20;
	[tilespmem:s21+$0x1A20] =	vst v58  }
0xf9: {  	v43 =	vadd.f32 v33, v10;
	[tilespmem:s21+$0x1A30] =	vst v59  }
0xfa: {  	v61 =	vadd.f32 v36, v21;
	[tilespmem:s21+$0x1A40] =	vst v60  }
0xfb: {  	v62 =	vadd.f32 v36, v22;
	[tilespmem:s21+$0x17A0] =	vst v43  }
0xfc: {  	v63 =	vadd.f32 v36, v23;
	[tilespmem:s21+$0x1A50] =	vst v61  }
0xfd: {  	v44 =	vadd.f32 v36, v28;
	[tilespmem:s21+$0x1A60] =	vst v62  }
0xfe: {  	v45 =	vadd.f32 v36, v29;
	[tilespmem:s21+$0x1A70] =	vst v63  }
0xff: {  	v46 =	vadd.f32 v36, v30;
	[tilespmem:s21+$0x1E40] =	vst v44  }
0x100: {  	v36 =	vadd.f32 v36, v31;
	[tilespmem:s21+$0x1E50] =	vst v45  }
0x101: {  	v47 =	vadd.f32 v35, v0;
	[tilespmem:s21+$0x1E60] =	vst v46  }
0x102: {  	v48 =	vadd.f32 v35, v1;
	[tilespmem:s21+$0x1E70] =	vst v36  }
0x103: {  	v49 =	vadd.f32 v35, v2;
	[tilespmem:s21+$0x1280] =	vst v47  }
0x104: {  	v50 =	vadd.f32 v35, v3;
	[tilespmem:s21+$0x1290] =	vst v48  }
0x105: {  	v51 =	vadd.f32 v35, v4;
	[tilespmem:s21+$0x12A0] =	vst v49  }
0x106: {  	v52 =	vadd.f32 v35, v5;
	[tilespmem:s21+$0x12B0] =	vst v50  }
0x107: {  	v53 =	vadd.f32 v35, v6;
	[tilespmem:s21+$0x12C0] =	vst v51  }
0x108: {  	v54 =	vadd.f32 v35, v7;
	[tilespmem:s21+$0x12D0] =	vst v52  }
0x109: {  	v55 =	vadd.f32 v35, v8;
	[tilespmem:s21+$0x12E0] =	vst v53  }
0x10a: {  	v56 =	vadd.f32 v35, v9;
	[tilespmem:s21+$0x12F0] =	vst v54  }
0x10b: {  	v57 =	vadd.f32 v35, v10;
	[tilespmem:s21+$0x1680] =	vst v55  }
0x10c: {  	v58 =	vadd.f32 v35, v11;
	[tilespmem:s21+$0x1690] =	vst v56  }
0x10d: {  	v59 =	vadd.f32 v35, v12;
	[tilespmem:s21+$0x16A0] =	vst v57  }
0x10e: {  	v60 =	vadd.f32 v35, v13;
	[tilespmem:s21+$0x16B0] =	vst v58  }
0x10f: {  	v37 =	vadd.f32 v33, v4;
	[tilespmem:s21+$0x16C0] =	vst v59  }
0x110: {  	v61 =	vadd.f32 v35, v14;
	[tilespmem:s21+$0x16D0] =	vst v60  }
0x111: {  	v62 =	vadd.f32 v35, v15;
	[tilespmem:s21+$0x13C0] =	vst v37  }
0x112: {  	v63 =	vadd.f32 v35, v16;
	[tilespmem:s21+$0x16E0] =	vst v61  }
0x113: {  	v44 =	vadd.f32 v35, v21;
	[tilespmem:s21+$0x16F0] =	vst v62  }
0x114: {  	v45 =	vadd.f32 v35, v22;
	[tilespmem:s21+$0x1A80] =	vst v63  }
0x115: {  	v46 =	vadd.f32 v35, v23;
	[tilespmem:s21+$0x1AD0] =	vst v44  }
0x116: {  	v47 =	vadd.f32 v35, v24;
	[tilespmem:s21+$0x1AE0] =	vst v45  }
0x117: {  	v48 =	vadd.f32 v35, v25;
	[tilespmem:s21+$0x1AF0] =	vst v46  }
0x118: {  	v49 =	vadd.f32 v35, v26;
	[tilespmem:s21+$0x1E80] =	vst v47  }
0x119: {  	v50 =	vadd.f32 v35, v27;
	[tilespmem:s21+$0x1E90] =	vst v48  }
0x11a: {  	v51 =	vadd.f32 v35, v28;
	[tilespmem:s21+$0x1EA0] =	vst v49  }
0x11b: {  	v52 =	vadd.f32 v35, v29;
	[tilespmem:s21+$0x1EB0] =	vst v50  }
0x11c: {  	v53 =	vadd.f32 v35, v30;
	[tilespmem:s21+$0x1EC0] =	vst v51  }
0x11d: {  	v35 =	vadd.f32 v35, v31;
	[tilespmem:s21+$0x1ED0] =	vst v52  }
0x11e: {  	v54 =	vadd.f32 v34, v0;
	[tilespmem:s21+$0x1EE0] =	vst v53  }
0x11f: {  	v55 =	vadd.f32 v34, v1;
	[tilespmem:s21+$0x1EF0] =	vst v35  }
0x120: {  	v56 =	vadd.f32 v34, v2;
	[tilespmem:s21+$0x1300] =	vst v54  }
0x121: {  	v57 =	vadd.f32 v34, v3;
	[tilespmem:s21+$0x1310] =	vst v55  }
0x122: {  	v58 =	vadd.f32 v34, v4;
	[tilespmem:s21+$0x1320] =	vst v56  }
0x123: {  	v59 =	vadd.f32 v34, v5;
	[tilespmem:s21+$0x1330] =	vst v57  }
0x124: {  	v60 =	vadd.f32 v34, v6;
	[tilespmem:s21+$0x1340] =	vst v58  }
0x125: {  	v36 =	vadd.f32 v33, v3;
	[tilespmem:s21+$0x1350] =	vst v59  }
0x126: {  	v61 =	vadd.f32 v34, v7;
	[tilespmem:s21+$0x1360] =	vst v60  }
0x127: {  	v62 =	vadd.f32 v34, v8;
	[tilespmem:s21+$0x13B0] =	vst v36  }
0x128: {  	v63 =	vadd.f32 v34, v9;
	[tilespmem:s21+$0x1370] =	vst v61  }
0x129: {  	v44 =	vadd.f32 v34, v14;
	[tilespmem:s21+$0x1700] =	vst v62  }
0x12a: {  	v45 =	vadd.f32 v34, v15;
	[tilespmem:s21+$0x1710] =	vst v63  }
0x12b: {  	v46 =	vadd.f32 v34, v16;
	[tilespmem:s21+$0x1760] =	vst v44  }
0x12c: {  	v47 =	vadd.f32 v34, v17;
	[tilespmem:s21+$0x1770] =	vst v45  }
0x12d: {  	v48 =	vadd.f32 v34, v18;
	[tilespmem:s21+$0x1B00] =	vst v46  }
0x12e: {  	v49 =	vadd.f32 v34, v19;
	[tilespmem:s21+$0x1B10] =	vst v47  }
0x12f: {  	v50 =	vadd.f32 v34, v20;
	[tilespmem:s21+$0x1B20] =	vst v48  }
0x130: {  	v51 =	vadd.f32 v34, v21;
	[tilespmem:s21+$0x1B30] =	vst v49  }
0x131: {  	v52 =	vadd.f32 v34, v22;
	[tilespmem:s21+$0x1B40] =	vst v50  }
0x132: {  	v53 =	vadd.f32 v34, v23;
	[tilespmem:s21+$0x1B50] =	vst v51  }
0x133: {  	v54 =	vadd.f32 v34, v24;
	[tilespmem:s21+$0x1B60] =	vst v52  }
0x134: {  	v55 =	vadd.f32 v34, v25;
	[tilespmem:s21+$0x1B70] =	vst v53  }
0x135: {  	v56 =	vadd.f32 v34, v26;
	[tilespmem:s21+$0x1F00] =	vst v54  }
0x136: {  	v57 =	vadd.f32 v34, v27;
	[tilespmem:s21+$0x1F10] =	vst v55  }
0x137: {  	v58 =	vadd.f32 v34, v28;
	[tilespmem:s21+$0x1F20] =	vst v56  }
0x138: {  	v59 =	vadd.f32 v34, v29;
	[tilespmem:s21+$0x1F30] =	vst v57  }
0x139: {  	v60 =	vadd.f32 v34, v30;
	[tilespmem:s21+$0x1F40] =	vst v58  }
0x13a: {  	v34 =	vadd.f32 v34, v31;
	[tilespmem:s21+$0x1F50] =	vst v59  }
0x13b: {  	[tilespmem:s21+$0x1F60] =	vst v60;
	v61 =	vadd.f32 v33, v0  }
0x13c: {  	[tilespmem:s21+$0x1F70] =	vst v34;
	v62 =	vadd.f32 v33, v1  }
0x13d: {  	v63 =	vadd.f32 v33, v2;
	[tilespmem:s21+$0x1380] =	vst v61  }
0x13e: {  	v44 =	vadd.f32 v33, v11;
	[tilespmem:s21+$0x1390] =	vst v62  }
0x13f: {  	v45 =	vadd.f32 v33, v12;
	[tilespmem:s21+$0x13A0] =	vst v63  }
0x140: {  	v46 =	vadd.f32 v33, v13;
	[tilespmem:s21+$0x17B0] =	vst v44  }
0x141: {  	v47 =	vadd.f32 v33, v14;
	[tilespmem:s21+$0x17C0] =	vst v45  }
0x142: {  	v48 =	vadd.f32 v33, v15;
	[tilespmem:s21+$0x17D0] =	vst v46  }
0x143: {  	v49 =	vadd.f32 v33, v16;
	[tilespmem:s21+$0x17E0] =	vst v47  }
0x144: {  	v50 =	vadd.f32 v33, v17;
	[tilespmem:s21+$0x17F0] =	vst v48  }
0x145: {  	v51 =	vadd.f32 v33, v18;
	[tilespmem:s21+$0x1B80] =	vst v49  }
0x146: {  	v52 =	vadd.f32 v33, v19;
	[tilespmem:s21+$0x1B90] =	vst v50  }
0x147: {  	v53 =	vadd.f32 v33, v20;
	[tilespmem:s21+$0x1BA0] =	vst v51  }
0x148: {  	v54 =	vadd.f32 v33, v21;
	[tilespmem:s21+$0x1BB0] =	vst v52  }
0x149: {  	v55 =	vadd.f32 v33, v22;
	[tilespmem:s21+$0x1BC0] =	vst v53  }
0x14a: {  	v56 =	vadd.f32 v33, v23;
	[tilespmem:s21+$0x1BD0] =	vst v54  }
0x14b: {  	v57 =	vadd.f32 v33, v24;
	[tilespmem:s21+$0x1BE0] =	vst v55  }
0x14c: {  	v58 =	vadd.f32 v33, v25;
	[tilespmem:s21+$0x1BF0] =	vst v56  }
0x14d: {  	v59 =	vadd.f32 v33, v26;
	[tilespmem:s21+$0x1F80] =	vst v57  }
0x14e: {  	v60 =	vadd.f32 v33, v27;
	[tilespmem:s21+$0x1F90] =	vst v58  }
0x14f: {  	p1 =	sne.s32 s20, $0x7;
	[tilespmem:s21+$0x1FA0] =	vst v59;
	v61 =	vadd.f32 v33, v28  }
.Ltmp0:
0x150: {  	[tilespmem:s21+$0x1FB0] =	vst v60;
	v62 =	vadd.f32 v33, v29;
	(pc) =	sbr.rel @p1 .LBB2_4-.Ltmp0, $4  }
0x151: {  	v63 =	vadd.f32 v33, v30;
	[tilespmem:s21+$0x1FC0] =	vst v61  }
0x152: {  	v33 =	vadd.f32 v33, v31;
	[tilespmem:s21+$0x1FD0] =	vst v62  }
0x153: {  	[tilespmem:s21+$0x1FE0] =	vst v63  }
0x154: {  	s20 =	sadd.s32 $0x1, s20;
	[tilespmem:s21+$0x1FF0] =	vst v33  }
0x155: {  	s20 =	sadd.s32 s17, s19  }
0x156: {  	s20 =	sshll.u32 s20, $0x6  }
0x157: {  	s21 =	simm.s32 @!p0 $0x2;
	s20 =	sadd.s32 s2, s20  }
0x158: {  	[hbm4b:s20+s3] =	stream.linear.scatter [tilespmem:s13], [sflag:$0x1], $0x8000, $0x38;
	[tilespmem:$0x11000] =	vst v63  }
0x159: {  	_ =	swait.ge @!p0 [sflag:s21], $0x8000  }
0x15a: {  	[sflag:s21] =	ssyncset.done @!p0 $0x0  }
0x15b: {  	s20 =	sor.u32 $0x40, s19;
	[sflag:s21] =	ssyncadd.s32 @!p0 $0xFFFF8000;
	s21 =	simm.s32 $0x0  }
.LBB2_6:
0x15c: {  	s22 =	sshll.u32 s21, $0x3  }
0x15d: {  	s23 =	sor.u32 s20, s22;
	s22 =	sor.u32 s22, s19  }
0x15e: {  	v33 =	vmov s23;
	s24 =	sor.u32 $0x41, s22  }
0x15f: {  	s25 =	sor.u32 $0x42, s22;
	s26 =	sor.u32 $0x43, s22;
	v34 =	vshll.u32 v33, $0x2;
	v35 =	vmov s24  }
0x160: {  	s28 =	sor.u32 $0x44, s22;
	s29 =	sor.u32 $0x45, s22;
	s30 =	sor.u32 $0x46, s22;
	v33 =	vand.u32 $0x78, v33;
	v43 =	vmov s25;
	v37 =	vmov s26  }
0x161: {  	s22 =	sor.u32 $0x47, s22;
	v47 =	vmov s28;
	v39 =	vmov s29;
	v53 =	vmov s30  }
0x162: {  	v55 =	vmov s22;
	v34 =	vand.u32 $0x7FFFFE00, v34;
	v36 =	vshll.u32 v35, $0x2  }
0x163: {  	v41 =	vand.u32 $0x79, v35;
	v44 =	vshll.u32 v43, $0x2;
	v35 =	vand.u32 $0x7A, v43  }
0x164: {  	v38 =	vshll.u32 v37, $0x2;
	v45 =	vand.u32 $0x7B, v37;
	v48 =	vshll.u32 v47, $0x2  }
0x165: {  	v37 =	vand.u32 $0x7C, v47;
	v40 =	vshll.u32 v39, $0x2;
	v49 =	vand.u32 $0x7D, v39  }
0x166: {  	v54 =	vshll.u32 v53, $0x2;
	v57 =	vand.u32 $0x7F, v55;
	v33 =	vor.u32 v34, v33  }
0x167: {  	v42 =	vand.u32 $0x7FFFFE00, v36;
	v36 =	vand.u32 $0x7FFFFE00, v44;
	v46 =	vand.u32 $0x7FFFFE00, v38  }
0x168: {  	v38 =	vand.u32 $0x7FFFFE00, v48;
	v33 =	vor.u32 v32, v33;
	v34 =	vor.u32 v42, v41  }
0x169: {  	v50 =	vand.u32 $0x7FFFFE00, v40;
	v35 =	vor.u32 v36, v35;
	v34 =	vor.u32 v32, v34  }
0x16a: {  	v36 =	vor.u32 v46, v45;
	v37 =	vor.u32 v38, v37;
	v35 =	vor.u32 v32, v35  }
0x16b: {  	v52 =	vor.u32 v50, v49;
	v38 =	vand.u32 $0x7E, v53;
	v36 =	vor.u32 v32, v36  }
0x16c: {  	v42 =	vshll.u32 v55, $0x2;
	v51 =	vor.u32 v32, v37;
	v37 =	vand.u32 $0x7FFFFE00, v54  }
0x16d: {  	v41 =	vor.u32 v32, v52;
	v58 =	vand.u32 $0x7FFFFE00, v42;
	v56 =	vor.u32 v37, v38;
	v43 =	vld.idx.msk [tilespmem:v33+s10+$0x0], $0xffff  }
0x16e: {  	v59 =	vor.u32 v58, v57;
	v33 =	vor.u32 v32, v56;
	v39 =	vld.idx.msk [tilespmem:v34+s10+$0x0], $0xffff  }
0x16f: {  	v60 =	vor.u32 v32, v59;
	v38 =	vld.idx.msk [tilespmem:v35+s10+$0x0], $0xffff  }
0x170: {  	v37 =	vld.idx.msk [tilespmem:v36+s10+$0x0], $0xffff  }
0x171: {  	v36 =	vld.idx.msk [tilespmem:v51+s10+$0x0], $0xffff  }
0x172: {  	s31 =	sshll.u32 s21, $0xC;
	v35 =	vld.idx.msk [tilespmem:v41+s10+$0x0], $0xffff;
	v61 =	vadd.f32 v43, v0  }
0x173: {  	s22 =	sand.u32 $0x3FFFF000, s31;
	v34 =	vld.idx.msk [tilespmem:v33+s10+$0x0], $0xffff;
	v62 =	vadd.f32 v43, v1  }
0x174: {  	v33 =	vld.idx.msk [tilespmem:v60+s10+$0x0], $0xffff;
	v63 =	vadd.f32 v43, v2;
	[tilespmem:s22+$0x9000] =	vst v61  }
0x175: {  	v44 =	vadd.f32 v43, v3;
	[tilespmem:s22+$0x9010] =	vst v62  }
0x176: {  	v45 =	vadd.f32 v43, v4;
	[tilespmem:s22+$0x9020] =	vst v63  }
0x177: {  	v46 =	vadd.f32 v43, v5;
	[tilespmem:s22+$0x9030] =	vst v44  }
0x178: {  	v47 =	vadd.f32 v43, v6;
	[tilespmem:s22+$0x9040] =	vst v45  }
0x179: {  	v48 =	vadd.f32 v43, v7;
	[tilespmem:s22+$0x9050] =	vst v46  }
0x17a: {  	v49 =	vadd.f32 v43, v8;
	[tilespmem:s22+$0x9060] =	vst v47  }
0x17b: {  	v50 =	vadd.f32 v43, v9;
	[tilespmem:s22+$0x9070] =	vst v48  }
0x17c: {  	v51 =	vadd.f32 v43, v10;
	[tilespmem:s22+$0x9400] =	vst v49  }
0x17d: {  	v52 =	vadd.f32 v43, v11;
	[tilespmem:s22+$0x9410] =	vst v50  }
0x17e: {  	v53 =	vadd.f32 v43, v12;
	[tilespmem:s22+$0x9420] =	vst v51  }
0x17f: {  	v54 =	vadd.f32 v43, v13;
	[tilespmem:s22+$0x9430] =	vst v52  }
0x180: {  	v55 =	vadd.f32 v43, v14;
	[tilespmem:s22+$0x9440] =	vst v53  }
0x181: {  	v56 =	vadd.f32 v43, v15;
	[tilespmem:s22+$0x9450] =	vst v54  }
0x182: {  	v57 =	vadd.f32 v43, v16;
	[tilespmem:s22+$0x9460] =	vst v55  }
0x183: {  	v58 =	vadd.f32 v43, v17;
	[tilespmem:s22+$0x9470] =	vst v56  }
0x184: {  	v59 =	vadd.f32 v43, v18;
	[tilespmem:s22+$0x9800] =	vst v57  }
0x185: {  	v60 =	vadd.f32 v43, v19;
	[tilespmem:s22+$0x9810] =	vst v58  }
0x186: {  	v42 =	vadd.f32 v37, v9;
	[tilespmem:s22+$0x9820] =	vst v59  }
0x187: {  	v40 =	vadd.f32 v36, v0;
	[tilespmem:s22+$0x9830] =	vst v60  }
0x188: {  	v41 =	vadd.f32 v36, v1;
	[tilespmem:s22+$0x9590] =	vst v42  }
0x189: {  	v61 =	vadd.f32 v43, v20;
	[tilespmem:s22+$0x9200] =	vst v40  }
0x18a: {  	v62 =	vadd.f32 v43, v21;
	[tilespmem:s22+$0x9210] =	vst v41  }
0x18b: {  	v63 =	vadd.f32 v43, v22;
	[tilespmem:s22+$0x9840] =	vst v61  }
0x18c: {  	v44 =	vadd.f32 v43, v23;
	[tilespmem:s22+$0x9850] =	vst v62  }
0x18d: {  	v45 =	vadd.f32 v43, v24;
	[tilespmem:s22+$0x9860] =	vst v63  }
0x18e: {  	v46 =	vadd.f32 v43, v25;
	[tilespmem:s22+$0x9870] =	vst v44  }
0x18f: {  	v47 =	vadd.f32 v43, v26;
	[tilespmem:s22+$0x9C00] =	vst v45  }
0x190: {  	v48 =	vadd.f32 v43, v27;
	[tilespmem:s22+$0x9C10] =	vst v46  }
0x191: {  	v49 =	vadd.f32 v43, v28;
	[tilespmem:s22+$0x9C20] =	vst v47  }
0x192: {  	v50 =	vadd.f32 v43, v29;
	[tilespmem:s22+$0x9C30] =	vst v48  }
0x193: {  	v51 =	vadd.f32 v43, v30;
	[tilespmem:s22+$0x9C40] =	vst v49  }
0x194: {  	v52 =	vadd.f32 v43, v31;
	[tilespmem:s22+$0x9C50] =	vst v50  }
0x195: {  	v53 =	vadd.f32 v39, v0;
	[tilespmem:s22+$0x9C60] =	vst v51  }
0x196: {  	v54 =	vadd.f32 v39, v1;
	[tilespmem:s22+$0x9C70] =	vst v52  }
0x197: {  	v55 =	vadd.f32 v39, v2;
	[tilespmem:s22+$0x9080] =	vst v53  }
0x198: {  	v56 =	vadd.f32 v39, v3;
	[tilespmem:s22+$0x9090] =	vst v54  }
0x199: {  	v57 =	vadd.f32 v39, v4;
	[tilespmem:s22+$0x90A0] =	vst v55  }
0x19a: {  	v58 =	vadd.f32 v39, v5;
	[tilespmem:s22+$0x90B0] =	vst v56  }
0x19b: {  	v59 =	vadd.f32 v39, v6;
	[tilespmem:s22+$0x90C0] =	vst v57  }
0x19c: {  	v60 =	vadd.f32 v39, v7;
	[tilespmem:s22+$0x90D0] =	vst v58  }
0x19d: {  	v43 =	vadd.f32 v37, v10;
	[tilespmem:s22+$0x90E0] =	vst v59  }
0x19e: {  	v42 =	vadd.f32 v36, v2;
	[tilespmem:s22+$0x90F0] =	vst v60  }
0x19f: {  	v40 =	vadd.f32 v36, v24;
	[tilespmem:s22+$0x95A0] =	vst v43  }
0x1a0: {  	v41 =	vadd.f32 v36, v25;
	[tilespmem:s22+$0x9220] =	vst v42  }
0x1a1: {  	v61 =	vadd.f32 v39, v8;
	[tilespmem:s22+$0x9E00] =	vst v40  }
0x1a2: {  	v62 =	vadd.f32 v39, v9;
	[tilespmem:s22+$0x9E10] =	vst v41  }
0x1a3: {  	v63 =	vadd.f32 v39, v10;
	[tilespmem:s22+$0x9480] =	vst v61  }
0x1a4: {  	v44 =	vadd.f32 v39, v11;
	[tilespmem:s22+$0x9490] =	vst v62  }
0x1a5: {  	v45 =	vadd.f32 v39, v12;
	[tilespmem:s22+$0x94A0] =	vst v63  }
0x1a6: {  	v46 =	vadd.f32 v39, v13;
	[tilespmem:s22+$0x94B0] =	vst v44  }
0x1a7: {  	v47 =	vadd.f32 v39, v14;
	[tilespmem:s22+$0x94C0] =	vst v45  }
0x1a8: {  	v48 =	vadd.f32 v39, v15;
	[tilespmem:s22+$0x94D0] =	vst v46  }
0x1a9: {  	v49 =	vadd.f32 v39, v16;
	[tilespmem:s22+$0x94E0] =	vst v47  }
0x1aa: {  	v50 =	vadd.f32 v39, v17;
	[tilespmem:s22+$0x94F0] =	vst v48  }
0x1ab: {  	v51 =	vadd.f32 v39, v18;
	[tilespmem:s22+$0x9880] =	vst v49  }
0x1ac: {  	v52 =	vadd.f32 v39, v19;
	[tilespmem:s22+$0x9890] =	vst v50  }
0x1ad: {  	v53 =	vadd.f32 v39, v20;
	[tilespmem:s22+$0x98A0] =	vst v51  }
0x1ae: {  	v54 =	vadd.f32 v39, v21;
	[tilespmem:s22+$0x98B0] =	vst v52  }
0x1af: {  	v55 =	vadd.f32 v39, v22;
	[tilespmem:s22+$0x98C0] =	vst v53  }
0x1b0: {  	v56 =	vadd.f32 v39, v23;
	[tilespmem:s22+$0x98D0] =	vst v54  }
0x1b1: {  	v57 =	vadd.f32 v39, v24;
	[tilespmem:s22+$0x98E0] =	vst v55  }
0x1b2: {  	v58 =	vadd.f32 v39, v25;
	[tilespmem:s22+$0x98F0] =	vst v56  }
0x1b3: {  	v59 =	vadd.f32 v39, v26;
	[tilespmem:s22+$0x9C80] =	vst v57  }
0x1b4: {  	v60 =	vadd.f32 v39, v27;
	[tilespmem:s22+$0x9C90] =	vst v58  }
0x1b5: {  	v43 =	vadd.f32 v36, v3;
	[tilespmem:s22+$0x9CA0] =	vst v59  }
0x1b6: {  	v42 =	vadd.f32 v36, v26;
	[tilespmem:s22+$0x9CB0] =	vst v60  }
0x1b7: {  	v40 =	vadd.f32 v35, v17;
	[tilespmem:s22+$0x9230] =	vst v43  }
0x1b8: {  	v41 =	vadd.f32 v35, v18;
	[tilespmem:s22+$0x9E20] =	vst v42  }
0x1b9: {  	v61 =	vadd.f32 v39, v28;
	[tilespmem:s22+$0x9A90] =	vst v40  }
0x1ba: {  	v62 =	vadd.f32 v39, v29;
	[tilespmem:s22+$0x9AA0] =	vst v41  }
0x1bb: {  	v63 =	vadd.f32 v39, v30;
	[tilespmem:s22+$0x9CC0] =	vst v61  }
0x1bc: {  	v39 =	vadd.f32 v39, v31;
	[tilespmem:s22+$0x9CD0] =	vst v62  }
0x1bd: {  	v44 =	vadd.f32 v38, v0;
	[tilespmem:s22+$0x9CE0] =	vst v63  }
0x1be: {  	v45 =	vadd.f32 v38, v1;
	[tilespmem:s22+$0x9CF0] =	vst v39  }
0x1bf: {  	v46 =	vadd.f32 v38, v2;
	[tilespmem:s22+$0x9100] =	vst v44  }
0x1c0: {  	v47 =	vadd.f32 v38, v3;
	[tilespmem:s22+$0x9110] =	vst v45  }
0x1c1: {  	v48 =	vadd.f32 v38, v4;
	[tilespmem:s22+$0x9120] =	vst v46  }
0x1c2: {  	v49 =	vadd.f32 v38, v5;
	[tilespmem:s22+$0x9130] =	vst v47  }
0x1c3: {  	v50 =	vadd.f32 v38, v6;
	[tilespmem:s22+$0x9140] =	vst v48  }
0x1c4: {  	v51 =	vadd.f32 v38, v7;
	[tilespmem:s22+$0x9150] =	vst v49  }
0x1c5: {  	v52 =	vadd.f32 v38, v8;
	[tilespmem:s22+$0x9160] =	vst v50  }
0x1c6: {  	v53 =	vadd.f32 v38, v9;
	[tilespmem:s22+$0x9170] =	vst v51  }
0x1c7: {  	v54 =	vadd.f32 v38, v10;
	[tilespmem:s22+$0x9500] =	vst v52  }
0x1c8: {  	v55 =	vadd.f32 v38, v11;
	[tilespmem:s22+$0x9510] =	vst v53  }
0x1c9: {  	v56 =	vadd.f32 v38, v12;
	[tilespmem:s22+$0x9520] =	vst v54  }
0x1ca: {  	v57 =	vadd.f32 v38, v13;
	[tilespmem:s22+$0x9530] =	vst v55  }
0x1cb: {  	v58 =	vadd.f32 v38, v14;
	[tilespmem:s22+$0x9540] =	vst v56  }
0x1cc: {  	v59 =	vadd.f32 v38, v15;
	[tilespmem:s22+$0x9550] =	vst v57  }
0x1cd: {  	v60 =	vadd.f32 v38, v16;
	[tilespmem:s22+$0x9560] =	vst v58  }
0x1ce: {  	v43 =	vadd.f32 v36, v27;
	[tilespmem:s22+$0x9570] =	vst v59  }
0x1cf: {  	v42 =	vadd.f32 v35, v19;
	[tilespmem:s22+$0x9900] =	vst v60  }
0x1d0: {  	v40 =	vadd.f32 v34, v10;
	[tilespmem:s22+$0x9E30] =	vst v43  }
0x1d1: {  	v41 =	vadd.f32 v34, v11;
	[tilespmem:s22+$0x9AB0] =	vst v42  }
0x1d2: {  	v61 =	vadd.f32 v38, v17;
	[tilespmem:s22+$0x9720] =	vst v40  }
0x1d3: {  	v62 =	vadd.f32 v38, v18;
	[tilespmem:s22+$0x9730] =	vst v41  }
0x1d4: {  	v63 =	vadd.f32 v38, v19;
	[tilespmem:s22+$0x9910] =	vst v61  }
0x1d5: {  	v44 =	vadd.f32 v38, v20;
	[tilespmem:s22+$0x9920] =	vst v62  }
0x1d6: {  	v45 =	vadd.f32 v38, v21;
	[tilespmem:s22+$0x9930] =	vst v63  }
0x1d7: {  	v46 =	vadd.f32 v38, v22;
	[tilespmem:s22+$0x9940] =	vst v44  }
0x1d8: {  	v47 =	vadd.f32 v38, v23;
	[tilespmem:s22+$0x9950] =	vst v45  }
0x1d9: {  	v48 =	vadd.f32 v38, v24;
	[tilespmem:s22+$0x9960] =	vst v46  }
0x1da: {  	v49 =	vadd.f32 v38, v25;
	[tilespmem:s22+$0x9970] =	vst v47  }
0x1db: {  	v50 =	vadd.f32 v38, v26;
	[tilespmem:s22+$0x9D00] =	vst v48  }
0x1dc: {  	v51 =	vadd.f32 v38, v27;
	[tilespmem:s22+$0x9D10] =	vst v49  }
0x1dd: {  	v52 =	vadd.f32 v38, v28;
	[tilespmem:s22+$0x9D20] =	vst v50  }
0x1de: {  	v53 =	vadd.f32 v38, v29;
	[tilespmem:s22+$0x9D30] =	vst v51  }
0x1df: {  	v54 =	vadd.f32 v38, v30;
	[tilespmem:s22+$0x9D40] =	vst v52  }
0x1e0: {  	v38 =	vadd.f32 v38, v31;
	[tilespmem:s22+$0x9D50] =	vst v53  }
0x1e1: {  	v55 =	vadd.f32 v37, v0;
	[tilespmem:s22+$0x9D60] =	vst v54  }
0x1e2: {  	v56 =	vadd.f32 v37, v1;
	[tilespmem:s22+$0x9D70] =	vst v38  }
0x1e3: {  	v57 =	vadd.f32 v37, v2;
	[tilespmem:s22+$0x9180] =	vst v55  }
0x1e4: {  	v58 =	vadd.f32 v37, v3;
	[tilespmem:s22+$0x9190] =	vst v56  }
0x1e5: {  	v59 =	vadd.f32 v37, v4;
	[tilespmem:s22+$0x91A0] =	vst v57  }
0x1e6: {  	v60 =	vadd.f32 v37, v5;
	[tilespmem:s22+$0x91B0] =	vst v58  }
0x1e7: {  	v43 =	vadd.f32 v35, v20;
	[tilespmem:s22+$0x91C0] =	vst v59  }
0x1e8: {  	v42 =	vadd.f32 v34, v12;
	[tilespmem:s22+$0x91D0] =	vst v60  }
0x1e9: {  	v39 =	vadd.f32 v33, v6;
	[tilespmem:s22+$0x9AC0] =	vst v43  }
0x1ea: {  	v61 =	vadd.f32 v37, v6;
	[tilespmem:s22+$0x9740] =	vst v42  }
0x1eb: {  	v62 =	vadd.f32 v37, v7;
	[tilespmem:s22+$0x93E0] =	vst v39  }
0x1ec: {  	v63 =	vadd.f32 v37, v8;
	[tilespmem:s22+$0x91E0] =	vst v61  }
0x1ed: {  	v44 =	vadd.f32 v37, v11;
	[tilespmem:s22+$0x91F0] =	vst v62  }
0x1ee: {  	v45 =	vadd.f32 v37, v12;
	[tilespmem:s22+$0x9580] =	vst v63  }
0x1ef: {  	v46 =	vadd.f32 v37, v13;
	[tilespmem:s22+$0x95B0] =	vst v44  }
0x1f0: {  	v47 =	vadd.f32 v37, v14;
	[tilespmem:s22+$0x95C0] =	vst v45  }
0x1f1: {  	v48 =	vadd.f32 v37, v15;
	[tilespmem:s22+$0x95D0] =	vst v46  }
0x1f2: {  	v49 =	vadd.f32 v37, v16;
	[tilespmem:s22+$0x95E0] =	vst v47  }
0x1f3: {  	v50 =	vadd.f32 v37, v17;
	[tilespmem:s22+$0x95F0] =	vst v48  }
0x1f4: {  	v51 =	vadd.f32 v37, v18;
	[tilespmem:s22+$0x9980] =	vst v49  }
0x1f5: {  	v52 =	vadd.f32 v37, v19;
	[tilespmem:s22+$0x9990] =	vst v50  }
0x1f6: {  	v53 =	vadd.f32 v37, v20;
	[tilespmem:s22+$0x99A0] =	vst v51  }
0x1f7: {  	v54 =	vadd.f32 v37, v21;
	[tilespmem:s22+$0x99B0] =	vst v52  }
0x1f8: {  	v55 =	vadd.f32 v37, v22;
	[tilespmem:s22+$0x99C0] =	vst v53  }
0x1f9: {  	v56 =	vadd.f32 v37, v23;
	[tilespmem:s22+$0x99D0] =	vst v54  }
0x1fa: {  	v57 =	vadd.f32 v37, v24;
	[tilespmem:s22+$0x99E0] =	vst v55  }
0x1fb: {  	v58 =	vadd.f32 v37, v25;
	[tilespmem:s22+$0x99F0] =	vst v56  }
0x1fc: {  	v59 =	vadd.f32 v37, v26;
	[tilespmem:s22+$0x9D80] =	vst v57  }
0x1fd: {  	v60 =	vadd.f32 v37, v27;
	[tilespmem:s22+$0x9D90] =	vst v58  }
0x1fe: {  	v43 =	vadd.f32 v34, v13;
	[tilespmem:s22+$0x9DA0] =	vst v59  }
0x1ff: {  	v38 =	vadd.f32 v33, v5;
	[tilespmem:s22+$0x9DB0] =	vst v60  }
0x200: {  	v40 =	vadd.f32 v33, v7;
	[tilespmem:s22+$0x9750] =	vst v43  }
0x201: {  	v41 =	vadd.f32 v33, v8;
	[tilespmem:s22+$0x93D0] =	vst v38  }
0x202: {  	v42 =	vadd.f32 v33, v9;
	[tilespmem:s22+$0x93F0] =	vst v40  }
0x203: {  	v61 =	vadd.f32 v37, v28;
	[tilespmem:s22+$0x9780] =	vst v41  }
0x204: {  	v62 =	vadd.f32 v37, v29;
	[tilespmem:s22+$0x9790] =	vst v42  }
0x205: {  	v63 =	vadd.f32 v37, v30;
	[tilespmem:s22+$0x9DC0] =	vst v61  }
0x206: {  	v37 =	vadd.f32 v37, v31;
	[tilespmem:s22+$0x9DD0] =	vst v62  }
0x207: {  	v44 =	vadd.f32 v36, v4;
	[tilespmem:s22+$0x9DE0] =	vst v63  }
0x208: {  	v45 =	vadd.f32 v36, v5;
	[tilespmem:s22+$0x9DF0] =	vst v37  }
0x209: {  	v46 =	vadd.f32 v36, v6;
	[tilespmem:s22+$0x9240] =	vst v44  }
0x20a: {  	v47 =	vadd.f32 v36, v7;
	[tilespmem:s22+$0x9250] =	vst v45  }
0x20b: {  	v48 =	vadd.f32 v36, v8;
	[tilespmem:s22+$0x9260] =	vst v46  }
0x20c: {  	v49 =	vadd.f32 v36, v9;
	[tilespmem:s22+$0x9270] =	vst v47  }
0x20d: {  	v50 =	vadd.f32 v36, v10;
	[tilespmem:s22+$0x9600] =	vst v48  }
0x20e: {  	v51 =	vadd.f32 v36, v11;
	[tilespmem:s22+$0x9610] =	vst v49  }
0x20f: {  	v52 =	vadd.f32 v36, v12;
	[tilespmem:s22+$0x9620] =	vst v50  }
0x210: {  	v53 =	vadd.f32 v36, v13;
	[tilespmem:s22+$0x9630] =	vst v51  }
0x211: {  	v54 =	vadd.f32 v36, v14;
	[tilespmem:s22+$0x9640] =	vst v52  }
0x212: {  	v55 =	vadd.f32 v36, v15;
	[tilespmem:s22+$0x9650] =	vst v53  }
0x213: {  	v56 =	vadd.f32 v36, v16;
	[tilespmem:s22+$0x9660] =	vst v54  }
0x214: {  	v57 =	vadd.f32 v36, v17;
	[tilespmem:s22+$0x9670] =	vst v55  }
0x215: {  	v58 =	vadd.f32 v36, v18;
	[tilespmem:s22+$0x9A00] =	vst v56  }
0x216: {  	v59 =	vadd.f32 v36, v19;
	[tilespmem:s22+$0x9A10] =	vst v57  }
0x217: {  	v60 =	vadd.f32 v36, v20;
	[tilespmem:s22+$0x9A20] =	vst v58  }
0x218: {  	v43 =	vadd.f32 v33, v10;
	[tilespmem:s22+$0x9A30] =	vst v59  }
0x219: {  	v61 =	vadd.f32 v36, v21;
	[tilespmem:s22+$0x9A40] =	vst v60  }
0x21a: {  	v62 =	vadd.f32 v36, v22;
	[tilespmem:s22+$0x97A0] =	vst v43  }
0x21b: {  	v63 =	vadd.f32 v36, v23;
	[tilespmem:s22+$0x9A50] =	vst v61  }
0x21c: {  	v44 =	vadd.f32 v36, v28;
	[tilespmem:s22+$0x9A60] =	vst v62  }
0x21d: {  	v45 =	vadd.f32 v36, v29;
	[tilespmem:s22+$0x9A70] =	vst v63  }
0x21e: {  	v46 =	vadd.f32 v36, v30;
	[tilespmem:s22+$0x9E40] =	vst v44  }
0x21f: {  	v36 =	vadd.f32 v36, v31;
	[tilespmem:s22+$0x9E50] =	vst v45  }
0x220: {  	v47 =	vadd.f32 v35, v0;
	[tilespmem:s22+$0x9E60] =	vst v46  }
0x221: {  	v48 =	vadd.f32 v35, v1;
	[tilespmem:s22+$0x9E70] =	vst v36  }
0x222: {  	v49 =	vadd.f32 v35, v2;
	[tilespmem:s22+$0x9280] =	vst v47  }
0x223: {  	v50 =	vadd.f32 v35, v3;
	[tilespmem:s22+$0x9290] =	vst v48  }
0x224: {  	v51 =	vadd.f32 v35, v4;
	[tilespmem:s22+$0x92A0] =	vst v49  }
0x225: {  	v52 =	vadd.f32 v35, v5;
	[tilespmem:s22+$0x92B0] =	vst v50  }
0x226: {  	v53 =	vadd.f32 v35, v6;
	[tilespmem:s22+$0x92C0] =	vst v51  }
0x227: {  	v54 =	vadd.f32 v35, v7;
	[tilespmem:s22+$0x92D0] =	vst v52  }
0x228: {  	v55 =	vadd.f32 v35, v8;
	[tilespmem:s22+$0x92E0] =	vst v53  }
0x229: {  	v56 =	vadd.f32 v35, v9;
	[tilespmem:s22+$0x92F0] =	vst v54  }
0x22a: {  	v57 =	vadd.f32 v35, v10;
	[tilespmem:s22+$0x9680] =	vst v55  }
0x22b: {  	v58 =	vadd.f32 v35, v11;
	[tilespmem:s22+$0x9690] =	vst v56  }
0x22c: {  	v59 =	vadd.f32 v35, v12;
	[tilespmem:s22+$0x96A0] =	vst v57  }
0x22d: {  	v60 =	vadd.f32 v35, v13;
	[tilespmem:s22+$0x96B0] =	vst v58  }
0x22e: {  	v37 =	vadd.f32 v33, v4;
	[tilespmem:s22+$0x96C0] =	vst v59  }
0x22f: {  	v61 =	vadd.f32 v35, v14;
	[tilespmem:s22+$0x96D0] =	vst v60  }
0x230: {  	v62 =	vadd.f32 v35, v15;
	[tilespmem:s22+$0x93C0] =	vst v37  }
0x231: {  	v63 =	vadd.f32 v35, v16;
	[tilespmem:s22+$0x96E0] =	vst v61  }
0x232: {  	v44 =	vadd.f32 v35, v21;
	[tilespmem:s22+$0x96F0] =	vst v62  }
0x233: {  	v45 =	vadd.f32 v35, v22;
	[tilespmem:s22+$0x9A80] =	vst v63  }
0x234: {  	v46 =	vadd.f32 v35, v23;
	[tilespmem:s22+$0x9AD0] =	vst v44  }
0x235: {  	v47 =	vadd.f32 v35, v24;
	[tilespmem:s22+$0x9AE0] =	vst v45  }
0x236: {  	v48 =	vadd.f32 v35, v25;
	[tilespmem:s22+$0x9AF0] =	vst v46  }
0x237: {  	v49 =	vadd.f32 v35, v26;
	[tilespmem:s22+$0x9E80] =	vst v47  }
0x238: {  	v50 =	vadd.f32 v35, v27;
	[tilespmem:s22+$0x9E90] =	vst v48  }
0x239: {  	v51 =	vadd.f32 v35, v28;
	[tilespmem:s22+$0x9EA0] =	vst v49  }
0x23a: {  	v52 =	vadd.f32 v35, v29;
	[tilespmem:s22+$0x9EB0] =	vst v50  }
0x23b: {  	v53 =	vadd.f32 v35, v30;
	[tilespmem:s22+$0x9EC0] =	vst v51  }
0x23c: {  	v35 =	vadd.f32 v35, v31;
	[tilespmem:s22+$0x9ED0] =	vst v52  }
0x23d: {  	v54 =	vadd.f32 v34, v0;
	[tilespmem:s22+$0x9EE0] =	vst v53  }
0x23e: {  	v55 =	vadd.f32 v34, v1;
	[tilespmem:s22+$0x9EF0] =	vst v35  }
0x23f: {  	v56 =	vadd.f32 v34, v2;
	[tilespmem:s22+$0x9300] =	vst v54  }
0x240: {  	v57 =	vadd.f32 v34, v3;
	[tilespmem:s22+$0x9310] =	vst v55  }
0x241: {  	v58 =	vadd.f32 v34, v4;
	[tilespmem:s22+$0x9320] =	vst v56  }
0x242: {  	v59 =	vadd.f32 v34, v5;
	[tilespmem:s22+$0x9330] =	vst v57  }
0x243: {  	v60 =	vadd.f32 v34, v6;
	[tilespmem:s22+$0x9340] =	vst v58  }
0x244: {  	v36 =	vadd.f32 v33, v3;
	[tilespmem:s22+$0x9350] =	vst v59  }
0x245: {  	v61 =	vadd.f32 v34, v7;
	[tilespmem:s22+$0x9360] =	vst v60  }
0x246: {  	v62 =	vadd.f32 v34, v8;
	[tilespmem:s22+$0x93B0] =	vst v36  }
0x247: {  	v63 =	vadd.f32 v34, v9;
	[tilespmem:s22+$0x9370] =	vst v61  }
0x248: {  	v44 =	vadd.f32 v34, v14;
	[tilespmem:s22+$0x9700] =	vst v62  }
0x249: {  	v45 =	vadd.f32 v34, v15;
	[tilespmem:s22+$0x9710] =	vst v63  }
0x24a: {  	v46 =	vadd.f32 v34, v16;
	[tilespmem:s22+$0x9760] =	vst v44  }
0x24b: {  	v47 =	vadd.f32 v34, v17;
	[tilespmem:s22+$0x9770] =	vst v45  }
0x24c: {  	v48 =	vadd.f32 v34, v18;
	[tilespmem:s22+$0x9B00] =	vst v46  }
0x24d: {  	v49 =	vadd.f32 v34, v19;
	[tilespmem:s22+$0x9B10] =	vst v47  }
0x24e: {  	v50 =	vadd.f32 v34, v20;
	[tilespmem:s22+$0x9B20] =	vst v48  }
0x24f: {  	v51 =	vadd.f32 v34, v21;
	[tilespmem:s22+$0x9B30] =	vst v49  }
0x250: {  	v52 =	vadd.f32 v34, v22;
	[tilespmem:s22+$0x9B40] =	vst v50  }
0x251: {  	v53 =	vadd.f32 v34, v23;
	[tilespmem:s22+$0x9B50] =	vst v51  }
0x252: {  	v54 =	vadd.f32 v34, v24;
	[tilespmem:s22+$0x9B60] =	vst v52  }
0x253: {  	v55 =	vadd.f32 v34, v25;
	[tilespmem:s22+$0x9B70] =	vst v53  }
0x254: {  	v56 =	vadd.f32 v34, v26;
	[tilespmem:s22+$0x9F00] =	vst v54  }
0x255: {  	v57 =	vadd.f32 v34, v27;
	[tilespmem:s22+$0x9F10] =	vst v55  }
0x256: {  	v58 =	vadd.f32 v34, v28;
	[tilespmem:s22+$0x9F20] =	vst v56  }
0x257: {  	v59 =	vadd.f32 v34, v29;
	[tilespmem:s22+$0x9F30] =	vst v57  }
0x258: {  	v60 =	vadd.f32 v34, v30;
	[tilespmem:s22+$0x9F40] =	vst v58  }
0x259: {  	v34 =	vadd.f32 v34, v31;
	[tilespmem:s22+$0x9F50] =	vst v59  }
0x25a: {  	[tilespmem:s22+$0x9F60] =	vst v60;
	v61 =	vadd.f32 v33, v0  }
0x25b: {  	[tilespmem:s22+$0x9F70] =	vst v34;
	v62 =	vadd.f32 v33, v1  }
0x25c: {  	v63 =	vadd.f32 v33, v2;
	[tilespmem:s22+$0x9380] =	vst v61  }
0x25d: {  	v44 =	vadd.f32 v33, v11;
	[tilespmem:s22+$0x9390] =	vst v62  }
0x25e: {  	v45 =	vadd.f32 v33, v12;
	[tilespmem:s22+$0x93A0] =	vst v63  }
0x25f: {  	v46 =	vadd.f32 v33, v13;
	[tilespmem:s22+$0x97B0] =	vst v44  }
0x260: {  	v47 =	vadd.f32 v33, v14;
	[tilespmem:s22+$0x97C0] =	vst v45  }
0x261: {  	v48 =	vadd.f32 v33, v15;
	[tilespmem:s22+$0x97D0] =	vst v46  }
0x262: {  	v49 =	vadd.f32 v33, v16;
	[tilespmem:s22+$0x97E0] =	vst v47  }
0x263: {  	v50 =	vadd.f32 v33, v17;
	[tilespmem:s22+$0x97F0] =	vst v48  }
0x264: {  	v51 =	vadd.f32 v33, v18;
	[tilespmem:s22+$0x9B80] =	vst v49  }
0x265: {  	v52 =	vadd.f32 v33, v19;
	[tilespmem:s22+$0x9B90] =	vst v50  }
0x266: {  	v53 =	vadd.f32 v33, v20;
	[tilespmem:s22+$0x9BA0] =	vst v51  }
0x267: {  	v54 =	vadd.f32 v33, v21;
	[tilespmem:s22+$0x9BB0] =	vst v52  }
0x268: {  	v55 =	vadd.f32 v33, v22;
	[tilespmem:s22+$0x9BC0] =	vst v53  }
0x269: {  	v56 =	vadd.f32 v33, v23;
	[tilespmem:s22+$0x9BD0] =	vst v54  }
0x26a: {  	v57 =	vadd.f32 v33, v24;
	[tilespmem:s22+$0x9BE0] =	vst v55  }
0x26b: {  	v58 =	vadd.f32 v33, v25;
	[tilespmem:s22+$0x9BF0] =	vst v56  }
0x26c: {  	v59 =	vadd.f32 v33, v26;
	[tilespmem:s22+$0x9F80] =	vst v57  }
0x26d: {  	v60 =	vadd.f32 v33, v27;
	[tilespmem:s22+$0x9F90] =	vst v58  }
0x26e: {  	p0 =	sne.s32 s21, $0x7;
	[tilespmem:s22+$0x9FA0] =	vst v59;
	v61 =	vadd.f32 v33, v28  }
.Ltmp1:
0x26f: {  	[tilespmem:s22+$0x9FB0] =	vst v60;
	v62 =	vadd.f32 v33, v29;
	(pc) =	sbr.rel @p0 .LBB2_6-.Ltmp1, $4  }
0x270: {  	v63 =	vadd.f32 v33, v30;
	[tilespmem:s22+$0x9FC0] =	vst v61  }
0x271: {  	v33 =	vadd.f32 v33, v31;
	[tilespmem:s22+$0x9FD0] =	vst v62  }
0x272: {  	[tilespmem:s22+$0x9FE0] =	vst v63  }
0x273: {  	s21 =	sadd.s32 $0x1, s21;
	[tilespmem:s22+$0x9FF0] =	vst v33  }
0x274: {  	s18 =	sadd.s32 $0x1, s18  }
0x275: {  	p0 =	sne.s32 s18, $0x4  }
.Ltmp2:
0x276: {  	_ = 	snop;
	(pc) =	sbr.rel @p0 .LBB2_3-.Ltmp2, $4  }
0x277: {  	s19 =	sadd.s32 s17, s20  }
0x278: {  	s19 =	sshll.u32 s19, $0x6  }
0x279: {  	s19 =	sadd.s32 s2, s19  }
0x27a: {  	[hbm4b:s19+s3] =	stream.linear.scatter [tilespmem:s14], [sflag:$0x2], $0x8000, $0x38;
	[tilespmem:$0x11000] =	vst v63  }
0x27b: {  	s16 =	sadd.s32 $0x1, s16  }
0x27c: {  	p0 =	sne.s32 s16, $0x4  }
.Ltmp3:
0x27d: {  	_ = 	snop;
	(pc) =	sbr.rel @p0 .LBB2_2-.Ltmp3, $1  }
0x27e: {  	_ =	sdelay $0x3  }
0x27f: {  	s15 =	sadd.s32 $0x1, s15  }
0x280: {  	_ =	swait.ge [sflag:s11], $0x8000;
	p0 =	sne.s32 s15, s7  }
.Ltmp4:
0x281: {  	[sflag:s11] =	ssyncset.done $0x0;
	(pc) =	sbr.rel @p0 .LBB2_1-.Ltmp4, $4  }
0x282: {  	[sflag:s11] =	ssyncadd.s32 $0xFFFF8000  }
0x283: {  	_ =	swait.ge [sflag:s12], $0x8000  }
0x284: {  	[sflag:s12] =	ssyncset.done $0x0  }
0x285: {  	[sflag:s12] =	ssyncadd.s32 $0xFFFF8000  }
0x286: {  	_ =	sfence.sel $0x180000  }
0x287: {  	[bflag:$0x0] =	sbarrier.arrive $0xFFFF  }
0x288: {  	p0 =	sne.s32 s1, $0x0;
	_ =	strace $0x90000047  }
0x289: {  	s0 =	sadd.s32 @!p0 $0x100000, s0;
	[bflag:$0x2] =	sbarrier.arrive $0xFFFF  }
0x28a: {  	[sflag:s0] =	ssyncadd.tile.s32 @!p0 $0x1;
	_ =	shalt  }
.Lfunc_end2:
_tile_overlayer_lowered:
.L_overlay_start_2:
0x28b: {  	(tag) =	ssettag $0x2  }
0x28c: {  	s0 =	rddreg [dreg:$0x0];
	s2 =	stileid.u32  }
0x28d: {  	s1 =	rddreg [dreg:$0x1];
	p0 =	sne.s32 s2, $0x0  }
0x28e: {  	s3 =	rddreg [dreg:$0x2];
	[bflag:$0x3] =	sbarrier.arrive $0xFFFF;
	s2 =	simm.s32 @!p0 $0x1C03  }
0x28f: {  	[timem:s3], [sflag:s2] =	dma.local @!p0 [hbm:s0], s1  }
0x290: {  	s0 =	simm.s32 @!p0 $0x3  }
0x291: {  	_ =	swait.ge @!p0 [sflag:s0], s1  }
0x292: {  	s1 =	ssub.s32 @!p0 $0x0, s1;
	[sflag:s0] =	ssyncset.done @!p0 $0x0  }
0x293: {  	[sflag:s0] =	ssyncadd.s32 @!p0 s1  }
0x294: {  	[bflag:$0x3] =	sbarrier.arrive $0xFFFF  }
0x295: {  	_ =	shalt  }

</sc_bundles>
